<compile_context>
chip_gen: v7x
topology: tpu7x:2x2x1
jax: 0.10.2.dev20260603
libtpu: 0.0.44.dev20260713+nightly
codegen_flags: <defaults>
</compile_context>

<pallas_src>
import functools

import jax
import jax.numpy as jnp
from jax import lax
from jax.experimental import pallas as pl
from jax.experimental.pallas import tpu as pltpu
from jax.experimental.pallas import tpu_sc as plsc

N = 100000
E = 3200000
NC = 2
NS = 16
NW = NC * NS
GCHUNK = 1024
ECH = E // GCHUNK
CHB = ECH // NW
CHR = ECH - NW * CHB
GPAIR = (CHB + 2) // 2
NAGG = 102400

_mesh = plsc.VectorSubcoreMesh(core_axis_name="c", subcore_axis_name="s")
_sc_params = pltpu.CompilerParams(use_tc_tiling_on_sc=False)


def _work(wid):
    start = CHB * wid + jnp.minimum(wid, CHR)
    nch = jnp.where(wid < CHR, CHB + 1, CHB)
    return start, nch


@functools.partial(
    pl.kernel,
    out_type=(
        jax.ShapeDtypeStruct((E, 8), jnp.uint32),
        jax.ShapeDtypeStruct((E, 8), jnp.uint32),
    ),
    mesh=_mesh,
    scratch_types=[
        pltpu.VMEM((2, GCHUNK), jnp.int32),
        pltpu.VMEM((2, GCHUNK), jnp.int32),
        pltpu.VMEM((2, GCHUNK, 8), jnp.uint32),
        pltpu.VMEM((2, GCHUNK, 8), jnp.uint32),
        pltpu.VMEM_SHARED((N, 8), jnp.uint32),
        pltpu.SemaphoreType.DMA,
        pltpu.SemaphoreType.DMA,
        pltpu.SemaphoreType.DMA,
    ],
    compiler_params=_sc_params,
)
def _sc_gather(table_hbm, ei_hbm, srows_hbm, drows_hbm,
               idxs_v, idxd_v, bufs_v, bufd_v, table_sp, gsem, wsem0, wsem1):
    c = lax.axis_index("c")
    s = lax.axis_index("s")
    wsems = (wsem0, wsem1)
    start, nch = _work(s * NC + c)

    @pl.when(s < 4)
    def _stage():
        off = pl.multiple_of(s * (N // 4), 8)
        pltpu.sync_copy(table_hbm.at[pl.ds(off, N // 4)],
                        table_sp.at[pl.ds(off, N // 4)])

    plsc.subcore_barrier()

    def outer(g, carry):
        for p in range(2):
            i = g * 2 + p

            @pl.when(i < nch)
            def _half():
                base = pl.multiple_of((start + i) * GCHUNK, 1024)

                @pl.when(g > 0)
                def _drain():
                    pltpu.make_async_copy(
                        bufs_v.at[p], srows_hbm.at[pl.ds(0, GCHUNK)],
                        wsems[p]).wait()
                    pltpu.make_async_copy(
                        bufd_v.at[p], drows_hbm.at[pl.ds(0, GCHUNK)],
                        wsems[p]).wait()

                pltpu.sync_copy(ei_hbm.at[0, pl.ds(base, GCHUNK)],
                                idxs_v.at[p])
                pltpu.sync_copy(ei_hbm.at[1, pl.ds(base, GCHUNK)],
                                idxd_v.at[p])
                descs = []
                for j in range(8):
                    descs.append(pltpu.async_copy(
                        table_sp.at[idxs_v.at[p].at[pl.ds(j * 128, 128)]],
                        bufs_v.at[p].at[pl.ds(j * 128, 128)], gsem))
                    descs.append(pltpu.async_copy(
                        table_sp.at[idxd_v.at[p].at[pl.ds(j * 128, 128)]],
                        bufd_v.at[p].at[pl.ds(j * 128, 128)], gsem))
                for d in descs:
                    d.wait()
                pltpu.async_copy(
                    bufs_v.at[p], srows_hbm.at[pl.ds(base, GCHUNK)], wsems[p])
                pltpu.async_copy(
                    bufd_v.at[p], drows_hbm.at[pl.ds(base, GCHUNK)], wsems[p])
        return carry

    lax.fori_loop(0, GPAIR, outer, 0)

    for p in range(2):
        pltpu.make_async_copy(
            bufs_v.at[p], srows_hbm.at[pl.ds(0, GCHUNK)], wsems[p]).wait()
        pltpu.make_async_copy(
            bufd_v.at[p], drows_hbm.at[pl.ds(0, GCHUNK)], wsems[p]).wait()


@functools.partial(
    pl.kernel,
    out_type=jax.ShapeDtypeStruct((NC, N), jnp.float32),
    mesh=_mesh,
    scratch_types=[
        pltpu.VMEM((2, 8, 128), jnp.int32),
        pltpu.VMEM((2, 8, 128), jnp.float32),
        pltpu.VMEM((2048,), jnp.float32),
        pltpu.VMEM_SHARED((NAGG,), jnp.float32),
        pltpu.SemaphoreType.DMA,
        pltpu.SemaphoreType.DMA,
    ],
    compiler_params=_sc_params,
)
def _sc_scatter(didx_hbm, m_hbm, agg_hbm, idx_v, val_v, zbuf_v, agg_sp,
                lsem, ssem):
    c = lax.axis_index("c")
    s = lax.axis_index("s")

    def zb(k, carry):
        zbuf_v[pl.ds(k * 16, 16)] = jnp.zeros((16,), jnp.float32)
        return carry
    lax.fori_loop(0, 2048 // 16, zb, 0)

    nz = jnp.where(s < (NAGG // 2048) % NS, NAGG // 2048 // NS + 1,
                   NAGG // 2048 // NS)

    def zs(k, carry):
        off = pl.multiple_of((k * NS + s) * 2048, 2048)
        pltpu.sync_copy(zbuf_v, agg_sp.at[pl.ds(off, 2048)])
        return carry
    lax.fori_loop(0, nz, zs, 0)

    plsc.subcore_barrier()

    start, nch = _work(c * NS + s)

    def load(i, p):
        row0 = pl.multiple_of((start + i) * 8, 8)
        pltpu.async_copy(didx_hbm.at[pl.ds(row0, 8)], idx_v.at[p], lsem)
        pltpu.async_copy(m_hbm.at[pl.ds(row0, 8)], val_v.at[p], lsem)

    def wait_load(p):
        pltpu.make_async_copy(didx_hbm.at[pl.ds(0, 8)], idx_v.at[p],
                              lsem).wait()
        pltpu.make_async_copy(m_hbm.at[pl.ds(0, 8)], val_v.at[p],
                              lsem).wait()

    load(0, 0)

    def chunk(g, carry):
        for p in range(2):
            i = g * 2 + p

            @pl.when(i < nch)
            def _half():
                @pl.when(i + 1 < nch)
                def _prefetch():
                    load(i + 1, 1 - p)

                wait_load(p)
                descs = []
                for j in range(8):
                    descs.append(pltpu.async_copy(
                        val_v.at[p].at[j], agg_sp.at[idx_v.at[p].at[j]],
                        ssem, add=True))
                for d in descs:
                    d.wait()
        return carry

    lax.fori_loop(0, GPAIR, chunk, 0)

    plsc.subcore_barrier()

    @pl.when(s == 0)
    def _writeout():
        pltpu.sync_copy(agg_sp.at[pl.ds(0, N)], agg_hbm.at[c])


def _planes(r):
    lo = lax.bitcast_convert_type(
        (r & jnp.uint32(0xFFFF)).astype(jnp.uint16), jnp.bfloat16)
    hi = lax.bitcast_convert_type(
        (r >> 16).astype(jnp.uint16), jnp.bfloat16)
    return lo, hi


def _phi_body(s_ref, d_ref, k0_ref, b0_ref, k1_ref, b1_ref,
              k2_ref, b2_ref, m_ref):
    bf = jnp.bfloat16
    lo_s, hi_s = _planes(s_ref[...])
    lo_d, hi_d = _planes(d_ref[...])
    v = jnp.concatenate([lo_s, hi_s, lo_d, hi_d], axis=1)
    h = jnp.tanh(
        jnp.dot(v, k0_ref[...], preferred_element_type=jnp.float32)
        + b0_ref[...])
    h = jnp.tanh(
        jnp.dot(h.astype(bf), k1_ref[...], preferred_element_type=jnp.float32)
        + b1_ref[...])
    m_ref[...] = (
        jnp.dot(h.astype(bf), k2_ref[...], preferred_element_type=jnp.float32)
        + b2_ref[...])


def _run_phi(sp, dp, k0, b0, k1, b1, k2, b2):
    rows = E // 16
    blk = 4000
    grid = rows // blk
    full = lambda shape: pl.BlockSpec(shape, lambda i: (0, 0))
    return pl.pallas_call(
        _phi_body,
        grid=(grid,),
        in_specs=[
            pl.BlockSpec((blk, 128), lambda i: (i, 0)),
            pl.BlockSpec((blk, 128), lambda i: (i, 0)),
            full((512, 512)), full((1, 512)),
            full((512, 512)), full((1, 512)),
            full((512, 16)), full((1, 16)),
        ],
        out_specs=pl.BlockSpec((blk, 16), lambda i: (i, 0)),
        out_shape=jax.ShapeDtypeStruct((rows, 16), jnp.float32),
    )(sp, dp, k0, b0, k1, b1, k2, b2)


def _gamma_body(x_ref, a0_ref, a1_ref, xl_ref, g0x_ref, g0a_ref, b0_ref,
                g1_ref, b1_ref, g2_ref, b2_ref, o_ref):
    a = a0_ref[...] + a1_ref[...]
    h = jnp.tanh(
        jnp.dot(x_ref[...], g0x_ref[...], preferred_element_type=jnp.float32)
        + jnp.dot(a, g0a_ref[...], preferred_element_type=jnp.float32)
        + b0_ref[...])
    h = jnp.tanh(
        jnp.dot(h, g1_ref[...], preferred_element_type=jnp.float32)
        + b1_ref[...])
    o_ref[...] = (xl_ref[...]
                  + jnp.dot(h, g2_ref[...], preferred_element_type=jnp.float32)
                  + b2_ref[...])


def _run_gamma(xp, a0, a1, xl, g0x, g0a, b0, g1, b1, g2, b2):
    rows = N // 16
    return pl.pallas_call(
        _gamma_body,
        out_shape=jax.ShapeDtypeStruct((rows, 16), jnp.float32),
    )(xp, a0, a1, xl, g0x, g0a, b0, g1, b1, g2, b2)


def kernel(x, pos, edge_index, pW0, pb0, pW1, pb1, pW2, pb2,
           gW0, gb0, gW1, gb1, gW2, gb2):
    f32 = jnp.float32
    u32 = jnp.uint32
    xu = lax.bitcast_convert_type(
        x.astype(jnp.bfloat16).reshape(N, 4, 2), u32)
    pu = lax.bitcast_convert_type(pos, u32) & jnp.uint32(0xFFFF0000)
    table = jnp.concatenate([xu, pu, jnp.zeros((N, 2), u32)], axis=1)

    srows, drows = _sc_gather(table, edge_index)

    bf = jnp.bfloat16
    i16 = jnp.eye(16, dtype=f32)
    ws_lo = (jnp.zeros((8, 32), f32).at[0].set(pW0[8]).at[1].set(pW0[10])
             .at[2].set(pW0[12]).at[3].set(pW0[14]))
    ws_hi = (jnp.zeros((8, 32), f32).at[0].set(pW0[9]).at[1].set(pW0[11])
             .at[2].set(pW0[13]).at[3].set(pW0[15])
             .at[4].set(pW0[16]).at[5].set(pW0[17]))
    wd_lo = (jnp.zeros((8, 32), f32).at[0].set(pW0[0]).at[1].set(pW0[2])
             .at[2].set(pW0[4]).at[3].set(pW0[6]))
    wd_hi = (jnp.zeros((8, 32), f32).at[0].set(pW0[1]).at[1].set(pW0[3])
             .at[2].set(pW0[5]).at[3].set(pW0[7])
             .at[4].set(-pW0[16]).at[5].set(-pW0[17]))
    k0 = jnp.concatenate(
        [jnp.kron(i16, ws_lo), jnp.kron(i16, ws_hi),
         jnp.kron(i16, wd_lo), jnp.kron(i16, wd_hi)], axis=0).astype(bf)
    b0 = jnp.tile(pb0, 16).reshape(1, 512)
    k1 = jnp.kron(i16, pW1).astype(bf)
    b1 = jnp.tile(pb1, 16).reshape(1, 512)
    k2 = jnp.kron(i16, pW2).astype(bf)
    b2 = jnp.tile(pb2, 16).reshape(1, 16)

    sp = srows.reshape(E // 16, 128)
    dp = drows.reshape(E // 16, 128)
    m2d = _run_phi(sp, dp, k0, b0, k1, b1, k2, b2)

    didx = edge_index[1].reshape(E // 128, 128)
    mrows = m2d.reshape(E // 128, 128)
    agg2 = _sc_scatter(didx, mrows)

    g0x = jnp.kron(i16, gW0[0:8])
    g0a = jnp.kron(i16, gW0[8:9])
    gb0t = jnp.tile(gb0, 16).reshape(1, 512)
    g1 = jnp.kron(i16, gW1)
    gb1t = jnp.tile(gb1, 16).reshape(1, 512)
    g2 = jnp.kron(i16, gW2)
    gb2t = jnp.tile(gb2, 16).reshape(1, 16)

    xp = x.reshape(N // 16, 128)
    a0 = agg2[0].reshape(N // 16, 16)
    a1 = agg2[1].reshape(N // 16, 16)
    xl = x[:, 7].reshape(N // 16, 16)

    out = _run_gamma(xp, a0, a1, xl, g0x, g0a, gb0t, g1, gb1t, g2, gb2t)
    return out.reshape(N, 1)

# --- scband reference (transcript-rebuilt; emitter-appended) ---
"""Pipeline reference for scband-graph-pde-75462575390928 (READ-ONLY COPY).

The authoritative reference and input builder live on the scoring server;
editing this copy changes nothing except your own understanding.
"""

import jax, jax.numpy as jnp
import numpy as np

N = 100000
E = 3200000
INPUT_SIZE = 1
LOOKBACK = 8
SD = 2
PHI_H = 32
GAMMA_H = 32
PHI_IN = 2 * INPUT_SIZE * LOOKBACK + SD  # 18
GAMMA_IN = INPUT_SIZE * LOOKBACK + 1     # 9 (message_dimension=1)


def _init_linear(key, fan_in, fan_out):
    kw, kb = jax.random.split(key)
    lim = 1.0 / np.sqrt(fan_in)
    W = jax.random.uniform(kw, (fan_in, fan_out), minval=-lim, maxval=lim, dtype=jnp.float32)
    b = jax.random.uniform(kb, (fan_out,), minval=-lim, maxval=lim, dtype=jnp.float32)
    return W, b


def setup_inputs(seed: int = 0) -> dict:
    key = jax.random.key(seed)
    ks = jax.random.split(key, 10)
    x = jax.random.normal(ks[0], (N, INPUT_SIZE * LOOKBACK), dtype=jnp.float32)
    pos = jax.random.uniform(ks[1], (N, SD), dtype=jnp.float32)
    edge_index = jax.random.randint(ks[2], (2, E), 0, N, dtype=jnp.int32)
    pW0, pb0 = _init_linear(ks[3], PHI_IN, PHI_H)
    pW1, pb1 = _init_linear(ks[4], PHI_H, PHI_H)
    pW2, pb2 = _init_linear(ks[5], PHI_H, 1)
    gW0, gb0 = _init_linear(ks[6], GAMMA_IN, GAMMA_H)
    gW1, gb1 = _init_linear(ks[7], GAMMA_H, GAMMA_H)
    gW2, gb2 = _init_linear(ks[8], GAMMA_H, INPUT_SIZE)
    return {"x": x, "pos": pos, "edge_index": edge_index,
            "pW0": pW0, "pb0": pb0, "pW1": pW1, "pb1": pb1, "pW2": pW2, "pb2": pb2,
            "gW0": gW0, "gb0": gb0, "gW1": gW1, "gb1": gb1, "gW2": gW2, "gb2": gb2}


def reference(x, pos, edge_index, pW0, pb0, pW1, pb1, pW2, pb2, gW0, gb0, gW1, gb1, gW2, gb2):
    src = edge_index[0]
    dst = edge_index[1]
    # gather node states / positions per edge
    x_src = jnp.take(x, src, axis=0)
    x_dst = jnp.take(x, dst, axis=0)
    rel = jnp.take(pos, src, axis=0) - jnp.take(pos, dst, axis=0)
    # phi: per-edge message MLP -> scalar message
    h = jnp.concatenate([x_dst, x_src, rel], axis=-1)
    h = jnp.tanh(h @ pW0 + pb0)
    h = jnp.tanh(h @ pW1 + pb1)
    m = h @ pW2 + pb2  # [E, 1]
    # scatter-add aggregation onto destination nodes
    agg = jax.ops.segment_sum(m, dst, num_segments=x.shape[0])  # [N, 1]
    # gamma: node update MLP -> dudt
    g = jnp.concatenate([x, agg], axis=-1)
    g = jnp.tanh(g @ gW0 + gb0)
    g = jnp.tanh(g @ gW1 + gb1)
    dudt = g @ gW2 + gb2  # [N, INPUT_SIZE]
    # data.x = x[:, -input_size:] + dudt
    return x[:, -INPUT_SIZE:] + dudt

if __name__ == "__main__":
    import jax
    _d = setup_inputs()
    print(jax.jit(kernel)(*tuple(_d.values())))

</pallas_src>

<mosaic_0001>
#map = affine_map<(d0, d1) -> (0, 0)>
module attributes {stable_mosaic.version = 14 : i64} {
  func.func @_sc_scatter(%arg0: i32, %arg1: i32, %arg2: memref<25000x128xi32, #tpu.memory_space<hbm>>, %arg3: memref<25000x128xf32, #tpu.memory_space<hbm>>, %arg4: memref<2x100000xf32, #tpu.memory_space<hbm>>, %arg5: memref<2x8x128xi32, #tpu.memory_space<vmem>>, %arg6: memref<2x8x128xf32, #tpu.memory_space<vmem>>, %arg7: memref<2048xf32, #tpu.memory_space<vmem>>, %arg8: memref<102400xf32, #tpu.memory_space<vmem_shared>>, %arg9: memref<!tpu.dma_semaphore, #tpu.memory_space<semaphore_mem>>, %arg10: memref<!tpu.dma_semaphore, #tpu.memory_space<semaphore_mem>>) attributes {dimension_semantics = [#tpu.dimension_semantics<core_parallel>, #tpu.dimension_semantics<subcore_parallel>], iteration_bounds = array<i64: 2, 16>, scalar_prefetch = 0 : i64, scratch_operands = 6 : i64, tpu.core_type = #tpu.core_type<sc_vector_subcore>, window_params = [{transform_indices = #map}, {transform_indices = #map}, {transform_indices = #map}]} {
    %scan3A = arith.constant 0 : i32
    %scan3A_0 = arith.constant 0 : i32
    %scan3A_1 = arith.constant 128 : i32
    %scan3A_2 = arith.addi %scan3A_0, %scan3A_1 : i32
    %scan3A_3 = arith.constant 1 : i32
    scf.for %scan3A_64 = %scan3A_0 to %scan3A_2 step %scan3A_3  : i32 {
      %broadcast_in_dim3A = arith.constant 0.000000e+00 : f32
      %broadcast_in_dim3A_65 = vector.broadcast %broadcast_in_dim3A : f32 to vector<16xf32>
      %mul3A_66 = arith.constant 16 : i32
      %mul3A_67 = arith.muli %scan3A_64, %mul3A_66 : i32
      %swap3A = arith.index_cast %mul3A_67 : i32 to index
      %swap3A_68 = tpu.vector_load %arg7[%swap3A] {strides = array<i32>} : memref<2048xf32, #tpu.memory_space<vmem>>, vector<16xf32>,
      %swap3A_69 = vector.shape_cast %swap3A_68 : vector<16xf32> to vector<16xf32>
      %swap3A_70 = vector.shape_cast %broadcast_in_dim3A_65 : vector<16xf32> to vector<16xf32>
      tpu.vector_store %arg7[%swap3A], %swap3A_70 {strides = array<i32>} : memref<2048xf32, #tpu.memory_space<vmem>>, vector<16xf32>,
    }
    %scan3A_4 = arith.constant 128 : i32
    %lt3A = arith.constant 2 : i32
    %lt3A_5 = arith.cmpi slt, %arg1, %lt3A : i32
    %jit3A = arith.constant 4 : i32
    %jit3A_6 = arith.constant 3 : i32
    %select_n3A = arith.select %lt3A_5, %jit3A, %jit3A_6 : i32
    %while3A = arith.constant 0 : i32
    %while3A_7 = arith.constant 0 : i32
    %while3A_8 = arith.subi %select_n3A, %while3A_7 : i32
    %while3A_9 = arith.addi %while3A_7, %while3A_8 : i32
    %while3A_10 = arith.constant 1 : i32
    %while3A_11 = arith.divsi %while3A_8, %while3A_10 : i32
    %while3A_12 = arith.muli %while3A_11, %while3A_10 : i32
    %while3A_13 = arith.addi %while3A_7, %while3A_12 : i32
    %while3A_14 = arith.constant 1 : i32
    scf.for %while3A_64 = %while3A_7 to %while3A_13 step %while3A_14  : i32 {
      %mul3A_65 = arith.constant 16 : i32
      %mul3A_66 = arith.muli %while3A_64, %mul3A_65 : i32
      %add3A_67 = arith.addi %mul3A_66, %arg1 : i32
      %mul3A_68 = arith.constant 2048 : i32
      %mul3A_69 = arith.muli %add3A_67, %mul3A_68 : i32
      %multiple_of3A_70 = tpu.assume_multiple %mul3A_69, 2048 : i32
      "tpu.region"() ({
        %run_scoped3A = tpu.sem_alloc : memref<!tpu.dma_semaphore, #tpu.memory_space<semaphore_mem>>
        %dma_start3A_71 = tpu.memref_slice %arg8[%multiple_of3A_70] : memref<102400xf32, #tpu.memory_space<vmem_shared>> -> memref<2048xf32, #tpu.memory_space<vmem_shared>>
        %dma_start3A_72 = tpu.memref_slice %arg8[%multiple_of3A_70] : memref<102400xf32, #tpu.memory_space<vmem_shared>> -> memref<2048xf32, #tpu.memory_space<vmem_shared>>
        tpu.enqueue_dma source(%arg7 : memref<2048xf32, #tpu.memory_space<vmem>>) target(%dma_start3A_72 : memref<2048xf32, #tpu.memory_space<vmem_shared>>) target_semaphore(%run_scoped3A : memref<!tpu.dma_semaphore, #tpu.memory_space<semaphore_mem>>)
        %dma_wait3A = tpu.memref_slice %arg8[%multiple_of3A_70] : memref<102400xf32, #tpu.memory_space<vmem_shared>> -> memref<2048xf32, #tpu.memory_space<vmem_shared>>
        %dma_wait3A_73 = tpu.memref_slice %arg8[%multiple_of3A_70] : memref<102400xf32, #tpu.memory_space<vmem_shared>> -> memref<2048xf32, #tpu.memory_space<vmem_shared>>
        tpu.wait_dma2 semaphore(%run_scoped3A : memref<!tpu.dma_semaphore, #tpu.memory_space<semaphore_mem>>) src(%arg7 : memref<2048xf32, #tpu.memory_space<vmem>>) dst(%dma_wait3A_73 : memref<2048xf32, #tpu.memory_space<vmem_shared>>)
        tpu.yield
      }) : () -> ()
    }
    %while3A_15 = arith.constant 1 : i32
    scf.for %while3A_64 = %while3A_13 to %while3A_9 step %while3A_15  : i32 {
      %mul3A_65 = arith.constant 16 : i32
      %mul3A_66 = arith.muli %while3A_64, %mul3A_65 : i32
      %add3A_67 = arith.addi %mul3A_66, %arg1 : i32
      %mul3A_68 = arith.constant 2048 : i32
      %mul3A_69 = arith.muli %add3A_67, %mul3A_68 : i32
      %multiple_of3A_70 = tpu.assume_multiple %mul3A_69, 2048 : i32
      "tpu.region"() ({
        %run_scoped3A = tpu.sem_alloc : memref<!tpu.dma_semaphore, #tpu.memory_space<semaphore_mem>>
        %dma_start3A_71 = tpu.memref_slice %arg8[%multiple_of3A_70] : memref<102400xf32, #tpu.memory_space<vmem_shared>> -> memref<2048xf32, #tpu.memory_space<vmem_shared>>
        %dma_start3A_72 = tpu.memref_slice %arg8[%multiple_of3A_70] : memref<102400xf32, #tpu.memory_space<vmem_shared>> -> memref<2048xf32, #tpu.memory_space<vmem_shared>>
        tpu.enqueue_dma source(%arg7 : memref<2048xf32, #tpu.memory_space<vmem>>) target(%dma_start3A_72 : memref<2048xf32, #tpu.memory_space<vmem_shared>>) target_semaphore(%run_scoped3A : memref<!tpu.dma_semaphore, #tpu.memory_space<semaphore_mem>>)
        %dma_wait3A = tpu.memref_slice %arg8[%multiple_of3A_70] : memref<102400xf32, #tpu.memory_space<vmem_shared>> -> memref<2048xf32, #tpu.memory_space<vmem_shared>>
        %dma_wait3A_73 = tpu.memref_slice %arg8[%multiple_of3A_70] : memref<102400xf32, #tpu.memory_space<vmem_shared>> -> memref<2048xf32, #tpu.memory_space<vmem_shared>>
        tpu.wait_dma2 semaphore(%run_scoped3A : memref<!tpu.dma_semaphore, #tpu.memory_space<semaphore_mem>>) src(%arg7 : memref<2048xf32, #tpu.memory_space<vmem>>) dst(%dma_wait3A_73 : memref<2048xf32, #tpu.memory_space<vmem_shared>>)
        tpu.yield
      }) : () -> ()
    }
    %barrier3A = arith.constant 0 : index
    tpu.barrier barrier_id(%barrier3A)
    %mul3A = arith.constant 16 : i32
    %mul3A_16 = arith.muli %arg0, %mul3A : i32
    %add3A = arith.addi %mul3A_16, %arg1 : i32
    %mul3A_17 = arith.constant 97 : i32
    %mul3A_18 = arith.muli %mul3A_17, %add3A : i32
    %min3A = arith.constant 21 : i32
    %min3A_19 = arith.minsi %add3A, %min3A : i32
    %add3A_20 = arith.addi %mul3A_18, %min3A_19 : i32
    %lt3A_21 = arith.constant 21 : i32
    %lt3A_22 = arith.cmpi slt, %add3A, %lt3A_21 : i32
    %jit3A_23 = arith.constant 98 : i32
    %jit3A_24 = arith.constant 97 : i32
    %select_n3A_25 = arith.select %lt3A_22, %jit3A_23, %jit3A_24 : i32
    %add3A_26 = arith.constant 0 : i32
    %add3A_27 = arith.addi %add3A_20, %add3A_26 : i32
    %mul3A_28 = arith.constant 8 : i32
    %mul3A_29 = arith.muli %add3A_27, %mul3A_28 : i32
    %multiple_of3A = tpu.assume_multiple %mul3A_29, 8 : i32
    %dma_start3A = arith.constant 0 : i32
    %dma_start3A_30 = arith.constant 0 : i32
    %dma_start3A_31 = arith.constant 0 : i32
    %dma_start3A_32 = tpu.memref_slice %arg5[%dma_start3A, %dma_start3A_30, %dma_start3A_31] : memref<2x8x128xi32, #tpu.memory_space<vmem>> -> memref<1x8x128xi32, #tpu.memory_space<vmem>>
    %dma_start3A_33 = tpu.memref_squeeze %dma_start3A_32 : memref<1x8x128xi32, #tpu.memory_space<vmem>> -> memref<8x128xi32, #tpu.memory_space<vmem>>
    %dma_start3A_34 = arith.constant 0 : i32
    %dma_start3A_35 = tpu.memref_slice %arg2[%multiple_of3A, %dma_start3A_34] : memref<25000x128xi32, #tpu.memory_space<hbm>> -> memref<8x128xi32, #tpu.memory_space<hbm>>
    %dma_start3A_36 = arith.constant 0 : i32
    %dma_start3A_37 = arith.constant 0 : i32
    %dma_start3A_38 = tpu.memref_slice %arg5[%dma_start3A, %dma_start3A_36, %dma_start3A_37] : memref<2x8x128xi32, #tpu.memory_space<vmem>> -> memref<1x8x128xi32, #tpu.memory_space<vmem>>
    %dma_start3A_39 = tpu.memref_squeeze %dma_start3A_38 : memref<1x8x128xi32, #tpu.memory_space<vmem>> -> memref<8x128xi32, #tpu.memory_space<vmem>>
    %dma_start3A_40 = arith.constant 0 : i32
    %dma_start3A_41 = tpu.memref_slice %arg2[%multiple_of3A, %dma_start3A_40] : memref<25000x128xi32, #tpu.memory_space<hbm>> -> memref<8x128xi32, #tpu.memory_space<hbm>>
    tpu.enqueue_dma source(%dma_start3A_41 : memref<8x128xi32, #tpu.memory_space<hbm>>) target(%dma_start3A_39 : memref<8x128xi32, #tpu.memory_space<vmem>>) target_semaphore(%arg9 : memref<!tpu.dma_semaphore, #tpu.memory_space<semaphore_mem>>)
    %dma_start3A_42 = arith.constant 0 : i32
    %dma_start3A_43 = arith.constant 0 : i32
    %dma_start3A_44 = arith.constant 0 : i32
    %dma_start3A_45 = tpu.memref_slice %arg6[%dma_start3A_42, %dma_start3A_43, %dma_start3A_44] : memref<2x8x128xf32, #tpu.memory_space<vmem>> -> memref<1x8x128xf32, #tpu.memory_space<vmem>>
    %dma_start3A_46 = tpu.memref_squeeze %dma_start3A_45 : memref<1x8x128xf32, #tpu.memory_space<vmem>> -> memref<8x128xf32, #tpu.memory_space<vmem>>
    %dma_start3A_47 = arith.constant 0 : i32
    %dma_start3A_48 = tpu.memref_slice %arg3[%multiple_of3A, %dma_start3A_47] : memref<25000x128xf32, #tpu.memory_space<hbm>> -> memref<8x128xf32, #tpu.memory_space<hbm>>
    %dma_start3A_49 = arith.constant 0 : i32
    %dma_start3A_50 = arith.constant 0 : i32
    %dma_start3A_51 = tpu.memref_slice %arg6[%dma_start3A_42, %dma_start3A_49, %dma_start3A_50] : memref<2x8x128xf32, #tpu.memory_space<vmem>> -> memref<1x8x128xf32, #tpu.memory_space<vmem>>
    %dma_start3A_52 = tpu.memref_squeeze %dma_start3A_51 : memref<1x8x128xf32, #tpu.memory_space<vmem>> -> memref<8x128xf32, #tpu.memory_space<vmem>>
    %dma_start3A_53 = arith.constant 0 : i32
    %dma_start3A_54 = tpu.memref_slice %arg3[%multiple_of3A, %dma_start3A_53] : memref<25000x128xf32, #tpu.memory_space<hbm>> -> memref<8x128xf32, #tpu.memory_space<hbm>>
    tpu.enqueue_dma source(%dma_start3A_54 : memref<8x128xf32, #tpu.memory_space<hbm>>) target(%dma_start3A_52 : memref<8x128xf32, #tpu.memory_space<vmem>>) target_semaphore(%arg9 : memref<!tpu.dma_semaphore, #tpu.memory_space<semaphore_mem>>)
    %scan3A_55 = arith.constant 0 : i32
    %scan3A_56 = arith.constant 0 : i32
    %scan3A_57 = arith.constant 49 : i32
    %scan3A_58 = arith.addi %scan3A_56, %scan3A_57 : i32
    %scan3A_59 = arith.constant 1 : i32
    scf.for %scan3A_64 = %scan3A_56 to %scan3A_58 step %scan3A_59  : i32 {
      %mul3A_65 = arith.constant 2 : i32
      %mul3A_66 = arith.muli %scan3A_64, %mul3A_65 : i32
      %add3A_67 = arith.constant 0 : i32
      %add3A_68 = arith.addi %mul3A_66, %add3A_67 : i32
      %lt3A_69 = arith.cmpi slt, %add3A_68, %select_n3A_25 : i32
      %convert_element_type3A_70 = arith.extui %lt3A_69 : i1 to i32
      %cond3A_71 = arith.constant 0 : i32
      %cond3A_72 = arith.cmpi ne, %convert_element_type3A_70, %cond3A_71 : i32
      scf.if %cond3A_72 {
        %add3A_81 = arith.constant 1 : i32
        %add3A_82 = arith.addi %add3A_68, %add3A_81 : i32
        %lt3A_83 = arith.cmpi slt, %add3A_82, %select_n3A_25 : i32
        %convert_element_type3A_84 = arith.extui %lt3A_83 : i1 to i32
        %cond3A_85 = arith.constant 0 : i32
        %cond3A_86 = arith.cmpi ne, %convert_element_type3A_84, %cond3A_85 : i32
        scf.if %cond3A_86 {
          %add3A_436 = arith.constant 1 : i32
          %add3A_437 = arith.addi %add3A_68, %add3A_436 : i32
          %add3A_438 = arith.addi %add3A_20, %add3A_437 : i32
          %mul3A_439 = arith.constant 8 : i32
          %mul3A_440 = arith.muli %add3A_438, %mul3A_439 : i32
          %multiple_of3A_441 = tpu.assume_multiple %mul3A_440, 8 : i32
          %dma_start3A_442 = arith.constant 1 : i32
          %dma_start3A_443 = arith.constant 0 : i32
          %dma_start3A_444 = arith.constant 0 : i32
          %dma_start3A_445 = tpu.memref_slice %arg5[%dma_start3A_442, %dma_start3A_443, %dma_start3A_444] : memref<2x8x128xi32, #tpu.memory_space<vmem>> -> memref<1x8x128xi32, #tpu.memory_space<vmem>>
          %dma_start3A_446 = tpu.memref_squeeze %dma_start3A_445 : memref<1x8x128xi32, #tpu.memory_space<vmem>> -> memref<8x128xi32, #tpu.memory_space<vmem>>
          %dma_start3A_447 = arith.constant 0 : i32
          %dma_start3A_448 = tpu.memref_slice %arg2[%multiple_of3A_441, %dma_start3A_447] : memref<25000x128xi32, #tpu.memory_space<hbm>> -> memref<8x128xi32, #tpu.memory_space<hbm>>
          %dma_start3A_449 = arith.constant 0 : i32
          %dma_start3A_450 = arith.constant 0 : i32
          %dma_start3A_451 = tpu.memref_slice %arg5[%dma_start3A_442, %dma_start3A_449, %dma_start3A_450] : memref<2x8x128xi32, #tpu.memory_space<vmem>> -> memref<1x8x128xi32, #tpu.memory_space<vmem>>
          %dma_start3A_452 = tpu.memref_squeeze %dma_start3A_451 : memref<1x8x128xi32, #tpu.memory_space<vmem>> -> memref<8x128xi32, #tpu.memory_space<vmem>>
          %dma_start3A_453 = arith.constant 0 : i32
          %dma_start3A_454 = tpu.memref_slice %arg2[%multiple_of3A_441, %dma_start3A_453] : memref<25000x128xi32, #tpu.memory_space<hbm>> -> memref<8x128xi32, #tpu.memory_space<hbm>>
          tpu.enqueue_dma source(%dma_start3A_454 : memref<8x128xi32, #tpu.memory_space<hbm>>) target(%dma_start3A_452 : memref<8x128xi32, #tpu.memory_space<vmem>>) target_semaphore(%arg9 : memref<!tpu.dma_semaphore, #tpu.memory_space<semaphore_mem>>)
          %dma_start3A_455 = arith.constant 1 : i32
          %dma_start3A_456 = arith.constant 0 : i32
          %dma_start3A_457 = arith.constant 0 : i32
          %dma_start3A_458 = tpu.memref_slice %arg6[%dma_start3A_455, %dma_start3A_456, %dma_start3A_457] : memref<2x8x128xf32, #tpu.memory_space<vmem>> -> memref<1x8x128xf32, #tpu.memory_space<vmem>>
          %dma_start3A_459 = tpu.memref_squeeze %dma_start3A_458 : memref<1x8x128xf32, #tpu.memory_space<vmem>> -> memref<8x128xf32, #tpu.memory_space<vmem>>
          %dma_start3A_460 = arith.constant 0 : i32
          %dma_start3A_461 = tpu.memref_slice %arg3[%multiple_of3A_441, %dma_start3A_460] : memref<25000x128xf32, #tpu.memory_space<hbm>> -> memref<8x128xf32, #tpu.memory_space<hbm>>
          %dma_start3A_462 = arith.constant 0 : i32
          %dma_start3A_463 = arith.constant 0 : i32
          %dma_start3A_464 = tpu.memref_slice %arg6[%dma_start3A_455, %dma_start3A_462, %dma_start3A_463] : memref<2x8x128xf32, #tpu.memory_space<vmem>> -> memref<1x8x128xf32, #tpu.memory_space<vmem>>
          %dma_start3A_465 = tpu.memref_squeeze %dma_start3A_464 : memref<1x8x128xf32, #tpu.memory_space<vmem>> -> memref<8x128xf32, #tpu.memory_space<vmem>>
          %dma_start3A_466 = arith.constant 0 : i32
          %dma_start3A_467 = tpu.memref_slice %arg3[%multiple_of3A_441, %dma_start3A_466] : memref<25000x128xf32, #tpu.memory_space<hbm>> -> memref<8x128xf32, #tpu.memory_space<hbm>>
          tpu.enqueue_dma source(%dma_start3A_467 : memref<8x128xf32, #tpu.memory_space<hbm>>) target(%dma_start3A_465 : memref<8x128xf32, #tpu.memory_space<vmem>>) target_semaphore(%arg9 : memref<!tpu.dma_semaphore, #tpu.memory_space<semaphore_mem>>)
        } else {
        }
        %dma_wait3A = arith.constant 0 : i32
        %dma_wait3A_87 = arith.constant 0 : i32
        %dma_wait3A_88 = arith.constant 0 : i32
        %dma_wait3A_89 = tpu.memref_slice %arg5[%dma_wait3A, %dma_wait3A_87, %dma_wait3A_88] : memref<2x8x128xi32, #tpu.memory_space<vmem>> -> memref<1x8x128xi32, #tpu.memory_space<vmem>>
        %dma_wait3A_90 = tpu.memref_squeeze %dma_wait3A_89 : memref<1x8x128xi32, #tpu.memory_space<vmem>> -> memref<8x128xi32, #tpu.memory_space<vmem>>
        %dma_wait3A_91 = arith.constant 0 : i32
        %dma_wait3A_92 = arith.constant 0 : i32
        %dma_wait3A_93 = tpu.memref_slice %arg2[%dma_wait3A_91, %dma_wait3A_92] : memref<25000x128xi32, #tpu.memory_space<hbm>> -> memref<8x128xi32, #tpu.memory_space<hbm>>
        %dma_wait3A_94 = arith.constant 0 : i32
        %dma_wait3A_95 = arith.constant 0 : i32
        %dma_wait3A_96 = tpu.memref_slice %arg5[%dma_wait3A, %dma_wait3A_94, %dma_wait3A_95] : memref<2x8x128xi32, #tpu.memory_space<vmem>> -> memref<1x8x128xi32, #tpu.memory_space<vmem>>
        %dma_wait3A_97 = tpu.memref_squeeze %dma_wait3A_96 : memref<1x8x128xi32, #tpu.memory_space<vmem>> -> memref<8x128xi32, #tpu.memory_space<vmem>>
        %dma_wait3A_98 = arith.constant 0 : i32
        %dma_wait3A_99 = arith.constant 0 : i32
        %dma_wait3A_100 = tpu.memref_slice %arg2[%dma_wait3A_98, %dma_wait3A_99] : memref<25000x128xi32, #tpu.memory_space<hbm>> -> memref<8x128xi32, #tpu.memory_space<hbm>>
        tpu.wait_dma2 semaphore(%arg9 : memref<!tpu.dma_semaphore, #tpu.memory_space<semaphore_mem>>) src(%dma_wait3A_100 : memref<8x128xi32, #tpu.memory_space<hbm>>) dst(%dma_wait3A_97 : memref<8x128xi32, #tpu.memory_space<vmem>>)
        %dma_wait3A_101 = arith.constant 0 : i32
        %dma_wait3A_102 = arith.constant 0 : i32
        %dma_wait3A_103 = arith.constant 0 : i32
        %dma_wait3A_104 = tpu.memref_slice %arg6[%dma_wait3A_101, %dma_wait3A_102, %dma_wait3A_103] : memref<2x8x128xf32, #tpu.memory_space<vmem>> -> memref<1x8x128xf32, #tpu.memory_space<vmem>>
        %dma_wait3A_105 = tpu.memref_squeeze %dma_wait3A_104 : memref<1x8x128xf32, #tpu.memory_space<vmem>> -> memref<8x128xf32, #tpu.memory_space<vmem>>
        %dma_wait3A_106 = arith.constant 0 : i32
        %dma_wait3A_107 = arith.constant 0 : i32
        %dma_wait3A_108 = tpu.memref_slice %arg3[%dma_wait3A_106, %dma_wait3A_107] : memref<25000x128xf32, #tpu.memory_space<hbm>> -> memref<8x128xf32, #tpu.memory_space<hbm>>
        %dma_wait3A_109 = arith.constant 0 : i32
        %dma_wait3A_110 = arith.constant 0 : i32
        %dma_wait3A_111 = tpu.memref_slice %arg6[%dma_wait3A_101, %dma_wait3A_109, %dma_wait3A_110] : memref<2x8x128xf32, #tpu.memory_space<vmem>> -> memref<1x8x128xf32, #tpu.memory_space<vmem>>
        %dma_wait3A_112 = tpu.memref_squeeze %dma_wait3A_111 : memref<1x8x128xf32, #tpu.memory_space<vmem>> -> memref<8x128xf32, #tpu.memory_space<vmem>>
        %dma_wait3A_113 = arith.constant 0 : i32
        %dma_wait3A_114 = arith.constant 0 : i32
        %dma_wait3A_115 = tpu.memref_slice %arg3[%dma_wait3A_113, %dma_wait3A_114] : memref<25000x128xf32, #tpu.memory_space<hbm>> -> memref<8x128xf32, #tpu.memory_space<hbm>>
        tpu.wait_dma2 semaphore(%arg9 : memref<!tpu.dma_semaphore, #tpu.memory_space<semaphore_mem>>) src(%dma_wait3A_115 : memref<8x128xf32, #tpu.memory_space<hbm>>) dst(%dma_wait3A_112 : memref<8x128xf32, #tpu.memory_space<vmem>>)
        %dma_start3A_116 = arith.constant 0 : i32
        %dma_start3A_117 = arith.constant 0 : i32
        %dma_start3A_118 = arith.constant 0 : i32
        %dma_start3A_119 = arith.constant 0 : i32
        %dma_start3A_120 = arith.constant 0 : i32
        %dma_start3A_121 = arith.constant 0 : i32
        %dma_start3A_122 = tpu.memref_slice %arg6[%dma_start3A_116, %dma_start3A_120, %dma_start3A_121] : memref<2x8x128xf32, #tpu.memory_space<vmem>> -> memref<1x8x128xf32, #tpu.memory_space<vmem>>
        %dma_start3A_123 = tpu.memref_squeeze %dma_start3A_122 : memref<1x8x128xf32, #tpu.memory_space<vmem>> -> memref<8x128xf32, #tpu.memory_space<vmem>>
        %dma_start3A_124 = arith.constant 0 : i32
        %dma_start3A_125 = tpu.memref_slice %dma_start3A_123[%dma_start3A_117, %dma_start3A_124] : memref<8x128xf32, #tpu.memory_space<vmem>> -> memref<1x128xf32, #tpu.memory_space<vmem>>
        %dma_start3A_126 = tpu.memref_squeeze %dma_start3A_125 : memref<1x128xf32, #tpu.memory_space<vmem>> -> memref<128xf32, #tpu.memory_space<vmem>>
        %dma_start3A_127 = arith.constant 0 : i32
        %dma_start3A_128 = arith.constant 0 : i32
        %dma_start3A_129 = tpu.memref_slice %arg5[%dma_start3A_118, %dma_start3A_127, %dma_start3A_128] : memref<2x8x128xi32, #tpu.memory_space<vmem>> -> memref<1x8x128xi32, #tpu.memory_space<vmem>>
        %dma_start3A_130 = tpu.memref_squeeze %dma_start3A_129 : memref<1x8x128xi32, #tpu.memory_space<vmem>> -> memref<8x128xi32, #tpu.memory_space<vmem>>
        %dma_start3A_131 = arith.constant 0 : i32
        %dma_start3A_132 = tpu.memref_slice %dma_start3A_130[%dma_start3A_119, %dma_start3A_131] : memref<8x128xi32, #tpu.memory_space<vmem>> -> memref<1x128xi32, #tpu.memory_space<vmem>>
        %dma_start3A_133 = tpu.memref_squeeze %dma_start3A_132 : memref<1x128xi32, #tpu.memory_space<vmem>> -> memref<128xi32, #tpu.memory_space<vmem>>
        %dma_start3A_134 = arith.constant 0 : i32
        %dma_start3A_135 = tpu.memref_slice %arg8[%dma_start3A_134] : memref<102400xf32, #tpu.memory_space<vmem_shared>> -> memref<102400xf32, #tpu.memory_space<vmem_shared>>
        tpu.enqueue_indirect_dma source(%dma_start3A_126 : memref<128xf32, #tpu.memory_space<vmem>>) target(%dma_start3A_135 : memref<102400xf32, #tpu.memory_space<vmem_shared>>) offsets(%dma_start3A_133 : memref<128xi32, #tpu.memory_space<vmem>>) semaphore(%arg10 : memref<!tpu.dma_semaphore, #tpu.memory_space<semaphore_mem>>) {add = true}
        %dma_start3A_136 = arith.constant 0 : i32
        %dma_start3A_137 = arith.constant 1 : i32
        %dma_start3A_138 = arith.constant 0 : i32
        %dma_start3A_139 = arith.constant 1 : i32
        %dma_start3A_140 = arith.constant 0 : i32
        %dma_start3A_141 = arith.constant 0 : i32
        %dma_start3A_142 = tpu.memref_slice %arg6[%dma_start3A_136, %dma_start3A_140, %dma_start3A_141] : memref<2x8x128xf32, #tpu.memory_space<vmem>> -> memref<1x8x128xf32, #tpu.memory_space<vmem>>
        %dma_start3A_143 = tpu.memref_squeeze %dma_start3A_142 : memref<1x8x128xf32, #tpu.memory_space<vmem>> -> memref<8x128xf32, #tpu.memory_space<vmem>>
        %dma_start3A_144 = arith.constant 0 : i32
        %dma_start3A_145 = tpu.memref_slice %dma_start3A_143[%dma_start3A_137, %dma_start3A_144] : memref<8x128xf32, #tpu.memory_space<vmem>> -> memref<1x128xf32, #tpu.memory_space<vmem>>
        %dma_start3A_146 = tpu.memref_squeeze %dma_start3A_145 : memref<1x128xf32, #tpu.memory_space<vmem>> -> memref<128xf32, #tpu.memory_space<vmem>>
        %dma_start3A_147 = arith.constant 0 : i32
        %dma_start3A_148 = arith.constant 0 : i32
        %dma_start3A_149 = tpu.memref_slice %arg5[%dma_start3A_138, %dma_start3A_147, %dma_start3A_148] : memref<2x8x128xi32, #tpu.memory_space<vmem>> -> memref<1x8x128xi32, #tpu.memory_space<vmem>>
        %dma_start3A_150 = tpu.memref_squeeze %dma_start3A_149 : memref<1x8x128xi32, #tpu.memory_space<vmem>> -> memref<8x128xi32, #tpu.memory_space<vmem>>
        %dma_start3A_151 = arith.constant 0 : i32
        %dma_start3A_152 = tpu.memref_slice %dma_start3A_150[%dma_start3A_139, %dma_start3A_151] : memref<8x128xi32, #tpu.memory_space<vmem>> -> memref<1x128xi32, #tpu.memory_space<vmem>>
        %dma_start3A_153 = tpu.memref_squeeze %dma_start3A_152 : memref<1x128xi32, #tpu.memory_space<vmem>> -> memref<128xi32, #tpu.memory_space<vmem>>
        %dma_start3A_154 = arith.constant 0 : i32
        %dma_start3A_155 = tpu.memref_slice %arg8[%dma_start3A_154] : memref<102400xf32, #tpu.memory_space<vmem_shared>> -> memref<102400xf32, #tpu.memory_space<vmem_shared>>
        tpu.enqueue_indirect_dma source(%dma_start3A_146 : memref<128xf32, #tpu.memory_space<vmem>>) target(%dma_start3A_155 : memref<102400xf32, #tpu.memory_space<vmem_shared>>) offsets(%dma_start3A_153 : memref<128xi32, #tpu.memory_space<vmem>>) semaphore(%arg10 : memref<!tpu.dma_semaphore, #tpu.memory_space<semaphore_mem>>) {add = true}
        %dma_start3A_156 = arith.constant 0 : i32
        %dma_start3A_157 = arith.constant 2 : i32
        %dma_start3A_158 = arith.constant 0 : i32
        %dma_start3A_159 = arith.constant 2 : i32
        %dma_start3A_160 = arith.constant 0 : i32
        %dma_start3A_161 = arith.constant 0 : i32
        %dma_start3A_162 = tpu.memref_slice %arg6[%dma_start3A_156, %dma_start3A_160, %dma_start3A_161] : memref<2x8x128xf32, #tpu.memory_space<vmem>> -> memref<1x8x128xf32, #tpu.memory_space<vmem>>
        %dma_start3A_163 = tpu.memref_squeeze %dma_start3A_162 : memref<1x8x128xf32, #tpu.memory_space<vmem>> -> memref<8x128xf32, #tpu.memory_space<vmem>>
        %dma_start3A_164 = arith.constant 0 : i32
        %dma_start3A_165 = tpu.memref_slice %dma_start3A_163[%dma_start3A_157, %dma_start3A_164] : memref<8x128xf32, #tpu.memory_space<vmem>> -> memref<1x128xf32, #tpu.memory_space<vmem>>
        %dma_start3A_166 = tpu.memref_squeeze %dma_start3A_165 : memref<1x128xf32, #tpu.memory_space<vmem>> -> memref<128xf32, #tpu.memory_space<vmem>>
        %dma_start3A_167 = arith.constant 0 : i32
        %dma_start3A_168 = arith.constant 0 : i32
        %dma_start3A_169 = tpu.memref_slice %arg5[%dma_start3A_158, %dma_start3A_167, %dma_start3A_168] : memref<2x8x128xi32, #tpu.memory_space<vmem>> -> memref<1x8x128xi32, #tpu.memory_space<vmem>>
        %dma_start3A_170 = tpu.memref_squeeze %dma_start3A_169 : memref<1x8x128xi32, #tpu.memory_space<vmem>> -> memref<8x128xi32, #tpu.memory_space<vmem>>
        %dma_start3A_171 = arith.constant 0 : i32
        %dma_start3A_172 = tpu.memref_slice %dma_start3A_170[%dma_start3A_159, %dma_start3A_171] : memref<8x128xi32, #tpu.memory_space<vmem>> -> memref<1x128xi32, #tpu.memory_space<vmem>>
        %dma_start3A_173 = tpu.memref_squeeze %dma_start3A_172 : memref<1x128xi32, #tpu.memory_space<vmem>> -> memref<128xi32, #tpu.memory_space<vmem>>
        %dma_start3A_174 = arith.constant 0 : i32
        %dma_start3A_175 = tpu.memref_slice %arg8[%dma_start3A_174] : memref<102400xf32, #tpu.memory_space<vmem_shared>> -> memref<102400xf32, #tpu.memory_space<vmem_shared>>
        tpu.enqueue_indirect_dma source(%dma_start3A_166 : memref<128xf32, #tpu.memory_space<vmem>>) target(%dma_start3A_175 : memref<102400xf32, #tpu.memory_space<vmem_shared>>) offsets(%dma_start3A_173 : memref<128xi32, #tpu.memory_space<vmem>>) semaphore(%arg10 : memref<!tpu.dma_semaphore, #tpu.memory_space<semaphore_mem>>) {add = true}
        %dma_start3A_176 = arith.constant 0 : i32
        %dma_start3A_177 = arith.constant 3 : i32
        %dma_start3A_178 = arith.constant 0 : i32
        %dma_start3A_179 = arith.constant 3 : i32
        %dma_start3A_180 = arith.constant 0 : i32
        %dma_start3A_181 = arith.constant 0 : i32
        %dma_start3A_182 = tpu.memref_slice %arg6[%dma_start3A_176, %dma_start3A_180, %dma_start3A_181] : memref<2x8x128xf32, #tpu.memory_space<vmem>> -> memref<1x8x128xf32, #tpu.memory_space<vmem>>
        %dma_start3A_183 = tpu.memref_squeeze %dma_start3A_182 : memref<1x8x128xf32, #tpu.memory_space<vmem>> -> memref<8x128xf32, #tpu.memory_space<vmem>>
        %dma_start3A_184 = arith.constant 0 : i32
        %dma_start3A_185 = tpu.memref_slice %dma_start3A_183[%dma_start3A_177, %dma_start3A_184] : memref<8x128xf32, #tpu.memory_space<vmem>> -> memref<1x128xf32, #tpu.memory_space<vmem>>
        %dma_start3A_186 = tpu.memref_squeeze %dma_start3A_185 : memref<1x128xf32, #tpu.memory_space<vmem>> -> memref<128xf32, #tpu.memory_space<vmem>>
        %dma_start3A_187 = arith.constant 0 : i32
        %dma_start3A_188 = arith.constant 0 : i32
        %dma_start3A_189 = tpu.memref_slice %arg5[%dma_start3A_178, %dma_start3A_187, %dma_start3A_188] : memref<2x8x128xi32, #tpu.memory_space<vmem>> -> memref<1x8x128xi32, #tpu.memory_space<vmem>>
        %dma_start3A_190 = tpu.memref_squeeze %dma_start3A_189 : memref<1x8x128xi32, #tpu.memory_space<vmem>> -> memref<8x128xi32, #tpu.memory_space<vmem>>
        %dma_start3A_191 = arith.constant 0 : i32
        %dma_start3A_192 = tpu.memref_slice %dma_start3A_190[%dma_start3A_179, %dma_start3A_191] : memref<8x128xi32, #tpu.memory_space<vmem>> -> memref<1x128xi32, #tpu.memory_space<vmem>>
        %dma_start3A_193 = tpu.memref_squeeze %dma_start3A_192 : memref<1x128xi32, #tpu.memory_space<vmem>> -> memref<128xi32, #tpu.memory_space<vmem>>
        %dma_start3A_194 = arith.constant 0 : i32
        %dma_start3A_195 = tpu.memref_slice %arg8[%dma_start3A_194] : memref<102400xf32, #tpu.memory_space<vmem_shared>> -> memref<102400xf32, #tpu.memory_space<vmem_shared>>
        tpu.enqueue_indirect_dma source(%dma_start3A_186 : memref<128xf32, #tpu.memory_space<vmem>>) target(%dma_start3A_195 : memref<102400xf32, #tpu.memory_space<vmem_shared>>) offsets(%dma_start3A_193 : memref<128xi32, #tpu.memory_space<vmem>>) semaphore(%arg10 : memref<!tpu.dma_semaphore, #tpu.memory_space<semaphore_mem>>) {add = true}
        %dma_start3A_196 = arith.constant 0 : i32
        %dma_start3A_197 = arith.constant 4 : i32
        %dma_start3A_198 = arith.constant 0 : i32
        %dma_start3A_199 = arith.constant 4 : i32
        %dma_start3A_200 = arith.constant 0 : i32
        %dma_start3A_201 = arith.constant 0 : i32
        %dma_start3A_202 = tpu.memref_slice %arg6[%dma_start3A_196, %dma_start3A_200, %dma_start3A_201] : memref<2x8x128xf32, #tpu.memory_space<vmem>> -> memref<1x8x128xf32, #tpu.memory_space<vmem>>
        %dma_start3A_203 = tpu.memref_squeeze %dma_start3A_202 : memref<1x8x128xf32, #tpu.memory_space<vmem>> -> memref<8x128xf32, #tpu.memory_space<vmem>>
        %dma_start3A_204 = arith.constant 0 : i32
        %dma_start3A_205 = tpu.memref_slice %dma_start3A_203[%dma_start3A_197, %dma_start3A_204] : memref<8x128xf32, #tpu.memory_space<vmem>> -> memref<1x128xf32, #tpu.memory_space<vmem>>
        %dma_start3A_206 = tpu.memref_squeeze %dma_start3A_205 : memref<1x128xf32, #tpu.memory_space<vmem>> -> memref<128xf32, #tpu.memory_space<vmem>>
        %dma_start3A_207 = arith.constant 0 : i32
        %dma_start3A_208 = arith.constant 0 : i32
        %dma_start3A_209 = tpu.memref_slice %arg5[%dma_start3A_198, %dma_start3A_207, %dma_start3A_208] : memref<2x8x128xi32, #tpu.memory_space<vmem>> -> memref<1x8x128xi32, #tpu.memory_space<vmem>>
        %dma_start3A_210 = tpu.memref_squeeze %dma_start3A_209 : memref<1x8x128xi32, #tpu.memory_space<vmem>> -> memref<8x128xi32, #tpu.memory_space<vmem>>
        %dma_start3A_211 = arith.constant 0 : i32
        %dma_start3A_212 = tpu.memref_slice %dma_start3A_210[%dma_start3A_199, %dma_start3A_211] : memref<8x128xi32, #tpu.memory_space<vmem>> -> memref<1x128xi32, #tpu.memory_space<vmem>>
        %dma_start3A_213 = tpu.memref_squeeze %dma_start3A_212 : memref<1x128xi32, #tpu.memory_space<vmem>> -> memref<128xi32, #tpu.memory_space<vmem>>
        %dma_start3A_214 = arith.constant 0 : i32
        %dma_start3A_215 = tpu.memref_slice %arg8[%dma_start3A_214] : memref<102400xf32, #tpu.memory_space<vmem_shared>> -> memref<102400xf32, #tpu.memory_space<vmem_shared>>
        tpu.enqueue_indirect_dma source(%dma_start3A_206 : memref<128xf32, #tpu.memory_space<vmem>>) target(%dma_start3A_215 : memref<102400xf32, #tpu.memory_space<vmem_shared>>) offsets(%dma_start3A_213 : memref<128xi32, #tpu.memory_space<vmem>>) semaphore(%arg10 : memref<!tpu.dma_semaphore, #tpu.memory_space<semaphore_mem>>) {add = true}
        %dma_start3A_216 = arith.constant 0 : i32
        %dma_start3A_217 = arith.constant 5 : i32
        %dma_start3A_218 = arith.constant 0 : i32
        %dma_start3A_219 = arith.constant 5 : i32
        %dma_start3A_220 = arith.constant 0 : i32
        %dma_start3A_221 = arith.constant 0 : i32
        %dma_start3A_222 = tpu.memref_slice %arg6[%dma_start3A_216, %dma_start3A_220, %dma_start3A_221] : memref<2x8x128xf32, #tpu.memory_space<vmem>> -> memref<1x8x128xf32, #tpu.memory_space<vmem>>
        %dma_start3A_223 = tpu.memref_squeeze %dma_start3A_222 : memref<1x8x128xf32, #tpu.memory_space<vmem>> -> memref<8x128xf32, #tpu.memory_space<vmem>>
        %dma_start3A_224 = arith.constant 0 : i32
        %dma_start3A_225 = tpu.memref_slice %dma_start3A_223[%dma_start3A_217, %dma_start3A_224] : memref<8x128xf32, #tpu.memory_space<vmem>> -> memref<1x128xf32, #tpu.memory_space<vmem>>
        %dma_start3A_226 = tpu.memref_squeeze %dma_start3A_225 : memref<1x128xf32, #tpu.memory_space<vmem>> -> memref<128xf32, #tpu.memory_space<vmem>>
        %dma_start3A_227 = arith.constant 0 : i32
        %dma_start3A_228 = arith.constant 0 : i32
        %dma_start3A_229 = tpu.memref_slice %arg5[%dma_start3A_218, %dma_start3A_227, %dma_start3A_228] : memref<2x8x128xi32, #tpu.memory_space<vmem>> -> memref<1x8x128xi32, #tpu.memory_space<vmem>>
        %dma_start3A_230 = tpu.memref_squeeze %dma_start3A_229 : memref<1x8x128xi32, #tpu.memory_space<vmem>> -> memref<8x128xi32, #tpu.memory_space<vmem>>
        %dma_start3A_231 = arith.constant 0 : i32
        %dma_start3A_232 = tpu.memref_slice %dma_start3A_230[%dma_start3A_219, %dma_start3A_231] : memref<8x128xi32, #tpu.memory_space<vmem>> -> memref<1x128xi32, #tpu.memory_space<vmem>>
        %dma_start3A_233 = tpu.memref_squeeze %dma_start3A_232 : memref<1x128xi32, #tpu.memory_space<vmem>> -> memref<128xi32, #tpu.memory_space<vmem>>
        %dma_start3A_234 = arith.constant 0 : i32
        %dma_start3A_235 = tpu.memref_slice %arg8[%dma_start3A_234] : memref<102400xf32, #tpu.memory_space<vmem_shared>> -> memref<102400xf32, #tpu.memory_space<vmem_shared>>
        tpu.enqueue_indirect_dma source(%dma_start3A_226 : memref<128xf32, #tpu.memory_space<vmem>>) target(%dma_start3A_235 : memref<102400xf32, #tpu.memory_space<vmem_shared>>) offsets(%dma_start3A_233 : memref<128xi32, #tpu.memory_space<vmem>>) semaphore(%arg10 : memref<!tpu.dma_semaphore, #tpu.memory_space<semaphore_mem>>) {add = true}
        %dma_start3A_236 = arith.constant 0 : i32
        %dma_start3A_237 = arith.constant 6 : i32
        %dma_start3A_238 = arith.constant 0 : i32
        %dma_start3A_239 = arith.constant 6 : i32
        %dma_start3A_240 = arith.constant 0 : i32
        %dma_start3A_241 = arith.constant 0 : i32
        %dma_start3A_242 = tpu.memref_slice %arg6[%dma_start3A_236, %dma_start3A_240, %dma_start3A_241] : memref<2x8x128xf32, #tpu.memory_space<vmem>> -> memref<1x8x128xf32, #tpu.memory_space<vmem>>
        %dma_start3A_243 = tpu.memref_squeeze %dma_start3A_242 : memref<1x8x128xf32, #tpu.memory_space<vmem>> -> memref<8x128xf32, #tpu.memory_space<vmem>>
        %dma_start3A_244 = arith.constant 0 : i32
        %dma_start3A_245 = tpu.memref_slice %dma_start3A_243[%dma_start3A_237, %dma_start3A_244] : memref<8x128xf32, #tpu.memory_space<vmem>> -> memref<1x128xf32, #tpu.memory_space<vmem>>
        %dma_start3A_246 = tpu.memref_squeeze %dma_start3A_245 : memref<1x128xf32, #tpu.memory_space<vmem>> -> memref<128xf32, #tpu.memory_space<vmem>>
        %dma_start3A_247 = arith.constant 0 : i32
        %dma_start3A_248 = arith.constant 0 : i32
        %dma_start3A_249 = tpu.memref_slice %arg5[%dma_start3A_238, %dma_start3A_247, %dma_start3A_248] : memref<2x8x128xi32, #tpu.memory_space<vmem>> -> memref<1x8x128xi32, #tpu.memory_space<vmem>>
        %dma_start3A_250 = tpu.memref_squeeze %dma_start3A_249 : memref<1x8x128xi32, #tpu.memory_space<vmem>> -> memref<8x128xi32, #tpu.memory_space<vmem>>
        %dma_start3A_251 = arith.constant 0 : i32
        %dma_start3A_252 = tpu.memref_slice %dma_start3A_250[%dma_start3A_239, %dma_start3A_251] : memref<8x128xi32, #tpu.memory_space<vmem>> -> memref<1x128xi32, #tpu.memory_space<vmem>>
        %dma_start3A_253 = tpu.memref_squeeze %dma_start3A_252 : memref<1x128xi32, #tpu.memory_space<vmem>> -> memref<128xi32, #tpu.memory_space<vmem>>
        %dma_start3A_254 = arith.constant 0 : i32
        %dma_start3A_255 = tpu.memref_slice %arg8[%dma_start3A_254] : memref<102400xf32, #tpu.memory_space<vmem_shared>> -> memref<102400xf32, #tpu.memory_space<vmem_shared>>
        tpu.enqueue_indirect_dma source(%dma_start3A_246 : memref<128xf32, #tpu.memory_space<vmem>>) target(%dma_start3A_255 : memref<102400xf32, #tpu.memory_space<vmem_shared>>) offsets(%dma_start3A_253 : memref<128xi32, #tpu.memory_space<vmem>>) semaphore(%arg10 : memref<!tpu.dma_semaphore, #tpu.memory_space<semaphore_mem>>) {add = true}
        %dma_start3A_256 = arith.constant 0 : i32
        %dma_start3A_257 = arith.constant 7 : i32
        %dma_start3A_258 = arith.constant 0 : i32
        %dma_start3A_259 = arith.constant 7 : i32
        %dma_start3A_260 = arith.constant 0 : i32
        %dma_start3A_261 = arith.constant 0 : i32
        %dma_start3A_262 = tpu.memref_slice %arg6[%dma_start3A_256, %dma_start3A_260, %dma_start3A_261] : memref<2x8x128xf32, #tpu.memory_space<vmem>> -> memref<1x8x128xf32, #tpu.memory_space<vmem>>
        %dma_start3A_263 = tpu.memref_squeeze %dma_start3A_262 : memref<1x8x128xf32, #tpu.memory_space<vmem>> -> memref<8x128xf32, #tpu.memory_space<vmem>>
        %dma_start3A_264 = arith.constant 0 : i32
        %dma_start3A_265 = tpu.memref_slice %dma_start3A_263[%dma_start3A_257, %dma_start3A_264] : memref<8x128xf32, #tpu.memory_space<vmem>> -> memref<1x128xf32, #tpu.memory_space<vmem>>
        %dma_start3A_266 = tpu.memref_squeeze %dma_start3A_265 : memref<1x128xf32, #tpu.memory_space<vmem>> -> memref<128xf32, #tpu.memory_space<vmem>>
        %dma_start3A_267 = arith.constant 0 : i32
        %dma_start3A_268 = arith.constant 0 : i32
        %dma_start3A_269 = tpu.memref_slice %arg5[%dma_start3A_258, %dma_start3A_267, %dma_start3A_268] : memref<2x8x128xi32, #tpu.memory_space<vmem>> -> memref<1x8x128xi32, #tpu.memory_space<vmem>>
        %dma_start3A_270 = tpu.memref_squeeze %dma_start3A_269 : memref<1x8x128xi32, #tpu.memory_space<vmem>> -> memref<8x128xi32, #tpu.memory_space<vmem>>
        %dma_start3A_271 = arith.constant 0 : i32
        %dma_start3A_272 = tpu.memref_slice %dma_start3A_270[%dma_start3A_259, %dma_start3A_271] : memref<8x128xi32, #tpu.memory_space<vmem>> -> memref<1x128xi32, #tpu.memory_space<vmem>>
        %dma_start3A_273 = tpu.memref_squeeze %dma_start3A_272 : memref<1x128xi32, #tpu.memory_space<vmem>> -> memref<128xi32, #tpu.memory_space<vmem>>
        %dma_start3A_274 = arith.constant 0 : i32
        %dma_start3A_275 = tpu.memref_slice %arg8[%dma_start3A_274] : memref<102400xf32, #tpu.memory_space<vmem_shared>> -> memref<102400xf32, #tpu.memory_space<vmem_shared>>
        tpu.enqueue_indirect_dma source(%dma_start3A_266 : memref<128xf32, #tpu.memory_space<vmem>>) target(%dma_start3A_275 : memref<102400xf32, #tpu.memory_space<vmem_shared>>) offsets(%dma_start3A_273 : memref<128xi32, #tpu.memory_space<vmem>>) semaphore(%arg10 : memref<!tpu.dma_semaphore, #tpu.memory_space<semaphore_mem>>) {add = true}
        %dma_wait3A_276 = arith.constant 0 : i32
        %dma_wait3A_277 = arith.constant 0 : i32
        %dma_wait3A_278 = arith.constant 0 : i32
        %dma_wait3A_279 = arith.constant 0 : i32
        %dma_wait3A_280 = arith.constant 0 : i32
        %dma_wait3A_281 = arith.constant 0 : i32
        %dma_wait3A_282 = tpu.memref_slice %arg6[%dma_wait3A_276, %dma_wait3A_280, %dma_wait3A_281] : memref<2x8x128xf32, #tpu.memory_space<vmem>> -> memref<1x8x128xf32, #tpu.memory_space<vmem>>
        %dma_wait3A_283 = tpu.memref_squeeze %dma_wait3A_282 : memref<1x8x128xf32, #tpu.memory_space<vmem>> -> memref<8x128xf32, #tpu.memory_space<vmem>>
        %dma_wait3A_284 = arith.constant 0 : i32
        %dma_wait3A_285 = tpu.memref_slice %dma_wait3A_283[%dma_wait3A_277, %dma_wait3A_284] : memref<8x128xf32, #tpu.memory_space<vmem>> -> memref<1x128xf32, #tpu.memory_space<vmem>>
        %dma_wait3A_286 = tpu.memref_squeeze %dma_wait3A_285 : memref<1x128xf32, #tpu.memory_space<vmem>> -> memref<128xf32, #tpu.memory_space<vmem>>
        %dma_wait3A_287 = arith.constant 0 : i32
        %dma_wait3A_288 = arith.constant 0 : i32
        %dma_wait3A_289 = tpu.memref_slice %arg5[%dma_wait3A_278, %dma_wait3A_287, %dma_wait3A_288] : memref<2x8x128xi32, #tpu.memory_space<vmem>> -> memref<1x8x128xi32, #tpu.memory_space<vmem>>
        %dma_wait3A_290 = tpu.memref_squeeze %dma_wait3A_289 : memref<1x8x128xi32, #tpu.memory_space<vmem>> -> memref<8x128xi32, #tpu.memory_space<vmem>>
        %dma_wait3A_291 = arith.constant 0 : i32
        %dma_wait3A_292 = tpu.memref_slice %dma_wait3A_290[%dma_wait3A_279, %dma_wait3A_291] : memref<8x128xi32, #tpu.memory_space<vmem>> -> memref<1x128xi32, #tpu.memory_space<vmem>>
        %dma_wait3A_293 = tpu.memref_squeeze %dma_wait3A_292 : memref<1x128xi32, #tpu.memory_space<vmem>> -> memref<128xi32, #tpu.memory_space<vmem>>
        %dma_wait3A_294 = arith.constant 0 : i32
        %dma_wait3A_295 = tpu.memref_slice %arg8[%dma_wait3A_294] : memref<102400xf32, #tpu.memory_space<vmem_shared>> -> memref<102400xf32, #tpu.memory_space<vmem_shared>>
        tpu.wait_indirect_dma semaphore(%arg10 : memref<!tpu.dma_semaphore, #tpu.memory_space<semaphore_mem>>) src(%dma_wait3A_286 : memref<128xf32, #tpu.memory_space<vmem>>) dst(%dma_wait3A_295 : memref<102400xf32, #tpu.memory_space<vmem_shared>>)
        %dma_wait3A_296 = arith.constant 0 : i32
        %dma_wait3A_297 = arith.constant 1 : i32
        %dma_wait3A_298 = arith.constant 0 : i32
        %dma_wait3A_299 = arith.constant 1 : i32
        %dma_wait3A_300 = arith.constant 0 : i32
        %dma_wait3A_301 = arith.constant 0 : i32
        %dma_wait3A_302 = tpu.memref_slice %arg6[%dma_wait3A_296, %dma_wait3A_300, %dma_wait3A_301] : memref<2x8x128xf32, #tpu.memory_space<vmem>> -> memref<1x8x128xf32, #tpu.memory_space<vmem>>
        %dma_wait3A_303 = tpu.memref_squeeze %dma_wait3A_302 : memref<1x8x128xf32, #tpu.memory_space<vmem>> -> memref<8x128xf32, #tpu.memory_space<vmem>>
        %dma_wait3A_304 = arith.constant 0 : i32
        %dma_wait3A_305 = tpu.memref_slice %dma_wait3A_303[%dma_wait3A_297, %dma_wait3A_304] : memref<8x128xf32, #tpu.memory_space<vmem>> -> memref<1x128xf32, #tpu.memory_space<vmem>>
        %dma_wait3A_306 = tpu.memref_squeeze %dma_wait3A_305 : memref<1x128xf32, #tpu.memory_space<vmem>> -> memref<128xf32, #tpu.memory_space<vmem>>
        %dma_wait3A_307 = arith.constant 0 : i32
        %dma_wait3A_308 = arith.constant 0 : i32
        %dma_wait3A_309 = tpu.memref_slice %arg5[%dma_wait3A_298, %dma_wait3A_307, %dma_wait3A_308] : memref<2x8x128xi32, #tpu.memory_space<vmem>> -> memref<1x8x128xi32, #tpu.memory_space<vmem>>
        %dma_wait3A_310 = tpu.memref_squeeze %dma_wait3A_309 : memref<1x8x128xi32, #tpu.memory_space<vmem>> -> memref<8x128xi32, #tpu.memory_space<vmem>>
        %dma_wait3A_311 = arith.constant 0 : i32
        %dma_wait3A_312 = tpu.memref_slice %dma_wait3A_310[%dma_wait3A_299, %dma_wait3A_311] : memref<8x128xi32, #tpu.memory_space<vmem>> -> memref<1x128xi32, #tpu.memory_space<vmem>>
        %dma_wait3A_313 = tpu.memref_squeeze %dma_wait3A_312 : memref<1x128xi32, #tpu.memory_space<vmem>> -> memref<128xi32, #tpu.memory_space<vmem>>
        %dma_wait3A_314 = arith.constant 0 : i32
        %dma_wait3A_315 = tpu.memref_slice %arg8[%dma_wait3A_314] : memref<102400xf32, #tpu.memory_space<vmem_shared>> -> memref<102400xf32, #tpu.memory_space<vmem_shared>>
        tpu.wait_indirect_dma semaphore(%arg10 : memref<!tpu.dma_semaphore, #tpu.memory_space<semaphore_mem>>) src(%dma_wait3A_306 : memref<128xf32, #tpu.memory_space<vmem>>) dst(%dma_wait3A_315 : memref<102400xf32, #tpu.memory_space<vmem_shared>>)
        %dma_wait3A_316 = arith.constant 0 : i32
        %dma_wait3A_317 = arith.constant 2 : i32
        %dma_wait3A_318 = arith.constant 0 : i32
        %dma_wait3A_319 = arith.constant 2 : i32
        %dma_wait3A_320 = arith.constant 0 : i32
        %dma_wait3A_321 = arith.constant 0 : i32
        %dma_wait3A_322 = tpu.memref_slice %arg6[%dma_wait3A_316, %dma_wait3A_320, %dma_wait3A_321] : memref<2x8x128xf32, #tpu.memory_space<vmem>> -> memref<1x8x128xf32, #tpu.memory_space<vmem>>
        %dma_wait3A_323 = tpu.memref_squeeze %dma_wait3A_322 : memref<1x8x128xf32, #tpu.memory_space<vmem>> -> memref<8x128xf32, #tpu.memory_space<vmem>>
        %dma_wait3A_324 = arith.constant 0 : i32
        %dma_wait3A_325 = tpu.memref_slice %dma_wait3A_323[%dma_wait3A_317, %dma_wait3A_324] : memref<8x128xf32, #tpu.memory_space<vmem>> -> memref<1x128xf32, #tpu.memory_space<vmem>>
        %dma_wait3A_326 = tpu.memref_squeeze %dma_wait3A_325 : memref<1x128xf32, #tpu.memory_space<vmem>> -> memref<128xf32, #tpu.memory_space<vmem>>
        %dma_wait3A_327 = arith.constant 0 : i32
        %dma_wait3A_328 = arith.constant 0 : i32
        %dma_wait3A_329 = tpu.memref_slice %arg5[%dma_wait3A_318, %dma_wait3A_327, %dma_wait3A_328] : memref<2x8x128xi32, #tpu.memory_space<vmem>> -> memref<1x8x128xi32, #tpu.memory_space<vmem>>
        %dma_wait3A_330 = tpu.memref_squeeze %dma_wait3A_329 : memref<1x8x128xi32, #tpu.memory_space<vmem>> -> memref<8x128xi32, #tpu.memory_space<vmem>>
        %dma_wait3A_331 = arith.constant 0 : i32
        %dma_wait3A_332 = tpu.memref_slice %dma_wait3A_330[%dma_wait3A_319, %dma_wait3A_331] : memref<8x128xi32, #tpu.memory_space<vmem>> -> memref<1x128xi32, #tpu.memory_space<vmem>>
        %dma_wait3A_333 = tpu.memref_squeeze %dma_wait3A_332 : memref<1x128xi32, #tpu.memory_space<vmem>> -> memref<128xi32, #tpu.memory_space<vmem>>
        %dma_wait3A_334 = arith.constant 0 : i32
        %dma_wait3A_335 = tpu.memref_slice %arg8[%dma_wait3A_334] : memref<102400xf32, #tpu.memory_space<vmem_shared>> -> memref<102400xf32, #tpu.memory_space<vmem_shared>>
        tpu.wait_indirect_dma semaphore(%arg10 : memref<!tpu.dma_semaphore, #tpu.memory_space<semaphore_mem>>) src(%dma_wait3A_326 : memref<128xf32, #tpu.memory_space<vmem>>) dst(%dma_wait3A_335 : memref<102400xf32, #tpu.memory_space<vmem_shared>>)
        %dma_wait3A_336 = arith.constant 0 : i32
        %dma_wait3A_337 = arith.constant 3 : i32
        %dma_wait3A_338 = arith.constant 0 : i32
        %dma_wait3A_339 = arith.constant 3 : i32
        %dma_wait3A_340 = arith.constant 0 : i32
        %dma_wait3A_341 = arith.constant 0 : i32
        %dma_wait3A_342 = tpu.memref_slice %arg6[%dma_wait3A_336, %dma_wait3A_340, %dma_wait3A_341] : memref<2x8x128xf32, #tpu.memory_space<vmem>> -> memref<1x8x128xf32, #tpu.memory_space<vmem>>
        %dma_wait3A_343 = tpu.memref_squeeze %dma_wait3A_342 : memref<1x8x128xf32, #tpu.memory_space<vmem>> -> memref<8x128xf32, #tpu.memory_space<vmem>>
        %dma_wait3A_344 = arith.constant 0 : i32
        %dma_wait3A_345 = tpu.memref_slice %dma_wait3A_343[%dma_wait3A_337, %dma_wait3A_344] : memref<8x128xf32, #tpu.memory_space<vmem>> -> memref<1x128xf32, #tpu.memory_space<vmem>>
        %dma_wait3A_346 = tpu.memref_squeeze %dma_wait3A_345 : memref<1x128xf32, #tpu.memory_space<vmem>> -> memref<128xf32, #tpu.memory_space<vmem>>
        %dma_wait3A_347 = arith.constant 0 : i32
        %dma_wait3A_348 = arith.constant 0 : i32
        %dma_wait3A_349 = tpu.memref_slice %arg5[%dma_wait3A_338, %dma_wait3A_347, %dma_wait3A_348] : memref<2x8x128xi32, #tpu.memory_space<vmem>> -> memref<1x8x128xi32, #tpu.memory_space<vmem>>
        %dma_wait3A_350 = tpu.memref_squeeze %dma_wait3A_349 : memref<1x8x128xi32, #tpu.memory_space<vmem>> -> memref<8x128xi32, #tpu.memory_space<vmem>>
        %dma_wait3A_351 = arith.constant 0 : i32
        %dma_wait3A_352 = tpu.memref_slice %dma_wait3A_350[%dma_wait3A_339, %dma_wait3A_351] : memref<8x128xi32, #tpu.memory_space<vmem>> -> memref<1x128xi32, #tpu.memory_space<vmem>>
        %dma_wait3A_353 = tpu.memref_squeeze %dma_wait3A_352 : memref<1x128xi32, #tpu.memory_space<vmem>> -> memref<128xi32, #tpu.memory_space<vmem>>
        %dma_wait3A_354 = arith.constant 0 : i32
        %dma_wait3A_355 = tpu.memref_slice %arg8[%dma_wait3A_354] : memref<102400xf32, #tpu.memory_space<vmem_shared>> -> memref<102400xf32, #tpu.memory_space<vmem_shared>>
        tpu.wait_indirect_dma semaphore(%arg10 : memref<!tpu.dma_semaphore, #tpu.memory_space<semaphore_mem>>) src(%dma_wait3A_346 : memref<128xf32, #tpu.memory_space<vmem>>) dst(%dma_wait3A_355 : memref<102400xf32, #tpu.memory_space<vmem_shared>>)
        %dma_wait3A_356 = arith.constant 0 : i32
        %dma_wait3A_357 = arith.constant 4 : i32
        %dma_wait3A_358 = arith.constant 0 : i32
        %dma_wait3A_359 = arith.constant 4 : i32
        %dma_wait3A_360 = arith.constant 0 : i32
        %dma_wait3A_361 = arith.constant 0 : i32
        %dma_wait3A_362 = tpu.memref_slice %arg6[%dma_wait3A_356, %dma_wait3A_360, %dma_wait3A_361] : memref<2x8x128xf32, #tpu.memory_space<vmem>> -> memref<1x8x128xf32, #tpu.memory_space<vmem>>
        %dma_wait3A_363 = tpu.memref_squeeze %dma_wait3A_362 : memref<1x8x128xf32, #tpu.memory_space<vmem>> -> memref<8x128xf32, #tpu.memory_space<vmem>>
        %dma_wait3A_364 = arith.constant 0 : i32
        %dma_wait3A_365 = tpu.memref_slice %dma_wait3A_363[%dma_wait3A_357, %dma_wait3A_364] : memref<8x128xf32, #tpu.memory_space<vmem>> -> memref<1x128xf32, #tpu.memory_space<vmem>>
        %dma_wait3A_366 = tpu.memref_squeeze %dma_wait3A_365 : memref<1x128xf32, #tpu.memory_space<vmem>> -> memref<128xf32, #tpu.memory_space<vmem>>
        %dma_wait3A_367 = arith.constant 0 : i32
        %dma_wait3A_368 = arith.constant 0 : i32
        %dma_wait3A_369 = tpu.memref_slice %arg5[%dma_wait3A_358, %dma_wait3A_367, %dma_wait3A_368] : memref<2x8x128xi32, #tpu.memory_space<vmem>> -> memref<1x8x128xi32, #tpu.memory_space<vmem>>
        %dma_wait3A_370 = tpu.memref_squeeze %dma_wait3A_369 : memref<1x8x128xi32, #tpu.memory_space<vmem>> -> memref<8x128xi32, #tpu.memory_space<vmem>>
        %dma_wait3A_371 = arith.constant 0 : i32
        %dma_wait3A_372 = tpu.memref_slice %dma_wait3A_370[%dma_wait3A_359, %dma_wait3A_371] : memref<8x128xi32, #tpu.memory_space<vmem>> -> memref<1x128xi32, #tpu.memory_space<vmem>>
        %dma_wait3A_373 = tpu.memref_squeeze %dma_wait3A_372 : memref<1x128xi32, #tpu.memory_space<vmem>> -> memref<128xi32, #tpu.memory_space<vmem>>
        %dma_wait3A_374 = arith.constant 0 : i32
        %dma_wait3A_375 = tpu.memref_slice %arg8[%dma_wait3A_374] : memref<102400xf32, #tpu.memory_space<vmem_shared>> -> memref<102400xf32, #tpu.memory_space<vmem_shared>>
        tpu.wait_indirect_dma semaphore(%arg10 : memref<!tpu.dma_semaphore, #tpu.memory_space<semaphore_mem>>) src(%dma_wait3A_366 : memref<128xf32, #tpu.memory_space<vmem>>) dst(%dma_wait3A_375 : memref<102400xf32, #tpu.memory_space<vmem_shared>>)
        %dma_wait3A_376 = arith.constant 0 : i32
        %dma_wait3A_377 = arith.constant 5 : i32
        %dma_wait3A_378 = arith.constant 0 : i32
        %dma_wait3A_379 = arith.constant 5 : i32
        %dma_wait3A_380 = arith.constant 0 : i32
        %dma_wait3A_381 = arith.constant 0 : i32
        %dma_wait3A_382 = tpu.memref_slice %arg6[%dma_wait3A_376, %dma_wait3A_380, %dma_wait3A_381] : memref<2x8x128xf32, #tpu.memory_space<vmem>> -> memref<1x8x128xf32, #tpu.memory_space<vmem>>
        %dma_wait3A_383 = tpu.memref_squeeze %dma_wait3A_382 : memref<1x8x128xf32, #tpu.memory_space<vmem>> -> memref<8x128xf32, #tpu.memory_space<vmem>>
        %dma_wait3A_384 = arith.constant 0 : i32
        %dma_wait3A_385 = tpu.memref_slice %dma_wait3A_383[%dma_wait3A_377, %dma_wait3A_384] : memref<8x128xf32, #tpu.memory_space<vmem>> -> memref<1x128xf32, #tpu.memory_space<vmem>>
        %dma_wait3A_386 = tpu.memref_squeeze %dma_wait3A_385 : memref<1x128xf32, #tpu.memory_space<vmem>> -> memref<128xf32, #tpu.memory_space<vmem>>
        %dma_wait3A_387 = arith.constant 0 : i32
        %dma_wait3A_388 = arith.constant 0 : i32
        %dma_wait3A_389 = tpu.memref_slice %arg5[%dma_wait3A_378, %dma_wait3A_387, %dma_wait3A_388] : memref<2x8x128xi32, #tpu.memory_space<vmem>> -> memref<1x8x128xi32, #tpu.memory_space<vmem>>
        %dma_wait3A_390 = tpu.memref_squeeze %dma_wait3A_389 : memref<1x8x128xi32, #tpu.memory_space<vmem>> -> memref<8x128xi32, #tpu.memory_space<vmem>>
        %dma_wait3A_391 = arith.constant 0 : i32
        %dma_wait3A_392 = tpu.memref_slice %dma_wait3A_390[%dma_wait3A_379, %dma_wait3A_391] : memref<8x128xi32, #tpu.memory_space<vmem>> -> memref<1x128xi32, #tpu.memory_space<vmem>>
        %dma_wait3A_393 = tpu.memref_squeeze %dma_wait3A_392 : memref<1x128xi32, #tpu.memory_space<vmem>> -> memref<128xi32, #tpu.memory_space<vmem>>
        %dma_wait3A_394 = arith.constant 0 : i32
        %dma_wait3A_395 = tpu.memref_slice %arg8[%dma_wait3A_394] : memref<102400xf32, #tpu.memory_space<vmem_shared>> -> memref<102400xf32, #tpu.memory_space<vmem_shared>>
        tpu.wait_indirect_dma semaphore(%arg10 : memref<!tpu.dma_semaphore, #tpu.memory_space<semaphore_mem>>) src(%dma_wait3A_386 : memref<128xf32, #tpu.memory_space<vmem>>) dst(%dma_wait3A_395 : memref<102400xf32, #tpu.memory_space<vmem_shared>>)
        %dma_wait3A_396 = arith.constant 0 : i32
        %dma_wait3A_397 = arith.constant 6 : i32
        %dma_wait3A_398 = arith.constant 0 : i32
        %dma_wait3A_399 = arith.constant 6 : i32
        %dma_wait3A_400 = arith.constant 0 : i32
        %dma_wait3A_401 = arith.constant 0 : i32
        %dma_wait3A_402 = tpu.memref_slice %arg6[%dma_wait3A_396, %dma_wait3A_400, %dma_wait3A_401] : memref<2x8x128xf32, #tpu.memory_space<vmem>> -> memref<1x8x128xf32, #tpu.memory_space<vmem>>
        %dma_wait3A_403 = tpu.memref_squeeze %dma_wait3A_402 : memref<1x8x128xf32, #tpu.memory_space<vmem>> -> memref<8x128xf32, #tpu.memory_space<vmem>>
        %dma_wait3A_404 = arith.constant 0 : i32
        %dma_wait3A_405 = tpu.memref_slice %dma_wait3A_403[%dma_wait3A_397, %dma_wait3A_404] : memref<8x128xf32, #tpu.memory_space<vmem>> -> memref<1x128xf32, #tpu.memory_space<vmem>>
        %dma_wait3A_406 = tpu.memref_squeeze %dma_wait3A_405 : memref<1x128xf32, #tpu.memory_space<vmem>> -> memref<128xf32, #tpu.memory_space<vmem>>
        %dma_wait3A_407 = arith.constant 0 : i32
        %dma_wait3A_408 = arith.constant 0 : i32
        %dma_wait3A_409 = tpu.memref_slice %arg5[%dma_wait3A_398, %dma_wait3A_407, %dma_wait3A_408] : memref<2x8x128xi32, #tpu.memory_space<vmem>> -> memref<1x8x128xi32, #tpu.memory_space<vmem>>
        %dma_wait3A_410 = tpu.memref_squeeze %dma_wait3A_409 : memref<1x8x128xi32, #tpu.memory_space<vmem>> -> memref<8x128xi32, #tpu.memory_space<vmem>>
        %dma_wait3A_411 = arith.constant 0 : i32
        %dma_wait3A_412 = tpu.memref_slice %dma_wait3A_410[%dma_wait3A_399, %dma_wait3A_411] : memref<8x128xi32, #tpu.memory_space<vmem>> -> memref<1x128xi32, #tpu.memory_space<vmem>>
        %dma_wait3A_413 = tpu.memref_squeeze %dma_wait3A_412 : memref<1x128xi32, #tpu.memory_space<vmem>> -> memref<128xi32, #tpu.memory_space<vmem>>
        %dma_wait3A_414 = arith.constant 0 : i32
        %dma_wait3A_415 = tpu.memref_slice %arg8[%dma_wait3A_414] : memref<102400xf32, #tpu.memory_space<vmem_shared>> -> memref<102400xf32, #tpu.memory_space<vmem_shared>>
        tpu.wait_indirect_dma semaphore(%arg10 : memref<!tpu.dma_semaphore, #tpu.memory_space<semaphore_mem>>) src(%dma_wait3A_406 : memref<128xf32, #tpu.memory_space<vmem>>) dst(%dma_wait3A_415 : memref<102400xf32, #tpu.memory_space<vmem_shared>>)
        %dma_wait3A_416 = arith.constant 0 : i32
        %dma_wait3A_417 = arith.constant 7 : i32
        %dma_wait3A_418 = arith.constant 0 : i32
        %dma_wait3A_419 = arith.constant 7 : i32
        %dma_wait3A_420 = arith.constant 0 : i32
        %dma_wait3A_421 = arith.constant 0 : i32
        %dma_wait3A_422 = tpu.memref_slice %arg6[%dma_wait3A_416, %dma_wait3A_420, %dma_wait3A_421] : memref<2x8x128xf32, #tpu.memory_space<vmem>> -> memref<1x8x128xf32, #tpu.memory_space<vmem>>
        %dma_wait3A_423 = tpu.memref_squeeze %dma_wait3A_422 : memref<1x8x128xf32, #tpu.memory_space<vmem>> -> memref<8x128xf32, #tpu.memory_space<vmem>>
        %dma_wait3A_424 = arith.constant 0 : i32
        %dma_wait3A_425 = tpu.memref_slice %dma_wait3A_423[%dma_wait3A_417, %dma_wait3A_424] : memref<8x128xf32, #tpu.memory_space<vmem>> -> memref<1x128xf32, #tpu.memory_space<vmem>>
        %dma_wait3A_426 = tpu.memref_squeeze %dma_wait3A_425 : memref<1x128xf32, #tpu.memory_space<vmem>> -> memref<128xf32, #tpu.memory_space<vmem>>
        %dma_wait3A_427 = arith.constant 0 : i32
        %dma_wait3A_428 = arith.constant 0 : i32
        %dma_wait3A_429 = tpu.memref_slice %arg5[%dma_wait3A_418, %dma_wait3A_427, %dma_wait3A_428] : memref<2x8x128xi32, #tpu.memory_space<vmem>> -> memref<1x8x128xi32, #tpu.memory_space<vmem>>
        %dma_wait3A_430 = tpu.memref_squeeze %dma_wait3A_429 : memref<1x8x128xi32, #tpu.memory_space<vmem>> -> memref<8x128xi32, #tpu.memory_space<vmem>>
        %dma_wait3A_431 = arith.constant 0 : i32
        %dma_wait3A_432 = tpu.memref_slice %dma_wait3A_430[%dma_wait3A_419, %dma_wait3A_431] : memref<8x128xi32, #tpu.memory_space<vmem>> -> memref<1x128xi32, #tpu.memory_space<vmem>>
        %dma_wait3A_433 = tpu.memref_squeeze %dma_wait3A_432 : memref<1x128xi32, #tpu.memory_space<vmem>> -> memref<128xi32, #tpu.memory_space<vmem>>
        %dma_wait3A_434 = arith.constant 0 : i32
        %dma_wait3A_435 = tpu.memref_slice %arg8[%dma_wait3A_434] : memref<102400xf32, #tpu.memory_space<vmem_shared>> -> memref<102400xf32, #tpu.memory_space<vmem_shared>>
        tpu.wait_indirect_dma semaphore(%arg10 : memref<!tpu.dma_semaphore, #tpu.memory_space<semaphore_mem>>) src(%dma_wait3A_426 : memref<128xf32, #tpu.memory_space<vmem>>) dst(%dma_wait3A_435 : memref<102400xf32, #tpu.memory_space<vmem_shared>>)
      } else {
      }
      %mul3A_73 = arith.constant 2 : i32
      %mul3A_74 = arith.muli %scan3A_64, %mul3A_73 : i32
      %add3A_75 = arith.constant 1 : i32
      %add3A_76 = arith.addi %mul3A_74, %add3A_75 : i32
      %lt3A_77 = arith.cmpi slt, %add3A_76, %select_n3A_25 : i32
      %convert_element_type3A_78 = arith.extui %lt3A_77 : i1 to i32
      %cond3A_79 = arith.constant 0 : i32
      %cond3A_80 = arith.cmpi ne, %convert_element_type3A_78, %cond3A_79 : i32
      scf.if %cond3A_80 {
        %add3A_81 = arith.constant 1 : i32
        %add3A_82 = arith.addi %add3A_76, %add3A_81 : i32
        %lt3A_83 = arith.cmpi slt, %add3A_82, %select_n3A_25 : i32
        %convert_element_type3A_84 = arith.extui %lt3A_83 : i1 to i32
        %cond3A_85 = arith.constant 0 : i32
        %cond3A_86 = arith.cmpi ne, %convert_element_type3A_84, %cond3A_85 : i32
        scf.if %cond3A_86 {
          %add3A_436 = arith.constant 1 : i32
          %add3A_437 = arith.addi %add3A_76, %add3A_436 : i32
          %add3A_438 = arith.addi %add3A_20, %add3A_437 : i32
          %mul3A_439 = arith.constant 8 : i32
          %mul3A_440 = arith.muli %add3A_438, %mul3A_439 : i32
          %multiple_of3A_441 = tpu.assume_multiple %mul3A_440, 8 : i32
          %dma_start3A_442 = arith.constant 0 : i32
          %dma_start3A_443 = arith.constant 0 : i32
          %dma_start3A_444 = arith.constant 0 : i32
          %dma_start3A_445 = tpu.memref_slice %arg5[%dma_start3A_442, %dma_start3A_443, %dma_start3A_444] : memref<2x8x128xi32, #tpu.memory_space<vmem>> -> memref<1x8x128xi32, #tpu.memory_space<vmem>>
          %dma_start3A_446 = tpu.memref_squeeze %dma_start3A_445 : memref<1x8x128xi32, #tpu.memory_space<vmem>> -> memref<8x128xi32, #tpu.memory_space<vmem>>
          %dma_start3A_447 = arith.constant 0 : i32
          %dma_start3A_448 = tpu.memref_slice %arg2[%multiple_of3A_441, %dma_start3A_447] : memref<25000x128xi32, #tpu.memory_space<hbm>> -> memref<8x128xi32, #tpu.memory_space<hbm>>
          %dma_start3A_449 = arith.constant 0 : i32
          %dma_start3A_450 = arith.constant 0 : i32
          %dma_start3A_451 = tpu.memref_slice %arg5[%dma_start3A_442, %dma_start3A_449, %dma_start3A_450] : memref<2x8x128xi32, #tpu.memory_space<vmem>> -> memref<1x8x128xi32, #tpu.memory_space<vmem>>
          %dma_start3A_452 = tpu.memref_squeeze %dma_start3A_451 : memref<1x8x128xi32, #tpu.memory_space<vmem>> -> memref<8x128xi32, #tpu.memory_space<vmem>>
          %dma_start3A_453 = arith.constant 0 : i32
          %dma_start3A_454 = tpu.memref_slice %arg2[%multiple_of3A_441, %dma_start3A_453] : memref<25000x128xi32, #tpu.memory_space<hbm>> -> memref<8x128xi32, #tpu.memory_space<hbm>>
          tpu.enqueue_dma source(%dma_start3A_454 : memref<8x128xi32, #tpu.memory_space<hbm>>) target(%dma_start3A_452 : memref<8x128xi32, #tpu.memory_space<vmem>>) target_semaphore(%arg9 : memref<!tpu.dma_semaphore, #tpu.memory_space<semaphore_mem>>)
          %dma_start3A_455 = arith.constant 0 : i32
          %dma_start3A_456 = arith.constant 0 : i32
          %dma_start3A_457 = arith.constant 0 : i32
          %dma_start3A_458 = tpu.memref_slice %arg6[%dma_start3A_455, %dma_start3A_456, %dma_start3A_457] : memref<2x8x128xf32, #tpu.memory_space<vmem>> -> memref<1x8x128xf32, #tpu.memory_space<vmem>>
          %dma_start3A_459 = tpu.memref_squeeze %dma_start3A_458 : memref<1x8x128xf32, #tpu.memory_space<vmem>> -> memref<8x128xf32, #tpu.memory_space<vmem>>
          %dma_start3A_460 = arith.constant 0 : i32
          %dma_start3A_461 = tpu.memref_slice %arg3[%multiple_of3A_441, %dma_start3A_460] : memref<25000x128xf32, #tpu.memory_space<hbm>> -> memref<8x128xf32, #tpu.memory_space<hbm>>
          %dma_start3A_462 = arith.constant 0 : i32
          %dma_start3A_463 = arith.constant 0 : i32
          %dma_start3A_464 = tpu.memref_slice %arg6[%dma_start3A_455, %dma_start3A_462, %dma_start3A_463] : memref<2x8x128xf32, #tpu.memory_space<vmem>> -> memref<1x8x128xf32, #tpu.memory_space<vmem>>
          %dma_start3A_465 = tpu.memref_squeeze %dma_start3A_464 : memref<1x8x128xf32, #tpu.memory_space<vmem>> -> memref<8x128xf32, #tpu.memory_space<vmem>>
          %dma_start3A_466 = arith.constant 0 : i32
          %dma_start3A_467 = tpu.memref_slice %arg3[%multiple_of3A_441, %dma_start3A_466] : memref<25000x128xf32, #tpu.memory_space<hbm>> -> memref<8x128xf32, #tpu.memory_space<hbm>>
          tpu.enqueue_dma source(%dma_start3A_467 : memref<8x128xf32, #tpu.memory_space<hbm>>) target(%dma_start3A_465 : memref<8x128xf32, #tpu.memory_space<vmem>>) target_semaphore(%arg9 : memref<!tpu.dma_semaphore, #tpu.memory_space<semaphore_mem>>)
        } else {
        }
        %dma_wait3A = arith.constant 1 : i32
        %dma_wait3A_87 = arith.constant 0 : i32
        %dma_wait3A_88 = arith.constant 0 : i32
        %dma_wait3A_89 = tpu.memref_slice %arg5[%dma_wait3A, %dma_wait3A_87, %dma_wait3A_88] : memref<2x8x128xi32, #tpu.memory_space<vmem>> -> memref<1x8x128xi32, #tpu.memory_space<vmem>>
        %dma_wait3A_90 = tpu.memref_squeeze %dma_wait3A_89 : memref<1x8x128xi32, #tpu.memory_space<vmem>> -> memref<8x128xi32, #tpu.memory_space<vmem>>
        %dma_wait3A_91 = arith.constant 0 : i32
        %dma_wait3A_92 = arith.constant 0 : i32
        %dma_wait3A_93 = tpu.memref_slice %arg2[%dma_wait3A_91, %dma_wait3A_92] : memref<25000x128xi32, #tpu.memory_space<hbm>> -> memref<8x128xi32, #tpu.memory_space<hbm>>
        %dma_wait3A_94 = arith.constant 0 : i32
        %dma_wait3A_95 = arith.constant 0 : i32
        %dma_wait3A_96 = tpu.memref_slice %arg5[%dma_wait3A, %dma_wait3A_94, %dma_wait3A_95] : memref<2x8x128xi32, #tpu.memory_space<vmem>> -> memref<1x8x128xi32, #tpu.memory_space<vmem>>
        %dma_wait3A_97 = tpu.memref_squeeze %dma_wait3A_96 : memref<1x8x128xi32, #tpu.memory_space<vmem>> -> memref<8x128xi32, #tpu.memory_space<vmem>>
        %dma_wait3A_98 = arith.constant 0 : i32
        %dma_wait3A_99 = arith.constant 0 : i32
        %dma_wait3A_100 = tpu.memref_slice %arg2[%dma_wait3A_98, %dma_wait3A_99] : memref<25000x128xi32, #tpu.memory_space<hbm>> -> memref<8x128xi32, #tpu.memory_space<hbm>>
        tpu.wait_dma2 semaphore(%arg9 : memref<!tpu.dma_semaphore, #tpu.memory_space<semaphore_mem>>) src(%dma_wait3A_100 : memref<8x128xi32, #tpu.memory_space<hbm>>) dst(%dma_wait3A_97 : memref<8x128xi32, #tpu.memory_space<vmem>>)
        %dma_wait3A_101 = arith.constant 1 : i32
        %dma_wait3A_102 = arith.constant 0 : i32
        %dma_wait3A_103 = arith.constant 0 : i32
        %dma_wait3A_104 = tpu.memref_slice %arg6[%dma_wait3A_101, %dma_wait3A_102, %dma_wait3A_103] : memref<2x8x128xf32, #tpu.memory_space<vmem>> -> memref<1x8x128xf32, #tpu.memory_space<vmem>>
        %dma_wait3A_105 = tpu.memref_squeeze %dma_wait3A_104 : memref<1x8x128xf32, #tpu.memory_space<vmem>> -> memref<8x128xf32, #tpu.memory_space<vmem>>
        %dma_wait3A_106 = arith.constant 0 : i32
        %dma_wait3A_107 = arith.constant 0 : i32
        %dma_wait3A_108 = tpu.memref_slice %arg3[%dma_wait3A_106, %dma_wait3A_107] : memref<25000x128xf32, #tpu.memory_space<hbm>> -> memref<8x128xf32, #tpu.memory_space<hbm>>
        %dma_wait3A_109 = arith.constant 0 : i32
        %dma_wait3A_110 = arith.constant 0 : i32
        %dma_wait3A_111 = tpu.memref_slice %arg6[%dma_wait3A_101, %dma_wait3A_109, %dma_wait3A_110] : memref<2x8x128xf32, #tpu.memory_space<vmem>> -> memref<1x8x128xf32, #tpu.memory_space<vmem>>
        %dma_wait3A_112 = tpu.memref_squeeze %dma_wait3A_111 : memref<1x8x128xf32, #tpu.memory_space<vmem>> -> memref<8x128xf32, #tpu.memory_space<vmem>>
        %dma_wait3A_113 = arith.constant 0 : i32
        %dma_wait3A_114 = arith.constant 0 : i32
        %dma_wait3A_115 = tpu.memref_slice %arg3[%dma_wait3A_113, %dma_wait3A_114] : memref<25000x128xf32, #tpu.memory_space<hbm>> -> memref<8x128xf32, #tpu.memory_space<hbm>>
        tpu.wait_dma2 semaphore(%arg9 : memref<!tpu.dma_semaphore, #tpu.memory_space<semaphore_mem>>) src(%dma_wait3A_115 : memref<8x128xf32, #tpu.memory_space<hbm>>) dst(%dma_wait3A_112 : memref<8x128xf32, #tpu.memory_space<vmem>>)
        %dma_start3A_116 = arith.constant 1 : i32
        %dma_start3A_117 = arith.constant 0 : i32
        %dma_start3A_118 = arith.constant 1 : i32
        %dma_start3A_119 = arith.constant 0 : i32
        %dma_start3A_120 = arith.constant 0 : i32
        %dma_start3A_121 = arith.constant 0 : i32
        %dma_start3A_122 = tpu.memref_slice %arg6[%dma_start3A_116, %dma_start3A_120, %dma_start3A_121] : memref<2x8x128xf32, #tpu.memory_space<vmem>> -> memref<1x8x128xf32, #tpu.memory_space<vmem>>
        %dma_start3A_123 = tpu.memref_squeeze %dma_start3A_122 : memref<1x8x128xf32, #tpu.memory_space<vmem>> -> memref<8x128xf32, #tpu.memory_space<vmem>>
        %dma_start3A_124 = arith.constant 0 : i32
        %dma_start3A_125 = tpu.memref_slice %dma_start3A_123[%dma_start3A_117, %dma_start3A_124] : memref<8x128xf32, #tpu.memory_space<vmem>> -> memref<1x128xf32, #tpu.memory_space<vmem>>
        %dma_start3A_126 = tpu.memref_squeeze %dma_start3A_125 : memref<1x128xf32, #tpu.memory_space<vmem>> -> memref<128xf32, #tpu.memory_space<vmem>>
        %dma_start3A_127 = arith.constant 0 : i32
        %dma_start3A_128 = arith.constant 0 : i32
        %dma_start3A_129 = tpu.memref_slice %arg5[%dma_start3A_118, %dma_start3A_127, %dma_start3A_128] : memref<2x8x128xi32, #tpu.memory_space<vmem>> -> memref<1x8x128xi32, #tpu.memory_space<vmem>>
        %dma_start3A_130 = tpu.memref_squeeze %dma_start3A_129 : memref<1x8x128xi32, #tpu.memory_space<vmem>> -> memref<8x128xi32, #tpu.memory_space<vmem>>
        %dma_start3A_131 = arith.constant 0 : i32
        %dma_start3A_132 = tpu.memref_slice %dma_start3A_130[%dma_start3A_119, %dma_start3A_131] : memref<8x128xi32, #tpu.memory_space<vmem>> -> memref<1x128xi32, #tpu.memory_space<vmem>>
        %dma_start3A_133 = tpu.memref_squeeze %dma_start3A_132 : memref<1x128xi32, #tpu.memory_space<vmem>> -> memref<128xi32, #tpu.memory_space<vmem>>
        %dma_start3A_134 = arith.constant 0 : i32
        %dma_start3A_135 = tpu.memref_slice %arg8[%dma_start3A_134] : memref<102400xf32, #tpu.memory_space<vmem_shared>> -> memref<102400xf32, #tpu.memory_space<vmem_shared>>
        tpu.enqueue_indirect_dma source(%dma_start3A_126 : memref<128xf32, #tpu.memory_space<vmem>>) target(%dma_start3A_135 : memref<102400xf32, #tpu.memory_space<vmem_shared>>) offsets(%dma_start3A_133 : memref<128xi32, #tpu.memory_space<vmem>>) semaphore(%arg10 : memref<!tpu.dma_semaphore, #tpu.memory_space<semaphore_mem>>) {add = true}
        %dma_start3A_136 = arith.constant 1 : i32
        %dma_start3A_137 = arith.constant 1 : i32
        %dma_start3A_138 = arith.constant 1 : i32
        %dma_start3A_139 = arith.constant 1 : i32
        %dma_start3A_140 = arith.constant 0 : i32
        %dma_start3A_141 = arith.constant 0 : i32
        %dma_start3A_142 = tpu.memref_slice %arg6[%dma_start3A_136, %dma_start3A_140, %dma_start3A_141] : memref<2x8x128xf32, #tpu.memory_space<vmem>> -> memref<1x8x128xf32, #tpu.memory_space<vmem>>
        %dma_start3A_143 = tpu.memref_squeeze %dma_start3A_142 : memref<1x8x128xf32, #tpu.memory_space<vmem>> -> memref<8x128xf32, #tpu.memory_space<vmem>>
        %dma_start3A_144 = arith.constant 0 : i32
        %dma_start3A_145 = tpu.memref_slice %dma_start3A_143[%dma_start3A_137, %dma_start3A_144] : memref<8x128xf32, #tpu.memory_space<vmem>> -> memref<1x128xf32, #tpu.memory_space<vmem>>
        %dma_start3A_146 = tpu.memref_squeeze %dma_start3A_145 : memref<1x128xf32, #tpu.memory_space<vmem>> -> memref<128xf32, #tpu.memory_space<vmem>>
        %dma_start3A_147 = arith.constant 0 : i32
        %dma_start3A_148 = arith.constant 0 : i32
        %dma_start3A_149 = tpu.memref_slice %arg5[%dma_start3A_138, %dma_start3A_147, %dma_start3A_148] : memref<2x8x128xi32, #tpu.memory_space<vmem>> -> memref<1x8x128xi32, #tpu.memory_space<vmem>>
        %dma_start3A_150 = tpu.memref_squeeze %dma_start3A_149 : memref<1x8x128xi32, #tpu.memory_space<vmem>> -> memref<8x128xi32, #tpu.memory_space<vmem>>
        %dma_start3A_151 = arith.constant 0 : i32
        %dma_start3A_152 = tpu.memref_slice %dma_start3A_150[%dma_start3A_139, %dma_start3A_151] : memref<8x128xi32, #tpu.memory_space<vmem>> -> memref<1x128xi32, #tpu.memory_space<vmem>>
        %dma_start3A_153 = tpu.memref_squeeze %dma_start3A_152 : memref<1x128xi32, #tpu.memory_space<vmem>> -> memref<128xi32, #tpu.memory_space<vmem>>
        %dma_start3A_154 = arith.constant 0 : i32
        %dma_start3A_155 = tpu.memref_slice %arg8[%dma_start3A_154] : memref<102400xf32, #tpu.memory_space<vmem_shared>> -> memref<102400xf32, #tpu.memory_space<vmem_shared>>
        tpu.enqueue_indirect_dma source(%dma_start3A_146 : memref<128xf32, #tpu.memory_space<vmem>>) target(%dma_start3A_155 : memref<102400xf32, #tpu.memory_space<vmem_shared>>) offsets(%dma_start3A_153 : memref<128xi32, #tpu.memory_space<vmem>>) semaphore(%arg10 : memref<!tpu.dma_semaphore, #tpu.memory_space<semaphore_mem>>) {add = true}
        %dma_start3A_156 = arith.constant 1 : i32
        %dma_start3A_157 = arith.constant 2 : i32
        %dma_start3A_158 = arith.constant 1 : i32
        %dma_start3A_159 = arith.constant 2 : i32
        %dma_start3A_160 = arith.constant 0 : i32
        %dma_start3A_161 = arith.constant 0 : i32
        %dma_start3A_162 = tpu.memref_slice %arg6[%dma_start3A_156, %dma_start3A_160, %dma_start3A_161] : memref<2x8x128xf32, #tpu.memory_space<vmem>> -> memref<1x8x128xf32, #tpu.memory_space<vmem>>
        %dma_start3A_163 = tpu.memref_squeeze %dma_start3A_162 : memref<1x8x128xf32, #tpu.memory_space<vmem>> -> memref<8x128xf32, #tpu.memory_space<vmem>>
        %dma_start3A_164 = arith.constant 0 : i32
        %dma_start3A_165 = tpu.memref_slice %dma_start3A_163[%dma_start3A_157, %dma_start3A_164] : memref<8x128xf32, #tpu.memory_space<vmem>> -> memref<1x128xf32, #tpu.memory_space<vmem>>
        %dma_start3A_166 = tpu.memref_squeeze %dma_start3A_165 : memref<1x128xf32, #tpu.memory_space<vmem>> -> memref<128xf32, #tpu.memory_space<vmem>>
        %dma_start3A_167 = arith.constant 0 : i32
        %dma_start3A_168 = arith.constant 0 : i32
        %dma_start3A_169 = tpu.memref_slice %arg5[%dma_start3A_158, %dma_start3A_167, %dma_start3A_168] : memref<2x8x128xi32, #tpu.memory_space<vmem>> -> memref<1x8x128xi32, #tpu.memory_space<vmem>>
        %dma_start3A_170 = tpu.memref_squeeze %dma_start3A_169 : memref<1x8x128xi32, #tpu.memory_space<vmem>> -> memref<8x128xi32, #tpu.memory_space<vmem>>
        %dma_start3A_171 = arith.constant 0 : i32
        %dma_start3A_172 = tpu.memref_slice %dma_start3A_170[%dma_start3A_159, %dma_start3A_171] : memref<8x128xi32, #tpu.memory_space<vmem>> -> memref<1x128xi32, #tpu.memory_space<vmem>>
        %dma_start3A_173 = tpu.memref_squeeze %dma_start3A_172 : memref<1x128xi32, #tpu.memory_space<vmem>> -> memref<128xi32, #tpu.memory_space<vmem>>
        %dma_start3A_174 = arith.constant 0 : i32
        %dma_start3A_175 = tpu.memref_slice %arg8[%dma_start3A_174] : memref<102400xf32, #tpu.memory_space<vmem_shared>> -> memref<102400xf32, #tpu.memory_space<vmem_shared>>
        tpu.enqueue_indirect_dma source(%dma_start3A_166 : memref<128xf32, #tpu.memory_space<vmem>>) target(%dma_start3A_175 : memref<102400xf32, #tpu.memory_space<vmem_shared>>) offsets(%dma_start3A_173 : memref<128xi32, #tpu.memory_space<vmem>>) semaphore(%arg10 : memref<!tpu.dma_semaphore, #tpu.memory_space<semaphore_mem>>) {add = true}
        %dma_start3A_176 = arith.constant 1 : i32
        %dma_start3A_177 = arith.constant 3 : i32
        %dma_start3A_178 = arith.constant 1 : i32
        %dma_start3A_179 = arith.constant 3 : i32
        %dma_start3A_180 = arith.constant 0 : i32
        %dma_start3A_181 = arith.constant 0 : i32
        %dma_start3A_182 = tpu.memref_slice %arg6[%dma_start3A_176, %dma_start3A_180, %dma_start3A_181] : memref<2x8x128xf32, #tpu.memory_space<vmem>> -> memref<1x8x128xf32, #tpu.memory_space<vmem>>
        %dma_start3A_183 = tpu.memref_squeeze %dma_start3A_182 : memref<1x8x128xf32, #tpu.memory_space<vmem>> -> memref<8x128xf32, #tpu.memory_space<vmem>>
        %dma_start3A_184 = arith.constant 0 : i32
        %dma_start3A_185 = tpu.memref_slice %dma_start3A_183[%dma_start3A_177, %dma_start3A_184] : memref<8x128xf32, #tpu.memory_space<vmem>> -> memref<1x128xf32, #tpu.memory_space<vmem>>
        %dma_start3A_186 = tpu.memref_squeeze %dma_start3A_185 : memref<1x128xf32, #tpu.memory_space<vmem>> -> memref<128xf32, #tpu.memory_space<vmem>>
        %dma_start3A_187 = arith.constant 0 : i32
        %dma_start3A_188 = arith.constant 0 : i32
        %dma_start3A_189 = tpu.memref_slice %arg5[%dma_start3A_178, %dma_start3A_187, %dma_start3A_188] : memref<2x8x128xi32, #tpu.memory_space<vmem>> -> memref<1x8x128xi32, #tpu.memory_space<vmem>>
        %dma_start3A_190 = tpu.memref_squeeze %dma_start3A_189 : memref<1x8x128xi32, #tpu.memory_space<vmem>> -> memref<8x128xi32, #tpu.memory_space<vmem>>
        %dma_start3A_191 = arith.constant 0 : i32
        %dma_start3A_192 = tpu.memref_slice %dma_start3A_190[%dma_start3A_179, %dma_start3A_191] : memref<8x128xi32, #tpu.memory_space<vmem>> -> memref<1x128xi32, #tpu.memory_space<vmem>>
        %dma_start3A_193 = tpu.memref_squeeze %dma_start3A_192 : memref<1x128xi32, #tpu.memory_space<vmem>> -> memref<128xi32, #tpu.memory_space<vmem>>
        %dma_start3A_194 = arith.constant 0 : i32
        %dma_start3A_195 = tpu.memref_slice %arg8[%dma_start3A_194] : memref<102400xf32, #tpu.memory_space<vmem_shared>> -> memref<102400xf32, #tpu.memory_space<vmem_shared>>
        tpu.enqueue_indirect_dma source(%dma_start3A_186 : memref<128xf32, #tpu.memory_space<vmem>>) target(%dma_start3A_195 : memref<102400xf32, #tpu.memory_space<vmem_shared>>) offsets(%dma_start3A_193 : memref<128xi32, #tpu.memory_space<vmem>>) semaphore(%arg10 : memref<!tpu.dma_semaphore, #tpu.memory_space<semaphore_mem>>) {add = true}
        %dma_start3A_196 = arith.constant 1 : i32
        %dma_start3A_197 = arith.constant 4 : i32
        %dma_start3A_198 = arith.constant 1 : i32
        %dma_start3A_199 = arith.constant 4 : i32
        %dma_start3A_200 = arith.constant 0 : i32
        %dma_start3A_201 = arith.constant 0 : i32
        %dma_start3A_202 = tpu.memref_slice %arg6[%dma_start3A_196, %dma_start3A_200, %dma_start3A_201] : memref<2x8x128xf32, #tpu.memory_space<vmem>> -> memref<1x8x128xf32, #tpu.memory_space<vmem>>
        %dma_start3A_203 = tpu.memref_squeeze %dma_start3A_202 : memref<1x8x128xf32, #tpu.memory_space<vmem>> -> memref<8x128xf32, #tpu.memory_space<vmem>>
        %dma_start3A_204 = arith.constant 0 : i32
        %dma_start3A_205 = tpu.memref_slice %dma_start3A_203[%dma_start3A_197, %dma_start3A_204] : memref<8x128xf32, #tpu.memory_space<vmem>> -> memref<1x128xf32, #tpu.memory_space<vmem>>
        %dma_start3A_206 = tpu.memref_squeeze %dma_start3A_205 : memref<1x128xf32, #tpu.memory_space<vmem>> -> memref<128xf32, #tpu.memory_space<vmem>>
        %dma_start3A_207 = arith.constant 0 : i32
        %dma_start3A_208 = arith.constant 0 : i32
        %dma_start3A_209 = tpu.memref_slice %arg5[%dma_start3A_198, %dma_start3A_207, %dma_start3A_208] : memref<2x8x128xi32, #tpu.memory_space<vmem>> -> memref<1x8x128xi32, #tpu.memory_space<vmem>>
        %dma_start3A_210 = tpu.memref_squeeze %dma_start3A_209 : memref<1x8x128xi32, #tpu.memory_space<vmem>> -> memref<8x128xi32, #tpu.memory_space<vmem>>
        %dma_start3A_211 = arith.constant 0 : i32
        %dma_start3A_212 = tpu.memref_slice %dma_start3A_210[%dma_start3A_199, %dma_start3A_211] : memref<8x128xi32, #tpu.memory_space<vmem>> -> memref<1x128xi32, #tpu.memory_space<vmem>>
        %dma_start3A_213 = tpu.memref_squeeze %dma_start3A_212 : memref<1x128xi32, #tpu.memory_space<vmem>> -> memref<128xi32, #tpu.memory_space<vmem>>
        %dma_start3A_214 = arith.constant 0 : i32
        %dma_start3A_215 = tpu.memref_slice %arg8[%dma_start3A_214] : memref<102400xf32, #tpu.memory_space<vmem_shared>> -> memref<102400xf32, #tpu.memory_space<vmem_shared>>
        tpu.enqueue_indirect_dma source(%dma_start3A_206 : memref<128xf32, #tpu.memory_space<vmem>>) target(%dma_start3A_215 : memref<102400xf32, #tpu.memory_space<vmem_shared>>) offsets(%dma_start3A_213 : memref<128xi32, #tpu.memory_space<vmem>>) semaphore(%arg10 : memref<!tpu.dma_semaphore, #tpu.memory_space<semaphore_mem>>) {add = true}
        %dma_start3A_216 = arith.constant 1 : i32
        %dma_start3A_217 = arith.constant 5 : i32
        %dma_start3A_218 = arith.constant 1 : i32
        %dma_start3A_219 = arith.constant 5 : i32
        %dma_start3A_220 = arith.constant 0 : i32
        %dma_start3A_221 = arith.constant 0 : i32
        %dma_start3A_222 = tpu.memref_slice %arg6[%dma_start3A_216, %dma_start3A_220, %dma_start3A_221] : memref<2x8x128xf32, #tpu.memory_space<vmem>> -> memref<1x8x128xf32, #tpu.memory_space<vmem>>
        %dma_start3A_223 = tpu.memref_squeeze %dma_start3A_222 : memref<1x8x128xf32, #tpu.memory_space<vmem>> -> memref<8x128xf32, #tpu.memory_space<vmem>>
        %dma_start3A_224 = arith.constant 0 : i32
        %dma_start3A_225 = tpu.memref_slice %dma_start3A_223[%dma_start3A_217, %dma_start3A_224] : memref<8x128xf32, #tpu.memory_space<vmem>> -> memref<1x128xf32, #tpu.memory_space<vmem>>
        %dma_start3A_226 = tpu.memref_squeeze %dma_start3A_225 : memref<1x128xf32, #tpu.memory_space<vmem>> -> memref<128xf32, #tpu.memory_space<vmem>>
        %dma_start3A_227 = arith.constant 0 : i32
        %dma_start3A_228 = arith.constant 0 : i32
        %dma_start3A_229 = tpu.memref_slice %arg5[%dma_start3A_218, %dma_start3A_227, %dma_start3A_228] : memref<2x8x128xi32, #tpu.memory_space<vmem>> -> memref<1x8x128xi32, #tpu.memory_space<vmem>>
        %dma_start3A_230 = tpu.memref_squeeze %dma_start3A_229 : memref<1x8x128xi32, #tpu.memory_space<vmem>> -> memref<8x128xi32, #tpu.memory_space<vmem>>
        %dma_start3A_231 = arith.constant 0 : i32
        %dma_start3A_232 = tpu.memref_slice %dma_start3A_230[%dma_start3A_219, %dma_start3A_231] : memref<8x128xi32, #tpu.memory_space<vmem>> -> memref<1x128xi32, #tpu.memory_space<vmem>>
        %dma_start3A_233 = tpu.memref_squeeze %dma_start3A_232 : memref<1x128xi32, #tpu.memory_space<vmem>> -> memref<128xi32, #tpu.memory_space<vmem>>
        %dma_start3A_234 = arith.constant 0 : i32
        %dma_start3A_235 = tpu.memref_slice %arg8[%dma_start3A_234] : memref<102400xf32, #tpu.memory_space<vmem_shared>> -> memref<102400xf32, #tpu.memory_space<vmem_shared>>
        tpu.enqueue_indirect_dma source(%dma_start3A_226 : memref<128xf32, #tpu.memory_space<vmem>>) target(%dma_start3A_235 : memref<102400xf32, #tpu.memory_space<vmem_shared>>) offsets(%dma_start3A_233 : memref<128xi32, #tpu.memory_space<vmem>>) semaphore(%arg10 : memref<!tpu.dma_semaphore, #tpu.memory_space<semaphore_mem>>) {add = true}
        %dma_start3A_236 = arith.constant 1 : i32
        %dma_start3A_237 = arith.constant 6 : i32
        %dma_start3A_238 = arith.constant 1 : i32
        %dma_start3A_239 = arith.constant 6 : i32
        %dma_start3A_240 = arith.constant 0 : i32
        %dma_start3A_241 = arith.constant 0 : i32
        %dma_start3A_242 = tpu.memref_slice %arg6[%dma_start3A_236, %dma_start3A_240, %dma_start3A_241] : memref<2x8x128xf32, #tpu.memory_space<vmem>> -> memref<1x8x128xf32, #tpu.memory_space<vmem>>
        %dma_start3A_243 = tpu.memref_squeeze %dma_start3A_242 : memref<1x8x128xf32, #tpu.memory_space<vmem>> -> memref<8x128xf32, #tpu.memory_space<vmem>>
        %dma_start3A_244 = arith.constant 0 : i32
        %dma_start3A_245 = tpu.memref_slice %dma_start3A_243[%dma_start3A_237, %dma_start3A_244] : memref<8x128xf32, #tpu.memory_space<vmem>> -> memref<1x128xf32, #tpu.memory_space<vmem>>
        %dma_start3A_246 = tpu.memref_squeeze %dma_start3A_245 : memref<1x128xf32, #tpu.memory_space<vmem>> -> memref<128xf32, #tpu.memory_space<vmem>>
        %dma_start3A_247 = arith.constant 0 : i32
        %dma_start3A_248 = arith.constant 0 : i32
        %dma_start3A_249 = tpu.memref_slice %arg5[%dma_start3A_238, %dma_start3A_247, %dma_start3A_248] : memref<2x8x128xi32, #tpu.memory_space<vmem>> -> memref<1x8x128xi32, #tpu.memory_space<vmem>>
        %dma_start3A_250 = tpu.memref_squeeze %dma_start3A_249 : memref<1x8x128xi32, #tpu.memory_space<vmem>> -> memref<8x128xi32, #tpu.memory_space<vmem>>
        %dma_start3A_251 = arith.constant 0 : i32
        %dma_start3A_252 = tpu.memref_slice %dma_start3A_250[%dma_start3A_239, %dma_start3A_251] : memref<8x128xi32, #tpu.memory_space<vmem>> -> memref<1x128xi32, #tpu.memory_space<vmem>>
        %dma_start3A_253 = tpu.memref_squeeze %dma_start3A_252 : memref<1x128xi32, #tpu.memory_space<vmem>> -> memref<128xi32, #tpu.memory_space<vmem>>
        %dma_start3A_254 = arith.constant 0 : i32
        %dma_start3A_255 = tpu.memref_slice %arg8[%dma_start3A_254] : memref<102400xf32, #tpu.memory_space<vmem_shared>> -> memref<102400xf32, #tpu.memory_space<vmem_shared>>
        tpu.enqueue_indirect_dma source(%dma_start3A_246 : memref<128xf32, #tpu.memory_space<vmem>>) target(%dma_start3A_255 : memref<102400xf32, #tpu.memory_space<vmem_shared>>) offsets(%dma_start3A_253 : memref<128xi32, #tpu.memory_space<vmem>>) semaphore(%arg10 : memref<!tpu.dma_semaphore, #tpu.memory_space<semaphore_mem>>) {add = true}
        %dma_start3A_256 = arith.constant 1 : i32
        %dma_start3A_257 = arith.constant 7 : i32
        %dma_start3A_258 = arith.constant 1 : i32
        %dma_start3A_259 = arith.constant 7 : i32
        %dma_start3A_260 = arith.constant 0 : i32
        %dma_start3A_261 = arith.constant 0 : i32
        %dma_start3A_262 = tpu.memref_slice %arg6[%dma_start3A_256, %dma_start3A_260, %dma_start3A_261] : memref<2x8x128xf32, #tpu.memory_space<vmem>> -> memref<1x8x128xf32, #tpu.memory_space<vmem>>
        %dma_start3A_263 = tpu.memref_squeeze %dma_start3A_262 : memref<1x8x128xf32, #tpu.memory_space<vmem>> -> memref<8x128xf32, #tpu.memory_space<vmem>>
        %dma_start3A_264 = arith.constant 0 : i32
        %dma_start3A_265 = tpu.memref_slice %dma_start3A_263[%dma_start3A_257, %dma_start3A_264] : memref<8x128xf32, #tpu.memory_space<vmem>> -> memref<1x128xf32, #tpu.memory_space<vmem>>
        %dma_start3A_266 = tpu.memref_squeeze %dma_start3A_265 : memref<1x128xf32, #tpu.memory_space<vmem>> -> memref<128xf32, #tpu.memory_space<vmem>>
        %dma_start3A_267 = arith.constant 0 : i32
        %dma_start3A_268 = arith.constant 0 : i32
        %dma_start3A_269 = tpu.memref_slice %arg5[%dma_start3A_258, %dma_start3A_267, %dma_start3A_268] : memref<2x8x128xi32, #tpu.memory_space<vmem>> -> memref<1x8x128xi32, #tpu.memory_space<vmem>>
        %dma_start3A_270 = tpu.memref_squeeze %dma_start3A_269 : memref<1x8x128xi32, #tpu.memory_space<vmem>> -> memref<8x128xi32, #tpu.memory_space<vmem>>
        %dma_start3A_271 = arith.constant 0 : i32
        %dma_start3A_272 = tpu.memref_slice %dma_start3A_270[%dma_start3A_259, %dma_start3A_271] : memref<8x128xi32, #tpu.memory_space<vmem>> -> memref<1x128xi32, #tpu.memory_space<vmem>>
        %dma_start3A_273 = tpu.memref_squeeze %dma_start3A_272 : memref<1x128xi32, #tpu.memory_space<vmem>> -> memref<128xi32, #tpu.memory_space<vmem>>
        %dma_start3A_274 = arith.constant 0 : i32
        %dma_start3A_275 = tpu.memref_slice %arg8[%dma_start3A_274] : memref<102400xf32, #tpu.memory_space<vmem_shared>> -> memref<102400xf32, #tpu.memory_space<vmem_shared>>
        tpu.enqueue_indirect_dma source(%dma_start3A_266 : memref<128xf32, #tpu.memory_space<vmem>>) target(%dma_start3A_275 : memref<102400xf32, #tpu.memory_space<vmem_shared>>) offsets(%dma_start3A_273 : memref<128xi32, #tpu.memory_space<vmem>>) semaphore(%arg10 : memref<!tpu.dma_semaphore, #tpu.memory_space<semaphore_mem>>) {add = true}
        %dma_wait3A_276 = arith.constant 1 : i32
        %dma_wait3A_277 = arith.constant 0 : i32
        %dma_wait3A_278 = arith.constant 1 : i32
        %dma_wait3A_279 = arith.constant 0 : i32
        %dma_wait3A_280 = arith.constant 0 : i32
        %dma_wait3A_281 = arith.constant 0 : i32
        %dma_wait3A_282 = tpu.memref_slice %arg6[%dma_wait3A_276, %dma_wait3A_280, %dma_wait3A_281] : memref<2x8x128xf32, #tpu.memory_space<vmem>> -> memref<1x8x128xf32, #tpu.memory_space<vmem>>
        %dma_wait3A_283 = tpu.memref_squeeze %dma_wait3A_282 : memref<1x8x128xf32, #tpu.memory_space<vmem>> -> memref<8x128xf32, #tpu.memory_space<vmem>>
        %dma_wait3A_284 = arith.constant 0 : i32
        %dma_wait3A_285 = tpu.memref_slice %dma_wait3A_283[%dma_wait3A_277, %dma_wait3A_284] : memref<8x128xf32, #tpu.memory_space<vmem>> -> memref<1x128xf32, #tpu.memory_space<vmem>>
        %dma_wait3A_286 = tpu.memref_squeeze %dma_wait3A_285 : memref<1x128xf32, #tpu.memory_space<vmem>> -> memref<128xf32, #tpu.memory_space<vmem>>
        %dma_wait3A_287 = arith.constant 0 : i32
        %dma_wait3A_288 = arith.constant 0 : i32
        %dma_wait3A_289 = tpu.memref_slice %arg5[%dma_wait3A_278, %dma_wait3A_287, %dma_wait3A_288] : memref<2x8x128xi32, #tpu.memory_space<vmem>> -> memref<1x8x128xi32, #tpu.memory_space<vmem>>
        %dma_wait3A_290 = tpu.memref_squeeze %dma_wait3A_289 : memref<1x8x128xi32, #tpu.memory_space<vmem>> -> memref<8x128xi32, #tpu.memory_space<vmem>>
        %dma_wait3A_291 = arith.constant 0 : i32
        %dma_wait3A_292 = tpu.memref_slice %dma_wait3A_290[%dma_wait3A_279, %dma_wait3A_291] : memref<8x128xi32, #tpu.memory_space<vmem>> -> memref<1x128xi32, #tpu.memory_space<vmem>>
        %dma_wait3A_293 = tpu.memref_squeeze %dma_wait3A_292 : memref<1x128xi32, #tpu.memory_space<vmem>> -> memref<128xi32, #tpu.memory_space<vmem>>
        %dma_wait3A_294 = arith.constant 0 : i32
        %dma_wait3A_295 = tpu.memref_slice %arg8[%dma_wait3A_294] : memref<102400xf32, #tpu.memory_space<vmem_shared>> -> memref<102400xf32, #tpu.memory_space<vmem_shared>>
        tpu.wait_indirect_dma semaphore(%arg10 : memref<!tpu.dma_semaphore, #tpu.memory_space<semaphore_mem>>) src(%dma_wait3A_286 : memref<128xf32, #tpu.memory_space<vmem>>) dst(%dma_wait3A_295 : memref<102400xf32, #tpu.memory_space<vmem_shared>>)
        %dma_wait3A_296 = arith.constant 1 : i32
        %dma_wait3A_297 = arith.constant 1 : i32
        %dma_wait3A_298 = arith.constant 1 : i32
        %dma_wait3A_299 = arith.constant 1 : i32
        %dma_wait3A_300 = arith.constant 0 : i32
        %dma_wait3A_301 = arith.constant 0 : i32
        %dma_wait3A_302 = tpu.memref_slice %arg6[%dma_wait3A_296, %dma_wait3A_300, %dma_wait3A_301] : memref<2x8x128xf32, #tpu.memory_space<vmem>> -> memref<1x8x128xf32, #tpu.memory_space<vmem>>
        %dma_wait3A_303 = tpu.memref_squeeze %dma_wait3A_302 : memref<1x8x128xf32, #tpu.memory_space<vmem>> -> memref<8x128xf32, #tpu.memory_space<vmem>>
        %dma_wait3A_304 = arith.constant 0 : i32
        %dma_wait3A_305 = tpu.memref_slice %dma_wait3A_303[%dma_wait3A_297, %dma_wait3A_304] : memref<8x128xf32, #tpu.memory_space<vmem>> -> memref<1x128xf32, #tpu.memory_space<vmem>>
        %dma_wait3A_306 = tpu.memref_squeeze %dma_wait3A_305 : memref<1x128xf32, #tpu.memory_space<vmem>> -> memref<128xf32, #tpu.memory_space<vmem>>
        %dma_wait3A_307 = arith.constant 0 : i32
        %dma_wait3A_308 = arith.constant 0 : i32
        %dma_wait3A_309 = tpu.memref_slice %arg5[%dma_wait3A_298, %dma_wait3A_307, %dma_wait3A_308] : memref<2x8x128xi32, #tpu.memory_space<vmem>> -> memref<1x8x128xi32, #tpu.memory_space<vmem>>
        %dma_wait3A_310 = tpu.memref_squeeze %dma_wait3A_309 : memref<1x8x128xi32, #tpu.memory_space<vmem>> -> memref<8x128xi32, #tpu.memory_space<vmem>>
        %dma_wait3A_311 = arith.constant 0 : i32
        %dma_wait3A_312 = tpu.memref_slice %dma_wait3A_310[%dma_wait3A_299, %dma_wait3A_311] : memref<8x128xi32, #tpu.memory_space<vmem>> -> memref<1x128xi32, #tpu.memory_space<vmem>>
        %dma_wait3A_313 = tpu.memref_squeeze %dma_wait3A_312 : memref<1x128xi32, #tpu.memory_space<vmem>> -> memref<128xi32, #tpu.memory_space<vmem>>
        %dma_wait3A_314 = arith.constant 0 : i32
        %dma_wait3A_315 = tpu.memref_slice %arg8[%dma_wait3A_314] : memref<102400xf32, #tpu.memory_space<vmem_shared>> -> memref<102400xf32, #tpu.memory_space<vmem_shared>>
        tpu.wait_indirect_dma semaphore(%arg10 : memref<!tpu.dma_semaphore, #tpu.memory_space<semaphore_mem>>) src(%dma_wait3A_306 : memref<128xf32, #tpu.memory_space<vmem>>) dst(%dma_wait3A_315 : memref<102400xf32, #tpu.memory_space<vmem_shared>>)
        %dma_wait3A_316 = arith.constant 1 : i32
        %dma_wait3A_317 = arith.constant 2 : i32
        %dma_wait3A_318 = arith.constant 1 : i32
        %dma_wait3A_319 = arith.constant 2 : i32
        %dma_wait3A_320 = arith.constant 0 : i32
        %dma_wait3A_321 = arith.constant 0 : i32
        %dma_wait3A_322 = tpu.memref_slice %arg6[%dma_wait3A_316, %dma_wait3A_320, %dma_wait3A_321] : memref<2x8x128xf32, #tpu.memory_space<vmem>> -> memref<1x8x128xf32, #tpu.memory_space<vmem>>
        %dma_wait3A_323 = tpu.memref_squeeze %dma_wait3A_322 : memref<1x8x128xf32, #tpu.memory_space<vmem>> -> memref<8x128xf32, #tpu.memory_space<vmem>>
        %dma_wait3A_324 = arith.constant 0 : i32
        %dma_wait3A_325 = tpu.memref_slice %dma_wait3A_323[%dma_wait3A_317, %dma_wait3A_324] : memref<8x128xf32, #tpu.memory_space<vmem>> -> memref<1x128xf32, #tpu.memory_space<vmem>>
        %dma_wait3A_326 = tpu.memref_squeeze %dma_wait3A_325 : memref<1x128xf32, #tpu.memory_space<vmem>> -> memref<128xf32, #tpu.memory_space<vmem>>
        %dma_wait3A_327 = arith.constant 0 : i32
        %dma_wait3A_328 = arith.constant 0 : i32
        %dma_wait3A_329 = tpu.memref_slice %arg5[%dma_wait3A_318, %dma_wait3A_327, %dma_wait3A_328] : memref<2x8x128xi32, #tpu.memory_space<vmem>> -> memref<1x8x128xi32, #tpu.memory_space<vmem>>
        %dma_wait3A_330 = tpu.memref_squeeze %dma_wait3A_329 : memref<1x8x128xi32, #tpu.memory_space<vmem>> -> memref<8x128xi32, #tpu.memory_space<vmem>>
        %dma_wait3A_331 = arith.constant 0 : i32
        %dma_wait3A_332 = tpu.memref_slice %dma_wait3A_330[%dma_wait3A_319, %dma_wait3A_331] : memref<8x128xi32, #tpu.memory_space<vmem>> -> memref<1x128xi32, #tpu.memory_space<vmem>>
        %dma_wait3A_333 = tpu.memref_squeeze %dma_wait3A_332 : memref<1x128xi32, #tpu.memory_space<vmem>> -> memref<128xi32, #tpu.memory_space<vmem>>
        %dma_wait3A_334 = arith.constant 0 : i32
        %dma_wait3A_335 = tpu.memref_slice %arg8[%dma_wait3A_334] : memref<102400xf32, #tpu.memory_space<vmem_shared>> -> memref<102400xf32, #tpu.memory_space<vmem_shared>>
        tpu.wait_indirect_dma semaphore(%arg10 : memref<!tpu.dma_semaphore, #tpu.memory_space<semaphore_mem>>) src(%dma_wait3A_326 : memref<128xf32, #tpu.memory_space<vmem>>) dst(%dma_wait3A_335 : memref<102400xf32, #tpu.memory_space<vmem_shared>>)
        %dma_wait3A_336 = arith.constant 1 : i32
        %dma_wait3A_337 = arith.constant 3 : i32
        %dma_wait3A_338 = arith.constant 1 : i32
        %dma_wait3A_339 = arith.constant 3 : i32
        %dma_wait3A_340 = arith.constant 0 : i32
        %dma_wait3A_341 = arith.constant 0 : i32
        %dma_wait3A_342 = tpu.memref_slice %arg6[%dma_wait3A_336, %dma_wait3A_340, %dma_wait3A_341] : memref<2x8x128xf32, #tpu.memory_space<vmem>> -> memref<1x8x128xf32, #tpu.memory_space<vmem>>
        %dma_wait3A_343 = tpu.memref_squeeze %dma_wait3A_342 : memref<1x8x128xf32, #tpu.memory_space<vmem>> -> memref<8x128xf32, #tpu.memory_space<vmem>>
        %dma_wait3A_344 = arith.constant 0 : i32
        %dma_wait3A_345 = tpu.memref_slice %dma_wait3A_343[%dma_wait3A_337, %dma_wait3A_344] : memref<8x128xf32, #tpu.memory_space<vmem>> -> memref<1x128xf32, #tpu.memory_space<vmem>>
        %dma_wait3A_346 = tpu.memref_squeeze %dma_wait3A_345 : memref<1x128xf32, #tpu.memory_space<vmem>> -> memref<128xf32, #tpu.memory_space<vmem>>
        %dma_wait3A_347 = arith.constant 0 : i32
        %dma_wait3A_348 = arith.constant 0 : i32
        %dma_wait3A_349 = tpu.memref_slice %arg5[%dma_wait3A_338, %dma_wait3A_347, %dma_wait3A_348] : memref<2x8x128xi32, #tpu.memory_space<vmem>> -> memref<1x8x128xi32, #tpu.memory_space<vmem>>
        %dma_wait3A_350 = tpu.memref_squeeze %dma_wait3A_349 : memref<1x8x128xi32, #tpu.memory_space<vmem>> -> memref<8x128xi32, #tpu.memory_space<vmem>>
        %dma_wait3A_351 = arith.constant 0 : i32
        %dma_wait3A_352 = tpu.memref_slice %dma_wait3A_350[%dma_wait3A_339, %dma_wait3A_351] : memref<8x128xi32, #tpu.memory_space<vmem>> -> memref<1x128xi32, #tpu.memory_space<vmem>>
        %dma_wait3A_353 = tpu.memref_squeeze %dma_wait3A_352 : memref<1x128xi32, #tpu.memory_space<vmem>> -> memref<128xi32, #tpu.memory_space<vmem>>
        %dma_wait3A_354 = arith.constant 0 : i32
        %dma_wait3A_355 = tpu.memref_slice %arg8[%dma_wait3A_354] : memref<102400xf32, #tpu.memory_space<vmem_shared>> -> memref<102400xf32, #tpu.memory_space<vmem_shared>>
        tpu.wait_indirect_dma semaphore(%arg10 : memref<!tpu.dma_semaphore, #tpu.memory_space<semaphore_mem>>) src(%dma_wait3A_346 : memref<128xf32, #tpu.memory_space<vmem>>) dst(%dma_wait3A_355 : memref<102400xf32, #tpu.memory_space<vmem_shared>>)
        %dma_wait3A_356 = arith.constant 1 : i32
        %dma_wait3A_357 = arith.constant 4 : i32
        %dma_wait3A_358 = arith.constant 1 : i32
        %dma_wait3A_359 = arith.constant 4 : i32
        %dma_wait3A_360 = arith.constant 0 : i32
        %dma_wait3A_361 = arith.constant 0 : i32
        %dma_wait3A_362 = tpu.memref_slice %arg6[%dma_wait3A_356, %dma_wait3A_360, %dma_wait3A_361] : memref<2x8x128xf32, #tpu.memory_space<vmem>> -> memref<1x8x128xf32, #tpu.memory_space<vmem>>
        %dma_wait3A_363 = tpu.memref_squeeze %dma_wait3A_362 : memref<1x8x128xf32, #tpu.memory_space<vmem>> -> memref<8x128xf32, #tpu.memory_space<vmem>>
        %dma_wait3A_364 = arith.constant 0 : i32
        %dma_wait3A_365 = tpu.memref_slice %dma_wait3A_363[%dma_wait3A_357, %dma_wait3A_364] : memref<8x128xf32, #tpu.memory_space<vmem>> -> memref<1x128xf32, #tpu.memory_space<vmem>>
        %dma_wait3A_366 = tpu.memref_squeeze %dma_wait3A_365 : memref<1x128xf32, #tpu.memory_space<vmem>> -> memref<128xf32, #tpu.memory_space<vmem>>
        %dma_wait3A_367 = arith.constant 0 : i32
        %dma_wait3A_368 = arith.constant 0 : i32
        %dma_wait3A_369 = tpu.memref_slice %arg5[%dma_wait3A_358, %dma_wait3A_367, %dma_wait3A_368] : memref<2x8x128xi32, #tpu.memory_space<vmem>> -> memref<1x8x128xi32, #tpu.memory_space<vmem>>
        %dma_wait3A_370 = tpu.memref_squeeze %dma_wait3A_369 : memref<1x8x128xi32, #tpu.memory_space<vmem>> -> memref<8x128xi32, #tpu.memory_space<vmem>>
        %dma_wait3A_371 = arith.constant 0 : i32
        %dma_wait3A_372 = tpu.memref_slice %dma_wait3A_370[%dma_wait3A_359, %dma_wait3A_371] : memref<8x128xi32, #tpu.memory_space<vmem>> -> memref<1x128xi32, #tpu.memory_space<vmem>>
        %dma_wait3A_373 = tpu.memref_squeeze %dma_wait3A_372 : memref<1x128xi32, #tpu.memory_space<vmem>> -> memref<128xi32, #tpu.memory_space<vmem>>
        %dma_wait3A_374 = arith.constant 0 : i32
        %dma_wait3A_375 = tpu.memref_slice %arg8[%dma_wait3A_374] : memref<102400xf32, #tpu.memory_space<vmem_shared>> -> memref<102400xf32, #tpu.memory_space<vmem_shared>>
        tpu.wait_indirect_dma semaphore(%arg10 : memref<!tpu.dma_semaphore, #tpu.memory_space<semaphore_mem>>) src(%dma_wait3A_366 : memref<128xf32, #tpu.memory_space<vmem>>) dst(%dma_wait3A_375 : memref<102400xf32, #tpu.memory_space<vmem_shared>>)
        %dma_wait3A_376 = arith.constant 1 : i32
        %dma_wait3A_377 = arith.constant 5 : i32
        %dma_wait3A_378 = arith.constant 1 : i32
        %dma_wait3A_379 = arith.constant 5 : i32
        %dma_wait3A_380 = arith.constant 0 : i32
        %dma_wait3A_381 = arith.constant 0 : i32
        %dma_wait3A_382 = tpu.memref_slice %arg6[%dma_wait3A_376, %dma_wait3A_380, %dma_wait3A_381] : memref<2x8x128xf32, #tpu.memory_space<vmem>> -> memref<1x8x128xf32, #tpu.memory_space<vmem>>
        %dma_wait3A_383 = tpu.memref_squeeze %dma_wait3A_382 : memref<1x8x128xf32, #tpu.memory_space<vmem>> -> memref<8x128xf32, #tpu.memory_space<vmem>>
        %dma_wait3A_384 = arith.constant 0 : i32
        %dma_wait3A_385 = tpu.memref_slice %dma_wait3A_383[%dma_wait3A_377, %dma_wait3A_384] : memref<8x128xf32, #tpu.memory_space<vmem>> -> memref<1x128xf32, #tpu.memory_space<vmem>>
        %dma_wait3A_386 = tpu.memref_squeeze %dma_wait3A_385 : memref<1x128xf32, #tpu.memory_space<vmem>> -> memref<128xf32, #tpu.memory_space<vmem>>
        %dma_wait3A_387 = arith.constant 0 : i32
        %dma_wait3A_388 = arith.constant 0 : i32
        %dma_wait3A_389 = tpu.memref_slice %arg5[%dma_wait3A_378, %dma_wait3A_387, %dma_wait3A_388] : memref<2x8x128xi32, #tpu.memory_space<vmem>> -> memref<1x8x128xi32, #tpu.memory_space<vmem>>
        %dma_wait3A_390 = tpu.memref_squeeze %dma_wait3A_389 : memref<1x8x128xi32, #tpu.memory_space<vmem>> -> memref<8x128xi32, #tpu.memory_space<vmem>>
        %dma_wait3A_391 = arith.constant 0 : i32
        %dma_wait3A_392 = tpu.memref_slice %dma_wait3A_390[%dma_wait3A_379, %dma_wait3A_391] : memref<8x128xi32, #tpu.memory_space<vmem>> -> memref<1x128xi32, #tpu.memory_space<vmem>>
        %dma_wait3A_393 = tpu.memref_squeeze %dma_wait3A_392 : memref<1x128xi32, #tpu.memory_space<vmem>> -> memref<128xi32, #tpu.memory_space<vmem>>
        %dma_wait3A_394 = arith.constant 0 : i32
        %dma_wait3A_395 = tpu.memref_slice %arg8[%dma_wait3A_394] : memref<102400xf32, #tpu.memory_space<vmem_shared>> -> memref<102400xf32, #tpu.memory_space<vmem_shared>>
        tpu.wait_indirect_dma semaphore(%arg10 : memref<!tpu.dma_semaphore, #tpu.memory_space<semaphore_mem>>) src(%dma_wait3A_386 : memref<128xf32, #tpu.memory_space<vmem>>) dst(%dma_wait3A_395 : memref<102400xf32, #tpu.memory_space<vmem_shared>>)
        %dma_wait3A_396 = arith.constant 1 : i32
        %dma_wait3A_397 = arith.constant 6 : i32
        %dma_wait3A_398 = arith.constant 1 : i32
        %dma_wait3A_399 = arith.constant 6 : i32
        %dma_wait3A_400 = arith.constant 0 : i32
        %dma_wait3A_401 = arith.constant 0 : i32
        %dma_wait3A_402 = tpu.memref_slice %arg6[%dma_wait3A_396, %dma_wait3A_400, %dma_wait3A_401] : memref<2x8x128xf32, #tpu.memory_space<vmem>> -> memref<1x8x128xf32, #tpu.memory_space<vmem>>
        %dma_wait3A_403 = tpu.memref_squeeze %dma_wait3A_402 : memref<1x8x128xf32, #tpu.memory_space<vmem>> -> memref<8x128xf32, #tpu.memory_space<vmem>>
        %dma_wait3A_404 = arith.constant 0 : i32
        %dma_wait3A_405 = tpu.memref_slice %dma_wait3A_403[%dma_wait3A_397, %dma_wait3A_404] : memref<8x128xf32, #tpu.memory_space<vmem>> -> memref<1x128xf32, #tpu.memory_space<vmem>>
        %dma_wait3A_406 = tpu.memref_squeeze %dma_wait3A_405 : memref<1x128xf32, #tpu.memory_space<vmem>> -> memref<128xf32, #tpu.memory_space<vmem>>
        %dma_wait3A_407 = arith.constant 0 : i32
        %dma_wait3A_408 = arith.constant 0 : i32
        %dma_wait3A_409 = tpu.memref_slice %arg5[%dma_wait3A_398, %dma_wait3A_407, %dma_wait3A_408] : memref<2x8x128xi32, #tpu.memory_space<vmem>> -> memref<1x8x128xi32, #tpu.memory_space<vmem>>
        %dma_wait3A_410 = tpu.memref_squeeze %dma_wait3A_409 : memref<1x8x128xi32, #tpu.memory_space<vmem>> -> memref<8x128xi32, #tpu.memory_space<vmem>>
        %dma_wait3A_411 = arith.constant 0 : i32
        %dma_wait3A_412 = tpu.memref_slice %dma_wait3A_410[%dma_wait3A_399, %dma_wait3A_411] : memref<8x128xi32, #tpu.memory_space<vmem>> -> memref<1x128xi32, #tpu.memory_space<vmem>>
        %dma_wait3A_413 = tpu.memref_squeeze %dma_wait3A_412 : memref<1x128xi32, #tpu.memory_space<vmem>> -> memref<128xi32, #tpu.memory_space<vmem>>
        %dma_wait3A_414 = arith.constant 0 : i32
        %dma_wait3A_415 = tpu.memref_slice %arg8[%dma_wait3A_414] : memref<102400xf32, #tpu.memory_space<vmem_shared>> -> memref<102400xf32, #tpu.memory_space<vmem_shared>>
        tpu.wait_indirect_dma semaphore(%arg10 : memref<!tpu.dma_semaphore, #tpu.memory_space<semaphore_mem>>) src(%dma_wait3A_406 : memref<128xf32, #tpu.memory_space<vmem>>) dst(%dma_wait3A_415 : memref<102400xf32, #tpu.memory_space<vmem_shared>>)
        %dma_wait3A_416 = arith.constant 1 : i32
        %dma_wait3A_417 = arith.constant 7 : i32
        %dma_wait3A_418 = arith.constant 1 : i32
        %dma_wait3A_419 = arith.constant 7 : i32
        %dma_wait3A_420 = arith.constant 0 : i32
        %dma_wait3A_421 = arith.constant 0 : i32
        %dma_wait3A_422 = tpu.memref_slice %arg6[%dma_wait3A_416, %dma_wait3A_420, %dma_wait3A_421] : memref<2x8x128xf32, #tpu.memory_space<vmem>> -> memref<1x8x128xf32, #tpu.memory_space<vmem>>
        %dma_wait3A_423 = tpu.memref_squeeze %dma_wait3A_422 : memref<1x8x128xf32, #tpu.memory_space<vmem>> -> memref<8x128xf32, #tpu.memory_space<vmem>>
        %dma_wait3A_424 = arith.constant 0 : i32
        %dma_wait3A_425 = tpu.memref_slice %dma_wait3A_423[%dma_wait3A_417, %dma_wait3A_424] : memref<8x128xf32, #tpu.memory_space<vmem>> -> memref<1x128xf32, #tpu.memory_space<vmem>>
        %dma_wait3A_426 = tpu.memref_squeeze %dma_wait3A_425 : memref<1x128xf32, #tpu.memory_space<vmem>> -> memref<128xf32, #tpu.memory_space<vmem>>
        %dma_wait3A_427 = arith.constant 0 : i32
        %dma_wait3A_428 = arith.constant 0 : i32
        %dma_wait3A_429 = tpu.memref_slice %arg5[%dma_wait3A_418, %dma_wait3A_427, %dma_wait3A_428] : memref<2x8x128xi32, #tpu.memory_space<vmem>> -> memref<1x8x128xi32, #tpu.memory_space<vmem>>
        %dma_wait3A_430 = tpu.memref_squeeze %dma_wait3A_429 : memref<1x8x128xi32, #tpu.memory_space<vmem>> -> memref<8x128xi32, #tpu.memory_space<vmem>>
        %dma_wait3A_431 = arith.constant 0 : i32
        %dma_wait3A_432 = tpu.memref_slice %dma_wait3A_430[%dma_wait3A_419, %dma_wait3A_431] : memref<8x128xi32, #tpu.memory_space<vmem>> -> memref<1x128xi32, #tpu.memory_space<vmem>>
        %dma_wait3A_433 = tpu.memref_squeeze %dma_wait3A_432 : memref<1x128xi32, #tpu.memory_space<vmem>> -> memref<128xi32, #tpu.memory_space<vmem>>
        %dma_wait3A_434 = arith.constant 0 : i32
        %dma_wait3A_435 = tpu.memref_slice %arg8[%dma_wait3A_434] : memref<102400xf32, #tpu.memory_space<vmem_shared>> -> memref<102400xf32, #tpu.memory_space<vmem_shared>>
        tpu.wait_indirect_dma semaphore(%arg10 : memref<!tpu.dma_semaphore, #tpu.memory_space<semaphore_mem>>) src(%dma_wait3A_426 : memref<128xf32, #tpu.memory_space<vmem>>) dst(%dma_wait3A_435 : memref<102400xf32, #tpu.memory_space<vmem_shared>>)
      } else {
      }
    }
    %scan3A_60 = arith.constant 49 : i32
    %barrier3A_61 = arith.constant 0 : index
    tpu.barrier barrier_id(%barrier3A_61)
    %eq3A = arith.constant 0 : i32
    %eq3A_62 = arith.cmpi eq, %arg1, %eq3A : i32
    %convert_element_type3A = arith.extui %eq3A_62 : i1 to i32
    %cond3A = arith.constant 0 : i32
    %cond3A_63 = arith.cmpi ne, %convert_element_type3A, %cond3A : i32
    scf.if %cond3A_63 {
      "tpu.region"() ({
        %run_scoped3A = tpu.sem_alloc : memref<!tpu.dma_semaphore, #tpu.memory_space<semaphore_mem>>
        %dma_start3A_64 = arith.constant 0 : i32
        %dma_start3A_65 = tpu.memref_slice %arg4[%arg0, %dma_start3A_64] : memref<2x100000xf32, #tpu.memory_space<hbm>> -> memref<1x100000xf32, #tpu.memory_space<hbm>>
        %dma_start3A_66 = tpu.memref_squeeze %dma_start3A_65 : memref<1x100000xf32, #tpu.memory_space<hbm>> -> memref<100000xf32, #tpu.memory_space<hbm>>
        %dma_start3A_67 = arith.constant 0 : i32
        %dma_start3A_68 = tpu.memref_slice %arg8[%dma_start3A_67] : memref<102400xf32, #tpu.memory_space<vmem_shared>> -> memref<100000xf32, #tpu.memory_space<vmem_shared>>
        tpu.enqueue_dma source(%dma_start3A_68 : memref<100000xf32, #tpu.memory_space<vmem_shared>>) target(%dma_start3A_66 : memref<100000xf32, #tpu.memory_space<hbm>>) target_semaphore(%run_scoped3A : memref<!tpu.dma_semaphore, #tpu.memory_space<semaphore_mem>>)
        %dma_wait3A = arith.constant 0 : i32
        %dma_wait3A_69 = tpu.memref_slice %arg4[%arg0, %dma_wait3A] : memref<2x100000xf32, #tpu.memory_space<hbm>> -> memref<1x100000xf32, #tpu.memory_space<hbm>>
        %dma_wait3A_70 = tpu.memref_squeeze %dma_wait3A_69 : memref<1x100000xf32, #tpu.memory_space<hbm>> -> memref<100000xf32, #tpu.memory_space<hbm>>
        %dma_wait3A_71 = arith.constant 0 : i32
        %dma_wait3A_72 = tpu.memref_slice %arg8[%dma_wait3A_71] : memref<102400xf32, #tpu.memory_space<vmem_shared>> -> memref<100000xf32, #tpu.memory_space<vmem_shared>>
        tpu.wait_dma2 semaphore(%run_scoped3A : memref<!tpu.dma_semaphore, #tpu.memory_space<semaphore_mem>>) src(%dma_wait3A_72 : memref<100000xf32, #tpu.memory_space<vmem_shared>>) dst(%dma_wait3A_70 : memref<100000xf32, #tpu.memory_space<hbm>>)
        tpu.yield
      }) : () -> ()
    } else {
    }
    return
  }
}

#map = affine_map<(d0, d1) -> (0, 0)>
module attributes {stable_mosaic.version = 14 : i64} {
  func.func @_sc_gather(%arg0: i32, %arg1: i32, %arg2: memref<100000x8xi32, #tpu.memory_space<hbm>>, %arg3: memref<2x3200000xi32, #tpu.memory_space<hbm>>, %arg4: memref<3200000x8xi32, #tpu.memory_space<hbm>>, %arg5: memref<3200000x8xi32, #tpu.memory_space<hbm>>, %arg6: memref<2x1024xi32, #tpu.memory_space<vmem>>, %arg7: memref<2x1024xi32, #tpu.memory_space<vmem>>, %arg8: memref<2x1024x8xi32, #tpu.memory_space<vmem>>, %arg9: memref<2x1024x8xi32, #tpu.memory_space<vmem>>, %arg10: memref<100000x8xi32, #tpu.memory_space<vmem_shared>>, %arg11: memref<!tpu.dma_semaphore, #tpu.memory_space<semaphore_mem>>, %arg12: memref<!tpu.dma_semaphore, #tpu.memory_space<semaphore_mem>>, %arg13: memref<!tpu.dma_semaphore, #tpu.memory_space<semaphore_mem>>) attributes {dimension_semantics = [#tpu.dimension_semantics<core_parallel>, #tpu.dimension_semantics<subcore_parallel>], iteration_bounds = array<i64: 2, 16>, scalar_prefetch = 0 : i64, scratch_operands = 8 : i64, tpu.core_type = #tpu.core_type<sc_vector_subcore>, window_params = [{transform_indices = #map}, {transform_indices = #map}, {transform_indices = #map}, {transform_indices = #map}]} {
    %mul3A = arith.constant 2 : i32
    %mul3A_0 = arith.muli %arg1, %mul3A : i32
    %add3A = arith.addi %mul3A_0, %arg0 : i32
    %mul3A_1 = arith.constant 97 : i32
    %mul3A_2 = arith.muli %mul3A_1, %add3A : i32
    %min3A = arith.constant 21 : i32
    %min3A_3 = arith.minsi %add3A, %min3A : i32
    %add3A_4 = arith.addi %mul3A_2, %min3A_3 : i32
    %lt3A = arith.constant 21 : i32
    %lt3A_5 = arith.cmpi slt, %add3A, %lt3A : i32
    %jit3A = arith.constant 98 : i32
    %jit3A_6 = arith.constant 97 : i32
    %select_n3A = arith.select %lt3A_5, %jit3A, %jit3A_6 : i32
    %lt3A_7 = arith.constant 4 : i32
    %lt3A_8 = arith.cmpi slt, %arg1, %lt3A_7 : i32
    %convert_element_type3A = arith.extui %lt3A_8 : i1 to i32
    %cond3A = arith.constant 0 : i32
    %cond3A_9 = arith.cmpi ne, %convert_element_type3A, %cond3A : i32
    scf.if %cond3A_9 {
      %mul3A_74 = arith.constant 25000 : i32
      %mul3A_75 = arith.muli %arg1, %mul3A_74 : i32
      %multiple_of3A = tpu.assume_multiple %mul3A_75, 8 : i32
      "tpu.region"() ({
        %run_scoped3A = tpu.sem_alloc : memref<!tpu.dma_semaphore, #tpu.memory_space<semaphore_mem>>
        %dma_start3A = arith.constant 0 : i32
        %dma_start3A_76 = tpu.memref_slice %arg10[%multiple_of3A, %dma_start3A] : memref<100000x8xi32, #tpu.memory_space<vmem_shared>> -> memref<25000x8xi32, #tpu.memory_space<vmem_shared>>
        %dma_start3A_77 = arith.constant 0 : i32
        %dma_start3A_78 = tpu.memref_slice %arg2[%multiple_of3A, %dma_start3A_77] : memref<100000x8xi32, #tpu.memory_space<hbm>> -> memref<25000x8xi32, #tpu.memory_space<hbm>>
        tpu.enqueue_dma source(%dma_start3A_78 : memref<25000x8xi32, #tpu.memory_space<hbm>>) target(%dma_start3A_76 : memref<25000x8xi32, #tpu.memory_space<vmem_shared>>) target_semaphore(%run_scoped3A : memref<!tpu.dma_semaphore, #tpu.memory_space<semaphore_mem>>)
        %dma_wait3A_79 = arith.constant 0 : i32
        %dma_wait3A_80 = tpu.memref_slice %arg10[%multiple_of3A, %dma_wait3A_79] : memref<100000x8xi32, #tpu.memory_space<vmem_shared>> -> memref<25000x8xi32, #tpu.memory_space<vmem_shared>>
        %dma_wait3A_81 = arith.constant 0 : i32
        %dma_wait3A_82 = tpu.memref_slice %arg2[%multiple_of3A, %dma_wait3A_81] : memref<100000x8xi32, #tpu.memory_space<hbm>> -> memref<25000x8xi32, #tpu.memory_space<hbm>>
        tpu.wait_dma2 semaphore(%run_scoped3A : memref<!tpu.dma_semaphore, #tpu.memory_space<semaphore_mem>>) src(%dma_wait3A_82 : memref<25000x8xi32, #tpu.memory_space<hbm>>) dst(%dma_wait3A_80 : memref<25000x8xi32, #tpu.memory_space<vmem_shared>>)
        tpu.yield
      }) : () -> ()
    } else {
    }
    %barrier3A = arith.constant 0 : index
    tpu.barrier barrier_id(%barrier3A)
    %scan3A = arith.constant 0 : i32
    %scan3A_10 = arith.constant 0 : i32
    %scan3A_11 = arith.constant 49 : i32
    %scan3A_12 = arith.addi %scan3A_10, %scan3A_11 : i32
    %scan3A_13 = arith.constant 1 : i32
    scf.for %scan3A_74 = %scan3A_10 to %scan3A_12 step %scan3A_13  : i32 {
      %mul3A_75 = arith.constant 2 : i32
      %mul3A_76 = arith.muli %scan3A_74, %mul3A_75 : i32
      %add3A_77 = arith.constant 0 : i32
      %add3A_78 = arith.addi %mul3A_76, %add3A_77 : i32
      %lt3A_79 = arith.cmpi slt, %add3A_78, %select_n3A : i32
      %convert_element_type3A_80 = arith.extui %lt3A_79 : i1 to i32
      %cond3A_81 = arith.constant 0 : i32
      %cond3A_82 = arith.cmpi ne, %convert_element_type3A_80, %cond3A_81 : i32
      scf.if %cond3A_82 {
        %add3A_91 = arith.addi %add3A_4, %add3A_78 : i32
        %mul3A_92 = arith.constant 1024 : i32
        %mul3A_93 = arith.muli %add3A_91, %mul3A_92 : i32
        %multiple_of3A = tpu.assume_multiple %mul3A_93, 1024 : i32
        %gt3A = arith.constant 0 : i32
        %gt3A_94 = arith.cmpi sgt, %scan3A_74, %gt3A : i32
        %convert_element_type3A_95 = arith.extui %gt3A_94 : i1 to i32
        %cond3A_96 = arith.constant 0 : i32
        %cond3A_97 = arith.cmpi ne, %convert_element_type3A_95, %cond3A_96 : i32
        scf.if %cond3A_97 {
          %dma_wait3A_670 = arith.constant 0 : i32
          %dma_wait3A_671 = arith.constant 0 : i32
          %dma_wait3A_672 = arith.constant 0 : i32
          %dma_wait3A_673 = tpu.memref_slice %arg8[%dma_wait3A_670, %dma_wait3A_671, %dma_wait3A_672] : memref<2x1024x8xi32, #tpu.memory_space<vmem>> -> memref<1x1024x8xi32, #tpu.memory_space<vmem>>
          %dma_wait3A_674 = tpu.memref_squeeze %dma_wait3A_673 : memref<1x1024x8xi32, #tpu.memory_space<vmem>> -> memref<1024x8xi32, #tpu.memory_space<vmem>>
          %dma_wait3A_675 = arith.constant 0 : i32
          %dma_wait3A_676 = arith.constant 0 : i32
          %dma_wait3A_677 = tpu.memref_slice %arg4[%dma_wait3A_675, %dma_wait3A_676] : memref<3200000x8xi32, #tpu.memory_space<hbm>> -> memref<1024x8xi32, #tpu.memory_space<hbm>>
          %dma_wait3A_678 = arith.constant 0 : i32
          %dma_wait3A_679 = arith.constant 0 : i32
          %dma_wait3A_680 = tpu.memref_slice %arg4[%dma_wait3A_678, %dma_wait3A_679] : memref<3200000x8xi32, #tpu.memory_space<hbm>> -> memref<1024x8xi32, #tpu.memory_space<hbm>>
          %dma_wait3A_681 = arith.constant 0 : i32
          %dma_wait3A_682 = arith.constant 0 : i32
          %dma_wait3A_683 = tpu.memref_slice %arg8[%dma_wait3A_670, %dma_wait3A_681, %dma_wait3A_682] : memref<2x1024x8xi32, #tpu.memory_space<vmem>> -> memref<1x1024x8xi32, #tpu.memory_space<vmem>>
          %dma_wait3A_684 = tpu.memref_squeeze %dma_wait3A_683 : memref<1x1024x8xi32, #tpu.memory_space<vmem>> -> memref<1024x8xi32, #tpu.memory_space<vmem>>
          tpu.wait_dma2 semaphore(%arg12 : memref<!tpu.dma_semaphore, #tpu.memory_space<semaphore_mem>>) src(%dma_wait3A_684 : memref<1024x8xi32, #tpu.memory_space<vmem>>) dst(%dma_wait3A_680 : memref<1024x8xi32, #tpu.memory_space<hbm>>)
          %dma_wait3A_685 = arith.constant 0 : i32
          %dma_wait3A_686 = arith.constant 0 : i32
          %dma_wait3A_687 = arith.constant 0 : i32
          %dma_wait3A_688 = tpu.memref_slice %arg9[%dma_wait3A_685, %dma_wait3A_686, %dma_wait3A_687] : memref<2x1024x8xi32, #tpu.memory_space<vmem>> -> memref<1x1024x8xi32, #tpu.memory_space<vmem>>
          %dma_wait3A_689 = tpu.memref_squeeze %dma_wait3A_688 : memref<1x1024x8xi32, #tpu.memory_space<vmem>> -> memref<1024x8xi32, #tpu.memory_space<vmem>>
          %dma_wait3A_690 = arith.constant 0 : i32
          %dma_wait3A_691 = arith.constant 0 : i32
          %dma_wait3A_692 = tpu.memref_slice %arg5[%dma_wait3A_690, %dma_wait3A_691] : memref<3200000x8xi32, #tpu.memory_space<hbm>> -> memref<1024x8xi32, #tpu.memory_space<hbm>>
          %dma_wait3A_693 = arith.constant 0 : i32
          %dma_wait3A_694 = arith.constant 0 : i32
          %dma_wait3A_695 = tpu.memref_slice %arg5[%dma_wait3A_693, %dma_wait3A_694] : memref<3200000x8xi32, #tpu.memory_space<hbm>> -> memref<1024x8xi32, #tpu.memory_space<hbm>>
          %dma_wait3A_696 = arith.constant 0 : i32
          %dma_wait3A_697 = arith.constant 0 : i32
          %dma_wait3A_698 = tpu.memref_slice %arg9[%dma_wait3A_685, %dma_wait3A_696, %dma_wait3A_697] : memref<2x1024x8xi32, #tpu.memory_space<vmem>> -> memref<1x1024x8xi32, #tpu.memory_space<vmem>>
          %dma_wait3A_699 = tpu.memref_squeeze %dma_wait3A_698 : memref<1x1024x8xi32, #tpu.memory_space<vmem>> -> memref<1024x8xi32, #tpu.memory_space<vmem>>
          tpu.wait_dma2 semaphore(%arg12 : memref<!tpu.dma_semaphore, #tpu.memory_space<semaphore_mem>>) src(%dma_wait3A_699 : memref<1024x8xi32, #tpu.memory_space<vmem>>) dst(%dma_wait3A_695 : memref<1024x8xi32, #tpu.memory_space<hbm>>)
        } else {
        }
        %run_scoped3A = arith.constant 0 : i32
        %run_scoped3A_98 = arith.constant 0 : i32
        "tpu.region"() ({
          %run_scoped3A_670 = tpu.sem_alloc : memref<!tpu.dma_semaphore, #tpu.memory_space<semaphore_mem>>
          %dma_start3A_671 = arith.constant 0 : i32
          %dma_start3A_672 = tpu.memref_slice %arg6[%run_scoped3A_98, %dma_start3A_671] : memref<2x1024xi32, #tpu.memory_space<vmem>> -> memref<1x1024xi32, #tpu.memory_space<vmem>>
          %dma_start3A_673 = tpu.memref_squeeze %dma_start3A_672 : memref<1x1024xi32, #tpu.memory_space<vmem>> -> memref<1024xi32, #tpu.memory_space<vmem>>
          %dma_start3A_674 = tpu.memref_slice %arg3[%run_scoped3A, %multiple_of3A] : memref<2x3200000xi32, #tpu.memory_space<hbm>> -> memref<1x1024xi32, #tpu.memory_space<hbm>>
          %dma_start3A_675 = tpu.memref_squeeze %dma_start3A_674 : memref<1x1024xi32, #tpu.memory_space<hbm>> -> memref<1024xi32, #tpu.memory_space<hbm>>
          %dma_start3A_676 = arith.constant 0 : i32
          %dma_start3A_677 = tpu.memref_slice %arg6[%run_scoped3A_98, %dma_start3A_676] : memref<2x1024xi32, #tpu.memory_space<vmem>> -> memref<1x1024xi32, #tpu.memory_space<vmem>>
          %dma_start3A_678 = tpu.memref_squeeze %dma_start3A_677 : memref<1x1024xi32, #tpu.memory_space<vmem>> -> memref<1024xi32, #tpu.memory_space<vmem>>
          %dma_start3A_679 = tpu.memref_slice %arg3[%run_scoped3A, %multiple_of3A] : memref<2x3200000xi32, #tpu.memory_space<hbm>> -> memref<1x1024xi32, #tpu.memory_space<hbm>>
          %dma_start3A_680 = tpu.memref_squeeze %dma_start3A_679 : memref<1x1024xi32, #tpu.memory_space<hbm>> -> memref<1024xi32, #tpu.memory_space<hbm>>
          tpu.enqueue_dma source(%dma_start3A_680 : memref<1024xi32, #tpu.memory_space<hbm>>) target(%dma_start3A_678 : memref<1024xi32, #tpu.memory_space<vmem>>) target_semaphore(%run_scoped3A_670 : memref<!tpu.dma_semaphore, #tpu.memory_space<semaphore_mem>>)
          %dma_wait3A_681 = arith.constant 0 : i32
          %dma_wait3A_682 = tpu.memref_slice %arg6[%run_scoped3A_98, %dma_wait3A_681] : memref<2x1024xi32, #tpu.memory_space<vmem>> -> memref<1x1024xi32, #tpu.memory_space<vmem>>
          %dma_wait3A_683 = tpu.memref_squeeze %dma_wait3A_682 : memref<1x1024xi32, #tpu.memory_space<vmem>> -> memref<1024xi32, #tpu.memory_space<vmem>>
          %dma_wait3A_684 = tpu.memref_slice %arg3[%run_scoped3A, %multiple_of3A] : memref<2x3200000xi32, #tpu.memory_space<hbm>> -> memref<1x1024xi32, #tpu.memory_space<hbm>>
          %dma_wait3A_685 = tpu.memref_squeeze %dma_wait3A_684 : memref<1x1024xi32, #tpu.memory_space<hbm>> -> memref<1024xi32, #tpu.memory_space<hbm>>
          %dma_wait3A_686 = arith.constant 0 : i32
          %dma_wait3A_687 = tpu.memref_slice %arg6[%run_scoped3A_98, %dma_wait3A_686] : memref<2x1024xi32, #tpu.memory_space<vmem>> -> memref<1x1024xi32, #tpu.memory_space<vmem>>
          %dma_wait3A_688 = tpu.memref_squeeze %dma_wait3A_687 : memref<1x1024xi32, #tpu.memory_space<vmem>> -> memref<1024xi32, #tpu.memory_space<vmem>>
          %dma_wait3A_689 = tpu.memref_slice %arg3[%run_scoped3A, %multiple_of3A] : memref<2x3200000xi32, #tpu.memory_space<hbm>> -> memref<1x1024xi32, #tpu.memory_space<hbm>>
          %dma_wait3A_690 = tpu.memref_squeeze %dma_wait3A_689 : memref<1x1024xi32, #tpu.memory_space<hbm>> -> memref<1024xi32, #tpu.memory_space<hbm>>
          tpu.wait_dma2 semaphore(%run_scoped3A_670 : memref<!tpu.dma_semaphore, #tpu.memory_space<semaphore_mem>>) src(%dma_wait3A_690 : memref<1024xi32, #tpu.memory_space<hbm>>) dst(%dma_wait3A_688 : memref<1024xi32, #tpu.memory_space<vmem>>)
          tpu.yield
        }) : () -> ()
        %run_scoped3A_99 = arith.constant 1 : i32
        %run_scoped3A_100 = arith.constant 0 : i32
        "tpu.region"() ({
          %run_scoped3A_670 = tpu.sem_alloc : memref<!tpu.dma_semaphore, #tpu.memory_space<semaphore_mem>>
          %dma_start3A_671 = arith.constant 0 : i32
          %dma_start3A_672 = tpu.memref_slice %arg7[%run_scoped3A_100, %dma_start3A_671] : memref<2x1024xi32, #tpu.memory_space<vmem>> -> memref<1x1024xi32, #tpu.memory_space<vmem>>
          %dma_start3A_673 = tpu.memref_squeeze %dma_start3A_672 : memref<1x1024xi32, #tpu.memory_space<vmem>> -> memref<1024xi32, #tpu.memory_space<vmem>>
          %dma_start3A_674 = tpu.memref_slice %arg3[%run_scoped3A_99, %multiple_of3A] : memref<2x3200000xi32, #tpu.memory_space<hbm>> -> memref<1x1024xi32, #tpu.memory_space<hbm>>
          %dma_start3A_675 = tpu.memref_squeeze %dma_start3A_674 : memref<1x1024xi32, #tpu.memory_space<hbm>> -> memref<1024xi32, #tpu.memory_space<hbm>>
          %dma_start3A_676 = arith.constant 0 : i32
          %dma_start3A_677 = tpu.memref_slice %arg7[%run_scoped3A_100, %dma_start3A_676] : memref<2x1024xi32, #tpu.memory_space<vmem>> -> memref<1x1024xi32, #tpu.memory_space<vmem>>
          %dma_start3A_678 = tpu.memref_squeeze %dma_start3A_677 : memref<1x1024xi32, #tpu.memory_space<vmem>> -> memref<1024xi32, #tpu.memory_space<vmem>>
          %dma_start3A_679 = tpu.memref_slice %arg3[%run_scoped3A_99, %multiple_of3A] : memref<2x3200000xi32, #tpu.memory_space<hbm>> -> memref<1x1024xi32, #tpu.memory_space<hbm>>
          %dma_start3A_680 = tpu.memref_squeeze %dma_start3A_679 : memref<1x1024xi32, #tpu.memory_space<hbm>> -> memref<1024xi32, #tpu.memory_space<hbm>>
          tpu.enqueue_dma source(%dma_start3A_680 : memref<1024xi32, #tpu.memory_space<hbm>>) target(%dma_start3A_678 : memref<1024xi32, #tpu.memory_space<vmem>>) target_semaphore(%run_scoped3A_670 : memref<!tpu.dma_semaphore, #tpu.memory_space<semaphore_mem>>)
          %dma_wait3A_681 = arith.constant 0 : i32
          %dma_wait3A_682 = tpu.memref_slice %arg7[%run_scoped3A_100, %dma_wait3A_681] : memref<2x1024xi32, #tpu.memory_space<vmem>> -> memref<1x1024xi32, #tpu.memory_space<vmem>>
          %dma_wait3A_683 = tpu.memref_squeeze %dma_wait3A_682 : memref<1x1024xi32, #tpu.memory_space<vmem>> -> memref<1024xi32, #tpu.memory_space<vmem>>
          %dma_wait3A_684 = tpu.memref_slice %arg3[%run_scoped3A_99, %multiple_of3A] : memref<2x3200000xi32, #tpu.memory_space<hbm>> -> memref<1x1024xi32, #tpu.memory_space<hbm>>
          %dma_wait3A_685 = tpu.memref_squeeze %dma_wait3A_684 : memref<1x1024xi32, #tpu.memory_space<hbm>> -> memref<1024xi32, #tpu.memory_space<hbm>>
          %dma_wait3A_686 = arith.constant 0 : i32
          %dma_wait3A_687 = tpu.memref_slice %arg7[%run_scoped3A_100, %dma_wait3A_686] : memref<2x1024xi32, #tpu.memory_space<vmem>> -> memref<1x1024xi32, #tpu.memory_space<vmem>>
          %dma_wait3A_688 = tpu.memref_squeeze %dma_wait3A_687 : memref<1x1024xi32, #tpu.memory_space<vmem>> -> memref<1024xi32, #tpu.memory_space<vmem>>
          %dma_wait3A_689 = tpu.memref_slice %arg3[%run_scoped3A_99, %multiple_of3A] : memref<2x3200000xi32, #tpu.memory_space<hbm>> -> memref<1x1024xi32, #tpu.memory_space<hbm>>
          %dma_wait3A_690 = tpu.memref_squeeze %dma_wait3A_689 : memref<1x1024xi32, #tpu.memory_space<hbm>> -> memref<1024xi32, #tpu.memory_space<hbm>>
          tpu.wait_dma2 semaphore(%run_scoped3A_670 : memref<!tpu.dma_semaphore, #tpu.memory_space<semaphore_mem>>) src(%dma_wait3A_690 : memref<1024xi32, #tpu.memory_space<hbm>>) dst(%dma_wait3A_688 : memref<1024xi32, #tpu.memory_space<vmem>>)
          tpu.yield
        }) : () -> ()
        %dma_start3A = arith.constant 0 : i32
        %dma_start3A_101 = arith.constant 0 : i32
        %dma_start3A_102 = arith.constant 0 : i32
        %dma_start3A_103 = arith.constant 0 : i32
        %dma_start3A_104 = tpu.memref_slice %arg8[%dma_start3A_101, %dma_start3A_102, %dma_start3A_103] : memref<2x1024x8xi32, #tpu.memory_space<vmem>> -> memref<1x1024x8xi32, #tpu.memory_space<vmem>>
        %dma_start3A_105 = tpu.memref_squeeze %dma_start3A_104 : memref<1x1024x8xi32, #tpu.memory_space<vmem>> -> memref<1024x8xi32, #tpu.memory_space<vmem>>
        %dma_start3A_106 = arith.constant 0 : i32
        %dma_start3A_107 = arith.constant 0 : i32
        %dma_start3A_108 = tpu.memref_slice %dma_start3A_105[%dma_start3A_106, %dma_start3A_107] : memref<1024x8xi32, #tpu.memory_space<vmem>> -> memref<128x8xi32, #tpu.memory_space<vmem>>
        %dma_start3A_109 = arith.constant 0 : i32
        %dma_start3A_110 = tpu.memref_slice %arg6[%dma_start3A, %dma_start3A_109] : memref<2x1024xi32, #tpu.memory_space<vmem>> -> memref<1x1024xi32, #tpu.memory_space<vmem>>
        %dma_start3A_111 = tpu.memref_squeeze %dma_start3A_110 : memref<1x1024xi32, #tpu.memory_space<vmem>> -> memref<1024xi32, #tpu.memory_space<vmem>>
        %dma_start3A_112 = arith.constant 0 : i32
        %dma_start3A_113 = tpu.memref_slice %dma_start3A_111[%dma_start3A_112] : memref<1024xi32, #tpu.memory_space<vmem>> -> memref<128xi32, #tpu.memory_space<vmem>>
        %dma_start3A_114 = arith.constant 0 : i32
        %dma_start3A_115 = arith.constant 0 : i32
        %dma_start3A_116 = tpu.memref_slice %arg10[%dma_start3A_114, %dma_start3A_115] : memref<100000x8xi32, #tpu.memory_space<vmem_shared>> -> memref<100000x8xi32, #tpu.memory_space<vmem_shared>>
        tpu.enqueue_indirect_dma source(%dma_start3A_116 : memref<100000x8xi32, #tpu.memory_space<vmem_shared>>) target(%dma_start3A_108 : memref<128x8xi32, #tpu.memory_space<vmem>>) offsets(%dma_start3A_113 : memref<128xi32, #tpu.memory_space<vmem>>) semaphore(%arg11 : memref<!tpu.dma_semaphore, #tpu.memory_space<semaphore_mem>>)
        %dma_start3A_117 = arith.constant 0 : i32
        %dma_start3A_118 = arith.constant 0 : i32
        %dma_start3A_119 = arith.constant 0 : i32
        %dma_start3A_120 = arith.constant 0 : i32
        %dma_start3A_121 = tpu.memref_slice %arg9[%dma_start3A_118, %dma_start3A_119, %dma_start3A_120] : memref<2x1024x8xi32, #tpu.memory_space<vmem>> -> memref<1x1024x8xi32, #tpu.memory_space<vmem>>
        %dma_start3A_122 = tpu.memref_squeeze %dma_start3A_121 : memref<1x1024x8xi32, #tpu.memory_space<vmem>> -> memref<1024x8xi32, #tpu.memory_space<vmem>>
        %dma_start3A_123 = arith.constant 0 : i32
        %dma_start3A_124 = arith.constant 0 : i32
        %dma_start3A_125 = tpu.memref_slice %dma_start3A_122[%dma_start3A_123, %dma_start3A_124] : memref<1024x8xi32, #tpu.memory_space<vmem>> -> memref<128x8xi32, #tpu.memory_space<vmem>>
        %dma_start3A_126 = arith.constant 0 : i32
        %dma_start3A_127 = tpu.memref_slice %arg7[%dma_start3A_117, %dma_start3A_126] : memref<2x1024xi32, #tpu.memory_space<vmem>> -> memref<1x1024xi32, #tpu.memory_space<vmem>>
        %dma_start3A_128 = tpu.memref_squeeze %dma_start3A_127 : memref<1x1024xi32, #tpu.memory_space<vmem>> -> memref<1024xi32, #tpu.memory_space<vmem>>
        %dma_start3A_129 = arith.constant 0 : i32
        %dma_start3A_130 = tpu.memref_slice %dma_start3A_128[%dma_start3A_129] : memref<1024xi32, #tpu.memory_space<vmem>> -> memref<128xi32, #tpu.memory_space<vmem>>
        %dma_start3A_131 = arith.constant 0 : i32
        %dma_start3A_132 = arith.constant 0 : i32
        %dma_start3A_133 = tpu.memref_slice %arg10[%dma_start3A_131, %dma_start3A_132] : memref<100000x8xi32, #tpu.memory_space<vmem_shared>> -> memref<100000x8xi32, #tpu.memory_space<vmem_shared>>
        tpu.enqueue_indirect_dma source(%dma_start3A_133 : memref<100000x8xi32, #tpu.memory_space<vmem_shared>>) target(%dma_start3A_125 : memref<128x8xi32, #tpu.memory_space<vmem>>) offsets(%dma_start3A_130 : memref<128xi32, #tpu.memory_space<vmem>>) semaphore(%arg11 : memref<!tpu.dma_semaphore, #tpu.memory_space<semaphore_mem>>)
        %dma_start3A_134 = arith.constant 0 : i32
        %dma_start3A_135 = arith.constant 0 : i32
        %dma_start3A_136 = arith.constant 0 : i32
        %dma_start3A_137 = arith.constant 0 : i32
        %dma_start3A_138 = tpu.memref_slice %arg8[%dma_start3A_135, %dma_start3A_136, %dma_start3A_137] : memref<2x1024x8xi32, #tpu.memory_space<vmem>> -> memref<1x1024x8xi32, #tpu.memory_space<vmem>>
        %dma_start3A_139 = tpu.memref_squeeze %dma_start3A_138 : memref<1x1024x8xi32, #tpu.memory_space<vmem>> -> memref<1024x8xi32, #tpu.memory_space<vmem>>
        %dma_start3A_140 = arith.constant 128 : i32
        %dma_start3A_141 = arith.constant 0 : i32
        %dma_start3A_142 = tpu.memref_slice %dma_start3A_139[%dma_start3A_140, %dma_start3A_141] : memref<1024x8xi32, #tpu.memory_space<vmem>> -> memref<128x8xi32, #tpu.memory_space<vmem>>
        %dma_start3A_143 = arith.constant 0 : i32
        %dma_start3A_144 = tpu.memref_slice %arg6[%dma_start3A_134, %dma_start3A_143] : memref<2x1024xi32, #tpu.memory_space<vmem>> -> memref<1x1024xi32, #tpu.memory_space<vmem>>
        %dma_start3A_145 = tpu.memref_squeeze %dma_start3A_144 : memref<1x1024xi32, #tpu.memory_space<vmem>> -> memref<1024xi32, #tpu.memory_space<vmem>>
        %dma_start3A_146 = arith.constant 128 : i32
        %dma_start3A_147 = tpu.memref_slice %dma_start3A_145[%dma_start3A_146] : memref<1024xi32, #tpu.memory_space<vmem>> -> memref<128xi32, #tpu.memory_space<vmem>>
        %dma_start3A_148 = arith.constant 0 : i32
        %dma_start3A_149 = arith.constant 0 : i32
        %dma_start3A_150 = tpu.memref_slice %arg10[%dma_start3A_148, %dma_start3A_149] : memref<100000x8xi32, #tpu.memory_space<vmem_shared>> -> memref<100000x8xi32, #tpu.memory_space<vmem_shared>>
        tpu.enqueue_indirect_dma source(%dma_start3A_150 : memref<100000x8xi32, #tpu.memory_space<vmem_shared>>) target(%dma_start3A_142 : memref<128x8xi32, #tpu.memory_space<vmem>>) offsets(%dma_start3A_147 : memref<128xi32, #tpu.memory_space<vmem>>) semaphore(%arg11 : memref<!tpu.dma_semaphore, #tpu.memory_space<semaphore_mem>>)
        %dma_start3A_151 = arith.constant 0 : i32
        %dma_start3A_152 = arith.constant 0 : i32
        %dma_start3A_153 = arith.constant 0 : i32
        %dma_start3A_154 = arith.constant 0 : i32
        %dma_start3A_155 = tpu.memref_slice %arg9[%dma_start3A_152, %dma_start3A_153, %dma_start3A_154] : memref<2x1024x8xi32, #tpu.memory_space<vmem>> -> memref<1x1024x8xi32, #tpu.memory_space<vmem>>
        %dma_start3A_156 = tpu.memref_squeeze %dma_start3A_155 : memref<1x1024x8xi32, #tpu.memory_space<vmem>> -> memref<1024x8xi32, #tpu.memory_space<vmem>>
        %dma_start3A_157 = arith.constant 128 : i32
        %dma_start3A_158 = arith.constant 0 : i32
        %dma_start3A_159 = tpu.memref_slice %dma_start3A_156[%dma_start3A_157, %dma_start3A_158] : memref<1024x8xi32, #tpu.memory_space<vmem>> -> memref<128x8xi32, #tpu.memory_space<vmem>>
        %dma_start3A_160 = arith.constant 0 : i32
        %dma_start3A_161 = tpu.memref_slice %arg7[%dma_start3A_151, %dma_start3A_160] : memref<2x1024xi32, #tpu.memory_space<vmem>> -> memref<1x1024xi32, #tpu.memory_space<vmem>>
        %dma_start3A_162 = tpu.memref_squeeze %dma_start3A_161 : memref<1x1024xi32, #tpu.memory_space<vmem>> -> memref<1024xi32, #tpu.memory_space<vmem>>
        %dma_start3A_163 = arith.constant 128 : i32
        %dma_start3A_164 = tpu.memref_slice %dma_start3A_162[%dma_start3A_163] : memref<1024xi32, #tpu.memory_space<vmem>> -> memref<128xi32, #tpu.memory_space<vmem>>
        %dma_start3A_165 = arith.constant 0 : i32
        %dma_start3A_166 = arith.constant 0 : i32
        %dma_start3A_167 = tpu.memref_slice %arg10[%dma_start3A_165, %dma_start3A_166] : memref<100000x8xi32, #tpu.memory_space<vmem_shared>> -> memref<100000x8xi32, #tpu.memory_space<vmem_shared>>
        tpu.enqueue_indirect_dma source(%dma_start3A_167 : memref<100000x8xi32, #tpu.memory_space<vmem_shared>>) target(%dma_start3A_159 : memref<128x8xi32, #tpu.memory_space<vmem>>) offsets(%dma_start3A_164 : memref<128xi32, #tpu.memory_space<vmem>>) semaphore(%arg11 : memref<!tpu.dma_semaphore, #tpu.memory_space<semaphore_mem>>)
        %dma_start3A_168 = arith.constant 0 : i32
        %dma_start3A_169 = arith.constant 0 : i32
        %dma_start3A_170 = arith.constant 0 : i32
        %dma_start3A_171 = arith.constant 0 : i32
        %dma_start3A_172 = tpu.memref_slice %arg8[%dma_start3A_169, %dma_start3A_170, %dma_start3A_171] : memref<2x1024x8xi32, #tpu.memory_space<vmem>> -> memref<1x1024x8xi32, #tpu.memory_space<vmem>>
        %dma_start3A_173 = tpu.memref_squeeze %dma_start3A_172 : memref<1x1024x8xi32, #tpu.memory_space<vmem>> -> memref<1024x8xi32, #tpu.memory_space<vmem>>
        %dma_start3A_174 = arith.constant 256 : i32
        %dma_start3A_175 = arith.constant 0 : i32
        %dma_start3A_176 = tpu.memref_slice %dma_start3A_173[%dma_start3A_174, %dma_start3A_175] : memref<1024x8xi32, #tpu.memory_space<vmem>> -> memref<128x8xi32, #tpu.memory_space<vmem>>
        %dma_start3A_177 = arith.constant 0 : i32
        %dma_start3A_178 = tpu.memref_slice %arg6[%dma_start3A_168, %dma_start3A_177] : memref<2x1024xi32, #tpu.memory_space<vmem>> -> memref<1x1024xi32, #tpu.memory_space<vmem>>
        %dma_start3A_179 = tpu.memref_squeeze %dma_start3A_178 : memref<1x1024xi32, #tpu.memory_space<vmem>> -> memref<1024xi32, #tpu.memory_space<vmem>>
        %dma_start3A_180 = arith.constant 256 : i32
        %dma_start3A_181 = tpu.memref_slice %dma_start3A_179[%dma_start3A_180] : memref<1024xi32, #tpu.memory_space<vmem>> -> memref<128xi32, #tpu.memory_space<vmem>>
        %dma_start3A_182 = arith.constant 0 : i32
        %dma_start3A_183 = arith.constant 0 : i32
        %dma_start3A_184 = tpu.memref_slice %arg10[%dma_start3A_182, %dma_start3A_183] : memref<100000x8xi32, #tpu.memory_space<vmem_shared>> -> memref<100000x8xi32, #tpu.memory_space<vmem_shared>>
        tpu.enqueue_indirect_dma source(%dma_start3A_184 : memref<100000x8xi32, #tpu.memory_space<vmem_shared>>) target(%dma_start3A_176 : memref<128x8xi32, #tpu.memory_space<vmem>>) offsets(%dma_start3A_181 : memref<128xi32, #tpu.memory_space<vmem>>) semaphore(%arg11 : memref<!tpu.dma_semaphore, #tpu.memory_space<semaphore_mem>>)
        %dma_start3A_185 = arith.constant 0 : i32
        %dma_start3A_186 = arith.constant 0 : i32
        %dma_start3A_187 = arith.constant 0 : i32
        %dma_start3A_188 = arith.constant 0 : i32
        %dma_start3A_189 = tpu.memref_slice %arg9[%dma_start3A_186, %dma_start3A_187, %dma_start3A_188] : memref<2x1024x8xi32, #tpu.memory_space<vmem>> -> memref<1x1024x8xi32, #tpu.memory_space<vmem>>
        %dma_start3A_190 = tpu.memref_squeeze %dma_start3A_189 : memref<1x1024x8xi32, #tpu.memory_space<vmem>> -> memref<1024x8xi32, #tpu.memory_space<vmem>>
        %dma_start3A_191 = arith.constant 256 : i32
        %dma_start3A_192 = arith.constant 0 : i32
        %dma_start3A_193 = tpu.memref_slice %dma_start3A_190[%dma_start3A_191, %dma_start3A_192] : memref<1024x8xi32, #tpu.memory_space<vmem>> -> memref<128x8xi32, #tpu.memory_space<vmem>>
        %dma_start3A_194 = arith.constant 0 : i32
        %dma_start3A_195 = tpu.memref_slice %arg7[%dma_start3A_185, %dma_start3A_194] : memref<2x1024xi32, #tpu.memory_space<vmem>> -> memref<1x1024xi32, #tpu.memory_space<vmem>>
        %dma_start3A_196 = tpu.memref_squeeze %dma_start3A_195 : memref<1x1024xi32, #tpu.memory_space<vmem>> -> memref<1024xi32, #tpu.memory_space<vmem>>
        %dma_start3A_197 = arith.constant 256 : i32
        %dma_start3A_198 = tpu.memref_slice %dma_start3A_196[%dma_start3A_197] : memref<1024xi32, #tpu.memory_space<vmem>> -> memref<128xi32, #tpu.memory_space<vmem>>
        %dma_start3A_199 = arith.constant 0 : i32
        %dma_start3A_200 = arith.constant 0 : i32
        %dma_start3A_201 = tpu.memref_slice %arg10[%dma_start3A_199, %dma_start3A_200] : memref<100000x8xi32, #tpu.memory_space<vmem_shared>> -> memref<100000x8xi32, #tpu.memory_space<vmem_shared>>
        tpu.enqueue_indirect_dma source(%dma_start3A_201 : memref<100000x8xi32, #tpu.memory_space<vmem_shared>>) target(%dma_start3A_193 : memref<128x8xi32, #tpu.memory_space<vmem>>) offsets(%dma_start3A_198 : memref<128xi32, #tpu.memory_space<vmem>>) semaphore(%arg11 : memref<!tpu.dma_semaphore, #tpu.memory_space<semaphore_mem>>)
        %dma_start3A_202 = arith.constant 0 : i32
        %dma_start3A_203 = arith.constant 0 : i32
        %dma_start3A_204 = arith.constant 0 : i32
        %dma_start3A_205 = arith.constant 0 : i32
        %dma_start3A_206 = tpu.memref_slice %arg8[%dma_start3A_203, %dma_start3A_204, %dma_start3A_205] : memref<2x1024x8xi32, #tpu.memory_space<vmem>> -> memref<1x1024x8xi32, #tpu.memory_space<vmem>>
        %dma_start3A_207 = tpu.memref_squeeze %dma_start3A_206 : memref<1x1024x8xi32, #tpu.memory_space<vmem>> -> memref<1024x8xi32, #tpu.memory_space<vmem>>
        %dma_start3A_208 = arith.constant 384 : i32
        %dma_start3A_209 = arith.constant 0 : i32
        %dma_start3A_210 = tpu.memref_slice %dma_start3A_207[%dma_start3A_208, %dma_start3A_209] : memref<1024x8xi32, #tpu.memory_space<vmem>> -> memref<128x8xi32, #tpu.memory_space<vmem>>
        %dma_start3A_211 = arith.constant 0 : i32
        %dma_start3A_212 = tpu.memref_slice %arg6[%dma_start3A_202, %dma_start3A_211] : memref<2x1024xi32, #tpu.memory_space<vmem>> -> memref<1x1024xi32, #tpu.memory_space<vmem>>
        %dma_start3A_213 = tpu.memref_squeeze %dma_start3A_212 : memref<1x1024xi32, #tpu.memory_space<vmem>> -> memref<1024xi32, #tpu.memory_space<vmem>>
        %dma_start3A_214 = arith.constant 384 : i32
        %dma_start3A_215 = tpu.memref_slice %dma_start3A_213[%dma_start3A_214] : memref<1024xi32, #tpu.memory_space<vmem>> -> memref<128xi32, #tpu.memory_space<vmem>>
        %dma_start3A_216 = arith.constant 0 : i32
        %dma_start3A_217 = arith.constant 0 : i32
        %dma_start3A_218 = tpu.memref_slice %arg10[%dma_start3A_216, %dma_start3A_217] : memref<100000x8xi32, #tpu.memory_space<vmem_shared>> -> memref<100000x8xi32, #tpu.memory_space<vmem_shared>>
        tpu.enqueue_indirect_dma source(%dma_start3A_218 : memref<100000x8xi32, #tpu.memory_space<vmem_shared>>) target(%dma_start3A_210 : memref<128x8xi32, #tpu.memory_space<vmem>>) offsets(%dma_start3A_215 : memref<128xi32, #tpu.memory_space<vmem>>) semaphore(%arg11 : memref<!tpu.dma_semaphore, #tpu.memory_space<semaphore_mem>>)
        %dma_start3A_219 = arith.constant 0 : i32
        %dma_start3A_220 = arith.constant 0 : i32
        %dma_start3A_221 = arith.constant 0 : i32
        %dma_start3A_222 = arith.constant 0 : i32
        %dma_start3A_223 = tpu.memref_slice %arg9[%dma_start3A_220, %dma_start3A_221, %dma_start3A_222] : memref<2x1024x8xi32, #tpu.memory_space<vmem>> -> memref<1x1024x8xi32, #tpu.memory_space<vmem>>
        %dma_start3A_224 = tpu.memref_squeeze %dma_start3A_223 : memref<1x1024x8xi32, #tpu.memory_space<vmem>> -> memref<1024x8xi32, #tpu.memory_space<vmem>>
        %dma_start3A_225 = arith.constant 384 : i32
        %dma_start3A_226 = arith.constant 0 : i32
        %dma_start3A_227 = tpu.memref_slice %dma_start3A_224[%dma_start3A_225, %dma_start3A_226] : memref<1024x8xi32, #tpu.memory_space<vmem>> -> memref<128x8xi32, #tpu.memory_space<vmem>>
        %dma_start3A_228 = arith.constant 0 : i32
        %dma_start3A_229 = tpu.memref_slice %arg7[%dma_start3A_219, %dma_start3A_228] : memref<2x1024xi32, #tpu.memory_space<vmem>> -> memref<1x1024xi32, #tpu.memory_space<vmem>>
        %dma_start3A_230 = tpu.memref_squeeze %dma_start3A_229 : memref<1x1024xi32, #tpu.memory_space<vmem>> -> memref<1024xi32, #tpu.memory_space<vmem>>
        %dma_start3A_231 = arith.constant 384 : i32
        %dma_start3A_232 = tpu.memref_slice %dma_start3A_230[%dma_start3A_231] : memref<1024xi32, #tpu.memory_space<vmem>> -> memref<128xi32, #tpu.memory_space<vmem>>
        %dma_start3A_233 = arith.constant 0 : i32
        %dma_start3A_234 = arith.constant 0 : i32
        %dma_start3A_235 = tpu.memref_slice %arg10[%dma_start3A_233, %dma_start3A_234] : memref<100000x8xi32, #tpu.memory_space<vmem_shared>> -> memref<100000x8xi32, #tpu.memory_space<vmem_shared>>
        tpu.enqueue_indirect_dma source(%dma_start3A_235 : memref<100000x8xi32, #tpu.memory_space<vmem_shared>>) target(%dma_start3A_227 : memref<128x8xi32, #tpu.memory_space<vmem>>) offsets(%dma_start3A_232 : memref<128xi32, #tpu.memory_space<vmem>>) semaphore(%arg11 : memref<!tpu.dma_semaphore, #tpu.memory_space<semaphore_mem>>)
        %dma_start3A_236 = arith.constant 0 : i32
        %dma_start3A_237 = arith.constant 0 : i32
        %dma_start3A_238 = arith.constant 0 : i32
        %dma_start3A_239 = arith.constant 0 : i32
        %dma_start3A_240 = tpu.memref_slice %arg8[%dma_start3A_237, %dma_start3A_238, %dma_start3A_239] : memref<2x1024x8xi32, #tpu.memory_space<vmem>> -> memref<1x1024x8xi32, #tpu.memory_space<vmem>>
        %dma_start3A_241 = tpu.memref_squeeze %dma_start3A_240 : memref<1x1024x8xi32, #tpu.memory_space<vmem>> -> memref<1024x8xi32, #tpu.memory_space<vmem>>
        %dma_start3A_242 = arith.constant 512 : i32
        %dma_start3A_243 = arith.constant 0 : i32
        %dma_start3A_244 = tpu.memref_slice %dma_start3A_241[%dma_start3A_242, %dma_start3A_243] : memref<1024x8xi32, #tpu.memory_space<vmem>> -> memref<128x8xi32, #tpu.memory_space<vmem>>
        %dma_start3A_245 = arith.constant 0 : i32
        %dma_start3A_246 = tpu.memref_slice %arg6[%dma_start3A_236, %dma_start3A_245] : memref<2x1024xi32, #tpu.memory_space<vmem>> -> memref<1x1024xi32, #tpu.memory_space<vmem>>
        %dma_start3A_247 = tpu.memref_squeeze %dma_start3A_246 : memref<1x1024xi32, #tpu.memory_space<vmem>> -> memref<1024xi32, #tpu.memory_space<vmem>>
        %dma_start3A_248 = arith.constant 512 : i32
        %dma_start3A_249 = tpu.memref_slice %dma_start3A_247[%dma_start3A_248] : memref<1024xi32, #tpu.memory_space<vmem>> -> memref<128xi32, #tpu.memory_space<vmem>>
        %dma_start3A_250 = arith.constant 0 : i32
        %dma_start3A_251 = arith.constant 0 : i32
        %dma_start3A_252 = tpu.memref_slice %arg10[%dma_start3A_250, %dma_start3A_251] : memref<100000x8xi32, #tpu.memory_space<vmem_shared>> -> memref<100000x8xi32, #tpu.memory_space<vmem_shared>>
        tpu.enqueue_indirect_dma source(%dma_start3A_252 : memref<100000x8xi32, #tpu.memory_space<vmem_shared>>) target(%dma_start3A_244 : memref<128x8xi32, #tpu.memory_space<vmem>>) offsets(%dma_start3A_249 : memref<128xi32, #tpu.memory_space<vmem>>) semaphore(%arg11 : memref<!tpu.dma_semaphore, #tpu.memory_space<semaphore_mem>>)
        %dma_start3A_253 = arith.constant 0 : i32
        %dma_start3A_254 = arith.constant 0 : i32
        %dma_start3A_255 = arith.constant 0 : i32
        %dma_start3A_256 = arith.constant 0 : i32
        %dma_start3A_257 = tpu.memref_slice %arg9[%dma_start3A_254, %dma_start3A_255, %dma_start3A_256] : memref<2x1024x8xi32, #tpu.memory_space<vmem>> -> memref<1x1024x8xi32, #tpu.memory_space<vmem>>
        %dma_start3A_258 = tpu.memref_squeeze %dma_start3A_257 : memref<1x1024x8xi32, #tpu.memory_space<vmem>> -> memref<1024x8xi32, #tpu.memory_space<vmem>>
        %dma_start3A_259 = arith.constant 512 : i32
        %dma_start3A_260 = arith.constant 0 : i32
        %dma_start3A_261 = tpu.memref_slice %dma_start3A_258[%dma_start3A_259, %dma_start3A_260] : memref<1024x8xi32, #tpu.memory_space<vmem>> -> memref<128x8xi32, #tpu.memory_space<vmem>>
        %dma_start3A_262 = arith.constant 0 : i32
        %dma_start3A_263 = tpu.memref_slice %arg7[%dma_start3A_253, %dma_start3A_262] : memref<2x1024xi32, #tpu.memory_space<vmem>> -> memref<1x1024xi32, #tpu.memory_space<vmem>>
        %dma_start3A_264 = tpu.memref_squeeze %dma_start3A_263 : memref<1x1024xi32, #tpu.memory_space<vmem>> -> memref<1024xi32, #tpu.memory_space<vmem>>
        %dma_start3A_265 = arith.constant 512 : i32
        %dma_start3A_266 = tpu.memref_slice %dma_start3A_264[%dma_start3A_265] : memref<1024xi32, #tpu.memory_space<vmem>> -> memref<128xi32, #tpu.memory_space<vmem>>
        %dma_start3A_267 = arith.constant 0 : i32
        %dma_start3A_268 = arith.constant 0 : i32
        %dma_start3A_269 = tpu.memref_slice %arg10[%dma_start3A_267, %dma_start3A_268] : memref<100000x8xi32, #tpu.memory_space<vmem_shared>> -> memref<100000x8xi32, #tpu.memory_space<vmem_shared>>
        tpu.enqueue_indirect_dma source(%dma_start3A_269 : memref<100000x8xi32, #tpu.memory_space<vmem_shared>>) target(%dma_start3A_261 : memref<128x8xi32, #tpu.memory_space<vmem>>) offsets(%dma_start3A_266 : memref<128xi32, #tpu.memory_space<vmem>>) semaphore(%arg11 : memref<!tpu.dma_semaphore, #tpu.memory_space<semaphore_mem>>)
        %dma_start3A_270 = arith.constant 0 : i32
        %dma_start3A_271 = arith.constant 0 : i32
        %dma_start3A_272 = arith.constant 0 : i32
        %dma_start3A_273 = arith.constant 0 : i32
        %dma_start3A_274 = tpu.memref_slice %arg8[%dma_start3A_271, %dma_start3A_272, %dma_start3A_273] : memref<2x1024x8xi32, #tpu.memory_space<vmem>> -> memref<1x1024x8xi32, #tpu.memory_space<vmem>>
        %dma_start3A_275 = tpu.memref_squeeze %dma_start3A_274 : memref<1x1024x8xi32, #tpu.memory_space<vmem>> -> memref<1024x8xi32, #tpu.memory_space<vmem>>
        %dma_start3A_276 = arith.constant 640 : i32
        %dma_start3A_277 = arith.constant 0 : i32
        %dma_start3A_278 = tpu.memref_slice %dma_start3A_275[%dma_start3A_276, %dma_start3A_277] : memref<1024x8xi32, #tpu.memory_space<vmem>> -> memref<128x8xi32, #tpu.memory_space<vmem>>
        %dma_start3A_279 = arith.constant 0 : i32
        %dma_start3A_280 = tpu.memref_slice %arg6[%dma_start3A_270, %dma_start3A_279] : memref<2x1024xi32, #tpu.memory_space<vmem>> -> memref<1x1024xi32, #tpu.memory_space<vmem>>
        %dma_start3A_281 = tpu.memref_squeeze %dma_start3A_280 : memref<1x1024xi32, #tpu.memory_space<vmem>> -> memref<1024xi32, #tpu.memory_space<vmem>>
        %dma_start3A_282 = arith.constant 640 : i32
        %dma_start3A_283 = tpu.memref_slice %dma_start3A_281[%dma_start3A_282] : memref<1024xi32, #tpu.memory_space<vmem>> -> memref<128xi32, #tpu.memory_space<vmem>>
        %dma_start3A_284 = arith.constant 0 : i32
        %dma_start3A_285 = arith.constant 0 : i32
        %dma_start3A_286 = tpu.memref_slice %arg10[%dma_start3A_284, %dma_start3A_285] : memref<100000x8xi32, #tpu.memory_space<vmem_shared>> -> memref<100000x8xi32, #tpu.memory_space<vmem_shared>>
        tpu.enqueue_indirect_dma source(%dma_start3A_286 : memref<100000x8xi32, #tpu.memory_space<vmem_shared>>) target(%dma_start3A_278 : memref<128x8xi32, #tpu.memory_space<vmem>>) offsets(%dma_start3A_283 : memref<128xi32, #tpu.memory_space<vmem>>) semaphore(%arg11 : memref<!tpu.dma_semaphore, #tpu.memory_space<semaphore_mem>>)
        %dma_start3A_287 = arith.constant 0 : i32
        %dma_start3A_288 = arith.constant 0 : i32
        %dma_start3A_289 = arith.constant 0 : i32
        %dma_start3A_290 = arith.constant 0 : i32
        %dma_start3A_291 = tpu.memref_slice %arg9[%dma_start3A_288, %dma_start3A_289, %dma_start3A_290] : memref<2x1024x8xi32, #tpu.memory_space<vmem>> -> memref<1x1024x8xi32, #tpu.memory_space<vmem>>
        %dma_start3A_292 = tpu.memref_squeeze %dma_start3A_291 : memref<1x1024x8xi32, #tpu.memory_space<vmem>> -> memref<1024x8xi32, #tpu.memory_space<vmem>>
        %dma_start3A_293 = arith.constant 640 : i32
        %dma_start3A_294 = arith.constant 0 : i32
        %dma_start3A_295 = tpu.memref_slice %dma_start3A_292[%dma_start3A_293, %dma_start3A_294] : memref<1024x8xi32, #tpu.memory_space<vmem>> -> memref<128x8xi32, #tpu.memory_space<vmem>>
        %dma_start3A_296 = arith.constant 0 : i32
        %dma_start3A_297 = tpu.memref_slice %arg7[%dma_start3A_287, %dma_start3A_296] : memref<2x1024xi32, #tpu.memory_space<vmem>> -> memref<1x1024xi32, #tpu.memory_space<vmem>>
        %dma_start3A_298 = tpu.memref_squeeze %dma_start3A_297 : memref<1x1024xi32, #tpu.memory_space<vmem>> -> memref<1024xi32, #tpu.memory_space<vmem>>
        %dma_start3A_299 = arith.constant 640 : i32
        %dma_start3A_300 = tpu.memref_slice %dma_start3A_298[%dma_start3A_299] : memref<1024xi32, #tpu.memory_space<vmem>> -> memref<128xi32, #tpu.memory_space<vmem>>
        %dma_start3A_301 = arith.constant 0 : i32
        %dma_start3A_302 = arith.constant 0 : i32
        %dma_start3A_303 = tpu.memref_slice %arg10[%dma_start3A_301, %dma_start3A_302] : memref<100000x8xi32, #tpu.memory_space<vmem_shared>> -> memref<100000x8xi32, #tpu.memory_space<vmem_shared>>
        tpu.enqueue_indirect_dma source(%dma_start3A_303 : memref<100000x8xi32, #tpu.memory_space<vmem_shared>>) target(%dma_start3A_295 : memref<128x8xi32, #tpu.memory_space<vmem>>) offsets(%dma_start3A_300 : memref<128xi32, #tpu.memory_space<vmem>>) semaphore(%arg11 : memref<!tpu.dma_semaphore, #tpu.memory_space<semaphore_mem>>)
        %dma_start3A_304 = arith.constant 0 : i32
        %dma_start3A_305 = arith.constant 0 : i32
        %dma_start3A_306 = arith.constant 0 : i32
        %dma_start3A_307 = arith.constant 0 : i32
        %dma_start3A_308 = tpu.memref_slice %arg8[%dma_start3A_305, %dma_start3A_306, %dma_start3A_307] : memref<2x1024x8xi32, #tpu.memory_space<vmem>> -> memref<1x1024x8xi32, #tpu.memory_space<vmem>>
        %dma_start3A_309 = tpu.memref_squeeze %dma_start3A_308 : memref<1x1024x8xi32, #tpu.memory_space<vmem>> -> memref<1024x8xi32, #tpu.memory_space<vmem>>
        %dma_start3A_310 = arith.constant 768 : i32
        %dma_start3A_311 = arith.constant 0 : i32
        %dma_start3A_312 = tpu.memref_slice %dma_start3A_309[%dma_start3A_310, %dma_start3A_311] : memref<1024x8xi32, #tpu.memory_space<vmem>> -> memref<128x8xi32, #tpu.memory_space<vmem>>
        %dma_start3A_313 = arith.constant 0 : i32
        %dma_start3A_314 = tpu.memref_slice %arg6[%dma_start3A_304, %dma_start3A_313] : memref<2x1024xi32, #tpu.memory_space<vmem>> -> memref<1x1024xi32, #tpu.memory_space<vmem>>
        %dma_start3A_315 = tpu.memref_squeeze %dma_start3A_314 : memref<1x1024xi32, #tpu.memory_space<vmem>> -> memref<1024xi32, #tpu.memory_space<vmem>>
        %dma_start3A_316 = arith.constant 768 : i32
        %dma_start3A_317 = tpu.memref_slice %dma_start3A_315[%dma_start3A_316] : memref<1024xi32, #tpu.memory_space<vmem>> -> memref<128xi32, #tpu.memory_space<vmem>>
        %dma_start3A_318 = arith.constant 0 : i32
        %dma_start3A_319 = arith.constant 0 : i32
        %dma_start3A_320 = tpu.memref_slice %arg10[%dma_start3A_318, %dma_start3A_319] : memref<100000x8xi32, #tpu.memory_space<vmem_shared>> -> memref<100000x8xi32, #tpu.memory_space<vmem_shared>>
        tpu.enqueue_indirect_dma source(%dma_start3A_320 : memref<100000x8xi32, #tpu.memory_space<vmem_shared>>) target(%dma_start3A_312 : memref<128x8xi32, #tpu.memory_space<vmem>>) offsets(%dma_start3A_317 : memref<128xi32, #tpu.memory_space<vmem>>) semaphore(%arg11 : memref<!tpu.dma_semaphore, #tpu.memory_space<semaphore_mem>>)
        %dma_start3A_321 = arith.constant 0 : i32
        %dma_start3A_322 = arith.constant 0 : i32
        %dma_start3A_323 = arith.constant 0 : i32
        %dma_start3A_324 = arith.constant 0 : i32
        %dma_start3A_325 = tpu.memref_slice %arg9[%dma_start3A_322, %dma_start3A_323, %dma_start3A_324] : memref<2x1024x8xi32, #tpu.memory_space<vmem>> -> memref<1x1024x8xi32, #tpu.memory_space<vmem>>
        %dma_start3A_326 = tpu.memref_squeeze %dma_start3A_325 : memref<1x1024x8xi32, #tpu.memory_space<vmem>> -> memref<1024x8xi32, #tpu.memory_space<vmem>>
        %dma_start3A_327 = arith.constant 768 : i32
        %dma_start3A_328 = arith.constant 0 : i32
        %dma_start3A_329 = tpu.memref_slice %dma_start3A_326[%dma_start3A_327, %dma_start3A_328] : memref<1024x8xi32, #tpu.memory_space<vmem>> -> memref<128x8xi32, #tpu.memory_space<vmem>>
        %dma_start3A_330 = arith.constant 0 : i32
        %dma_start3A_331 = tpu.memref_slice %arg7[%dma_start3A_321, %dma_start3A_330] : memref<2x1024xi32, #tpu.memory_space<vmem>> -> memref<1x1024xi32, #tpu.memory_space<vmem>>
        %dma_start3A_332 = tpu.memref_squeeze %dma_start3A_331 : memref<1x1024xi32, #tpu.memory_space<vmem>> -> memref<1024xi32, #tpu.memory_space<vmem>>
        %dma_start3A_333 = arith.constant 768 : i32
        %dma_start3A_334 = tpu.memref_slice %dma_start3A_332[%dma_start3A_333] : memref<1024xi32, #tpu.memory_space<vmem>> -> memref<128xi32, #tpu.memory_space<vmem>>
        %dma_start3A_335 = arith.constant 0 : i32
        %dma_start3A_336 = arith.constant 0 : i32
        %dma_start3A_337 = tpu.memref_slice %arg10[%dma_start3A_335, %dma_start3A_336] : memref<100000x8xi32, #tpu.memory_space<vmem_shared>> -> memref<100000x8xi32, #tpu.memory_space<vmem_shared>>
        tpu.enqueue_indirect_dma source(%dma_start3A_337 : memref<100000x8xi32, #tpu.memory_space<vmem_shared>>) target(%dma_start3A_329 : memref<128x8xi32, #tpu.memory_space<vmem>>) offsets(%dma_start3A_334 : memref<128xi32, #tpu.memory_space<vmem>>) semaphore(%arg11 : memref<!tpu.dma_semaphore, #tpu.memory_space<semaphore_mem>>)
        %dma_start3A_338 = arith.constant 0 : i32
        %dma_start3A_339 = arith.constant 0 : i32
        %dma_start3A_340 = arith.constant 0 : i32
        %dma_start3A_341 = arith.constant 0 : i32
        %dma_start3A_342 = tpu.memref_slice %arg8[%dma_start3A_339, %dma_start3A_340, %dma_start3A_341] : memref<2x1024x8xi32, #tpu.memory_space<vmem>> -> memref<1x1024x8xi32, #tpu.memory_space<vmem>>
        %dma_start3A_343 = tpu.memref_squeeze %dma_start3A_342 : memref<1x1024x8xi32, #tpu.memory_space<vmem>> -> memref<1024x8xi32, #tpu.memory_space<vmem>>
        %dma_start3A_344 = arith.constant 896 : i32
        %dma_start3A_345 = arith.constant 0 : i32
        %dma_start3A_346 = tpu.memref_slice %dma_start3A_343[%dma_start3A_344, %dma_start3A_345] : memref<1024x8xi32, #tpu.memory_space<vmem>> -> memref<128x8xi32, #tpu.memory_space<vmem>>
        %dma_start3A_347 = arith.constant 0 : i32
        %dma_start3A_348 = tpu.memref_slice %arg6[%dma_start3A_338, %dma_start3A_347] : memref<2x1024xi32, #tpu.memory_space<vmem>> -> memref<1x1024xi32, #tpu.memory_space<vmem>>
        %dma_start3A_349 = tpu.memref_squeeze %dma_start3A_348 : memref<1x1024xi32, #tpu.memory_space<vmem>> -> memref<1024xi32, #tpu.memory_space<vmem>>
        %dma_start3A_350 = arith.constant 896 : i32
        %dma_start3A_351 = tpu.memref_slice %dma_start3A_349[%dma_start3A_350] : memref<1024xi32, #tpu.memory_space<vmem>> -> memref<128xi32, #tpu.memory_space<vmem>>
        %dma_start3A_352 = arith.constant 0 : i32
        %dma_start3A_353 = arith.constant 0 : i32
        %dma_start3A_354 = tpu.memref_slice %arg10[%dma_start3A_352, %dma_start3A_353] : memref<100000x8xi32, #tpu.memory_space<vmem_shared>> -> memref<100000x8xi32, #tpu.memory_space<vmem_shared>>
        tpu.enqueue_indirect_dma source(%dma_start3A_354 : memref<100000x8xi32, #tpu.memory_space<vmem_shared>>) target(%dma_start3A_346 : memref<128x8xi32, #tpu.memory_space<vmem>>) offsets(%dma_start3A_351 : memref<128xi32, #tpu.memory_space<vmem>>) semaphore(%arg11 : memref<!tpu.dma_semaphore, #tpu.memory_space<semaphore_mem>>)
        %dma_start3A_355 = arith.constant 0 : i32
        %dma_start3A_356 = arith.constant 0 : i32
        %dma_start3A_357 = arith.constant 0 : i32
        %dma_start3A_358 = arith.constant 0 : i32
        %dma_start3A_359 = tpu.memref_slice %arg9[%dma_start3A_356, %dma_start3A_357, %dma_start3A_358] : memref<2x1024x8xi32, #tpu.memory_space<vmem>> -> memref<1x1024x8xi32, #tpu.memory_space<vmem>>
        %dma_start3A_360 = tpu.memref_squeeze %dma_start3A_359 : memref<1x1024x8xi32, #tpu.memory_space<vmem>> -> memref<1024x8xi32, #tpu.memory_space<vmem>>
        %dma_start3A_361 = arith.constant 896 : i32
        %dma_start3A_362 = arith.constant 0 : i32
        %dma_start3A_363 = tpu.memref_slice %dma_start3A_360[%dma_start3A_361, %dma_start3A_362] : memref<1024x8xi32, #tpu.memory_space<vmem>> -> memref<128x8xi32, #tpu.memory_space<vmem>>
        %dma_start3A_364 = arith.constant 0 : i32
        %dma_start3A_365 = tpu.memref_slice %arg7[%dma_start3A_355, %dma_start3A_364] : memref<2x1024xi32, #tpu.memory_space<vmem>> -> memref<1x1024xi32, #tpu.memory_space<vmem>>
        %dma_start3A_366 = tpu.memref_squeeze %dma_start3A_365 : memref<1x1024xi32, #tpu.memory_space<vmem>> -> memref<1024xi32, #tpu.memory_space<vmem>>
        %dma_start3A_367 = arith.constant 896 : i32
        %dma_start3A_368 = tpu.memref_slice %dma_start3A_366[%dma_start3A_367] : memref<1024xi32, #tpu.memory_space<vmem>> -> memref<128xi32, #tpu.memory_space<vmem>>
        %dma_start3A_369 = arith.constant 0 : i32
        %dma_start3A_370 = arith.constant 0 : i32
        %dma_start3A_371 = tpu.memref_slice %arg10[%dma_start3A_369, %dma_start3A_370] : memref<100000x8xi32, #tpu.memory_space<vmem_shared>> -> memref<100000x8xi32, #tpu.memory_space<vmem_shared>>
        tpu.enqueue_indirect_dma source(%dma_start3A_371 : memref<100000x8xi32, #tpu.memory_space<vmem_shared>>) target(%dma_start3A_363 : memref<128x8xi32, #tpu.memory_space<vmem>>) offsets(%dma_start3A_368 : memref<128xi32, #tpu.memory_space<vmem>>) semaphore(%arg11 : memref<!tpu.dma_semaphore, #tpu.memory_space<semaphore_mem>>)
        %dma_wait3A_372 = arith.constant 0 : i32
        %dma_wait3A_373 = arith.constant 0 : i32
        %dma_wait3A_374 = arith.constant 0 : i32
        %dma_wait3A_375 = arith.constant 0 : i32
        %dma_wait3A_376 = tpu.memref_slice %arg8[%dma_wait3A_373, %dma_wait3A_374, %dma_wait3A_375] : memref<2x1024x8xi32, #tpu.memory_space<vmem>> -> memref<1x1024x8xi32, #tpu.memory_space<vmem>>
        %dma_wait3A_377 = tpu.memref_squeeze %dma_wait3A_376 : memref<1x1024x8xi32, #tpu.memory_space<vmem>> -> memref<1024x8xi32, #tpu.memory_space<vmem>>
        %dma_wait3A_378 = arith.constant 0 : i32
        %dma_wait3A_379 = arith.constant 0 : i32
        %dma_wait3A_380 = tpu.memref_slice %dma_wait3A_377[%dma_wait3A_378, %dma_wait3A_379] : memref<1024x8xi32, #tpu.memory_space<vmem>> -> memref<128x8xi32, #tpu.memory_space<vmem>>
        %dma_wait3A_381 = arith.constant 0 : i32
        %dma_wait3A_382 = tpu.memref_slice %arg6[%dma_wait3A_372, %dma_wait3A_381] : memref<2x1024xi32, #tpu.memory_space<vmem>> -> memref<1x1024xi32, #tpu.memory_space<vmem>>
        %dma_wait3A_383 = tpu.memref_squeeze %dma_wait3A_382 : memref<1x1024xi32, #tpu.memory_space<vmem>> -> memref<1024xi32, #tpu.memory_space<vmem>>
        %dma_wait3A_384 = arith.constant 0 : i32
        %dma_wait3A_385 = tpu.memref_slice %dma_wait3A_383[%dma_wait3A_384] : memref<1024xi32, #tpu.memory_space<vmem>> -> memref<128xi32, #tpu.memory_space<vmem>>
        %dma_wait3A_386 = arith.constant 0 : i32
        %dma_wait3A_387 = arith.constant 0 : i32
        %dma_wait3A_388 = tpu.memref_slice %arg10[%dma_wait3A_386, %dma_wait3A_387] : memref<100000x8xi32, #tpu.memory_space<vmem_shared>> -> memref<100000x8xi32, #tpu.memory_space<vmem_shared>>
        tpu.wait_indirect_dma semaphore(%arg11 : memref<!tpu.dma_semaphore, #tpu.memory_space<semaphore_mem>>) src(%dma_wait3A_388 : memref<100000x8xi32, #tpu.memory_space<vmem_shared>>) dst(%dma_wait3A_380 : memref<128x8xi32, #tpu.memory_space<vmem>>)
        %dma_wait3A_389 = arith.constant 0 : i32
        %dma_wait3A_390 = arith.constant 0 : i32
        %dma_wait3A_391 = arith.constant 0 : i32
        %dma_wait3A_392 = arith.constant 0 : i32
        %dma_wait3A_393 = tpu.memref_slice %arg9[%dma_wait3A_390, %dma_wait3A_391, %dma_wait3A_392] : memref<2x1024x8xi32, #tpu.memory_space<vmem>> -> memref<1x1024x8xi32, #tpu.memory_space<vmem>>
        %dma_wait3A_394 = tpu.memref_squeeze %dma_wait3A_393 : memref<1x1024x8xi32, #tpu.memory_space<vmem>> -> memref<1024x8xi32, #tpu.memory_space<vmem>>
        %dma_wait3A_395 = arith.constant 0 : i32
        %dma_wait3A_396 = arith.constant 0 : i32
        %dma_wait3A_397 = tpu.memref_slice %dma_wait3A_394[%dma_wait3A_395, %dma_wait3A_396] : memref<1024x8xi32, #tpu.memory_space<vmem>> -> memref<128x8xi32, #tpu.memory_space<vmem>>
        %dma_wait3A_398 = arith.constant 0 : i32
        %dma_wait3A_399 = tpu.memref_slice %arg7[%dma_wait3A_389, %dma_wait3A_398] : memref<2x1024xi32, #tpu.memory_space<vmem>> -> memref<1x1024xi32, #tpu.memory_space<vmem>>
        %dma_wait3A_400 = tpu.memref_squeeze %dma_wait3A_399 : memref<1x1024xi32, #tpu.memory_space<vmem>> -> memref<1024xi32, #tpu.memory_space<vmem>>
        %dma_wait3A_401 = arith.constant 0 : i32
        %dma_wait3A_402 = tpu.memref_slice %dma_wait3A_400[%dma_wait3A_401] : memref<1024xi32, #tpu.memory_space<vmem>> -> memref<128xi32, #tpu.memory_space<vmem>>
        %dma_wait3A_403 = arith.constant 0 : i32
        %dma_wait3A_404 = arith.constant 0 : i32
        %dma_wait3A_405 = tpu.memref_slice %arg10[%dma_wait3A_403, %dma_wait3A_404] : memref<100000x8xi32, #tpu.memory_space<vmem_shared>> -> memref<100000x8xi32, #tpu.memory_space<vmem_shared>>
        tpu.wait_indirect_dma semaphore(%arg11 : memref<!tpu.dma_semaphore, #tpu.memory_space<semaphore_mem>>) src(%dma_wait3A_405 : memref<100000x8xi32, #tpu.memory_space<vmem_shared>>) dst(%dma_wait3A_397 : memref<128x8xi32, #tpu.memory_space<vmem>>)
        %dma_wait3A_406 = arith.constant 0 : i32
        %dma_wait3A_407 = arith.constant 0 : i32
        %dma_wait3A_408 = arith.constant 0 : i32
        %dma_wait3A_409 = arith.constant 0 : i32
        %dma_wait3A_410 = tpu.memref_slice %arg8[%dma_wait3A_407, %dma_wait3A_408, %dma_wait3A_409] : memref<2x1024x8xi32, #tpu.memory_space<vmem>> -> memref<1x1024x8xi32, #tpu.memory_space<vmem>>
        %dma_wait3A_411 = tpu.memref_squeeze %dma_wait3A_410 : memref<1x1024x8xi32, #tpu.memory_space<vmem>> -> memref<1024x8xi32, #tpu.memory_space<vmem>>
        %dma_wait3A_412 = arith.constant 128 : i32
        %dma_wait3A_413 = arith.constant 0 : i32
        %dma_wait3A_414 = tpu.memref_slice %dma_wait3A_411[%dma_wait3A_412, %dma_wait3A_413] : memref<1024x8xi32, #tpu.memory_space<vmem>> -> memref<128x8xi32, #tpu.memory_space<vmem>>
        %dma_wait3A_415 = arith.constant 0 : i32
        %dma_wait3A_416 = tpu.memref_slice %arg6[%dma_wait3A_406, %dma_wait3A_415] : memref<2x1024xi32, #tpu.memory_space<vmem>> -> memref<1x1024xi32, #tpu.memory_space<vmem>>
        %dma_wait3A_417 = tpu.memref_squeeze %dma_wait3A_416 : memref<1x1024xi32, #tpu.memory_space<vmem>> -> memref<1024xi32, #tpu.memory_space<vmem>>
        %dma_wait3A_418 = arith.constant 128 : i32
        %dma_wait3A_419 = tpu.memref_slice %dma_wait3A_417[%dma_wait3A_418] : memref<1024xi32, #tpu.memory_space<vmem>> -> memref<128xi32, #tpu.memory_space<vmem>>
        %dma_wait3A_420 = arith.constant 0 : i32
        %dma_wait3A_421 = arith.constant 0 : i32
        %dma_wait3A_422 = tpu.memref_slice %arg10[%dma_wait3A_420, %dma_wait3A_421] : memref<100000x8xi32, #tpu.memory_space<vmem_shared>> -> memref<100000x8xi32, #tpu.memory_space<vmem_shared>>
        tpu.wait_indirect_dma semaphore(%arg11 : memref<!tpu.dma_semaphore, #tpu.memory_space<semaphore_mem>>) src(%dma_wait3A_422 : memref<100000x8xi32, #tpu.memory_space<vmem_shared>>) dst(%dma_wait3A_414 : memref<128x8xi32, #tpu.memory_space<vmem>>)
        %dma_wait3A_423 = arith.constant 0 : i32
        %dma_wait3A_424 = arith.constant 0 : i32
        %dma_wait3A_425 = arith.constant 0 : i32
        %dma_wait3A_426 = arith.constant 0 : i32
        %dma_wait3A_427 = tpu.memref_slice %arg9[%dma_wait3A_424, %dma_wait3A_425, %dma_wait3A_426] : memref<2x1024x8xi32, #tpu.memory_space<vmem>> -> memref<1x1024x8xi32, #tpu.memory_space<vmem>>
        %dma_wait3A_428 = tpu.memref_squeeze %dma_wait3A_427 : memref<1x1024x8xi32, #tpu.memory_space<vmem>> -> memref<1024x8xi32, #tpu.memory_space<vmem>>
        %dma_wait3A_429 = arith.constant 128 : i32
        %dma_wait3A_430 = arith.constant 0 : i32
        %dma_wait3A_431 = tpu.memref_slice %dma_wait3A_428[%dma_wait3A_429, %dma_wait3A_430] : memref<1024x8xi32, #tpu.memory_space<vmem>> -> memref<128x8xi32, #tpu.memory_space<vmem>>
        %dma_wait3A_432 = arith.constant 0 : i32
        %dma_wait3A_433 = tpu.memref_slice %arg7[%dma_wait3A_423, %dma_wait3A_432] : memref<2x1024xi32, #tpu.memory_space<vmem>> -> memref<1x1024xi32, #tpu.memory_space<vmem>>
        %dma_wait3A_434 = tpu.memref_squeeze %dma_wait3A_433 : memref<1x1024xi32, #tpu.memory_space<vmem>> -> memref<1024xi32, #tpu.memory_space<vmem>>
        %dma_wait3A_435 = arith.constant 128 : i32
        %dma_wait3A_436 = tpu.memref_slice %dma_wait3A_434[%dma_wait3A_435] : memref<1024xi32, #tpu.memory_space<vmem>> -> memref<128xi32, #tpu.memory_space<vmem>>
        %dma_wait3A_437 = arith.constant 0 : i32
        %dma_wait3A_438 = arith.constant 0 : i32
        %dma_wait3A_439 = tpu.memref_slice %arg10[%dma_wait3A_437, %dma_wait3A_438] : memref<100000x8xi32, #tpu.memory_space<vmem_shared>> -> memref<100000x8xi32, #tpu.memory_space<vmem_shared>>
        tpu.wait_indirect_dma semaphore(%arg11 : memref<!tpu.dma_semaphore, #tpu.memory_space<semaphore_mem>>) src(%dma_wait3A_439 : memref<100000x8xi32, #tpu.memory_space<vmem_shared>>) dst(%dma_wait3A_431 : memref<128x8xi32, #tpu.memory_space<vmem>>)
        %dma_wait3A_440 = arith.constant 0 : i32
        %dma_wait3A_441 = arith.constant 0 : i32
        %dma_wait3A_442 = arith.constant 0 : i32
        %dma_wait3A_443 = arith.constant 0 : i32
        %dma_wait3A_444 = tpu.memref_slice %arg8[%dma_wait3A_441, %dma_wait3A_442, %dma_wait3A_443] : memref<2x1024x8xi32, #tpu.memory_space<vmem>> -> memref<1x1024x8xi32, #tpu.memory_space<vmem>>
        %dma_wait3A_445 = tpu.memref_squeeze %dma_wait3A_444 : memref<1x1024x8xi32, #tpu.memory_space<vmem>> -> memref<1024x8xi32, #tpu.memory_space<vmem>>
        %dma_wait3A_446 = arith.constant 256 : i32
        %dma_wait3A_447 = arith.constant 0 : i32
        %dma_wait3A_448 = tpu.memref_slice %dma_wait3A_445[%dma_wait3A_446, %dma_wait3A_447] : memref<1024x8xi32, #tpu.memory_space<vmem>> -> memref<128x8xi32, #tpu.memory_space<vmem>>
        %dma_wait3A_449 = arith.constant 0 : i32
        %dma_wait3A_450 = tpu.memref_slice %arg6[%dma_wait3A_440, %dma_wait3A_449] : memref<2x1024xi32, #tpu.memory_space<vmem>> -> memref<1x1024xi32, #tpu.memory_space<vmem>>
        %dma_wait3A_451 = tpu.memref_squeeze %dma_wait3A_450 : memref<1x1024xi32, #tpu.memory_space<vmem>> -> memref<1024xi32, #tpu.memory_space<vmem>>
        %dma_wait3A_452 = arith.constant 256 : i32
        %dma_wait3A_453 = tpu.memref_slice %dma_wait3A_451[%dma_wait3A_452] : memref<1024xi32, #tpu.memory_space<vmem>> -> memref<128xi32, #tpu.memory_space<vmem>>
        %dma_wait3A_454 = arith.constant 0 : i32
        %dma_wait3A_455 = arith.constant 0 : i32
        %dma_wait3A_456 = tpu.memref_slice %arg10[%dma_wait3A_454, %dma_wait3A_455] : memref<100000x8xi32, #tpu.memory_space<vmem_shared>> -> memref<100000x8xi32, #tpu.memory_space<vmem_shared>>
        tpu.wait_indirect_dma semaphore(%arg11 : memref<!tpu.dma_semaphore, #tpu.memory_space<semaphore_mem>>) src(%dma_wait3A_456 : memref<100000x8xi32, #tpu.memory_space<vmem_shared>>) dst(%dma_wait3A_448 : memref<128x8xi32, #tpu.memory_space<vmem>>)
        %dma_wait3A_457 = arith.constant 0 : i32
        %dma_wait3A_458 = arith.constant 0 : i32
        %dma_wait3A_459 = arith.constant 0 : i32
        %dma_wait3A_460 = arith.constant 0 : i32
        %dma_wait3A_461 = tpu.memref_slice %arg9[%dma_wait3A_458, %dma_wait3A_459, %dma_wait3A_460] : memref<2x1024x8xi32, #tpu.memory_space<vmem>> -> memref<1x1024x8xi32, #tpu.memory_space<vmem>>
        %dma_wait3A_462 = tpu.memref_squeeze %dma_wait3A_461 : memref<1x1024x8xi32, #tpu.memory_space<vmem>> -> memref<1024x8xi32, #tpu.memory_space<vmem>>
        %dma_wait3A_463 = arith.constant 256 : i32
        %dma_wait3A_464 = arith.constant 0 : i32
        %dma_wait3A_465 = tpu.memref_slice %dma_wait3A_462[%dma_wait3A_463, %dma_wait3A_464] : memref<1024x8xi32, #tpu.memory_space<vmem>> -> memref<128x8xi32, #tpu.memory_space<vmem>>
        %dma_wait3A_466 = arith.constant 0 : i32
        %dma_wait3A_467 = tpu.memref_slice %arg7[%dma_wait3A_457, %dma_wait3A_466] : memref<2x1024xi32, #tpu.memory_space<vmem>> -> memref<1x1024xi32, #tpu.memory_space<vmem>>
        %dma_wait3A_468 = tpu.memref_squeeze %dma_wait3A_467 : memref<1x1024xi32, #tpu.memory_space<vmem>> -> memref<1024xi32, #tpu.memory_space<vmem>>
        %dma_wait3A_469 = arith.constant 256 : i32
        %dma_wait3A_470 = tpu.memref_slice %dma_wait3A_468[%dma_wait3A_469] : memref<1024xi32, #tpu.memory_space<vmem>> -> memref<128xi32, #tpu.memory_space<vmem>>
        %dma_wait3A_471 = arith.constant 0 : i32
        %dma_wait3A_472 = arith.constant 0 : i32
        %dma_wait3A_473 = tpu.memref_slice %arg10[%dma_wait3A_471, %dma_wait3A_472] : memref<100000x8xi32, #tpu.memory_space<vmem_shared>> -> memref<100000x8xi32, #tpu.memory_space<vmem_shared>>
        tpu.wait_indirect_dma semaphore(%arg11 : memref<!tpu.dma_semaphore, #tpu.memory_space<semaphore_mem>>) src(%dma_wait3A_473 : memref<100000x8xi32, #tpu.memory_space<vmem_shared>>) dst(%dma_wait3A_465 : memref<128x8xi32, #tpu.memory_space<vmem>>)
        %dma_wait3A_474 = arith.constant 0 : i32
        %dma_wait3A_475 = arith.constant 0 : i32
        %dma_wait3A_476 = arith.constant 0 : i32
        %dma_wait3A_477 = arith.constant 0 : i32
        %dma_wait3A_478 = tpu.memref_slice %arg8[%dma_wait3A_475, %dma_wait3A_476, %dma_wait3A_477] : memref<2x1024x8xi32, #tpu.memory_space<vmem>> -> memref<1x1024x8xi32, #tpu.memory_space<vmem>>
        %dma_wait3A_479 = tpu.memref_squeeze %dma_wait3A_478 : memref<1x1024x8xi32, #tpu.memory_space<vmem>> -> memref<1024x8xi32, #tpu.memory_space<vmem>>
        %dma_wait3A_480 = arith.constant 384 : i32
        %dma_wait3A_481 = arith.constant 0 : i32
        %dma_wait3A_482 = tpu.memref_slice %dma_wait3A_479[%dma_wait3A_480, %dma_wait3A_481] : memref<1024x8xi32, #tpu.memory_space<vmem>> -> memref<128x8xi32, #tpu.memory_space<vmem>>
        %dma_wait3A_483 = arith.constant 0 : i32
        %dma_wait3A_484 = tpu.memref_slice %arg6[%dma_wait3A_474, %dma_wait3A_483] : memref<2x1024xi32, #tpu.memory_space<vmem>> -> memref<1x1024xi32, #tpu.memory_space<vmem>>
        %dma_wait3A_485 = tpu.memref_squeeze %dma_wait3A_484 : memref<1x1024xi32, #tpu.memory_space<vmem>> -> memref<1024xi32, #tpu.memory_space<vmem>>
        %dma_wait3A_486 = arith.constant 384 : i32
        %dma_wait3A_487 = tpu.memref_slice %dma_wait3A_485[%dma_wait3A_486] : memref<1024xi32, #tpu.memory_space<vmem>> -> memref<128xi32, #tpu.memory_space<vmem>>
        %dma_wait3A_488 = arith.constant 0 : i32
        %dma_wait3A_489 = arith.constant 0 : i32
        %dma_wait3A_490 = tpu.memref_slice %arg10[%dma_wait3A_488, %dma_wait3A_489] : memref<100000x8xi32, #tpu.memory_space<vmem_shared>> -> memref<100000x8xi32, #tpu.memory_space<vmem_shared>>
        tpu.wait_indirect_dma semaphore(%arg11 : memref<!tpu.dma_semaphore, #tpu.memory_space<semaphore_mem>>) src(%dma_wait3A_490 : memref<100000x8xi32, #tpu.memory_space<vmem_shared>>) dst(%dma_wait3A_482 : memref<128x8xi32, #tpu.memory_space<vmem>>)
        %dma_wait3A_491 = arith.constant 0 : i32
        %dma_wait3A_492 = arith.constant 0 : i32
        %dma_wait3A_493 = arith.constant 0 : i32
        %dma_wait3A_494 = arith.constant 0 : i32
        %dma_wait3A_495 = tpu.memref_slice %arg9[%dma_wait3A_492, %dma_wait3A_493, %dma_wait3A_494] : memref<2x1024x8xi32, #tpu.memory_space<vmem>> -> memref<1x1024x8xi32, #tpu.memory_space<vmem>>
        %dma_wait3A_496 = tpu.memref_squeeze %dma_wait3A_495 : memref<1x1024x8xi32, #tpu.memory_space<vmem>> -> memref<1024x8xi32, #tpu.memory_space<vmem>>
        %dma_wait3A_497 = arith.constant 384 : i32
        %dma_wait3A_498 = arith.constant 0 : i32
        %dma_wait3A_499 = tpu.memref_slice %dma_wait3A_496[%dma_wait3A_497, %dma_wait3A_498] : memref<1024x8xi32, #tpu.memory_space<vmem>> -> memref<128x8xi32, #tpu.memory_space<vmem>>
        %dma_wait3A_500 = arith.constant 0 : i32
        %dma_wait3A_501 = tpu.memref_slice %arg7[%dma_wait3A_491, %dma_wait3A_500] : memref<2x1024xi32, #tpu.memory_space<vmem>> -> memref<1x1024xi32, #tpu.memory_space<vmem>>
        %dma_wait3A_502 = tpu.memref_squeeze %dma_wait3A_501 : memref<1x1024xi32, #tpu.memory_space<vmem>> -> memref<1024xi32, #tpu.memory_space<vmem>>
        %dma_wait3A_503 = arith.constant 384 : i32
        %dma_wait3A_504 = tpu.memref_slice %dma_wait3A_502[%dma_wait3A_503] : memref<1024xi32, #tpu.memory_space<vmem>> -> memref<128xi32, #tpu.memory_space<vmem>>
        %dma_wait3A_505 = arith.constant 0 : i32
        %dma_wait3A_506 = arith.constant 0 : i32
        %dma_wait3A_507 = tpu.memref_slice %arg10[%dma_wait3A_505, %dma_wait3A_506] : memref<100000x8xi32, #tpu.memory_space<vmem_shared>> -> memref<100000x8xi32, #tpu.memory_space<vmem_shared>>
        tpu.wait_indirect_dma semaphore(%arg11 : memref<!tpu.dma_semaphore, #tpu.memory_space<semaphore_mem>>) src(%dma_wait3A_507 : memref<100000x8xi32, #tpu.memory_space<vmem_shared>>) dst(%dma_wait3A_499 : memref<128x8xi32, #tpu.memory_space<vmem>>)
        %dma_wait3A_508 = arith.constant 0 : i32
        %dma_wait3A_509 = arith.constant 0 : i32
        %dma_wait3A_510 = arith.constant 0 : i32
        %dma_wait3A_511 = arith.constant 0 : i32
        %dma_wait3A_512 = tpu.memref_slice %arg8[%dma_wait3A_509, %dma_wait3A_510, %dma_wait3A_511] : memref<2x1024x8xi32, #tpu.memory_space<vmem>> -> memref<1x1024x8xi32, #tpu.memory_space<vmem>>
        %dma_wait3A_513 = tpu.memref_squeeze %dma_wait3A_512 : memref<1x1024x8xi32, #tpu.memory_space<vmem>> -> memref<1024x8xi32, #tpu.memory_space<vmem>>
        %dma_wait3A_514 = arith.constant 512 : i32
        %dma_wait3A_515 = arith.constant 0 : i32
        %dma_wait3A_516 = tpu.memref_slice %dma_wait3A_513[%dma_wait3A_514, %dma_wait3A_515] : memref<1024x8xi32, #tpu.memory_space<vmem>> -> memref<128x8xi32, #tpu.memory_space<vmem>>
        %dma_wait3A_517 = arith.constant 0 : i32
        %dma_wait3A_518 = tpu.memref_slice %arg6[%dma_wait3A_508, %dma_wait3A_517] : memref<2x1024xi32, #tpu.memory_space<vmem>> -> memref<1x1024xi32, #tpu.memory_space<vmem>>
        %dma_wait3A_519 = tpu.memref_squeeze %dma_wait3A_518 : memref<1x1024xi32, #tpu.memory_space<vmem>> -> memref<1024xi32, #tpu.memory_space<vmem>>
        %dma_wait3A_520 = arith.constant 512 : i32
        %dma_wait3A_521 = tpu.memref_slice %dma_wait3A_519[%dma_wait3A_520] : memref<1024xi32, #tpu.memory_space<vmem>> -> memref<128xi32, #tpu.memory_space<vmem>>
        %dma_wait3A_522 = arith.constant 0 : i32
        %dma_wait3A_523 = arith.constant 0 : i32
        %dma_wait3A_524 = tpu.memref_slice %arg10[%dma_wait3A_522, %dma_wait3A_523] : memref<100000x8xi32, #tpu.memory_space<vmem_shared>> -> memref<100000x8xi32, #tpu.memory_space<vmem_shared>>
        tpu.wait_indirect_dma semaphore(%arg11 : memref<!tpu.dma_semaphore, #tpu.memory_space<semaphore_mem>>) src(%dma_wait3A_524 : memref<100000x8xi32, #tpu.memory_space<vmem_shared>>) dst(%dma_wait3A_516 : memref<128x8xi32, #tpu.memory_space<vmem>>)
        %dma_wait3A_525 = arith.constant 0 : i32
        %dma_wait3A_526 = arith.constant 0 : i32
        %dma_wait3A_527 = arith.constant 0 : i32
        %dma_wait3A_528 = arith.constant 0 : i32
        %dma_wait3A_529 = tpu.memref_slice %arg9[%dma_wait3A_526, %dma_wait3A_527, %dma_wait3A_528] : memref<2x1024x8xi32, #tpu.memory_space<vmem>> -> memref<1x1024x8xi32, #tpu.memory_space<vmem>>
        %dma_wait3A_530 = tpu.memref_squeeze %dma_wait3A_529 : memref<1x1024x8xi32, #tpu.memory_space<vmem>> -> memref<1024x8xi32, #tpu.memory_space<vmem>>
        %dma_wait3A_531 = arith.constant 512 : i32
        %dma_wait3A_532 = arith.constant 0 : i32
        %dma_wait3A_533 = tpu.memref_slice %dma_wait3A_530[%dma_wait3A_531, %dma_wait3A_532] : memref<1024x8xi32, #tpu.memory_space<vmem>> -> memref<128x8xi32, #tpu.memory_space<vmem>>
        %dma_wait3A_534 = arith.constant 0 : i32
        %dma_wait3A_535 = tpu.memref_slice %arg7[%dma_wait3A_525, %dma_wait3A_534] : memref<2x1024xi32, #tpu.memory_space<vmem>> -> memref<1x1024xi32, #tpu.memory_space<vmem>>
        %dma_wait3A_536 = tpu.memref_squeeze %dma_wait3A_535 : memref<1x1024xi32, #tpu.memory_space<vmem>> -> memref<1024xi32, #tpu.memory_space<vmem>>
        %dma_wait3A_537 = arith.constant 512 : i32
        %dma_wait3A_538 = tpu.memref_slice %dma_wait3A_536[%dma_wait3A_537] : memref<1024xi32, #tpu.memory_space<vmem>> -> memref<128xi32, #tpu.memory_space<vmem>>
        %dma_wait3A_539 = arith.constant 0 : i32
        %dma_wait3A_540 = arith.constant 0 : i32
        %dma_wait3A_541 = tpu.memref_slice %arg10[%dma_wait3A_539, %dma_wait3A_540] : memref<100000x8xi32, #tpu.memory_space<vmem_shared>> -> memref<100000x8xi32, #tpu.memory_space<vmem_shared>>
        tpu.wait_indirect_dma semaphore(%arg11 : memref<!tpu.dma_semaphore, #tpu.memory_space<semaphore_mem>>) src(%dma_wait3A_541 : memref<100000x8xi32, #tpu.memory_space<vmem_shared>>) dst(%dma_wait3A_533 : memref<128x8xi32, #tpu.memory_space<vmem>>)
        %dma_wait3A_542 = arith.constant 0 : i32
        %dma_wait3A_543 = arith.constant 0 : i32
        %dma_wait3A_544 = arith.constant 0 : i32
        %dma_wait3A_545 = arith.constant 0 : i32
        %dma_wait3A_546 = tpu.memref_slice %arg8[%dma_wait3A_543, %dma_wait3A_544, %dma_wait3A_545] : memref<2x1024x8xi32, #tpu.memory_space<vmem>> -> memref<1x1024x8xi32, #tpu.memory_space<vmem>>
        %dma_wait3A_547 = tpu.memref_squeeze %dma_wait3A_546 : memref<1x1024x8xi32, #tpu.memory_space<vmem>> -> memref<1024x8xi32, #tpu.memory_space<vmem>>
        %dma_wait3A_548 = arith.constant 640 : i32
        %dma_wait3A_549 = arith.constant 0 : i32
        %dma_wait3A_550 = tpu.memref_slice %dma_wait3A_547[%dma_wait3A_548, %dma_wait3A_549] : memref<1024x8xi32, #tpu.memory_space<vmem>> -> memref<128x8xi32, #tpu.memory_space<vmem>>
        %dma_wait3A_551 = arith.constant 0 : i32
        %dma_wait3A_552 = tpu.memref_slice %arg6[%dma_wait3A_542, %dma_wait3A_551] : memref<2x1024xi32, #tpu.memory_space<vmem>> -> memref<1x1024xi32, #tpu.memory_space<vmem>>
        %dma_wait3A_553 = tpu.memref_squeeze %dma_wait3A_552 : memref<1x1024xi32, #tpu.memory_space<vmem>> -> memref<1024xi32, #tpu.memory_space<vmem>>
        %dma_wait3A_554 = arith.constant 640 : i32
        %dma_wait3A_555 = tpu.memref_slice %dma_wait3A_553[%dma_wait3A_554] : memref<1024xi32, #tpu.memory_space<vmem>> -> memref<128xi32, #tpu.memory_space<vmem>>
        %dma_wait3A_556 = arith.constant 0 : i32
        %dma_wait3A_557 = arith.constant 0 : i32
        %dma_wait3A_558 = tpu.memref_slice %arg10[%dma_wait3A_556, %dma_wait3A_557] : memref<100000x8xi32, #tpu.memory_space<vmem_shared>> -> memref<100000x8xi32, #tpu.memory_space<vmem_shared>>
        tpu.wait_indirect_dma semaphore(%arg11 : memref<!tpu.dma_semaphore, #tpu.memory_space<semaphore_mem>>) src(%dma_wait3A_558 : memref<100000x8xi32, #tpu.memory_space<vmem_shared>>) dst(%dma_wait3A_550 : memref<128x8xi32, #tpu.memory_space<vmem>>)
        %dma_wait3A_559 = arith.constant 0 : i32
        %dma_wait3A_560 = arith.constant 0 : i32
        %dma_wait3A_561 = arith.constant 0 : i32
        %dma_wait3A_562 = arith.constant 0 : i32
        %dma_wait3A_563 = tpu.memref_slice %arg9[%dma_wait3A_560, %dma_wait3A_561, %dma_wait3A_562] : memref<2x1024x8xi32, #tpu.memory_space<vmem>> -> memref<1x1024x8xi32, #tpu.memory_space<vmem>>
        %dma_wait3A_564 = tpu.memref_squeeze %dma_wait3A_563 : memref<1x1024x8xi32, #tpu.memory_space<vmem>> -> memref<1024x8xi32, #tpu.memory_space<vmem>>
        %dma_wait3A_565 = arith.constant 640 : i32
        %dma_wait3A_566 = arith.constant 0 : i32
        %dma_wait3A_567 = tpu.memref_slice %dma_wait3A_564[%dma_wait3A_565, %dma_wait3A_566] : memref<1024x8xi32, #tpu.memory_space<vmem>> -> memref<128x8xi32, #tpu.memory_space<vmem>>
        %dma_wait3A_568 = arith.constant 0 : i32
        %dma_wait3A_569 = tpu.memref_slice %arg7[%dma_wait3A_559, %dma_wait3A_568] : memref<2x1024xi32, #tpu.memory_space<vmem>> -> memref<1x1024xi32, #tpu.memory_space<vmem>>
        %dma_wait3A_570 = tpu.memref_squeeze %dma_wait3A_569 : memref<1x1024xi32, #tpu.memory_space<vmem>> -> memref<1024xi32, #tpu.memory_space<vmem>>
        %dma_wait3A_571 = arith.constant 640 : i32
        %dma_wait3A_572 = tpu.memref_slice %dma_wait3A_570[%dma_wait3A_571] : memref<1024xi32, #tpu.memory_space<vmem>> -> memref<128xi32, #tpu.memory_space<vmem>>
        %dma_wait3A_573 = arith.constant 0 : i32
        %dma_wait3A_574 = arith.constant 0 : i32
        %dma_wait3A_575 = tpu.memref_slice %arg10[%dma_wait3A_573, %dma_wait3A_574] : memref<100000x8xi32, #tpu.memory_space<vmem_shared>> -> memref<100000x8xi32, #tpu.memory_space<vmem_shared>>
        tpu.wait_indirect_dma semaphore(%arg11 : memref<!tpu.dma_semaphore, #tpu.memory_space<semaphore_mem>>) src(%dma_wait3A_575 : memref<100000x8xi32, #tpu.memory_space<vmem_shared>>) dst(%dma_wait3A_567 : memref<128x8xi32, #tpu.memory_space<vmem>>)
        %dma_wait3A_576 = arith.constant 0 : i32
        %dma_wait3A_577 = arith.constant 0 : i32
        %dma_wait3A_578 = arith.constant 0 : i32
        %dma_wait3A_579 = arith.constant 0 : i32
        %dma_wait3A_580 = tpu.memref_slice %arg8[%dma_wait3A_577, %dma_wait3A_578, %dma_wait3A_579] : memref<2x1024x8xi32, #tpu.memory_space<vmem>> -> memref<1x1024x8xi32, #tpu.memory_space<vmem>>
        %dma_wait3A_581 = tpu.memref_squeeze %dma_wait3A_580 : memref<1x1024x8xi32, #tpu.memory_space<vmem>> -> memref<1024x8xi32, #tpu.memory_space<vmem>>
        %dma_wait3A_582 = arith.constant 768 : i32
        %dma_wait3A_583 = arith.constant 0 : i32
        %dma_wait3A_584 = tpu.memref_slice %dma_wait3A_581[%dma_wait3A_582, %dma_wait3A_583] : memref<1024x8xi32, #tpu.memory_space<vmem>> -> memref<128x8xi32, #tpu.memory_space<vmem>>
        %dma_wait3A_585 = arith.constant 0 : i32
        %dma_wait3A_586 = tpu.memref_slice %arg6[%dma_wait3A_576, %dma_wait3A_585] : memref<2x1024xi32, #tpu.memory_space<vmem>> -> memref<1x1024xi32, #tpu.memory_space<vmem>>
        %dma_wait3A_587 = tpu.memref_squeeze %dma_wait3A_586 : memref<1x1024xi32, #tpu.memory_space<vmem>> -> memref<1024xi32, #tpu.memory_space<vmem>>
        %dma_wait3A_588 = arith.constant 768 : i32
        %dma_wait3A_589 = tpu.memref_slice %dma_wait3A_587[%dma_wait3A_588] : memref<1024xi32, #tpu.memory_space<vmem>> -> memref<128xi32, #tpu.memory_space<vmem>>
        %dma_wait3A_590 = arith.constant 0 : i32
        %dma_wait3A_591 = arith.constant 0 : i32
        %dma_wait3A_592 = tpu.memref_slice %arg10[%dma_wait3A_590, %dma_wait3A_591] : memref<100000x8xi32, #tpu.memory_space<vmem_shared>> -> memref<100000x8xi32, #tpu.memory_space<vmem_shared>>
        tpu.wait_indirect_dma semaphore(%arg11 : memref<!tpu.dma_semaphore, #tpu.memory_space<semaphore_mem>>) src(%dma_wait3A_592 : memref<100000x8xi32, #tpu.memory_space<vmem_shared>>) dst(%dma_wait3A_584 : memref<128x8xi32, #tpu.memory_space<vmem>>)
        %dma_wait3A_593 = arith.constant 0 : i32
        %dma_wait3A_594 = arith.constant 0 : i32
        %dma_wait3A_595 = arith.constant 0 : i32
        %dma_wait3A_596 = arith.constant 0 : i32
        %dma_wait3A_597 = tpu.memref_slice %arg9[%dma_wait3A_594, %dma_wait3A_595, %dma_wait3A_596] : memref<2x1024x8xi32, #tpu.memory_space<vmem>> -> memref<1x1024x8xi32, #tpu.memory_space<vmem>>
        %dma_wait3A_598 = tpu.memref_squeeze %dma_wait3A_597 : memref<1x1024x8xi32, #tpu.memory_space<vmem>> -> memref<1024x8xi32, #tpu.memory_space<vmem>>
        %dma_wait3A_599 = arith.constant 768 : i32
        %dma_wait3A_600 = arith.constant 0 : i32
        %dma_wait3A_601 = tpu.memref_slice %dma_wait3A_598[%dma_wait3A_599, %dma_wait3A_600] : memref<1024x8xi32, #tpu.memory_space<vmem>> -> memref<128x8xi32, #tpu.memory_space<vmem>>
        %dma_wait3A_602 = arith.constant 0 : i32
        %dma_wait3A_603 = tpu.memref_slice %arg7[%dma_wait3A_593, %dma_wait3A_602] : memref<2x1024xi32, #tpu.memory_space<vmem>> -> memref<1x1024xi32, #tpu.memory_space<vmem>>
        %dma_wait3A_604 = tpu.memref_squeeze %dma_wait3A_603 : memref<1x1024xi32, #tpu.memory_space<vmem>> -> memref<1024xi32, #tpu.memory_space<vmem>>
        %dma_wait3A_605 = arith.constant 768 : i32
        %dma_wait3A_606 = tpu.memref_slice %dma_wait3A_604[%dma_wait3A_605] : memref<1024xi32, #tpu.memory_space<vmem>> -> memref<128xi32, #tpu.memory_space<vmem>>
        %dma_wait3A_607 = arith.constant 0 : i32
        %dma_wait3A_608 = arith.constant 0 : i32
        %dma_wait3A_609 = tpu.memref_slice %arg10[%dma_wait3A_607, %dma_wait3A_608] : memref<100000x8xi32, #tpu.memory_space<vmem_shared>> -> memref<100000x8xi32, #tpu.memory_space<vmem_shared>>
        tpu.wait_indirect_dma semaphore(%arg11 : memref<!tpu.dma_semaphore, #tpu.memory_space<semaphore_mem>>) src(%dma_wait3A_609 : memref<100000x8xi32, #tpu.memory_space<vmem_shared>>) dst(%dma_wait3A_601 : memref<128x8xi32, #tpu.memory_space<vmem>>)
        %dma_wait3A_610 = arith.constant 0 : i32
        %dma_wait3A_611 = arith.constant 0 : i32
        %dma_wait3A_612 = arith.constant 0 : i32
        %dma_wait3A_613 = arith.constant 0 : i32
        %dma_wait3A_614 = tpu.memref_slice %arg8[%dma_wait3A_611, %dma_wait3A_612, %dma_wait3A_613] : memref<2x1024x8xi32, #tpu.memory_space<vmem>> -> memref<1x1024x8xi32, #tpu.memory_space<vmem>>
        %dma_wait3A_615 = tpu.memref_squeeze %dma_wait3A_614 : memref<1x1024x8xi32, #tpu.memory_space<vmem>> -> memref<1024x8xi32, #tpu.memory_space<vmem>>
        %dma_wait3A_616 = arith.constant 896 : i32
        %dma_wait3A_617 = arith.constant 0 : i32
        %dma_wait3A_618 = tpu.memref_slice %dma_wait3A_615[%dma_wait3A_616, %dma_wait3A_617] : memref<1024x8xi32, #tpu.memory_space<vmem>> -> memref<128x8xi32, #tpu.memory_space<vmem>>
        %dma_wait3A_619 = arith.constant 0 : i32
        %dma_wait3A_620 = tpu.memref_slice %arg6[%dma_wait3A_610, %dma_wait3A_619] : memref<2x1024xi32, #tpu.memory_space<vmem>> -> memref<1x1024xi32, #tpu.memory_space<vmem>>
        %dma_wait3A_621 = tpu.memref_squeeze %dma_wait3A_620 : memref<1x1024xi32, #tpu.memory_space<vmem>> -> memref<1024xi32, #tpu.memory_space<vmem>>
        %dma_wait3A_622 = arith.constant 896 : i32
        %dma_wait3A_623 = tpu.memref_slice %dma_wait3A_621[%dma_wait3A_622] : memref<1024xi32, #tpu.memory_space<vmem>> -> memref<128xi32, #tpu.memory_space<vmem>>
        %dma_wait3A_624 = arith.constant 0 : i32
        %dma_wait3A_625 = arith.constant 0 : i32
        %dma_wait3A_626 = tpu.memref_slice %arg10[%dma_wait3A_624, %dma_wait3A_625] : memref<100000x8xi32, #tpu.memory_space<vmem_shared>> -> memref<100000x8xi32, #tpu.memory_space<vmem_shared>>
        tpu.wait_indirect_dma semaphore(%arg11 : memref<!tpu.dma_semaphore, #tpu.memory_space<semaphore_mem>>) src(%dma_wait3A_626 : memref<100000x8xi32, #tpu.memory_space<vmem_shared>>) dst(%dma_wait3A_618 : memref<128x8xi32, #tpu.memory_space<vmem>>)
        %dma_wait3A_627 = arith.constant 0 : i32
        %dma_wait3A_628 = arith.constant 0 : i32
        %dma_wait3A_629 = arith.constant 0 : i32
        %dma_wait3A_630 = arith.constant 0 : i32
        %dma_wait3A_631 = tpu.memref_slice %arg9[%dma_wait3A_628, %dma_wait3A_629, %dma_wait3A_630] : memref<2x1024x8xi32, #tpu.memory_space<vmem>> -> memref<1x1024x8xi32, #tpu.memory_space<vmem>>
        %dma_wait3A_632 = tpu.memref_squeeze %dma_wait3A_631 : memref<1x1024x8xi32, #tpu.memory_space<vmem>> -> memref<1024x8xi32, #tpu.memory_space<vmem>>
        %dma_wait3A_633 = arith.constant 896 : i32
        %dma_wait3A_634 = arith.constant 0 : i32
        %dma_wait3A_635 = tpu.memref_slice %dma_wait3A_632[%dma_wait3A_633, %dma_wait3A_634] : memref<1024x8xi32, #tpu.memory_space<vmem>> -> memref<128x8xi32, #tpu.memory_space<vmem>>
        %dma_wait3A_636 = arith.constant 0 : i32
        %dma_wait3A_637 = tpu.memref_slice %arg7[%dma_wait3A_627, %dma_wait3A_636] : memref<2x1024xi32, #tpu.memory_space<vmem>> -> memref<1x1024xi32, #tpu.memory_space<vmem>>
        %dma_wait3A_638 = tpu.memref_squeeze %dma_wait3A_637 : memref<1x1024xi32, #tpu.memory_space<vmem>> -> memref<1024xi32, #tpu.memory_space<vmem>>
        %dma_wait3A_639 = arith.constant 896 : i32
        %dma_wait3A_640 = tpu.memref_slice %dma_wait3A_638[%dma_wait3A_639] : memref<1024xi32, #tpu.memory_space<vmem>> -> memref<128xi32, #tpu.memory_space<vmem>>
        %dma_wait3A_641 = arith.constant 0 : i32
        %dma_wait3A_642 = arith.constant 0 : i32
        %dma_wait3A_643 = tpu.memref_slice %arg10[%dma_wait3A_641, %dma_wait3A_642] : memref<100000x8xi32, #tpu.memory_space<vmem_shared>> -> memref<100000x8xi32, #tpu.memory_space<vmem_shared>>
        tpu.wait_indirect_dma semaphore(%arg11 : memref<!tpu.dma_semaphore, #tpu.memory_space<semaphore_mem>>) src(%dma_wait3A_643 : memref<100000x8xi32, #tpu.memory_space<vmem_shared>>) dst(%dma_wait3A_635 : memref<128x8xi32, #tpu.memory_space<vmem>>)
        %dma_start3A_644 = arith.constant 0 : i32
        %dma_start3A_645 = arith.constant 0 : i32
        %dma_start3A_646 = arith.constant 0 : i32
        %dma_start3A_647 = tpu.memref_slice %arg8[%dma_start3A_644, %dma_start3A_645, %dma_start3A_646] : memref<2x1024x8xi32, #tpu.memory_space<vmem>> -> memref<1x1024x8xi32, #tpu.memory_space<vmem>>
        %dma_start3A_648 = tpu.memref_squeeze %dma_start3A_647 : memref<1x1024x8xi32, #tpu.memory_space<vmem>> -> memref<1024x8xi32, #tpu.memory_space<vmem>>
        %dma_start3A_649 = arith.constant 0 : i32
        %dma_start3A_650 = tpu.memref_slice %arg4[%multiple_of3A, %dma_start3A_649] : memref<3200000x8xi32, #tpu.memory_space<hbm>> -> memref<1024x8xi32, #tpu.memory_space<hbm>>
        %dma_start3A_651 = arith.constant 0 : i32
        %dma_start3A_652 = tpu.memref_slice %arg4[%multiple_of3A, %dma_start3A_651] : memref<3200000x8xi32, #tpu.memory_space<hbm>> -> memref<1024x8xi32, #tpu.memory_space<hbm>>
        %dma_start3A_653 = arith.constant 0 : i32
        %dma_start3A_654 = arith.constant 0 : i32
        %dma_start3A_655 = tpu.memref_slice %arg8[%dma_start3A_644, %dma_start3A_653, %dma_start3A_654] : memref<2x1024x8xi32, #tpu.memory_space<vmem>> -> memref<1x1024x8xi32, #tpu.memory_space<vmem>>
        %dma_start3A_656 = tpu.memref_squeeze %dma_start3A_655 : memref<1x1024x8xi32, #tpu.memory_space<vmem>> -> memref<1024x8xi32, #tpu.memory_space<vmem>>
        tpu.enqueue_dma source(%dma_start3A_656 : memref<1024x8xi32, #tpu.memory_space<vmem>>) target(%dma_start3A_652 : memref<1024x8xi32, #tpu.memory_space<hbm>>) target_semaphore(%arg12 : memref<!tpu.dma_semaphore, #tpu.memory_space<semaphore_mem>>)
        %dma_start3A_657 = arith.constant 0 : i32
        %dma_start3A_658 = arith.constant 0 : i32
        %dma_start3A_659 = arith.constant 0 : i32
        %dma_start3A_660 = tpu.memref_slice %arg9[%dma_start3A_657, %dma_start3A_658, %dma_start3A_659] : memref<2x1024x8xi32, #tpu.memory_space<vmem>> -> memref<1x1024x8xi32, #tpu.memory_space<vmem>>
        %dma_start3A_661 = tpu.memref_squeeze %dma_start3A_660 : memref<1x1024x8xi32, #tpu.memory_space<vmem>> -> memref<1024x8xi32, #tpu.memory_space<vmem>>
        %dma_start3A_662 = arith.constant 0 : i32
        %dma_start3A_663 = tpu.memref_slice %arg5[%multiple_of3A, %dma_start3A_662] : memref<3200000x8xi32, #tpu.memory_space<hbm>> -> memref<1024x8xi32, #tpu.memory_space<hbm>>
        %dma_start3A_664 = arith.constant 0 : i32
        %dma_start3A_665 = tpu.memref_slice %arg5[%multiple_of3A, %dma_start3A_664] : memref<3200000x8xi32, #tpu.memory_space<hbm>> -> memref<1024x8xi32, #tpu.memory_space<hbm>>
        %dma_start3A_666 = arith.constant 0 : i32
        %dma_start3A_667 = arith.constant 0 : i32
        %dma_start3A_668 = tpu.memref_slice %arg9[%dma_start3A_657, %dma_start3A_666, %dma_start3A_667] : memref<2x1024x8xi32, #tpu.memory_space<vmem>> -> memref<1x1024x8xi32, #tpu.memory_space<vmem>>
        %dma_start3A_669 = tpu.memref_squeeze %dma_start3A_668 : memref<1x1024x8xi32, #tpu.memory_space<vmem>> -> memref<1024x8xi32, #tpu.memory_space<vmem>>
        tpu.enqueue_dma source(%dma_start3A_669 : memref<1024x8xi32, #tpu.memory_space<vmem>>) target(%dma_start3A_665 : memref<1024x8xi32, #tpu.memory_space<hbm>>) target_semaphore(%arg12 : memref<!tpu.dma_semaphore, #tpu.memory_space<semaphore_mem>>)
      } else {
      }
      %mul3A_83 = arith.constant 2 : i32
      %mul3A_84 = arith.muli %scan3A_74, %mul3A_83 : i32
      %add3A_85 = arith.constant 1 : i32
      %add3A_86 = arith.addi %mul3A_84, %add3A_85 : i32
      %lt3A_87 = arith.cmpi slt, %add3A_86, %select_n3A : i32
      %convert_element_type3A_88 = arith.extui %lt3A_87 : i1 to i32
      %cond3A_89 = arith.constant 0 : i32
      %cond3A_90 = arith.cmpi ne, %convert_element_type3A_88, %cond3A_89 : i32
      scf.if %cond3A_90 {
        %add3A_91 = arith.addi %add3A_4, %add3A_86 : i32
        %mul3A_92 = arith.constant 1024 : i32
        %mul3A_93 = arith.muli %add3A_91, %mul3A_92 : i32
        %multiple_of3A = tpu.assume_multiple %mul3A_93, 1024 : i32
        %gt3A = arith.constant 0 : i32
        %gt3A_94 = arith.cmpi sgt, %scan3A_74, %gt3A : i32
        %convert_element_type3A_95 = arith.extui %gt3A_94 : i1 to i32
        %cond3A_96 = arith.constant 0 : i32
        %cond3A_97 = arith.cmpi ne, %convert_element_type3A_95, %cond3A_96 : i32
        scf.if %cond3A_97 {
          %dma_wait3A_670 = arith.constant 1 : i32
          %dma_wait3A_671 = arith.constant 0 : i32
          %dma_wait3A_672 = arith.constant 0 : i32
          %dma_wait3A_673 = tpu.memref_slice %arg8[%dma_wait3A_670, %dma_wait3A_671, %dma_wait3A_672] : memref<2x1024x8xi32, #tpu.memory_space<vmem>> -> memref<1x1024x8xi32, #tpu.memory_space<vmem>>
          %dma_wait3A_674 = tpu.memref_squeeze %dma_wait3A_673 : memref<1x1024x8xi32, #tpu.memory_space<vmem>> -> memref<1024x8xi32, #tpu.memory_space<vmem>>
          %dma_wait3A_675 = arith.constant 0 : i32
          %dma_wait3A_676 = arith.constant 0 : i32
          %dma_wait3A_677 = tpu.memref_slice %arg4[%dma_wait3A_675, %dma_wait3A_676] : memref<3200000x8xi32, #tpu.memory_space<hbm>> -> memref<1024x8xi32, #tpu.memory_space<hbm>>
          %dma_wait3A_678 = arith.constant 0 : i32
          %dma_wait3A_679 = arith.constant 0 : i32
          %dma_wait3A_680 = tpu.memref_slice %arg4[%dma_wait3A_678, %dma_wait3A_679] : memref<3200000x8xi32, #tpu.memory_space<hbm>> -> memref<1024x8xi32, #tpu.memory_space<hbm>>
          %dma_wait3A_681 = arith.constant 0 : i32
          %dma_wait3A_682 = arith.constant 0 : i32
          %dma_wait3A_683 = tpu.memref_slice %arg8[%dma_wait3A_670, %dma_wait3A_681, %dma_wait3A_682] : memref<2x1024x8xi32, #tpu.memory_space<vmem>> -> memref<1x1024x8xi32, #tpu.memory_space<vmem>>
          %dma_wait3A_684 = tpu.memref_squeeze %dma_wait3A_683 : memref<1x1024x8xi32, #tpu.memory_space<vmem>> -> memref<1024x8xi32, #tpu.memory_space<vmem>>
          tpu.wait_dma2 semaphore(%arg13 : memref<!tpu.dma_semaphore, #tpu.memory_space<semaphore_mem>>) src(%dma_wait3A_684 : memref<1024x8xi32, #tpu.memory_space<vmem>>) dst(%dma_wait3A_680 : memref<1024x8xi32, #tpu.memory_space<hbm>>)
          %dma_wait3A_685 = arith.constant 1 : i32
          %dma_wait3A_686 = arith.constant 0 : i32
          %dma_wait3A_687 = arith.constant 0 : i32
          %dma_wait3A_688 = tpu.memref_slice %arg9[%dma_wait3A_685, %dma_wait3A_686, %dma_wait3A_687] : memref<2x1024x8xi32, #tpu.memory_space<vmem>> -> memref<1x1024x8xi32, #tpu.memory_space<vmem>>
          %dma_wait3A_689 = tpu.memref_squeeze %dma_wait3A_688 : memref<1x1024x8xi32, #tpu.memory_space<vmem>> -> memref<1024x8xi32, #tpu.memory_space<vmem>>
          %dma_wait3A_690 = arith.constant 0 : i32
          %dma_wait3A_691 = arith.constant 0 : i32
          %dma_wait3A_692 = tpu.memref_slice %arg5[%dma_wait3A_690, %dma_wait3A_691] : memref<3200000x8xi32, #tpu.memory_space<hbm>> -> memref<1024x8xi32, #tpu.memory_space<hbm>>
          %dma_wait3A_693 = arith.constant 0 : i32
          %dma_wait3A_694 = arith.constant 0 : i32
          %dma_wait3A_695 = tpu.memref_slice %arg5[%dma_wait3A_693, %dma_wait3A_694] : memref<3200000x8xi32, #tpu.memory_space<hbm>> -> memref<1024x8xi32, #tpu.memory_space<hbm>>
          %dma_wait3A_696 = arith.constant 0 : i32
          %dma_wait3A_697 = arith.constant 0 : i32
          %dma_wait3A_698 = tpu.memref_slice %arg9[%dma_wait3A_685, %dma_wait3A_696, %dma_wait3A_697] : memref<2x1024x8xi32, #tpu.memory_space<vmem>> -> memref<1x1024x8xi32, #tpu.memory_space<vmem>>
          %dma_wait3A_699 = tpu.memref_squeeze %dma_wait3A_698 : memref<1x1024x8xi32, #tpu.memory_space<vmem>> -> memref<1024x8xi32, #tpu.memory_space<vmem>>
          tpu.wait_dma2 semaphore(%arg13 : memref<!tpu.dma_semaphore, #tpu.memory_space<semaphore_mem>>) src(%dma_wait3A_699 : memref<1024x8xi32, #tpu.memory_space<vmem>>) dst(%dma_wait3A_695 : memref<1024x8xi32, #tpu.memory_space<hbm>>)
        } else {
        }
        %run_scoped3A = arith.constant 0 : i32
        %run_scoped3A_98 = arith.constant 1 : i32
        "tpu.region"() ({
          %run_scoped3A_670 = tpu.sem_alloc : memref<!tpu.dma_semaphore, #tpu.memory_space<semaphore_mem>>
          %dma_start3A_671 = arith.constant 0 : i32
          %dma_start3A_672 = tpu.memref_slice %arg6[%run_scoped3A_98, %dma_start3A_671] : memref<2x1024xi32, #tpu.memory_space<vmem>> -> memref<1x1024xi32, #tpu.memory_space<vmem>>
          %dma_start3A_673 = tpu.memref_squeeze %dma_start3A_672 : memref<1x1024xi32, #tpu.memory_space<vmem>> -> memref<1024xi32, #tpu.memory_space<vmem>>
          %dma_start3A_674 = tpu.memref_slice %arg3[%run_scoped3A, %multiple_of3A] : memref<2x3200000xi32, #tpu.memory_space<hbm>> -> memref<1x1024xi32, #tpu.memory_space<hbm>>
          %dma_start3A_675 = tpu.memref_squeeze %dma_start3A_674 : memref<1x1024xi32, #tpu.memory_space<hbm>> -> memref<1024xi32, #tpu.memory_space<hbm>>
          %dma_start3A_676 = arith.constant 0 : i32
          %dma_start3A_677 = tpu.memref_slice %arg6[%run_scoped3A_98, %dma_start3A_676] : memref<2x1024xi32, #tpu.memory_space<vmem>> -> memref<1x1024xi32, #tpu.memory_space<vmem>>
          %dma_start3A_678 = tpu.memref_squeeze %dma_start3A_677 : memref<1x1024xi32, #tpu.memory_space<vmem>> -> memref<1024xi32, #tpu.memory_space<vmem>>
          %dma_start3A_679 = tpu.memref_slice %arg3[%run_scoped3A, %multiple_of3A] : memref<2x3200000xi32, #tpu.memory_space<hbm>> -> memref<1x1024xi32, #tpu.memory_space<hbm>>
          %dma_start3A_680 = tpu.memref_squeeze %dma_start3A_679 : memref<1x1024xi32, #tpu.memory_space<hbm>> -> memref<1024xi32, #tpu.memory_space<hbm>>
          tpu.enqueue_dma source(%dma_start3A_680 : memref<1024xi32, #tpu.memory_space<hbm>>) target(%dma_start3A_678 : memref<1024xi32, #tpu.memory_space<vmem>>) target_semaphore(%run_scoped3A_670 : memref<!tpu.dma_semaphore, #tpu.memory_space<semaphore_mem>>)
          %dma_wait3A_681 = arith.constant 0 : i32
          %dma_wait3A_682 = tpu.memref_slice %arg6[%run_scoped3A_98, %dma_wait3A_681] : memref<2x1024xi32, #tpu.memory_space<vmem>> -> memref<1x1024xi32, #tpu.memory_space<vmem>>
          %dma_wait3A_683 = tpu.memref_squeeze %dma_wait3A_682 : memref<1x1024xi32, #tpu.memory_space<vmem>> -> memref<1024xi32, #tpu.memory_space<vmem>>
          %dma_wait3A_684 = tpu.memref_slice %arg3[%run_scoped3A, %multiple_of3A] : memref<2x3200000xi32, #tpu.memory_space<hbm>> -> memref<1x1024xi32, #tpu.memory_space<hbm>>
          %dma_wait3A_685 = tpu.memref_squeeze %dma_wait3A_684 : memref<1x1024xi32, #tpu.memory_space<hbm>> -> memref<1024xi32, #tpu.memory_space<hbm>>
          %dma_wait3A_686 = arith.constant 0 : i32
          %dma_wait3A_687 = tpu.memref_slice %arg6[%run_scoped3A_98, %dma_wait3A_686] : memref<2x1024xi32, #tpu.memory_space<vmem>> -> memref<1x1024xi32, #tpu.memory_space<vmem>>
          %dma_wait3A_688 = tpu.memref_squeeze %dma_wait3A_687 : memref<1x1024xi32, #tpu.memory_space<vmem>> -> memref<1024xi32, #tpu.memory_space<vmem>>
          %dma_wait3A_689 = tpu.memref_slice %arg3[%run_scoped3A, %multiple_of3A] : memref<2x3200000xi32, #tpu.memory_space<hbm>> -> memref<1x1024xi32, #tpu.memory_space<hbm>>
          %dma_wait3A_690 = tpu.memref_squeeze %dma_wait3A_689 : memref<1x1024xi32, #tpu.memory_space<hbm>> -> memref<1024xi32, #tpu.memory_space<hbm>>
          tpu.wait_dma2 semaphore(%run_scoped3A_670 : memref<!tpu.dma_semaphore, #tpu.memory_space<semaphore_mem>>) src(%dma_wait3A_690 : memref<1024xi32, #tpu.memory_space<hbm>>) dst(%dma_wait3A_688 : memref<1024xi32, #tpu.memory_space<vmem>>)
          tpu.yield
        }) : () -> ()
        %run_scoped3A_99 = arith.constant 1 : i32
        %run_scoped3A_100 = arith.constant 1 : i32
        "tpu.region"() ({
          %run_scoped3A_670 = tpu.sem_alloc : memref<!tpu.dma_semaphore, #tpu.memory_space<semaphore_mem>>
          %dma_start3A_671 = arith.constant 0 : i32
          %dma_start3A_672 = tpu.memref_slice %arg7[%run_scoped3A_100, %dma_start3A_671] : memref<2x1024xi32, #tpu.memory_space<vmem>> -> memref<1x1024xi32, #tpu.memory_space<vmem>>
          %dma_start3A_673 = tpu.memref_squeeze %dma_start3A_672 : memref<1x1024xi32, #tpu.memory_space<vmem>> -> memref<1024xi32, #tpu.memory_space<vmem>>
          %dma_start3A_674 = tpu.memref_slice %arg3[%run_scoped3A_99, %multiple_of3A] : memref<2x3200000xi32, #tpu.memory_space<hbm>> -> memref<1x1024xi32, #tpu.memory_space<hbm>>
          %dma_start3A_675 = tpu.memref_squeeze %dma_start3A_674 : memref<1x1024xi32, #tpu.memory_space<hbm>> -> memref<1024xi32, #tpu.memory_space<hbm>>
          %dma_start3A_676 = arith.constant 0 : i32
          %dma_start3A_677 = tpu.memref_slice %arg7[%run_scoped3A_100, %dma_start3A_676] : memref<2x1024xi32, #tpu.memory_space<vmem>> -> memref<1x1024xi32, #tpu.memory_space<vmem>>
          %dma_start3A_678 = tpu.memref_squeeze %dma_start3A_677 : memref<1x1024xi32, #tpu.memory_space<vmem>> -> memref<1024xi32, #tpu.memory_space<vmem>>
          %dma_start3A_679 = tpu.memref_slice %arg3[%run_scoped3A_99, %multiple_of3A] : memref<2x3200000xi32, #tpu.memory_space<hbm>> -> memref<1x1024xi32, #tpu.memory_space<hbm>>
          %dma_start3A_680 = tpu.memref_squeeze %dma_start3A_679 : memref<1x1024xi32, #tpu.memory_space<hbm>> -> memref<1024xi32, #tpu.memory_space<hbm>>
          tpu.enqueue_dma source(%dma_start3A_680 : memref<1024xi32, #tpu.memory_space<hbm>>) target(%dma_start3A_678 : memref<1024xi32, #tpu.memory_space<vmem>>) target_semaphore(%run_scoped3A_670 : memref<!tpu.dma_semaphore, #tpu.memory_space<semaphore_mem>>)
          %dma_wait3A_681 = arith.constant 0 : i32
          %dma_wait3A_682 = tpu.memref_slice %arg7[%run_scoped3A_100, %dma_wait3A_681] : memref<2x1024xi32, #tpu.memory_space<vmem>> -> memref<1x1024xi32, #tpu.memory_space<vmem>>
          %dma_wait3A_683 = tpu.memref_squeeze %dma_wait3A_682 : memref<1x1024xi32, #tpu.memory_space<vmem>> -> memref<1024xi32, #tpu.memory_space<vmem>>
          %dma_wait3A_684 = tpu.memref_slice %arg3[%run_scoped3A_99, %multiple_of3A] : memref<2x3200000xi32, #tpu.memory_space<hbm>> -> memref<1x1024xi32, #tpu.memory_space<hbm>>
          %dma_wait3A_685 = tpu.memref_squeeze %dma_wait3A_684 : memref<1x1024xi32, #tpu.memory_space<hbm>> -> memref<1024xi32, #tpu.memory_space<hbm>>
          %dma_wait3A_686 = arith.constant 0 : i32
          %dma_wait3A_687 = tpu.memref_slice %arg7[%run_scoped3A_100, %dma_wait3A_686] : memref<2x1024xi32, #tpu.memory_space<vmem>> -> memref<1x1024xi32, #tpu.memory_space<vmem>>
          %dma_wait3A_688 = tpu.memref_squeeze %dma_wait3A_687 : memref<1x1024xi32, #tpu.memory_space<vmem>> -> memref<1024xi32, #tpu.memory_space<vmem>>
          %dma_wait3A_689 = tpu.memref_slice %arg3[%run_scoped3A_99, %multiple_of3A] : memref<2x3200000xi32, #tpu.memory_space<hbm>> -> memref<1x1024xi32, #tpu.memory_space<hbm>>
          %dma_wait3A_690 = tpu.memref_squeeze %dma_wait3A_689 : memref<1x1024xi32, #tpu.memory_space<hbm>> -> memref<1024xi32, #tpu.memory_space<hbm>>
          tpu.wait_dma2 semaphore(%run_scoped3A_670 : memref<!tpu.dma_semaphore, #tpu.memory_space<semaphore_mem>>) src(%dma_wait3A_690 : memref<1024xi32, #tpu.memory_space<hbm>>) dst(%dma_wait3A_688 : memref<1024xi32, #tpu.memory_space<vmem>>)
          tpu.yield
        }) : () -> ()
        %dma_start3A = arith.constant 1 : i32
        %dma_start3A_101 = arith.constant 1 : i32
        %dma_start3A_102 = arith.constant 0 : i32
        %dma_start3A_103 = arith.constant 0 : i32
        %dma_start3A_104 = tpu.memref_slice %arg8[%dma_start3A_101, %dma_start3A_102, %dma_start3A_103] : memref<2x1024x8xi32, #tpu.memory_space<vmem>> -> memref<1x1024x8xi32, #tpu.memory_space<vmem>>
        %dma_start3A_105 = tpu.memref_squeeze %dma_start3A_104 : memref<1x1024x8xi32, #tpu.memory_space<vmem>> -> memref<1024x8xi32, #tpu.memory_space<vmem>>
        %dma_start3A_106 = arith.constant 0 : i32
        %dma_start3A_107 = arith.constant 0 : i32
        %dma_start3A_108 = tpu.memref_slice %dma_start3A_105[%dma_start3A_106, %dma_start3A_107] : memref<1024x8xi32, #tpu.memory_space<vmem>> -> memref<128x8xi32, #tpu.memory_space<vmem>>
        %dma_start3A_109 = arith.constant 0 : i32
        %dma_start3A_110 = tpu.memref_slice %arg6[%dma_start3A, %dma_start3A_109] : memref<2x1024xi32, #tpu.memory_space<vmem>> -> memref<1x1024xi32, #tpu.memory_space<vmem>>
        %dma_start3A_111 = tpu.memref_squeeze %dma_start3A_110 : memref<1x1024xi32, #tpu.memory_space<vmem>> -> memref<1024xi32, #tpu.memory_space<vmem>>
        %dma_start3A_112 = arith.constant 0 : i32
        %dma_start3A_113 = tpu.memref_slice %dma_start3A_111[%dma_start3A_112] : memref<1024xi32, #tpu.memory_space<vmem>> -> memref<128xi32, #tpu.memory_space<vmem>>
        %dma_start3A_114 = arith.constant 0 : i32
        %dma_start3A_115 = arith.constant 0 : i32
        %dma_start3A_116 = tpu.memref_slice %arg10[%dma_start3A_114, %dma_start3A_115] : memref<100000x8xi32, #tpu.memory_space<vmem_shared>> -> memref<100000x8xi32, #tpu.memory_space<vmem_shared>>
        tpu.enqueue_indirect_dma source(%dma_start3A_116 : memref<100000x8xi32, #tpu.memory_space<vmem_shared>>) target(%dma_start3A_108 : memref<128x8xi32, #tpu.memory_space<vmem>>) offsets(%dma_start3A_113 : memref<128xi32, #tpu.memory_space<vmem>>) semaphore(%arg11 : memref<!tpu.dma_semaphore, #tpu.memory_space<semaphore_mem>>)
        %dma_start3A_117 = arith.constant 1 : i32
        %dma_start3A_118 = arith.constant 1 : i32
        %dma_start3A_119 = arith.constant 0 : i32
        %dma_start3A_120 = arith.constant 0 : i32
        %dma_start3A_121 = tpu.memref_slice %arg9[%dma_start3A_118, %dma_start3A_119, %dma_start3A_120] : memref<2x1024x8xi32, #tpu.memory_space<vmem>> -> memref<1x1024x8xi32, #tpu.memory_space<vmem>>
        %dma_start3A_122 = tpu.memref_squeeze %dma_start3A_121 : memref<1x1024x8xi32, #tpu.memory_space<vmem>> -> memref<1024x8xi32, #tpu.memory_space<vmem>>
        %dma_start3A_123 = arith.constant 0 : i32
        %dma_start3A_124 = arith.constant 0 : i32
        %dma_start3A_125 = tpu.memref_slice %dma_start3A_122[%dma_start3A_123, %dma_start3A_124] : memref<1024x8xi32, #tpu.memory_space<vmem>> -> memref<128x8xi32, #tpu.memory_space<vmem>>
        %dma_start3A_126 = arith.constant 0 : i32
        %dma_start3A_127 = tpu.memref_slice %arg7[%dma_start3A_117, %dma_start3A_126] : memref<2x1024xi32, #tpu.memory_space<vmem>> -> memref<1x1024xi32, #tpu.memory_space<vmem>>
        %dma_start3A_128 = tpu.memref_squeeze %dma_start3A_127 : memref<1x1024xi32, #tpu.memory_space<vmem>> -> memref<1024xi32, #tpu.memory_space<vmem>>
        %dma_start3A_129 = arith.constant 0 : i32
        %dma_start3A_130 = tpu.memref_slice %dma_start3A_128[%dma_start3A_129] : memref<1024xi32, #tpu.memory_space<vmem>> -> memref<128xi32, #tpu.memory_space<vmem>>
        %dma_start3A_131 = arith.constant 0 : i32
        %dma_start3A_132 = arith.constant 0 : i32
        %dma_start3A_133 = tpu.memref_slice %arg10[%dma_start3A_131, %dma_start3A_132] : memref<100000x8xi32, #tpu.memory_space<vmem_shared>> -> memref<100000x8xi32, #tpu.memory_space<vmem_shared>>
        tpu.enqueue_indirect_dma source(%dma_start3A_133 : memref<100000x8xi32, #tpu.memory_space<vmem_shared>>) target(%dma_start3A_125 : memref<128x8xi32, #tpu.memory_space<vmem>>) offsets(%dma_start3A_130 : memref<128xi32, #tpu.memory_space<vmem>>) semaphore(%arg11 : memref<!tpu.dma_semaphore, #tpu.memory_space<semaphore_mem>>)
        %dma_start3A_134 = arith.constant 1 : i32
        %dma_start3A_135 = arith.constant 1 : i32
        %dma_start3A_136 = arith.constant 0 : i32
        %dma_start3A_137 = arith.constant 0 : i32
        %dma_start3A_138 = tpu.memref_slice %arg8[%dma_start3A_135, %dma_start3A_136, %dma_start3A_137] : memref<2x1024x8xi32, #tpu.memory_space<vmem>> -> memref<1x1024x8xi32, #tpu.memory_space<vmem>>
        %dma_start3A_139 = tpu.memref_squeeze %dma_start3A_138 : memref<1x1024x8xi32, #tpu.memory_space<vmem>> -> memref<1024x8xi32, #tpu.memory_space<vmem>>
        %dma_start3A_140 = arith.constant 128 : i32
        %dma_start3A_141 = arith.constant 0 : i32
        %dma_start3A_142 = tpu.memref_slice %dma_start3A_139[%dma_start3A_140, %dma_start3A_141] : memref<1024x8xi32, #tpu.memory_space<vmem>> -> memref<128x8xi32, #tpu.memory_space<vmem>>
        %dma_start3A_143 = arith.constant 0 : i32
        %dma_start3A_144 = tpu.memref_slice %arg6[%dma_start3A_134, %dma_start3A_143] : memref<2x1024xi32, #tpu.memory_space<vmem>> -> memref<1x1024xi32, #tpu.memory_space<vmem>>
        %dma_start3A_145 = tpu.memref_squeeze %dma_start3A_144 : memref<1x1024xi32, #tpu.memory_space<vmem>> -> memref<1024xi32, #tpu.memory_space<vmem>>
        %dma_start3A_146 = arith.constant 128 : i32
        %dma_start3A_147 = tpu.memref_slice %dma_start3A_145[%dma_start3A_146] : memref<1024xi32, #tpu.memory_space<vmem>> -> memref<128xi32, #tpu.memory_space<vmem>>
        %dma_start3A_148 = arith.constant 0 : i32
        %dma_start3A_149 = arith.constant 0 : i32
        %dma_start3A_150 = tpu.memref_slice %arg10[%dma_start3A_148, %dma_start3A_149] : memref<100000x8xi32, #tpu.memory_space<vmem_shared>> -> memref<100000x8xi32, #tpu.memory_space<vmem_shared>>
        tpu.enqueue_indirect_dma source(%dma_start3A_150 : memref<100000x8xi32, #tpu.memory_space<vmem_shared>>) target(%dma_start3A_142 : memref<128x8xi32, #tpu.memory_space<vmem>>) offsets(%dma_start3A_147 : memref<128xi32, #tpu.memory_space<vmem>>) semaphore(%arg11 : memref<!tpu.dma_semaphore, #tpu.memory_space<semaphore_mem>>)
        %dma_start3A_151 = arith.constant 1 : i32
        %dma_start3A_152 = arith.constant 1 : i32
        %dma_start3A_153 = arith.constant 0 : i32
        %dma_start3A_154 = arith.constant 0 : i32
        %dma_start3A_155 = tpu.memref_slice %arg9[%dma_start3A_152, %dma_start3A_153, %dma_start3A_154] : memref<2x1024x8xi32, #tpu.memory_space<vmem>> -> memref<1x1024x8xi32, #tpu.memory_space<vmem>>
        %dma_start3A_156 = tpu.memref_squeeze %dma_start3A_155 : memref<1x1024x8xi32, #tpu.memory_space<vmem>> -> memref<1024x8xi32, #tpu.memory_space<vmem>>
        %dma_start3A_157 = arith.constant 128 : i32
        %dma_start3A_158 = arith.constant 0 : i32
        %dma_start3A_159 = tpu.memref_slice %dma_start3A_156[%dma_start3A_157, %dma_start3A_158] : memref<1024x8xi32, #tpu.memory_space<vmem>> -> memref<128x8xi32, #tpu.memory_space<vmem>>
        %dma_start3A_160 = arith.constant 0 : i32
        %dma_start3A_161 = tpu.memref_slice %arg7[%dma_start3A_151, %dma_start3A_160] : memref<2x1024xi32, #tpu.memory_space<vmem>> -> memref<1x1024xi32, #tpu.memory_space<vmem>>
        %dma_start3A_162 = tpu.memref_squeeze %dma_start3A_161 : memref<1x1024xi32, #tpu.memory_space<vmem>> -> memref<1024xi32, #tpu.memory_space<vmem>>
        %dma_start3A_163 = arith.constant 128 : i32
        %dma_start3A_164 = tpu.memref_slice %dma_start3A_162[%dma_start3A_163] : memref<1024xi32, #tpu.memory_space<vmem>> -> memref<128xi32, #tpu.memory_space<vmem>>
        %dma_start3A_165 = arith.constant 0 : i32
        %dma_start3A_166 = arith.constant 0 : i32
        %dma_start3A_167 = tpu.memref_slice %arg10[%dma_start3A_165, %dma_start3A_166] : memref<100000x8xi32, #tpu.memory_space<vmem_shared>> -> memref<100000x8xi32, #tpu.memory_space<vmem_shared>>
        tpu.enqueue_indirect_dma source(%dma_start3A_167 : memref<100000x8xi32, #tpu.memory_space<vmem_shared>>) target(%dma_start3A_159 : memref<128x8xi32, #tpu.memory_space<vmem>>) offsets(%dma_start3A_164 : memref<128xi32, #tpu.memory_space<vmem>>) semaphore(%arg11 : memref<!tpu.dma_semaphore, #tpu.memory_space<semaphore_mem>>)
        %dma_start3A_168 = arith.constant 1 : i32
        %dma_start3A_169 = arith.constant 1 : i32
        %dma_start3A_170 = arith.constant 0 : i32
        %dma_start3A_171 = arith.constant 0 : i32
        %dma_start3A_172 = tpu.memref_slice %arg8[%dma_start3A_169, %dma_start3A_170, %dma_start3A_171] : memref<2x1024x8xi32, #tpu.memory_space<vmem>> -> memref<1x1024x8xi32, #tpu.memory_space<vmem>>
        %dma_start3A_173 = tpu.memref_squeeze %dma_start3A_172 : memref<1x1024x8xi32, #tpu.memory_space<vmem>> -> memref<1024x8xi32, #tpu.memory_space<vmem>>
        %dma_start3A_174 = arith.constant 256 : i32
        %dma_start3A_175 = arith.constant 0 : i32
        %dma_start3A_176 = tpu.memref_slice %dma_start3A_173[%dma_start3A_174, %dma_start3A_175] : memref<1024x8xi32, #tpu.memory_space<vmem>> -> memref<128x8xi32, #tpu.memory_space<vmem>>
        %dma_start3A_177 = arith.constant 0 : i32
        %dma_start3A_178 = tpu.memref_slice %arg6[%dma_start3A_168, %dma_start3A_177] : memref<2x1024xi32, #tpu.memory_space<vmem>> -> memref<1x1024xi32, #tpu.memory_space<vmem>>
        %dma_start3A_179 = tpu.memref_squeeze %dma_start3A_178 : memref<1x1024xi32, #tpu.memory_space<vmem>> -> memref<1024xi32, #tpu.memory_space<vmem>>
        %dma_start3A_180 = arith.constant 256 : i32
        %dma_start3A_181 = tpu.memref_slice %dma_start3A_179[%dma_start3A_180] : memref<1024xi32, #tpu.memory_space<vmem>> -> memref<128xi32, #tpu.memory_space<vmem>>
        %dma_start3A_182 = arith.constant 0 : i32
        %dma_start3A_183 = arith.constant 0 : i32
        %dma_start3A_184 = tpu.memref_slice %arg10[%dma_start3A_182, %dma_start3A_183] : memref<100000x8xi32, #tpu.memory_space<vmem_shared>> -> memref<100000x8xi32, #tpu.memory_space<vmem_shared>>
        tpu.enqueue_indirect_dma source(%dma_start3A_184 : memref<100000x8xi32, #tpu.memory_space<vmem_shared>>) target(%dma_start3A_176 : memref<128x8xi32, #tpu.memory_space<vmem>>) offsets(%dma_start3A_181 : memref<128xi32, #tpu.memory_space<vmem>>) semaphore(%arg11 : memref<!tpu.dma_semaphore, #tpu.memory_space<semaphore_mem>>)
        %dma_start3A_185 = arith.constant 1 : i32
        %dma_start3A_186 = arith.constant 1 : i32
        %dma_start3A_187 = arith.constant 0 : i32
        %dma_start3A_188 = arith.constant 0 : i32
        %dma_start3A_189 = tpu.memref_slice %arg9[%dma_start3A_186, %dma_start3A_187, %dma_start3A_188] : memref<2x1024x8xi32, #tpu.memory_space<vmem>> -> memref<1x1024x8xi32, #tpu.memory_space<vmem>>
        %dma_start3A_190 = tpu.memref_squeeze %dma_start3A_189 : memref<1x1024x8xi32, #tpu.memory_space<vmem>> -> memref<1024x8xi32, #tpu.memory_space<vmem>>
        %dma_start3A_191 = arith.constant 256 : i32
        %dma_start3A_192 = arith.constant 0 : i32
        %dma_start3A_193 = tpu.memref_slice %dma_start3A_190[%dma_start3A_191, %dma_start3A_192] : memref<1024x8xi32, #tpu.memory_space<vmem>> -> memref<128x8xi32, #tpu.memory_space<vmem>>
        %dma_start3A_194 = arith.constant 0 : i32
        %dma_start3A_195 = tpu.memref_slice %arg7[%dma_start3A_185, %dma_start3A_194] : memref<2x1024xi32, #tpu.memory_space<vmem>> -> memref<1x1024xi32, #tpu.memory_space<vmem>>
        %dma_start3A_196 = tpu.memref_squeeze %dma_start3A_195 : memref<1x1024xi32, #tpu.memory_space<vmem>> -> memref<1024xi32, #tpu.memory_space<vmem>>
        %dma_start3A_197 = arith.constant 256 : i32
        %dma_start3A_198 = tpu.memref_slice %dma_start3A_196[%dma_start3A_197] : memref<1024xi32, #tpu.memory_space<vmem>> -> memref<128xi32, #tpu.memory_space<vmem>>
        %dma_start3A_199 = arith.constant 0 : i32
        %dma_start3A_200 = arith.constant 0 : i32
        %dma_start3A_201 = tpu.memref_slice %arg10[%dma_start3A_199, %dma_start3A_200] : memref<100000x8xi32, #tpu.memory_space<vmem_shared>> -> memref<100000x8xi32, #tpu.memory_space<vmem_shared>>
        tpu.enqueue_indirect_dma source(%dma_start3A_201 : memref<100000x8xi32, #tpu.memory_space<vmem_shared>>) target(%dma_start3A_193 : memref<128x8xi32, #tpu.memory_space<vmem>>) offsets(%dma_start3A_198 : memref<128xi32, #tpu.memory_space<vmem>>) semaphore(%arg11 : memref<!tpu.dma_semaphore, #tpu.memory_space<semaphore_mem>>)
        %dma_start3A_202 = arith.constant 1 : i32
        %dma_start3A_203 = arith.constant 1 : i32
        %dma_start3A_204 = arith.constant 0 : i32
        %dma_start3A_205 = arith.constant 0 : i32
        %dma_start3A_206 = tpu.memref_slice %arg8[%dma_start3A_203, %dma_start3A_204, %dma_start3A_205] : memref<2x1024x8xi32, #tpu.memory_space<vmem>> -> memref<1x1024x8xi32, #tpu.memory_space<vmem>>
        %dma_start3A_207 = tpu.memref_squeeze %dma_start3A_206 : memref<1x1024x8xi32, #tpu.memory_space<vmem>> -> memref<1024x8xi32, #tpu.memory_space<vmem>>
        %dma_start3A_208 = arith.constant 384 : i32
        %dma_start3A_209 = arith.constant 0 : i32
        %dma_start3A_210 = tpu.memref_slice %dma_start3A_207[%dma_start3A_208, %dma_start3A_209] : memref<1024x8xi32, #tpu.memory_space<vmem>> -> memref<128x8xi32, #tpu.memory_space<vmem>>
        %dma_start3A_211 = arith.constant 0 : i32
        %dma_start3A_212 = tpu.memref_slice %arg6[%dma_start3A_202, %dma_start3A_211] : memref<2x1024xi32, #tpu.memory_space<vmem>> -> memref<1x1024xi32, #tpu.memory_space<vmem>>
        %dma_start3A_213 = tpu.memref_squeeze %dma_start3A_212 : memref<1x1024xi32, #tpu.memory_space<vmem>> -> memref<1024xi32, #tpu.memory_space<vmem>>
        %dma_start3A_214 = arith.constant 384 : i32
        %dma_start3A_215 = tpu.memref_slice %dma_start3A_213[%dma_start3A_214] : memref<1024xi32, #tpu.memory_space<vmem>> -> memref<128xi32, #tpu.memory_space<vmem>>
        %dma_start3A_216 = arith.constant 0 : i32
        %dma_start3A_217 = arith.constant 0 : i32
        %dma_start3A_218 = tpu.memref_slice %arg10[%dma_start3A_216, %dma_start3A_217] : memref<100000x8xi32, #tpu.memory_space<vmem_shared>> -> memref<100000x8xi32, #tpu.memory_space<vmem_shared>>
        tpu.enqueue_indirect_dma source(%dma_start3A_218 : memref<100000x8xi32, #tpu.memory_space<vmem_shared>>) target(%dma_start3A_210 : memref<128x8xi32, #tpu.memory_space<vmem>>) offsets(%dma_start3A_215 : memref<128xi32, #tpu.memory_space<vmem>>) semaphore(%arg11 : memref<!tpu.dma_semaphore, #tpu.memory_space<semaphore_mem>>)
        %dma_start3A_219 = arith.constant 1 : i32
        %dma_start3A_220 = arith.constant 1 : i32
        %dma_start3A_221 = arith.constant 0 : i32
        %dma_start3A_222 = arith.constant 0 : i32
        %dma_start3A_223 = tpu.memref_slice %arg9[%dma_start3A_220, %dma_start3A_221, %dma_start3A_222] : memref<2x1024x8xi32, #tpu.memory_space<vmem>> -> memref<1x1024x8xi32, #tpu.memory_space<vmem>>
        %dma_start3A_224 = tpu.memref_squeeze %dma_start3A_223 : memref<1x1024x8xi32, #tpu.memory_space<vmem>> -> memref<1024x8xi32, #tpu.memory_space<vmem>>
        %dma_start3A_225 = arith.constant 384 : i32
        %dma_start3A_226 = arith.constant 0 : i32
        %dma_start3A_227 = tpu.memref_slice %dma_start3A_224[%dma_start3A_225, %dma_start3A_226] : memref<1024x8xi32, #tpu.memory_space<vmem>> -> memref<128x8xi32, #tpu.memory_space<vmem>>
        %dma_start3A_228 = arith.constant 0 : i32
        %dma_start3A_229 = tpu.memref_slice %arg7[%dma_start3A_219, %dma_start3A_228] : memref<2x1024xi32, #tpu.memory_space<vmem>> -> memref<1x1024xi32, #tpu.memory_space<vmem>>
        %dma_start3A_230 = tpu.memref_squeeze %dma_start3A_229 : memref<1x1024xi32, #tpu.memory_space<vmem>> -> memref<1024xi32, #tpu.memory_space<vmem>>
        %dma_start3A_231 = arith.constant 384 : i32
        %dma_start3A_232 = tpu.memref_slice %dma_start3A_230[%dma_start3A_231] : memref<1024xi32, #tpu.memory_space<vmem>> -> memref<128xi32, #tpu.memory_space<vmem>>
        %dma_start3A_233 = arith.constant 0 : i32
        %dma_start3A_234 = arith.constant 0 : i32
        %dma_start3A_235 = tpu.memref_slice %arg10[%dma_start3A_233, %dma_start3A_234] : memref<100000x8xi32, #tpu.memory_space<vmem_shared>> -> memref<100000x8xi32, #tpu.memory_space<vmem_shared>>
        tpu.enqueue_indirect_dma source(%dma_start3A_235 : memref<100000x8xi32, #tpu.memory_space<vmem_shared>>) target(%dma_start3A_227 : memref<128x8xi32, #tpu.memory_space<vmem>>) offsets(%dma_start3A_232 : memref<128xi32, #tpu.memory_space<vmem>>) semaphore(%arg11 : memref<!tpu.dma_semaphore, #tpu.memory_space<semaphore_mem>>)
        %dma_start3A_236 = arith.constant 1 : i32
        %dma_start3A_237 = arith.constant 1 : i32
        %dma_start3A_238 = arith.constant 0 : i32
        %dma_start3A_239 = arith.constant 0 : i32
        %dma_start3A_240 = tpu.memref_slice %arg8[%dma_start3A_237, %dma_start3A_238, %dma_start3A_239] : memref<2x1024x8xi32, #tpu.memory_space<vmem>> -> memref<1x1024x8xi32, #tpu.memory_space<vmem>>
        %dma_start3A_241 = tpu.memref_squeeze %dma_start3A_240 : memref<1x1024x8xi32, #tpu.memory_space<vmem>> -> memref<1024x8xi32, #tpu.memory_space<vmem>>
        %dma_start3A_242 = arith.constant 512 : i32
        %dma_start3A_243 = arith.constant 0 : i32
        %dma_start3A_244 = tpu.memref_slice %dma_start3A_241[%dma_start3A_242, %dma_start3A_243] : memref<1024x8xi32, #tpu.memory_space<vmem>> -> memref<128x8xi32, #tpu.memory_space<vmem>>
        %dma_start3A_245 = arith.constant 0 : i32
        %dma_start3A_246 = tpu.memref_slice %arg6[%dma_start3A_236, %dma_start3A_245] : memref<2x1024xi32, #tpu.memory_space<vmem>> -> memref<1x1024xi32, #tpu.memory_space<vmem>>
        %dma_start3A_247 = tpu.memref_squeeze %dma_start3A_246 : memref<1x1024xi32, #tpu.memory_space<vmem>> -> memref<1024xi32, #tpu.memory_space<vmem>>
        %dma_start3A_248 = arith.constant 512 : i32
        %dma_start3A_249 = tpu.memref_slice %dma_start3A_247[%dma_start3A_248] : memref<1024xi32, #tpu.memory_space<vmem>> -> memref<128xi32, #tpu.memory_space<vmem>>
        %dma_start3A_250 = arith.constant 0 : i32
        %dma_start3A_251 = arith.constant 0 : i32
        %dma_start3A_252 = tpu.memref_slice %arg10[%dma_start3A_250, %dma_start3A_251] : memref<100000x8xi32, #tpu.memory_space<vmem_shared>> -> memref<100000x8xi32, #tpu.memory_space<vmem_shared>>
        tpu.enqueue_indirect_dma source(%dma_start3A_252 : memref<100000x8xi32, #tpu.memory_space<vmem_shared>>) target(%dma_start3A_244 : memref<128x8xi32, #tpu.memory_space<vmem>>) offsets(%dma_start3A_249 : memref<128xi32, #tpu.memory_space<vmem>>) semaphore(%arg11 : memref<!tpu.dma_semaphore, #tpu.memory_space<semaphore_mem>>)
        %dma_start3A_253 = arith.constant 1 : i32
        %dma_start3A_254 = arith.constant 1 : i32
        %dma_start3A_255 = arith.constant 0 : i32
        %dma_start3A_256 = arith.constant 0 : i32
        %dma_start3A_257 = tpu.memref_slice %arg9[%dma_start3A_254, %dma_start3A_255, %dma_start3A_256] : memref<2x1024x8xi32, #tpu.memory_space<vmem>> -> memref<1x1024x8xi32, #tpu.memory_space<vmem>>
        %dma_start3A_258 = tpu.memref_squeeze %dma_start3A_257 : memref<1x1024x8xi32, #tpu.memory_space<vmem>> -> memref<1024x8xi32, #tpu.memory_space<vmem>>
        %dma_start3A_259 = arith.constant 512 : i32
        %dma_start3A_260 = arith.constant 0 : i32
        %dma_start3A_261 = tpu.memref_slice %dma_start3A_258[%dma_start3A_259, %dma_start3A_260] : memref<1024x8xi32, #tpu.memory_space<vmem>> -> memref<128x8xi32, #tpu.memory_space<vmem>>
        %dma_start3A_262 = arith.constant 0 : i32
        %dma_start3A_263 = tpu.memref_slice %arg7[%dma_start3A_253, %dma_start3A_262] : memref<2x1024xi32, #tpu.memory_space<vmem>> -> memref<1x1024xi32, #tpu.memory_space<vmem>>
        %dma_start3A_264 = tpu.memref_squeeze %dma_start3A_263 : memref<1x1024xi32, #tpu.memory_space<vmem>> -> memref<1024xi32, #tpu.memory_space<vmem>>
        %dma_start3A_265 = arith.constant 512 : i32
        %dma_start3A_266 = tpu.memref_slice %dma_start3A_264[%dma_start3A_265] : memref<1024xi32, #tpu.memory_space<vmem>> -> memref<128xi32, #tpu.memory_space<vmem>>
        %dma_start3A_267 = arith.constant 0 : i32
        %dma_start3A_268 = arith.constant 0 : i32
        %dma_start3A_269 = tpu.memref_slice %arg10[%dma_start3A_267, %dma_start3A_268] : memref<100000x8xi32, #tpu.memory_space<vmem_shared>> -> memref<100000x8xi32, #tpu.memory_space<vmem_shared>>
        tpu.enqueue_indirect_dma source(%dma_start3A_269 : memref<100000x8xi32, #tpu.memory_space<vmem_shared>>) target(%dma_start3A_261 : memref<128x8xi32, #tpu.memory_space<vmem>>) offsets(%dma_start3A_266 : memref<128xi32, #tpu.memory_space<vmem>>) semaphore(%arg11 : memref<!tpu.dma_semaphore, #tpu.memory_space<semaphore_mem>>)
        %dma_start3A_270 = arith.constant 1 : i32
        %dma_start3A_271 = arith.constant 1 : i32
        %dma_start3A_272 = arith.constant 0 : i32
        %dma_start3A_273 = arith.constant 0 : i32
        %dma_start3A_274 = tpu.memref_slice %arg8[%dma_start3A_271, %dma_start3A_272, %dma_start3A_273] : memref<2x1024x8xi32, #tpu.memory_space<vmem>> -> memref<1x1024x8xi32, #tpu.memory_space<vmem>>
        %dma_start3A_275 = tpu.memref_squeeze %dma_start3A_274 : memref<1x1024x8xi32, #tpu.memory_space<vmem>> -> memref<1024x8xi32, #tpu.memory_space<vmem>>
        %dma_start3A_276 = arith.constant 640 : i32
        %dma_start3A_277 = arith.constant 0 : i32
        %dma_start3A_278 = tpu.memref_slice %dma_start3A_275[%dma_start3A_276, %dma_start3A_277] : memref<1024x8xi32, #tpu.memory_space<vmem>> -> memref<128x8xi32, #tpu.memory_space<vmem>>
        %dma_start3A_279 = arith.constant 0 : i32
        %dma_start3A_280 = tpu.memref_slice %arg6[%dma_start3A_270, %dma_start3A_279] : memref<2x1024xi32, #tpu.memory_space<vmem>> -> memref<1x1024xi32, #tpu.memory_space<vmem>>
        %dma_start3A_281 = tpu.memref_squeeze %dma_start3A_280 : memref<1x1024xi32, #tpu.memory_space<vmem>> -> memref<1024xi32, #tpu.memory_space<vmem>>
        %dma_start3A_282 = arith.constant 640 : i32
        %dma_start3A_283 = tpu.memref_slice %dma_start3A_281[%dma_start3A_282] : memref<1024xi32, #tpu.memory_space<vmem>> -> memref<128xi32, #tpu.memory_space<vmem>>
        %dma_start3A_284 = arith.constant 0 : i32
        %dma_start3A_285 = arith.constant 0 : i32
        %dma_start3A_286 = tpu.memref_slice %arg10[%dma_start3A_284, %dma_start3A_285] : memref<100000x8xi32, #tpu.memory_space<vmem_shared>> -> memref<100000x8xi32, #tpu.memory_space<vmem_shared>>
        tpu.enqueue_indirect_dma source(%dma_start3A_286 : memref<100000x8xi32, #tpu.memory_space<vmem_shared>>) target(%dma_start3A_278 : memref<128x8xi32, #tpu.memory_space<vmem>>) offsets(%dma_start3A_283 : memref<128xi32, #tpu.memory_space<vmem>>) semaphore(%arg11 : memref<!tpu.dma_semaphore, #tpu.memory_space<semaphore_mem>>)
        %dma_start3A_287 = arith.constant 1 : i32
        %dma_start3A_288 = arith.constant 1 : i32
        %dma_start3A_289 = arith.constant 0 : i32
        %dma_start3A_290 = arith.constant 0 : i32
        %dma_start3A_291 = tpu.memref_slice %arg9[%dma_start3A_288, %dma_start3A_289, %dma_start3A_290] : memref<2x1024x8xi32, #tpu.memory_space<vmem>> -> memref<1x1024x8xi32, #tpu.memory_space<vmem>>
        %dma_start3A_292 = tpu.memref_squeeze %dma_start3A_291 : memref<1x1024x8xi32, #tpu.memory_space<vmem>> -> memref<1024x8xi32, #tpu.memory_space<vmem>>
        %dma_start3A_293 = arith.constant 640 : i32
        %dma_start3A_294 = arith.constant 0 : i32
        %dma_start3A_295 = tpu.memref_slice %dma_start3A_292[%dma_start3A_293, %dma_start3A_294] : memref<1024x8xi32, #tpu.memory_space<vmem>> -> memref<128x8xi32, #tpu.memory_space<vmem>>
        %dma_start3A_296 = arith.constant 0 : i32
        %dma_start3A_297 = tpu.memref_slice %arg7[%dma_start3A_287, %dma_start3A_296] : memref<2x1024xi32, #tpu.memory_space<vmem>> -> memref<1x1024xi32, #tpu.memory_space<vmem>>
        %dma_start3A_298 = tpu.memref_squeeze %dma_start3A_297 : memref<1x1024xi32, #tpu.memory_space<vmem>> -> memref<1024xi32, #tpu.memory_space<vmem>>
        %dma_start3A_299 = arith.constant 640 : i32
        %dma_start3A_300 = tpu.memref_slice %dma_start3A_298[%dma_start3A_299] : memref<1024xi32, #tpu.memory_space<vmem>> -> memref<128xi32, #tpu.memory_space<vmem>>
        %dma_start3A_301 = arith.constant 0 : i32
        %dma_start3A_302 = arith.constant 0 : i32
        %dma_start3A_303 = tpu.memref_slice %arg10[%dma_start3A_301, %dma_start3A_302] : memref<100000x8xi32, #tpu.memory_space<vmem_shared>> -> memref<100000x8xi32, #tpu.memory_space<vmem_shared>>
        tpu.enqueue_indirect_dma source(%dma_start3A_303 : memref<100000x8xi32, #tpu.memory_space<vmem_shared>>) target(%dma_start3A_295 : memref<128x8xi32, #tpu.memory_space<vmem>>) offsets(%dma_start3A_300 : memref<128xi32, #tpu.memory_space<vmem>>) semaphore(%arg11 : memref<!tpu.dma_semaphore, #tpu.memory_space<semaphore_mem>>)
        %dma_start3A_304 = arith.constant 1 : i32
        %dma_start3A_305 = arith.constant 1 : i32
        %dma_start3A_306 = arith.constant 0 : i32
        %dma_start3A_307 = arith.constant 0 : i32
        %dma_start3A_308 = tpu.memref_slice %arg8[%dma_start3A_305, %dma_start3A_306, %dma_start3A_307] : memref<2x1024x8xi32, #tpu.memory_space<vmem>> -> memref<1x1024x8xi32, #tpu.memory_space<vmem>>
        %dma_start3A_309 = tpu.memref_squeeze %dma_start3A_308 : memref<1x1024x8xi32, #tpu.memory_space<vmem>> -> memref<1024x8xi32, #tpu.memory_space<vmem>>
        %dma_start3A_310 = arith.constant 768 : i32
        %dma_start3A_311 = arith.constant 0 : i32
        %dma_start3A_312 = tpu.memref_slice %dma_start3A_309[%dma_start3A_310, %dma_start3A_311] : memref<1024x8xi32, #tpu.memory_space<vmem>> -> memref<128x8xi32, #tpu.memory_space<vmem>>
        %dma_start3A_313 = arith.constant 0 : i32
        %dma_start3A_314 = tpu.memref_slice %arg6[%dma_start3A_304, %dma_start3A_313] : memref<2x1024xi32, #tpu.memory_space<vmem>> -> memref<1x1024xi32, #tpu.memory_space<vmem>>
        %dma_start3A_315 = tpu.memref_squeeze %dma_start3A_314 : memref<1x1024xi32, #tpu.memory_space<vmem>> -> memref<1024xi32, #tpu.memory_space<vmem>>
        %dma_start3A_316 = arith.constant 768 : i32
        %dma_start3A_317 = tpu.memref_slice %dma_start3A_315[%dma_start3A_316] : memref<1024xi32, #tpu.memory_space<vmem>> -> memref<128xi32, #tpu.memory_space<vmem>>
        %dma_start3A_318 = arith.constant 0 : i32
        %dma_start3A_319 = arith.constant 0 : i32
        %dma_start3A_320 = tpu.memref_slice %arg10[%dma_start3A_318, %dma_start3A_319] : memref<100000x8xi32, #tpu.memory_space<vmem_shared>> -> memref<100000x8xi32, #tpu.memory_space<vmem_shared>>
        tpu.enqueue_indirect_dma source(%dma_start3A_320 : memref<100000x8xi32, #tpu.memory_space<vmem_shared>>) target(%dma_start3A_312 : memref<128x8xi32, #tpu.memory_space<vmem>>) offsets(%dma_start3A_317 : memref<128xi32, #tpu.memory_space<vmem>>) semaphore(%arg11 : memref<!tpu.dma_semaphore, #tpu.memory_space<semaphore_mem>>)
        %dma_start3A_321 = arith.constant 1 : i32
        %dma_start3A_322 = arith.constant 1 : i32
        %dma_start3A_323 = arith.constant 0 : i32
        %dma_start3A_324 = arith.constant 0 : i32
        %dma_start3A_325 = tpu.memref_slice %arg9[%dma_start3A_322, %dma_start3A_323, %dma_start3A_324] : memref<2x1024x8xi32, #tpu.memory_space<vmem>> -> memref<1x1024x8xi32, #tpu.memory_space<vmem>>
        %dma_start3A_326 = tpu.memref_squeeze %dma_start3A_325 : memref<1x1024x8xi32, #tpu.memory_space<vmem>> -> memref<1024x8xi32, #tpu.memory_space<vmem>>
        %dma_start3A_327 = arith.constant 768 : i32
        %dma_start3A_328 = arith.constant 0 : i32
        %dma_start3A_329 = tpu.memref_slice %dma_start3A_326[%dma_start3A_327, %dma_start3A_328] : memref<1024x8xi32, #tpu.memory_space<vmem>> -> memref<128x8xi32, #tpu.memory_space<vmem>>
        %dma_start3A_330 = arith.constant 0 : i32
        %dma_start3A_331 = tpu.memref_slice %arg7[%dma_start3A_321, %dma_start3A_330] : memref<2x1024xi32, #tpu.memory_space<vmem>> -> memref<1x1024xi32, #tpu.memory_space<vmem>>
        %dma_start3A_332 = tpu.memref_squeeze %dma_start3A_331 : memref<1x1024xi32, #tpu.memory_space<vmem>> -> memref<1024xi32, #tpu.memory_space<vmem>>
        %dma_start3A_333 = arith.constant 768 : i32
        %dma_start3A_334 = tpu.memref_slice %dma_start3A_332[%dma_start3A_333] : memref<1024xi32, #tpu.memory_space<vmem>> -> memref<128xi32, #tpu.memory_space<vmem>>
        %dma_start3A_335 = arith.constant 0 : i32
        %dma_start3A_336 = arith.constant 0 : i32
        %dma_start3A_337 = tpu.memref_slice %arg10[%dma_start3A_335, %dma_start3A_336] : memref<100000x8xi32, #tpu.memory_space<vmem_shared>> -> memref<100000x8xi32, #tpu.memory_space<vmem_shared>>
        tpu.enqueue_indirect_dma source(%dma_start3A_337 : memref<100000x8xi32, #tpu.memory_space<vmem_shared>>) target(%dma_start3A_329 : memref<128x8xi32, #tpu.memory_space<vmem>>) offsets(%dma_start3A_334 : memref<128xi32, #tpu.memory_space<vmem>>) semaphore(%arg11 : memref<!tpu.dma_semaphore, #tpu.memory_space<semaphore_mem>>)
        %dma_start3A_338 = arith.constant 1 : i32
        %dma_start3A_339 = arith.constant 1 : i32
        %dma_start3A_340 = arith.constant 0 : i32
        %dma_start3A_341 = arith.constant 0 : i32
        %dma_start3A_342 = tpu.memref_slice %arg8[%dma_start3A_339, %dma_start3A_340, %dma_start3A_341] : memref<2x1024x8xi32, #tpu.memory_space<vmem>> -> memref<1x1024x8xi32, #tpu.memory_space<vmem>>
        %dma_start3A_343 = tpu.memref_squeeze %dma_start3A_342 : memref<1x1024x8xi32, #tpu.memory_space<vmem>> -> memref<1024x8xi32, #tpu.memory_space<vmem>>
        %dma_start3A_344 = arith.constant 896 : i32
        %dma_start3A_345 = arith.constant 0 : i32
        %dma_start3A_346 = tpu.memref_slice %dma_start3A_343[%dma_start3A_344, %dma_start3A_345] : memref<1024x8xi32, #tpu.memory_space<vmem>> -> memref<128x8xi32, #tpu.memory_space<vmem>>
        %dma_start3A_347 = arith.constant 0 : i32
        %dma_start3A_348 = tpu.memref_slice %arg6[%dma_start3A_338, %dma_start3A_347] : memref<2x1024xi32, #tpu.memory_space<vmem>> -> memref<1x1024xi32, #tpu.memory_space<vmem>>
        %dma_start3A_349 = tpu.memref_squeeze %dma_start3A_348 : memref<1x1024xi32, #tpu.memory_space<vmem>> -> memref<1024xi32, #tpu.memory_space<vmem>>
        %dma_start3A_350 = arith.constant 896 : i32
        %dma_start3A_351 = tpu.memref_slice %dma_start3A_349[%dma_start3A_350] : memref<1024xi32, #tpu.memory_space<vmem>> -> memref<128xi32, #tpu.memory_space<vmem>>
        %dma_start3A_352 = arith.constant 0 : i32
        %dma_start3A_353 = arith.constant 0 : i32
        %dma_start3A_354 = tpu.memref_slice %arg10[%dma_start3A_352, %dma_start3A_353] : memref<100000x8xi32, #tpu.memory_space<vmem_shared>> -> memref<100000x8xi32, #tpu.memory_space<vmem_shared>>
        tpu.enqueue_indirect_dma source(%dma_start3A_354 : memref<100000x8xi32, #tpu.memory_space<vmem_shared>>) target(%dma_start3A_346 : memref<128x8xi32, #tpu.memory_space<vmem>>) offsets(%dma_start3A_351 : memref<128xi32, #tpu.memory_space<vmem>>) semaphore(%arg11 : memref<!tpu.dma_semaphore, #tpu.memory_space<semaphore_mem>>)
        %dma_start3A_355 = arith.constant 1 : i32
        %dma_start3A_356 = arith.constant 1 : i32
        %dma_start3A_357 = arith.constant 0 : i32
        %dma_start3A_358 = arith.constant 0 : i32
        %dma_start3A_359 = tpu.memref_slice %arg9[%dma_start3A_356, %dma_start3A_357, %dma_start3A_358] : memref<2x1024x8xi32, #tpu.memory_space<vmem>> -> memref<1x1024x8xi32, #tpu.memory_space<vmem>>
        %dma_start3A_360 = tpu.memref_squeeze %dma_start3A_359 : memref<1x1024x8xi32, #tpu.memory_space<vmem>> -> memref<1024x8xi32, #tpu.memory_space<vmem>>
        %dma_start3A_361 = arith.constant 896 : i32
        %dma_start3A_362 = arith.constant 0 : i32
        %dma_start3A_363 = tpu.memref_slice %dma_start3A_360[%dma_start3A_361, %dma_start3A_362] : memref<1024x8xi32, #tpu.memory_space<vmem>> -> memref<128x8xi32, #tpu.memory_space<vmem>>
        %dma_start3A_364 = arith.constant 0 : i32
        %dma_start3A_365 = tpu.memref_slice %arg7[%dma_start3A_355, %dma_start3A_364] : memref<2x1024xi32, #tpu.memory_space<vmem>> -> memref<1x1024xi32, #tpu.memory_space<vmem>>
        %dma_start3A_366 = tpu.memref_squeeze %dma_start3A_365 : memref<1x1024xi32, #tpu.memory_space<vmem>> -> memref<1024xi32, #tpu.memory_space<vmem>>
        %dma_start3A_367 = arith.constant 896 : i32
        %dma_start3A_368 = tpu.memref_slice %dma_start3A_366[%dma_start3A_367] : memref<1024xi32, #tpu.memory_space<vmem>> -> memref<128xi32, #tpu.memory_space<vmem>>
        %dma_start3A_369 = arith.constant 0 : i32
        %dma_start3A_370 = arith.constant 0 : i32
        %dma_start3A_371 = tpu.memref_slice %arg10[%dma_start3A_369, %dma_start3A_370] : memref<100000x8xi32, #tpu.memory_space<vmem_shared>> -> memref<100000x8xi32, #tpu.memory_space<vmem_shared>>
        tpu.enqueue_indirect_dma source(%dma_start3A_371 : memref<100000x8xi32, #tpu.memory_space<vmem_shared>>) target(%dma_start3A_363 : memref<128x8xi32, #tpu.memory_space<vmem>>) offsets(%dma_start3A_368 : memref<128xi32, #tpu.memory_space<vmem>>) semaphore(%arg11 : memref<!tpu.dma_semaphore, #tpu.memory_space<semaphore_mem>>)
        %dma_wait3A_372 = arith.constant 1 : i32
        %dma_wait3A_373 = arith.constant 1 : i32
        %dma_wait3A_374 = arith.constant 0 : i32
        %dma_wait3A_375 = arith.constant 0 : i32
        %dma_wait3A_376 = tpu.memref_slice %arg8[%dma_wait3A_373, %dma_wait3A_374, %dma_wait3A_375] : memref<2x1024x8xi32, #tpu.memory_space<vmem>> -> memref<1x1024x8xi32, #tpu.memory_space<vmem>>
        %dma_wait3A_377 = tpu.memref_squeeze %dma_wait3A_376 : memref<1x1024x8xi32, #tpu.memory_space<vmem>> -> memref<1024x8xi32, #tpu.memory_space<vmem>>
        %dma_wait3A_378 = arith.constant 0 : i32
        %dma_wait3A_379 = arith.constant 0 : i32
        %dma_wait3A_380 = tpu.memref_slice %dma_wait3A_377[%dma_wait3A_378, %dma_wait3A_379] : memref<1024x8xi32, #tpu.memory_space<vmem>> -> memref<128x8xi32, #tpu.memory_space<vmem>>
        %dma_wait3A_381 = arith.constant 0 : i32
        %dma_wait3A_382 = tpu.memref_slice %arg6[%dma_wait3A_372, %dma_wait3A_381] : memref<2x1024xi32, #tpu.memory_space<vmem>> -> memref<1x1024xi32, #tpu.memory_space<vmem>>
        %dma_wait3A_383 = tpu.memref_squeeze %dma_wait3A_382 : memref<1x1024xi32, #tpu.memory_space<vmem>> -> memref<1024xi32, #tpu.memory_space<vmem>>
        %dma_wait3A_384 = arith.constant 0 : i32
        %dma_wait3A_385 = tpu.memref_slice %dma_wait3A_383[%dma_wait3A_384] : memref<1024xi32, #tpu.memory_space<vmem>> -> memref<128xi32, #tpu.memory_space<vmem>>
        %dma_wait3A_386 = arith.constant 0 : i32
        %dma_wait3A_387 = arith.constant 0 : i32
        %dma_wait3A_388 = tpu.memref_slice %arg10[%dma_wait3A_386, %dma_wait3A_387] : memref<100000x8xi32, #tpu.memory_space<vmem_shared>> -> memref<100000x8xi32, #tpu.memory_space<vmem_shared>>
        tpu.wait_indirect_dma semaphore(%arg11 : memref<!tpu.dma_semaphore, #tpu.memory_space<semaphore_mem>>) src(%dma_wait3A_388 : memref<100000x8xi32, #tpu.memory_space<vmem_shared>>) dst(%dma_wait3A_380 : memref<128x8xi32, #tpu.memory_space<vmem>>)
        %dma_wait3A_389 = arith.constant 1 : i32
        %dma_wait3A_390 = arith.constant 1 : i32
        %dma_wait3A_391 = arith.constant 0 : i32
        %dma_wait3A_392 = arith.constant 0 : i32
        %dma_wait3A_393 = tpu.memref_slice %arg9[%dma_wait3A_390, %dma_wait3A_391, %dma_wait3A_392] : memref<2x1024x8xi32, #tpu.memory_space<vmem>> -> memref<1x1024x8xi32, #tpu.memory_space<vmem>>
        %dma_wait3A_394 = tpu.memref_squeeze %dma_wait3A_393 : memref<1x1024x8xi32, #tpu.memory_space<vmem>> -> memref<1024x8xi32, #tpu.memory_space<vmem>>
        %dma_wait3A_395 = arith.constant 0 : i32
        %dma_wait3A_396 = arith.constant 0 : i32
        %dma_wait3A_397 = tpu.memref_slice %dma_wait3A_394[%dma_wait3A_395, %dma_wait3A_396] : memref<1024x8xi32, #tpu.memory_space<vmem>> -> memref<128x8xi32, #tpu.memory_space<vmem>>
        %dma_wait3A_398 = arith.constant 0 : i32
        %dma_wait3A_399 = tpu.memref_slice %arg7[%dma_wait3A_389, %dma_wait3A_398] : memref<2x1024xi32, #tpu.memory_space<vmem>> -> memref<1x1024xi32, #tpu.memory_space<vmem>>
        %dma_wait3A_400 = tpu.memref_squeeze %dma_wait3A_399 : memref<1x1024xi32, #tpu.memory_space<vmem>> -> memref<1024xi32, #tpu.memory_space<vmem>>
        %dma_wait3A_401 = arith.constant 0 : i32
        %dma_wait3A_402 = tpu.memref_slice %dma_wait3A_400[%dma_wait3A_401] : memref<1024xi32, #tpu.memory_space<vmem>> -> memref<128xi32, #tpu.memory_space<vmem>>
        %dma_wait3A_403 = arith.constant 0 : i32
        %dma_wait3A_404 = arith.constant 0 : i32
        %dma_wait3A_405 = tpu.memref_slice %arg10[%dma_wait3A_403, %dma_wait3A_404] : memref<100000x8xi32, #tpu.memory_space<vmem_shared>> -> memref<100000x8xi32, #tpu.memory_space<vmem_shared>>
        tpu.wait_indirect_dma semaphore(%arg11 : memref<!tpu.dma_semaphore, #tpu.memory_space<semaphore_mem>>) src(%dma_wait3A_405 : memref<100000x8xi32, #tpu.memory_space<vmem_shared>>) dst(%dma_wait3A_397 : memref<128x8xi32, #tpu.memory_space<vmem>>)
        %dma_wait3A_406 = arith.constant 1 : i32
        %dma_wait3A_407 = arith.constant 1 : i32
        %dma_wait3A_408 = arith.constant 0 : i32
        %dma_wait3A_409 = arith.constant 0 : i32
        %dma_wait3A_410 = tpu.memref_slice %arg8[%dma_wait3A_407, %dma_wait3A_408, %dma_wait3A_409] : memref<2x1024x8xi32, #tpu.memory_space<vmem>> -> memref<1x1024x8xi32, #tpu.memory_space<vmem>>
        %dma_wait3A_411 = tpu.memref_squeeze %dma_wait3A_410 : memref<1x1024x8xi32, #tpu.memory_space<vmem>> -> memref<1024x8xi32, #tpu.memory_space<vmem>>
        %dma_wait3A_412 = arith.constant 128 : i32
        %dma_wait3A_413 = arith.constant 0 : i32
        %dma_wait3A_414 = tpu.memref_slice %dma_wait3A_411[%dma_wait3A_412, %dma_wait3A_413] : memref<1024x8xi32, #tpu.memory_space<vmem>> -> memref<128x8xi32, #tpu.memory_space<vmem>>
        %dma_wait3A_415 = arith.constant 0 : i32
        %dma_wait3A_416 = tpu.memref_slice %arg6[%dma_wait3A_406, %dma_wait3A_415] : memref<2x1024xi32, #tpu.memory_space<vmem>> -> memref<1x1024xi32, #tpu.memory_space<vmem>>
        %dma_wait3A_417 = tpu.memref_squeeze %dma_wait3A_416 : memref<1x1024xi32, #tpu.memory_space<vmem>> -> memref<1024xi32, #tpu.memory_space<vmem>>
        %dma_wait3A_418 = arith.constant 128 : i32
        %dma_wait3A_419 = tpu.memref_slice %dma_wait3A_417[%dma_wait3A_418] : memref<1024xi32, #tpu.memory_space<vmem>> -> memref<128xi32, #tpu.memory_space<vmem>>
        %dma_wait3A_420 = arith.constant 0 : i32
        %dma_wait3A_421 = arith.constant 0 : i32
        %dma_wait3A_422 = tpu.memref_slice %arg10[%dma_wait3A_420, %dma_wait3A_421] : memref<100000x8xi32, #tpu.memory_space<vmem_shared>> -> memref<100000x8xi32, #tpu.memory_space<vmem_shared>>
        tpu.wait_indirect_dma semaphore(%arg11 : memref<!tpu.dma_semaphore, #tpu.memory_space<semaphore_mem>>) src(%dma_wait3A_422 : memref<100000x8xi32, #tpu.memory_space<vmem_shared>>) dst(%dma_wait3A_414 : memref<128x8xi32, #tpu.memory_space<vmem>>)
        %dma_wait3A_423 = arith.constant 1 : i32
        %dma_wait3A_424 = arith.constant 1 : i32
        %dma_wait3A_425 = arith.constant 0 : i32
        %dma_wait3A_426 = arith.constant 0 : i32
        %dma_wait3A_427 = tpu.memref_slice %arg9[%dma_wait3A_424, %dma_wait3A_425, %dma_wait3A_426] : memref<2x1024x8xi32, #tpu.memory_space<vmem>> -> memref<1x1024x8xi32, #tpu.memory_space<vmem>>
        %dma_wait3A_428 = tpu.memref_squeeze %dma_wait3A_427 : memref<1x1024x8xi32, #tpu.memory_space<vmem>> -> memref<1024x8xi32, #tpu.memory_space<vmem>>
        %dma_wait3A_429 = arith.constant 128 : i32
        %dma_wait3A_430 = arith.constant 0 : i32
        %dma_wait3A_431 = tpu.memref_slice %dma_wait3A_428[%dma_wait3A_429, %dma_wait3A_430] : memref<1024x8xi32, #tpu.memory_space<vmem>> -> memref<128x8xi32, #tpu.memory_space<vmem>>
        %dma_wait3A_432 = arith.constant 0 : i32
        %dma_wait3A_433 = tpu.memref_slice %arg7[%dma_wait3A_423, %dma_wait3A_432] : memref<2x1024xi32, #tpu.memory_space<vmem>> -> memref<1x1024xi32, #tpu.memory_space<vmem>>
        %dma_wait3A_434 = tpu.memref_squeeze %dma_wait3A_433 : memref<1x1024xi32, #tpu.memory_space<vmem>> -> memref<1024xi32, #tpu.memory_space<vmem>>
        %dma_wait3A_435 = arith.constant 128 : i32
        %dma_wait3A_436 = tpu.memref_slice %dma_wait3A_434[%dma_wait3A_435] : memref<1024xi32, #tpu.memory_space<vmem>> -> memref<128xi32, #tpu.memory_space<vmem>>
        %dma_wait3A_437 = arith.constant 0 : i32
        %dma_wait3A_438 = arith.constant 0 : i32
        %dma_wait3A_439 = tpu.memref_slice %arg10[%dma_wait3A_437, %dma_wait3A_438] : memref<100000x8xi32, #tpu.memory_space<vmem_shared>> -> memref<100000x8xi32, #tpu.memory_space<vmem_shared>>
        tpu.wait_indirect_dma semaphore(%arg11 : memref<!tpu.dma_semaphore, #tpu.memory_space<semaphore_mem>>) src(%dma_wait3A_439 : memref<100000x8xi32, #tpu.memory_space<vmem_shared>>) dst(%dma_wait3A_431 : memref<128x8xi32, #tpu.memory_space<vmem>>)
        %dma_wait3A_440 = arith.constant 1 : i32
        %dma_wait3A_441 = arith.constant 1 : i32
        %dma_wait3A_442 = arith.constant 0 : i32
        %dma_wait3A_443 = arith.constant 0 : i32
        %dma_wait3A_444 = tpu.memref_slice %arg8[%dma_wait3A_441, %dma_wait3A_442, %dma_wait3A_443] : memref<2x1024x8xi32, #tpu.memory_space<vmem>> -> memref<1x1024x8xi32, #tpu.memory_space<vmem>>
        %dma_wait3A_445 = tpu.memref_squeeze %dma_wait3A_444 : memref<1x1024x8xi32, #tpu.memory_space<vmem>> -> memref<1024x8xi32, #tpu.memory_space<vmem>>
        %dma_wait3A_446 = arith.constant 256 : i32
        %dma_wait3A_447 = arith.constant 0 : i32
        %dma_wait3A_448 = tpu.memref_slice %dma_wait3A_445[%dma_wait3A_446, %dma_wait3A_447] : memref<1024x8xi32, #tpu.memory_space<vmem>> -> memref<128x8xi32, #tpu.memory_space<vmem>>
        %dma_wait3A_449 = arith.constant 0 : i32
        %dma_wait3A_450 = tpu.memref_slice %arg6[%dma_wait3A_440, %dma_wait3A_449] : memref<2x1024xi32, #tpu.memory_space<vmem>> -> memref<1x1024xi32, #tpu.memory_space<vmem>>
        %dma_wait3A_451 = tpu.memref_squeeze %dma_wait3A_450 : memref<1x1024xi32, #tpu.memory_space<vmem>> -> memref<1024xi32, #tpu.memory_space<vmem>>
        %dma_wait3A_452 = arith.constant 256 : i32
        %dma_wait3A_453 = tpu.memref_slice %dma_wait3A_451[%dma_wait3A_452] : memref<1024xi32, #tpu.memory_space<vmem>> -> memref<128xi32, #tpu.memory_space<vmem>>
        %dma_wait3A_454 = arith.constant 0 : i32
        %dma_wait3A_455 = arith.constant 0 : i32
        %dma_wait3A_456 = tpu.memref_slice %arg10[%dma_wait3A_454, %dma_wait3A_455] : memref<100000x8xi32, #tpu.memory_space<vmem_shared>> -> memref<100000x8xi32, #tpu.memory_space<vmem_shared>>
        tpu.wait_indirect_dma semaphore(%arg11 : memref<!tpu.dma_semaphore, #tpu.memory_space<semaphore_mem>>) src(%dma_wait3A_456 : memref<100000x8xi32, #tpu.memory_space<vmem_shared>>) dst(%dma_wait3A_448 : memref<128x8xi32, #tpu.memory_space<vmem>>)
        %dma_wait3A_457 = arith.constant 1 : i32
        %dma_wait3A_458 = arith.constant 1 : i32
        %dma_wait3A_459 = arith.constant 0 : i32
        %dma_wait3A_460 = arith.constant 0 : i32
        %dma_wait3A_461 = tpu.memref_slice %arg9[%dma_wait3A_458, %dma_wait3A_459, %dma_wait3A_460] : memref<2x1024x8xi32, #tpu.memory_space<vmem>> -> memref<1x1024x8xi32, #tpu.memory_space<vmem>>
        %dma_wait3A_462 = tpu.memref_squeeze %dma_wait3A_461 : memref<1x1024x8xi32, #tpu.memory_space<vmem>> -> memref<1024x8xi32, #tpu.memory_space<vmem>>
        %dma_wait3A_463 = arith.constant 256 : i32
        %dma_wait3A_464 = arith.constant 0 : i32
        %dma_wait3A_465 = tpu.memref_slice %dma_wait3A_462[%dma_wait3A_463, %dma_wait3A_464] : memref<1024x8xi32, #tpu.memory_space<vmem>> -> memref<128x8xi32, #tpu.memory_space<vmem>>
        %dma_wait3A_466 = arith.constant 0 : i32
        %dma_wait3A_467 = tpu.memref_slice %arg7[%dma_wait3A_457, %dma_wait3A_466] : memref<2x1024xi32, #tpu.memory_space<vmem>> -> memref<1x1024xi32, #tpu.memory_space<vmem>>
        %dma_wait3A_468 = tpu.memref_squeeze %dma_wait3A_467 : memref<1x1024xi32, #tpu.memory_space<vmem>> -> memref<1024xi32, #tpu.memory_space<vmem>>
        %dma_wait3A_469 = arith.constant 256 : i32
        %dma_wait3A_470 = tpu.memref_slice %dma_wait3A_468[%dma_wait3A_469] : memref<1024xi32, #tpu.memory_space<vmem>> -> memref<128xi32, #tpu.memory_space<vmem>>
        %dma_wait3A_471 = arith.constant 0 : i32
        %dma_wait3A_472 = arith.constant 0 : i32
        %dma_wait3A_473 = tpu.memref_slice %arg10[%dma_wait3A_471, %dma_wait3A_472] : memref<100000x8xi32, #tpu.memory_space<vmem_shared>> -> memref<100000x8xi32, #tpu.memory_space<vmem_shared>>
        tpu.wait_indirect_dma semaphore(%arg11 : memref<!tpu.dma_semaphore, #tpu.memory_space<semaphore_mem>>) src(%dma_wait3A_473 : memref<100000x8xi32, #tpu.memory_space<vmem_shared>>) dst(%dma_wait3A_465 : memref<128x8xi32, #tpu.memory_space<vmem>>)
        %dma_wait3A_474 = arith.constant 1 : i32
        %dma_wait3A_475 = arith.constant 1 : i32
        %dma_wait3A_476 = arith.constant 0 : i32
        %dma_wait3A_477 = arith.constant 0 : i32
        %dma_wait3A_478 = tpu.memref_slice %arg8[%dma_wait3A_475, %dma_wait3A_476, %dma_wait3A_477] : memref<2x1024x8xi32, #tpu.memory_space<vmem>> -> memref<1x1024x8xi32, #tpu.memory_space<vmem>>
        %dma_wait3A_479 = tpu.memref_squeeze %dma_wait3A_478 : memref<1x1024x8xi32, #tpu.memory_space<vmem>> -> memref<1024x8xi32, #tpu.memory_space<vmem>>
        %dma_wait3A_480 = arith.constant 384 : i32
        %dma_wait3A_481 = arith.constant 0 : i32
        %dma_wait3A_482 = tpu.memref_slice %dma_wait3A_479[%dma_wait3A_480, %dma_wait3A_481] : memref<1024x8xi32, #tpu.memory_space<vmem>> -> memref<128x8xi32, #tpu.memory_space<vmem>>
        %dma_wait3A_483 = arith.constant 0 : i32
        %dma_wait3A_484 = tpu.memref_slice %arg6[%dma_wait3A_474, %dma_wait3A_483] : memref<2x1024xi32, #tpu.memory_space<vmem>> -> memref<1x1024xi32, #tpu.memory_space<vmem>>
        %dma_wait3A_485 = tpu.memref_squeeze %dma_wait3A_484 : memref<1x1024xi32, #tpu.memory_space<vmem>> -> memref<1024xi32, #tpu.memory_space<vmem>>
        %dma_wait3A_486 = arith.constant 384 : i32
        %dma_wait3A_487 = tpu.memref_slice %dma_wait3A_485[%dma_wait3A_486] : memref<1024xi32, #tpu.memory_space<vmem>> -> memref<128xi32, #tpu.memory_space<vmem>>
        %dma_wait3A_488 = arith.constant 0 : i32
        %dma_wait3A_489 = arith.constant 0 : i32
        %dma_wait3A_490 = tpu.memref_slice %arg10[%dma_wait3A_488, %dma_wait3A_489] : memref<100000x8xi32, #tpu.memory_space<vmem_shared>> -> memref<100000x8xi32, #tpu.memory_space<vmem_shared>>
        tpu.wait_indirect_dma semaphore(%arg11 : memref<!tpu.dma_semaphore, #tpu.memory_space<semaphore_mem>>) src(%dma_wait3A_490 : memref<100000x8xi32, #tpu.memory_space<vmem_shared>>) dst(%dma_wait3A_482 : memref<128x8xi32, #tpu.memory_space<vmem>>)
        %dma_wait3A_491 = arith.constant 1 : i32
        %dma_wait3A_492 = arith.constant 1 : i32
        %dma_wait3A_493 = arith.constant 0 : i32
        %dma_wait3A_494 = arith.constant 0 : i32
        %dma_wait3A_495 = tpu.memref_slice %arg9[%dma_wait3A_492, %dma_wait3A_493, %dma_wait3A_494] : memref<2x1024x8xi32, #tpu.memory_space<vmem>> -> memref<1x1024x8xi32, #tpu.memory_space<vmem>>
        %dma_wait3A_496 = tpu.memref_squeeze %dma_wait3A_495 : memref<1x1024x8xi32, #tpu.memory_space<vmem>> -> memref<1024x8xi32, #tpu.memory_space<vmem>>
        %dma_wait3A_497 = arith.constant 384 : i32
        %dma_wait3A_498 = arith.constant 0 : i32
        %dma_wait3A_499 = tpu.memref_slice %dma_wait3A_496[%dma_wait3A_497, %dma_wait3A_498] : memref<1024x8xi32, #tpu.memory_space<vmem>> -> memref<128x8xi32, #tpu.memory_space<vmem>>
        %dma_wait3A_500 = arith.constant 0 : i32
        %dma_wait3A_501 = tpu.memref_slice %arg7[%dma_wait3A_491, %dma_wait3A_500] : memref<2x1024xi32, #tpu.memory_space<vmem>> -> memref<1x1024xi32, #tpu.memory_space<vmem>>
        %dma_wait3A_502 = tpu.memref_squeeze %dma_wait3A_501 : memref<1x1024xi32, #tpu.memory_space<vmem>> -> memref<1024xi32, #tpu.memory_space<vmem>>
        %dma_wait3A_503 = arith.constant 384 : i32
        %dma_wait3A_504 = tpu.memref_slice %dma_wait3A_502[%dma_wait3A_503] : memref<1024xi32, #tpu.memory_space<vmem>> -> memref<128xi32, #tpu.memory_space<vmem>>
        %dma_wait3A_505 = arith.constant 0 : i32
        %dma_wait3A_506 = arith.constant 0 : i32
        %dma_wait3A_507 = tpu.memref_slice %arg10[%dma_wait3A_505, %dma_wait3A_506] : memref<100000x8xi32, #tpu.memory_space<vmem_shared>> -> memref<100000x8xi32, #tpu.memory_space<vmem_shared>>
        tpu.wait_indirect_dma semaphore(%arg11 : memref<!tpu.dma_semaphore, #tpu.memory_space<semaphore_mem>>) src(%dma_wait3A_507 : memref<100000x8xi32, #tpu.memory_space<vmem_shared>>) dst(%dma_wait3A_499 : memref<128x8xi32, #tpu.memory_space<vmem>>)
        %dma_wait3A_508 = arith.constant 1 : i32
        %dma_wait3A_509 = arith.constant 1 : i32
        %dma_wait3A_510 = arith.constant 0 : i32
        %dma_wait3A_511 = arith.constant 0 : i32
        %dma_wait3A_512 = tpu.memref_slice %arg8[%dma_wait3A_509, %dma_wait3A_510, %dma_wait3A_511] : memref<2x1024x8xi32, #tpu.memory_space<vmem>> -> memref<1x1024x8xi32, #tpu.memory_space<vmem>>
        %dma_wait3A_513 = tpu.memref_squeeze %dma_wait3A_512 : memref<1x1024x8xi32, #tpu.memory_space<vmem>> -> memref<1024x8xi32, #tpu.memory_space<vmem>>
        %dma_wait3A_514 = arith.constant 512 : i32
        %dma_wait3A_515 = arith.constant 0 : i32
        %dma_wait3A_516 = tpu.memref_slice %dma_wait3A_513[%dma_wait3A_514, %dma_wait3A_515] : memref<1024x8xi32, #tpu.memory_space<vmem>> -> memref<128x8xi32, #tpu.memory_space<vmem>>
        %dma_wait3A_517 = arith.constant 0 : i32
        %dma_wait3A_518 = tpu.memref_slice %arg6[%dma_wait3A_508, %dma_wait3A_517] : memref<2x1024xi32, #tpu.memory_space<vmem>> -> memref<1x1024xi32, #tpu.memory_space<vmem>>
        %dma_wait3A_519 = tpu.memref_squeeze %dma_wait3A_518 : memref<1x1024xi32, #tpu.memory_space<vmem>> -> memref<1024xi32, #tpu.memory_space<vmem>>
        %dma_wait3A_520 = arith.constant 512 : i32
        %dma_wait3A_521 = tpu.memref_slice %dma_wait3A_519[%dma_wait3A_520] : memref<1024xi32, #tpu.memory_space<vmem>> -> memref<128xi32, #tpu.memory_space<vmem>>
        %dma_wait3A_522 = arith.constant 0 : i32
        %dma_wait3A_523 = arith.constant 0 : i32
        %dma_wait3A_524 = tpu.memref_slice %arg10[%dma_wait3A_522, %dma_wait3A_523] : memref<100000x8xi32, #tpu.memory_space<vmem_shared>> -> memref<100000x8xi32, #tpu.memory_space<vmem_shared>>
        tpu.wait_indirect_dma semaphore(%arg11 : memref<!tpu.dma_semaphore, #tpu.memory_space<semaphore_mem>>) src(%dma_wait3A_524 : memref<100000x8xi32, #tpu.memory_space<vmem_shared>>) dst(%dma_wait3A_516 : memref<128x8xi32, #tpu.memory_space<vmem>>)
        %dma_wait3A_525 = arith.constant 1 : i32
        %dma_wait3A_526 = arith.constant 1 : i32
        %dma_wait3A_527 = arith.constant 0 : i32
        %dma_wait3A_528 = arith.constant 0 : i32
        %dma_wait3A_529 = tpu.memref_slice %arg9[%dma_wait3A_526, %dma_wait3A_527, %dma_wait3A_528] : memref<2x1024x8xi32, #tpu.memory_space<vmem>> -> memref<1x1024x8xi32, #tpu.memory_space<vmem>>
        %dma_wait3A_530 = tpu.memref_squeeze %dma_wait3A_529 : memref<1x1024x8xi32, #tpu.memory_space<vmem>> -> memref<1024x8xi32, #tpu.memory_space<vmem>>
        %dma_wait3A_531 = arith.constant 512 : i32
        %dma_wait3A_532 = arith.constant 0 : i32
        %dma_wait3A_533 = tpu.memref_slice %dma_wait3A_530[%dma_wait3A_531, %dma_wait3A_532] : memref<1024x8xi32, #tpu.memory_space<vmem>> -> memref<128x8xi32, #tpu.memory_space<vmem>>
        %dma_wait3A_534 = arith.constant 0 : i32
        %dma_wait3A_535 = tpu.memref_slice %arg7[%dma_wait3A_525, %dma_wait3A_534] : memref<2x1024xi32, #tpu.memory_space<vmem>> -> memref<1x1024xi32, #tpu.memory_space<vmem>>
        %dma_wait3A_536 = tpu.memref_squeeze %dma_wait3A_535 : memref<1x1024xi32, #tpu.memory_space<vmem>> -> memref<1024xi32, #tpu.memory_space<vmem>>
        %dma_wait3A_537 = arith.constant 512 : i32
        %dma_wait3A_538 = tpu.memref_slice %dma_wait3A_536[%dma_wait3A_537] : memref<1024xi32, #tpu.memory_space<vmem>> -> memref<128xi32, #tpu.memory_space<vmem>>
        %dma_wait3A_539 = arith.constant 0 : i32
        %dma_wait3A_540 = arith.constant 0 : i32
        %dma_wait3A_541 = tpu.memref_slice %arg10[%dma_wait3A_539, %dma_wait3A_540] : memref<100000x8xi32, #tpu.memory_space<vmem_shared>> -> memref<100000x8xi32, #tpu.memory_space<vmem_shared>>
        tpu.wait_indirect_dma semaphore(%arg11 : memref<!tpu.dma_semaphore, #tpu.memory_space<semaphore_mem>>) src(%dma_wait3A_541 : memref<100000x8xi32, #tpu.memory_space<vmem_shared>>) dst(%dma_wait3A_533 : memref<128x8xi32, #tpu.memory_space<vmem>>)
        %dma_wait3A_542 = arith.constant 1 : i32
        %dma_wait3A_543 = arith.constant 1 : i32
        %dma_wait3A_544 = arith.constant 0 : i32
        %dma_wait3A_545 = arith.constant 0 : i32
        %dma_wait3A_546 = tpu.memref_slice %arg8[%dma_wait3A_543, %dma_wait3A_544, %dma_wait3A_545] : memref<2x1024x8xi32, #tpu.memory_space<vmem>> -> memref<1x1024x8xi32, #tpu.memory_space<vmem>>
        %dma_wait3A_547 = tpu.memref_squeeze %dma_wait3A_546 : memref<1x1024x8xi32, #tpu.memory_space<vmem>> -> memref<1024x8xi32, #tpu.memory_space<vmem>>
        %dma_wait3A_548 = arith.constant 640 : i32
        %dma_wait3A_549 = arith.constant 0 : i32
        %dma_wait3A_550 = tpu.memref_slice %dma_wait3A_547[%dma_wait3A_548, %dma_wait3A_549] : memref<1024x8xi32, #tpu.memory_space<vmem>> -> memref<128x8xi32, #tpu.memory_space<vmem>>
        %dma_wait3A_551 = arith.constant 0 : i32
        %dma_wait3A_552 = tpu.memref_slice %arg6[%dma_wait3A_542, %dma_wait3A_551] : memref<2x1024xi32, #tpu.memory_space<vmem>> -> memref<1x1024xi32, #tpu.memory_space<vmem>>
        %dma_wait3A_553 = tpu.memref_squeeze %dma_wait3A_552 : memref<1x1024xi32, #tpu.memory_space<vmem>> -> memref<1024xi32, #tpu.memory_space<vmem>>
        %dma_wait3A_554 = arith.constant 640 : i32
        %dma_wait3A_555 = tpu.memref_slice %dma_wait3A_553[%dma_wait3A_554] : memref<1024xi32, #tpu.memory_space<vmem>> -> memref<128xi32, #tpu.memory_space<vmem>>
        %dma_wait3A_556 = arith.constant 0 : i32
        %dma_wait3A_557 = arith.constant 0 : i32
        %dma_wait3A_558 = tpu.memref_slice %arg10[%dma_wait3A_556, %dma_wait3A_557] : memref<100000x8xi32, #tpu.memory_space<vmem_shared>> -> memref<100000x8xi32, #tpu.memory_space<vmem_shared>>
        tpu.wait_indirect_dma semaphore(%arg11 : memref<!tpu.dma_semaphore, #tpu.memory_space<semaphore_mem>>) src(%dma_wait3A_558 : memref<100000x8xi32, #tpu.memory_space<vmem_shared>>) dst(%dma_wait3A_550 : memref<128x8xi32, #tpu.memory_space<vmem>>)
        %dma_wait3A_559 = arith.constant 1 : i32
        %dma_wait3A_560 = arith.constant 1 : i32
        %dma_wait3A_561 = arith.constant 0 : i32
        %dma_wait3A_562 = arith.constant 0 : i32
        %dma_wait3A_563 = tpu.memref_slice %arg9[%dma_wait3A_560, %dma_wait3A_561, %dma_wait3A_562] : memref<2x1024x8xi32, #tpu.memory_space<vmem>> -> memref<1x1024x8xi32, #tpu.memory_space<vmem>>
        %dma_wait3A_564 = tpu.memref_squeeze %dma_wait3A_563 : memref<1x1024x8xi32, #tpu.memory_space<vmem>> -> memref<1024x8xi32, #tpu.memory_space<vmem>>
        %dma_wait3A_565 = arith.constant 640 : i32
        %dma_wait3A_566 = arith.constant 0 : i32
        %dma_wait3A_567 = tpu.memref_slice %dma_wait3A_564[%dma_wait3A_565, %dma_wait3A_566] : memref<1024x8xi32, #tpu.memory_space<vmem>> -> memref<128x8xi32, #tpu.memory_space<vmem>>
        %dma_wait3A_568 = arith.constant 0 : i32
        %dma_wait3A_569 = tpu.memref_slice %arg7[%dma_wait3A_559, %dma_wait3A_568] : memref<2x1024xi32, #tpu.memory_space<vmem>> -> memref<1x1024xi32, #tpu.memory_space<vmem>>
        %dma_wait3A_570 = tpu.memref_squeeze %dma_wait3A_569 : memref<1x1024xi32, #tpu.memory_space<vmem>> -> memref<1024xi32, #tpu.memory_space<vmem>>
        %dma_wait3A_571 = arith.constant 640 : i32
        %dma_wait3A_572 = tpu.memref_slice %dma_wait3A_570[%dma_wait3A_571] : memref<1024xi32, #tpu.memory_space<vmem>> -> memref<128xi32, #tpu.memory_space<vmem>>
        %dma_wait3A_573 = arith.constant 0 : i32
        %dma_wait3A_574 = arith.constant 0 : i32
        %dma_wait3A_575 = tpu.memref_slice %arg10[%dma_wait3A_573, %dma_wait3A_574] : memref<100000x8xi32, #tpu.memory_space<vmem_shared>> -> memref<100000x8xi32, #tpu.memory_space<vmem_shared>>
        tpu.wait_indirect_dma semaphore(%arg11 : memref<!tpu.dma_semaphore, #tpu.memory_space<semaphore_mem>>) src(%dma_wait3A_575 : memref<100000x8xi32, #tpu.memory_space<vmem_shared>>) dst(%dma_wait3A_567 : memref<128x8xi32, #tpu.memory_space<vmem>>)
        %dma_wait3A_576 = arith.constant 1 : i32
        %dma_wait3A_577 = arith.constant 1 : i32
        %dma_wait3A_578 = arith.constant 0 : i32
        %dma_wait3A_579 = arith.constant 0 : i32
        %dma_wait3A_580 = tpu.memref_slice %arg8[%dma_wait3A_577, %dma_wait3A_578, %dma_wait3A_579] : memref<2x1024x8xi32, #tpu.memory_space<vmem>> -> memref<1x1024x8xi32, #tpu.memory_space<vmem>>
        %dma_wait3A_581 = tpu.memref_squeeze %dma_wait3A_580 : memref<1x1024x8xi32, #tpu.memory_space<vmem>> -> memref<1024x8xi32, #tpu.memory_space<vmem>>
        %dma_wait3A_582 = arith.constant 768 : i32
        %dma_wait3A_583 = arith.constant 0 : i32
        %dma_wait3A_584 = tpu.memref_slice %dma_wait3A_581[%dma_wait3A_582, %dma_wait3A_583] : memref<1024x8xi32, #tpu.memory_space<vmem>> -> memref<128x8xi32, #tpu.memory_space<vmem>>
        %dma_wait3A_585 = arith.constant 0 : i32
        %dma_wait3A_586 = tpu.memref_slice %arg6[%dma_wait3A_576, %dma_wait3A_585] : memref<2x1024xi32, #tpu.memory_space<vmem>> -> memref<1x1024xi32, #tpu.memory_space<vmem>>
        %dma_wait3A_587 = tpu.memref_squeeze %dma_wait3A_586 : memref<1x1024xi32, #tpu.memory_space<vmem>> -> memref<1024xi32, #tpu.memory_space<vmem>>
        %dma_wait3A_588 = arith.constant 768 : i32
        %dma_wait3A_589 = tpu.memref_slice %dma_wait3A_587[%dma_wait3A_588] : memref<1024xi32, #tpu.memory_space<vmem>> -> memref<128xi32, #tpu.memory_space<vmem>>
        %dma_wait3A_590 = arith.constant 0 : i32
        %dma_wait3A_591 = arith.constant 0 : i32
        %dma_wait3A_592 = tpu.memref_slice %arg10[%dma_wait3A_590, %dma_wait3A_591] : memref<100000x8xi32, #tpu.memory_space<vmem_shared>> -> memref<100000x8xi32, #tpu.memory_space<vmem_shared>>
        tpu.wait_indirect_dma semaphore(%arg11 : memref<!tpu.dma_semaphore, #tpu.memory_space<semaphore_mem>>) src(%dma_wait3A_592 : memref<100000x8xi32, #tpu.memory_space<vmem_shared>>) dst(%dma_wait3A_584 : memref<128x8xi32, #tpu.memory_space<vmem>>)
        %dma_wait3A_593 = arith.constant 1 : i32
        %dma_wait3A_594 = arith.constant 1 : i32
        %dma_wait3A_595 = arith.constant 0 : i32
        %dma_wait3A_596 = arith.constant 0 : i32
        %dma_wait3A_597 = tpu.memref_slice %arg9[%dma_wait3A_594, %dma_wait3A_595, %dma_wait3A_596] : memref<2x1024x8xi32, #tpu.memory_space<vmem>> -> memref<1x1024x8xi32, #tpu.memory_space<vmem>>
        %dma_wait3A_598 = tpu.memref_squeeze %dma_wait3A_597 : memref<1x1024x8xi32, #tpu.memory_space<vmem>> -> memref<1024x8xi32, #tpu.memory_space<vmem>>
        %dma_wait3A_599 = arith.constant 768 : i32
        %dma_wait3A_600 = arith.constant 0 : i32
        %dma_wait3A_601 = tpu.memref_slice %dma_wait3A_598[%dma_wait3A_599, %dma_wait3A_600] : memref<1024x8xi32, #tpu.memory_space<vmem>> -> memref<128x8xi32, #tpu.memory_space<vmem>>
        %dma_wait3A_602 = arith.constant 0 : i32
        %dma_wait3A_603 = tpu.memref_slice %arg7[%dma_wait3A_593, %dma_wait3A_602] : memref<2x1024xi32, #tpu.memory_space<vmem>> -> memref<1x1024xi32, #tpu.memory_space<vmem>>
        %dma_wait3A_604 = tpu.memref_squeeze %dma_wait3A_603 : memref<1x1024xi32, #tpu.memory_space<vmem>> -> memref<1024xi32, #tpu.memory_space<vmem>>
        %dma_wait3A_605 = arith.constant 768 : i32
        %dma_wait3A_606 = tpu.memref_slice %dma_wait3A_604[%dma_wait3A_605] : memref<1024xi32, #tpu.memory_space<vmem>> -> memref<128xi32, #tpu.memory_space<vmem>>
        %dma_wait3A_607 = arith.constant 0 : i32
        %dma_wait3A_608 = arith.constant 0 : i32
        %dma_wait3A_609 = tpu.memref_slice %arg10[%dma_wait3A_607, %dma_wait3A_608] : memref<100000x8xi32, #tpu.memory_space<vmem_shared>> -> memref<100000x8xi32, #tpu.memory_space<vmem_shared>>
        tpu.wait_indirect_dma semaphore(%arg11 : memref<!tpu.dma_semaphore, #tpu.memory_space<semaphore_mem>>) src(%dma_wait3A_609 : memref<100000x8xi32, #tpu.memory_space<vmem_shared>>) dst(%dma_wait3A_601 : memref<128x8xi32, #tpu.memory_space<vmem>>)
        %dma_wait3A_610 = arith.constant 1 : i32
        %dma_wait3A_611 = arith.constant 1 : i32
        %dma_wait3A_612 = arith.constant 0 : i32
        %dma_wait3A_613 = arith.constant 0 : i32
        %dma_wait3A_614 = tpu.memref_slice %arg8[%dma_wait3A_611, %dma_wait3A_612, %dma_wait3A_613] : memref<2x1024x8xi32, #tpu.memory_space<vmem>> -> memref<1x1024x8xi32, #tpu.memory_space<vmem>>
        %dma_wait3A_615 = tpu.memref_squeeze %dma_wait3A_614 : memref<1x1024x8xi32, #tpu.memory_space<vmem>> -> memref<1024x8xi32, #tpu.memory_space<vmem>>
        %dma_wait3A_616 = arith.constant 896 : i32
        %dma_wait3A_617 = arith.constant 0 : i32
        %dma_wait3A_618 = tpu.memref_slice %dma_wait3A_615[%dma_wait3A_616, %dma_wait3A_617] : memref<1024x8xi32, #tpu.memory_space<vmem>> -> memref<128x8xi32, #tpu.memory_space<vmem>>
        %dma_wait3A_619 = arith.constant 0 : i32
        %dma_wait3A_620 = tpu.memref_slice %arg6[%dma_wait3A_610, %dma_wait3A_619] : memref<2x1024xi32, #tpu.memory_space<vmem>> -> memref<1x1024xi32, #tpu.memory_space<vmem>>
        %dma_wait3A_621 = tpu.memref_squeeze %dma_wait3A_620 : memref<1x1024xi32, #tpu.memory_space<vmem>> -> memref<1024xi32, #tpu.memory_space<vmem>>
        %dma_wait3A_622 = arith.constant 896 : i32
        %dma_wait3A_623 = tpu.memref_slice %dma_wait3A_621[%dma_wait3A_622] : memref<1024xi32, #tpu.memory_space<vmem>> -> memref<128xi32, #tpu.memory_space<vmem>>
        %dma_wait3A_624 = arith.constant 0 : i32
        %dma_wait3A_625 = arith.constant 0 : i32
        %dma_wait3A_626 = tpu.memref_slice %arg10[%dma_wait3A_624, %dma_wait3A_625] : memref<100000x8xi32, #tpu.memory_space<vmem_shared>> -> memref<100000x8xi32, #tpu.memory_space<vmem_shared>>
        tpu.wait_indirect_dma semaphore(%arg11 : memref<!tpu.dma_semaphore, #tpu.memory_space<semaphore_mem>>) src(%dma_wait3A_626 : memref<100000x8xi32, #tpu.memory_space<vmem_shared>>) dst(%dma_wait3A_618 : memref<128x8xi32, #tpu.memory_space<vmem>>)
        %dma_wait3A_627 = arith.constant 1 : i32
        %dma_wait3A_628 = arith.constant 1 : i32
        %dma_wait3A_629 = arith.constant 0 : i32
        %dma_wait3A_630 = arith.constant 0 : i32
        %dma_wait3A_631 = tpu.memref_slice %arg9[%dma_wait3A_628, %dma_wait3A_629, %dma_wait3A_630] : memref<2x1024x8xi32, #tpu.memory_space<vmem>> -> memref<1x1024x8xi32, #tpu.memory_space<vmem>>
        %dma_wait3A_632 = tpu.memref_squeeze %dma_wait3A_631 : memref<1x1024x8xi32, #tpu.memory_space<vmem>> -> memref<1024x8xi32, #tpu.memory_space<vmem>>
        %dma_wait3A_633 = arith.constant 896 : i32
        %dma_wait3A_634 = arith.constant 0 : i32
        %dma_wait3A_635 = tpu.memref_slice %dma_wait3A_632[%dma_wait3A_633, %dma_wait3A_634] : memref<1024x8xi32, #tpu.memory_space<vmem>> -> memref<128x8xi32, #tpu.memory_space<vmem>>
        %dma_wait3A_636 = arith.constant 0 : i32
        %dma_wait3A_637 = tpu.memref_slice %arg7[%dma_wait3A_627, %dma_wait3A_636] : memref<2x1024xi32, #tpu.memory_space<vmem>> -> memref<1x1024xi32, #tpu.memory_space<vmem>>
        %dma_wait3A_638 = tpu.memref_squeeze %dma_wait3A_637 : memref<1x1024xi32, #tpu.memory_space<vmem>> -> memref<1024xi32, #tpu.memory_space<vmem>>
        %dma_wait3A_639 = arith.constant 896 : i32
        %dma_wait3A_640 = tpu.memref_slice %dma_wait3A_638[%dma_wait3A_639] : memref<1024xi32, #tpu.memory_space<vmem>> -> memref<128xi32, #tpu.memory_space<vmem>>
        %dma_wait3A_641 = arith.constant 0 : i32
        %dma_wait3A_642 = arith.constant 0 : i32
        %dma_wait3A_643 = tpu.memref_slice %arg10[%dma_wait3A_641, %dma_wait3A_642] : memref<100000x8xi32, #tpu.memory_space<vmem_shared>> -> memref<100000x8xi32, #tpu.memory_space<vmem_shared>>
        tpu.wait_indirect_dma semaphore(%arg11 : memref<!tpu.dma_semaphore, #tpu.memory_space<semaphore_mem>>) src(%dma_wait3A_643 : memref<100000x8xi32, #tpu.memory_space<vmem_shared>>) dst(%dma_wait3A_635 : memref<128x8xi32, #tpu.memory_space<vmem>>)
        %dma_start3A_644 = arith.constant 1 : i32
        %dma_start3A_645 = arith.constant 0 : i32
        %dma_start3A_646 = arith.constant 0 : i32
        %dma_start3A_647 = tpu.memref_slice %arg8[%dma_start3A_644, %dma_start3A_645, %dma_start3A_646] : memref<2x1024x8xi32, #tpu.memory_space<vmem>> -> memref<1x1024x8xi32, #tpu.memory_space<vmem>>
        %dma_start3A_648 = tpu.memref_squeeze %dma_start3A_647 : memref<1x1024x8xi32, #tpu.memory_space<vmem>> -> memref<1024x8xi32, #tpu.memory_space<vmem>>
        %dma_start3A_649 = arith.constant 0 : i32
        %dma_start3A_650 = tpu.memref_slice %arg4[%multiple_of3A, %dma_start3A_649] : memref<3200000x8xi32, #tpu.memory_space<hbm>> -> memref<1024x8xi32, #tpu.memory_space<hbm>>
        %dma_start3A_651 = arith.constant 0 : i32
        %dma_start3A_652 = tpu.memref_slice %arg4[%multiple_of3A, %dma_start3A_651] : memref<3200000x8xi32, #tpu.memory_space<hbm>> -> memref<1024x8xi32, #tpu.memory_space<hbm>>
        %dma_start3A_653 = arith.constant 0 : i32
        %dma_start3A_654 = arith.constant 0 : i32
        %dma_start3A_655 = tpu.memref_slice %arg8[%dma_start3A_644, %dma_start3A_653, %dma_start3A_654] : memref<2x1024x8xi32, #tpu.memory_space<vmem>> -> memref<1x1024x8xi32, #tpu.memory_space<vmem>>
        %dma_start3A_656 = tpu.memref_squeeze %dma_start3A_655 : memref<1x1024x8xi32, #tpu.memory_space<vmem>> -> memref<1024x8xi32, #tpu.memory_space<vmem>>
        tpu.enqueue_dma source(%dma_start3A_656 : memref<1024x8xi32, #tpu.memory_space<vmem>>) target(%dma_start3A_652 : memref<1024x8xi32, #tpu.memory_space<hbm>>) target_semaphore(%arg13 : memref<!tpu.dma_semaphore, #tpu.memory_space<semaphore_mem>>)
        %dma_start3A_657 = arith.constant 1 : i32
        %dma_start3A_658 = arith.constant 0 : i32
        %dma_start3A_659 = arith.constant 0 : i32
        %dma_start3A_660 = tpu.memref_slice %arg9[%dma_start3A_657, %dma_start3A_658, %dma_start3A_659] : memref<2x1024x8xi32, #tpu.memory_space<vmem>> -> memref<1x1024x8xi32, #tpu.memory_space<vmem>>
        %dma_start3A_661 = tpu.memref_squeeze %dma_start3A_660 : memref<1x1024x8xi32, #tpu.memory_space<vmem>> -> memref<1024x8xi32, #tpu.memory_space<vmem>>
        %dma_start3A_662 = arith.constant 0 : i32
        %dma_start3A_663 = tpu.memref_slice %arg5[%multiple_of3A, %dma_start3A_662] : memref<3200000x8xi32, #tpu.memory_space<hbm>> -> memref<1024x8xi32, #tpu.memory_space<hbm>>
        %dma_start3A_664 = arith.constant 0 : i32
        %dma_start3A_665 = tpu.memref_slice %arg5[%multiple_of3A, %dma_start3A_664] : memref<3200000x8xi32, #tpu.memory_space<hbm>> -> memref<1024x8xi32, #tpu.memory_space<hbm>>
        %dma_start3A_666 = arith.constant 0 : i32
        %dma_start3A_667 = arith.constant 0 : i32
        %dma_start3A_668 = tpu.memref_slice %arg9[%dma_start3A_657, %dma_start3A_666, %dma_start3A_667] : memref<2x1024x8xi32, #tpu.memory_space<vmem>> -> memref<1x1024x8xi32, #tpu.memory_space<vmem>>
        %dma_start3A_669 = tpu.memref_squeeze %dma_start3A_668 : memref<1x1024x8xi32, #tpu.memory_space<vmem>> -> memref<1024x8xi32, #tpu.memory_space<vmem>>
        tpu.enqueue_dma source(%dma_start3A_669 : memref<1024x8xi32, #tpu.memory_space<vmem>>) target(%dma_start3A_665 : memref<1024x8xi32, #tpu.memory_space<hbm>>) target_semaphore(%arg13 : memref<!tpu.dma_semaphore, #tpu.memory_space<semaphore_mem>>)
      } else {
      }
    }
    %scan3A_14 = arith.constant 49 : i32
    %dma_wait3A = arith.constant 0 : i32
    %dma_wait3A_15 = arith.constant 0 : i32
    %dma_wait3A_16 = arith.constant 0 : i32
    %dma_wait3A_17 = tpu.memref_slice %arg8[%dma_wait3A, %dma_wait3A_15, %dma_wait3A_16] : memref<2x1024x8xi32, #tpu.memory_space<vmem>> -> memref<1x1024x8xi32, #tpu.memory_space<vmem>>
    %dma_wait3A_18 = tpu.memref_squeeze %dma_wait3A_17 : memref<1x1024x8xi32, #tpu.memory_space<vmem>> -> memref<1024x8xi32, #tpu.memory_space<vmem>>
    %dma_wait3A_19 = arith.constant 0 : i32
    %dma_wait3A_20 = arith.constant 0 : i32
    %dma_wait3A_21 = tpu.memref_slice %arg4[%dma_wait3A_19, %dma_wait3A_20] : memref<3200000x8xi32, #tpu.memory_space<hbm>> -> memref<1024x8xi32, #tpu.memory_space<hbm>>
    %dma_wait3A_22 = arith.constant 0 : i32
    %dma_wait3A_23 = arith.constant 0 : i32
    %dma_wait3A_24 = tpu.memref_slice %arg4[%dma_wait3A_22, %dma_wait3A_23] : memref<3200000x8xi32, #tpu.memory_space<hbm>> -> memref<1024x8xi32, #tpu.memory_space<hbm>>
    %dma_wait3A_25 = arith.constant 0 : i32
    %dma_wait3A_26 = arith.constant 0 : i32
    %dma_wait3A_27 = tpu.memref_slice %arg8[%dma_wait3A, %dma_wait3A_25, %dma_wait3A_26] : memref<2x1024x8xi32, #tpu.memory_space<vmem>> -> memref<1x1024x8xi32, #tpu.memory_space<vmem>>
    %dma_wait3A_28 = tpu.memref_squeeze %dma_wait3A_27 : memref<1x1024x8xi32, #tpu.memory_space<vmem>> -> memref<1024x8xi32, #tpu.memory_space<vmem>>
    tpu.wait_dma2 semaphore(%arg12 : memref<!tpu.dma_semaphore, #tpu.memory_space<semaphore_mem>>) src(%dma_wait3A_28 : memref<1024x8xi32, #tpu.memory_space<vmem>>) dst(%dma_wait3A_24 : memref<1024x8xi32, #tpu.memory_space<hbm>>)
    %dma_wait3A_29 = arith.constant 0 : i32
    %dma_wait3A_30 = arith.constant 0 : i32
    %dma_wait3A_31 = arith.constant 0 : i32
    %dma_wait3A_32 = tpu.memref_slice %arg9[%dma_wait3A_29, %dma_wait3A_30, %dma_wait3A_31] : memref<2x1024x8xi32, #tpu.memory_space<vmem>> -> memref<1x1024x8xi32, #tpu.memory_space<vmem>>
    %dma_wait3A_33 = tpu.memref_squeeze %dma_wait3A_32 : memref<1x1024x8xi32, #tpu.memory_space<vmem>> -> memref<1024x8xi32, #tpu.memory_space<vmem>>
    %dma_wait3A_34 = arith.constant 0 : i32
    %dma_wait3A_35 = arith.constant 0 : i32
    %dma_wait3A_36 = tpu.memref_slice %arg5[%dma_wait3A_34, %dma_wait3A_35] : memref<3200000x8xi32, #tpu.memory_space<hbm>> -> memref<1024x8xi32, #tpu.memory_space<hbm>>
    %dma_wait3A_37 = arith.constant 0 : i32
    %dma_wait3A_38 = arith.constant 0 : i32
    %dma_wait3A_39 = tpu.memref_slice %arg5[%dma_wait3A_37, %dma_wait3A_38] : memref<3200000x8xi32, #tpu.memory_space<hbm>> -> memref<1024x8xi32, #tpu.memory_space<hbm>>
    %dma_wait3A_40 = arith.constant 0 : i32
    %dma_wait3A_41 = arith.constant 0 : i32
    %dma_wait3A_42 = tpu.memref_slice %arg9[%dma_wait3A_29, %dma_wait3A_40, %dma_wait3A_41] : memref<2x1024x8xi32, #tpu.memory_space<vmem>> -> memref<1x1024x8xi32, #tpu.memory_space<vmem>>
    %dma_wait3A_43 = tpu.memref_squeeze %dma_wait3A_42 : memref<1x1024x8xi32, #tpu.memory_space<vmem>> -> memref<1024x8xi32, #tpu.memory_space<vmem>>
    tpu.wait_dma2 semaphore(%arg12 : memref<!tpu.dma_semaphore, #tpu.memory_space<semaphore_mem>>) src(%dma_wait3A_43 : memref<1024x8xi32, #tpu.memory_space<vmem>>) dst(%dma_wait3A_39 : memref<1024x8xi32, #tpu.memory_space<hbm>>)
    %dma_wait3A_44 = arith.constant 1 : i32
    %dma_wait3A_45 = arith.constant 0 : i32
    %dma_wait3A_46 = arith.constant 0 : i32
    %dma_wait3A_47 = tpu.memref_slice %arg8[%dma_wait3A_44, %dma_wait3A_45, %dma_wait3A_46] : memref<2x1024x8xi32, #tpu.memory_space<vmem>> -> memref<1x1024x8xi32, #tpu.memory_space<vmem>>
    %dma_wait3A_48 = tpu.memref_squeeze %dma_wait3A_47 : memref<1x1024x8xi32, #tpu.memory_space<vmem>> -> memref<1024x8xi32, #tpu.memory_space<vmem>>
    %dma_wait3A_49 = arith.constant 0 : i32
    %dma_wait3A_50 = arith.constant 0 : i32
    %dma_wait3A_51 = tpu.memref_slice %arg4[%dma_wait3A_49, %dma_wait3A_50] : memref<3200000x8xi32, #tpu.memory_space<hbm>> -> memref<1024x8xi32, #tpu.memory_space<hbm>>
    %dma_wait3A_52 = arith.constant 0 : i32
    %dma_wait3A_53 = arith.constant 0 : i32
    %dma_wait3A_54 = tpu.memref_slice %arg4[%dma_wait3A_52, %dma_wait3A_53] : memref<3200000x8xi32, #tpu.memory_space<hbm>> -> memref<1024x8xi32, #tpu.memory_space<hbm>>
    %dma_wait3A_55 = arith.constant 0 : i32
    %dma_wait3A_56 = arith.constant 0 : i32
    %dma_wait3A_57 = tpu.memref_slice %arg8[%dma_wait3A_44, %dma_wait3A_55, %dma_wait3A_56] : memref<2x1024x8xi32, #tpu.memory_space<vmem>> -> memref<1x1024x8xi32, #tpu.memory_space<vmem>>
    %dma_wait3A_58 = tpu.memref_squeeze %dma_wait3A_57 : memref<1x1024x8xi32, #tpu.memory_space<vmem>> -> memref<1024x8xi32, #tpu.memory_space<vmem>>
    tpu.wait_dma2 semaphore(%arg13 : memref<!tpu.dma_semaphore, #tpu.memory_space<semaphore_mem>>) src(%dma_wait3A_58 : memref<1024x8xi32, #tpu.memory_space<vmem>>) dst(%dma_wait3A_54 : memref<1024x8xi32, #tpu.memory_space<hbm>>)
    %dma_wait3A_59 = arith.constant 1 : i32
    %dma_wait3A_60 = arith.constant 0 : i32
    %dma_wait3A_61 = arith.constant 0 : i32
    %dma_wait3A_62 = tpu.memref_slice %arg9[%dma_wait3A_59, %dma_wait3A_60, %dma_wait3A_61] : memref<2x1024x8xi32, #tpu.memory_space<vmem>> -> memref<1x1024x8xi32, #tpu.memory_space<vmem>>
    %dma_wait3A_63 = tpu.memref_squeeze %dma_wait3A_62 : memref<1x1024x8xi32, #tpu.memory_space<vmem>> -> memref<1024x8xi32, #tpu.memory_space<vmem>>
    %dma_wait3A_64 = arith.constant 0 : i32
    %dma_wait3A_65 = arith.constant 0 : i32
    %dma_wait3A_66 = tpu.memref_slice %arg5[%dma_wait3A_64, %dma_wait3A_65] : memref<3200000x8xi32, #tpu.memory_space<hbm>> -> memref<1024x8xi32, #tpu.memory_space<hbm>>
    %dma_wait3A_67 = arith.constant 0 : i32
    %dma_wait3A_68 = arith.constant 0 : i32
    %dma_wait3A_69 = tpu.memref_slice %arg5[%dma_wait3A_67, %dma_wait3A_68] : memref<3200000x8xi32, #tpu.memory_space<hbm>> -> memref<1024x8xi32, #tpu.memory_space<hbm>>
    %dma_wait3A_70 = arith.constant 0 : i32
    %dma_wait3A_71 = arith.constant 0 : i32
    %dma_wait3A_72 = tpu.memref_slice %arg9[%dma_wait3A_59, %dma_wait3A_70, %dma_wait3A_71] : memref<2x1024x8xi32, #tpu.memory_space<vmem>> -> memref<1x1024x8xi32, #tpu.memory_space<vmem>>
    %dma_wait3A_73 = tpu.memref_squeeze %dma_wait3A_72 : memref<1x1024x8xi32, #tpu.memory_space<vmem>> -> memref<1024x8xi32, #tpu.memory_space<vmem>>
    tpu.wait_dma2 semaphore(%arg13 : memref<!tpu.dma_semaphore, #tpu.memory_space<semaphore_mem>>) src(%dma_wait3A_73 : memref<1024x8xi32, #tpu.memory_space<vmem>>) dst(%dma_wait3A_69 : memref<1024x8xi32, #tpu.memory_space<hbm>>)
    return
  }
}

module attributes {stable_mosaic.version = 14 : i64} {
  func.func @_phi_body(%arg0: i32, %arg1: memref<4000x128xi32, #tpu.memory_space<vmem>>, %arg2: memref<4000x128xi32, #tpu.memory_space<vmem>>, %arg3: memref<512x512xbf16, #tpu.memory_space<vmem>>, %arg4: memref<1x512xf32, #tpu.memory_space<vmem>>, %arg5: memref<512x512xbf16, #tpu.memory_space<vmem>>, %arg6: memref<1x512xf32, #tpu.memory_space<vmem>>, %arg7: memref<512x16xbf16, #tpu.memory_space<vmem>>, %arg8: memref<1x16xf32, #tpu.memory_space<vmem>>, %arg9: memref<4000x16xf32, #tpu.memory_space<vmem>>) attributes {dimension_semantics = [#tpu.dimension_semantics<arbitrary>], iteration_bounds = array<i64: 50>, scalar_prefetch = 0 : i64, scratch_operands = 0 : i64, tpu.core_type = #tpu.core_type<tc>, window_params = [{transform_indices = @transform_0, window_bounds = array<i64: 4000, 128>}, {transform_indices = @transform_1, window_bounds = array<i64: 4000, 128>}, {pipeline_mode = #tpu.pipeline_mode<synchronous>, transform_indices = @transform_2, window_bounds = array<i64: 512, 512>}, {pipeline_mode = #tpu.pipeline_mode<synchronous>, transform_indices = @transform_3, window_bounds = array<i64: 1, 512>}, {pipeline_mode = #tpu.pipeline_mode<synchronous>, transform_indices = @transform_4, window_bounds = array<i64: 512, 512>}, {pipeline_mode = #tpu.pipeline_mode<synchronous>, transform_indices = @transform_5, window_bounds = array<i64: 1, 512>}, {pipeline_mode = #tpu.pipeline_mode<synchronous>, transform_indices = @transform_6, window_bounds = array<i64: 512, 16>}, {pipeline_mode = #tpu.pipeline_mode<synchronous>, transform_indices = @transform_7, window_bounds = array<i64: 1, 16>}, {transform_indices = @transform_8, window_bounds = array<i64: 4000, 16>}]} {
    %get3A = arith.constant 0 : index
    %get3A_0 = arith.constant 0 : index
    %get3A_1 = vector.load %arg1[%get3A, %get3A_0] : memref<4000x128xi32, #tpu.memory_space<vmem>>, vector<4000x128xi32>
    %and3A = arith.constant 65535 : i32
    %and3A_2 = vector.broadcast %and3A : i32 to vector<4000x128xi32>
    %and3A_3 = arith.andi %get3A_1, %and3A_2 : vector<4000x128xi32>
    %convert_element_type3A = arith.trunci %and3A_3 : vector<4000x128xi32> to vector<4000x128xi16>
    %bitcast_convert_type3A = tpu.bitcast %convert_element_type3A : vector<4000x128xi16> -> vector<4000x128xbf16>
    %shift_right_logical3A = arith.constant 16 : i32
    %shift_right_logical3A_4 = vector.broadcast %shift_right_logical3A : i32 to vector<4000x128xi32>
    %shift_right_logical3A_5 = arith.shrui %get3A_1, %shift_right_logical3A_4 : vector<4000x128xi32>
    %convert_element_type3A_6 = arith.trunci %shift_right_logical3A_5 : vector<4000x128xi32> to vector<4000x128xi16>
    %bitcast_convert_type3A_7 = tpu.bitcast %convert_element_type3A_6 : vector<4000x128xi16> -> vector<4000x128xbf16>
    %get3A_8 = arith.constant 0 : index
    %get3A_9 = arith.constant 0 : index
    %get3A_10 = vector.load %arg2[%get3A_8, %get3A_9] : memref<4000x128xi32, #tpu.memory_space<vmem>>, vector<4000x128xi32>
    %and3A_11 = arith.constant 65535 : i32
    %and3A_12 = vector.broadcast %and3A_11 : i32 to vector<4000x128xi32>
    %and3A_13 = arith.andi %get3A_10, %and3A_12 : vector<4000x128xi32>
    %convert_element_type3A_14 = arith.trunci %and3A_13 : vector<4000x128xi32> to vector<4000x128xi16>
    %bitcast_convert_type3A_15 = tpu.bitcast %convert_element_type3A_14 : vector<4000x128xi16> -> vector<4000x128xbf16>
    %shift_right_logical3A_16 = arith.constant 16 : i32
    %shift_right_logical3A_17 = vector.broadcast %shift_right_logical3A_16 : i32 to vector<4000x128xi32>
    %shift_right_logical3A_18 = arith.shrui %get3A_10, %shift_right_logical3A_17 : vector<4000x128xi32>
    %convert_element_type3A_19 = arith.trunci %shift_right_logical3A_18 : vector<4000x128xi32> to vector<4000x128xi16>
    %bitcast_convert_type3A_20 = tpu.bitcast %convert_element_type3A_19 : vector<4000x128xi16> -> vector<4000x128xbf16>
    %concatenate3A = tpu.concatenate %bitcast_convert_type3A, %bitcast_convert_type3A_7, %bitcast_convert_type3A_15, %bitcast_convert_type3A_20 in 1 : vector<4000x128xbf16>, vector<4000x128xbf16>, vector<4000x128xbf16>, vector<4000x128xbf16> -> vector<4000x512xbf16>
    %get3A_21 = arith.constant 0 : index
    %get3A_22 = arith.constant 0 : index
    %get3A_23 = vector.load %arg3[%get3A_21, %get3A_22] : memref<512x512xbf16, #tpu.memory_space<vmem>>, vector<512x512xbf16>
    %dot_general3A = arith.constant dense<0.000000e+00> : vector<4000x512xf32>
    %dot_general3A_24 = tpu.matmul %concatenate3A, %get3A_23, %dot_general3A {dimension_numbers = #tpu.dot_dimension_numbers<[1], [0], [0], [1], [0, 0, 1, 1], [], []>, transpose_lhs_hint = false} : vector<4000x512xbf16>, vector<512x512xbf16>, vector<4000x512xf32> -> vector<4000x512xf32>
    %get3A_25 = arith.constant 0 : index
    %get3A_26 = arith.constant 0 : index
    %get3A_27 = vector.load %arg4[%get3A_25, %get3A_26] : memref<1x512xf32, #tpu.memory_space<vmem>>, vector<1x512xf32>
    %add3A = vector.broadcast %get3A_27 : vector<1x512xf32> to vector<4000x512xf32>
    %add3A_28 = arith.addf %dot_general3A_24, %add3A : vector<4000x512xf32>
    %tanh3A = math.tanh %add3A_28 : vector<4000x512xf32>
    %convert_element_type3A_29 = arith.truncf %tanh3A : vector<4000x512xf32> to vector<4000x512xbf16>
    %get3A_30 = arith.constant 0 : index
    %get3A_31 = arith.constant 0 : index
    %get3A_32 = vector.load %arg5[%get3A_30, %get3A_31] : memref<512x512xbf16, #tpu.memory_space<vmem>>, vector<512x512xbf16>
    %dot_general3A_33 = arith.constant dense<0.000000e+00> : vector<4000x512xf32>
    %dot_general3A_34 = tpu.matmul %convert_element_type3A_29, %get3A_32, %dot_general3A_33 {dimension_numbers = #tpu.dot_dimension_numbers<[1], [0], [0], [1], [0, 0, 1, 1], [], []>, transpose_lhs_hint = false} : vector<4000x512xbf16>, vector<512x512xbf16>, vector<4000x512xf32> -> vector<4000x512xf32>
    %get3A_35 = arith.constant 0 : index
    %get3A_36 = arith.constant 0 : index
    %get3A_37 = vector.load %arg6[%get3A_35, %get3A_36] : memref<1x512xf32, #tpu.memory_space<vmem>>, vector<1x512xf32>
    %add3A_38 = vector.broadcast %get3A_37 : vector<1x512xf32> to vector<4000x512xf32>
    %add3A_39 = arith.addf %dot_general3A_34, %add3A_38 : vector<4000x512xf32>
    %tanh3A_40 = math.tanh %add3A_39 : vector<4000x512xf32>
    %convert_element_type3A_41 = arith.truncf %tanh3A_40 : vector<4000x512xf32> to vector<4000x512xbf16>
    %get3A_42 = arith.constant 0 : index
    %get3A_43 = arith.constant 0 : index
    %get3A_44 = vector.load %arg7[%get3A_42, %get3A_43] : memref<512x16xbf16, #tpu.memory_space<vmem>>, vector<512x16xbf16>
    %dot_general3A_45 = arith.constant dense<0.000000e+00> : vector<4000x16xf32>
    %dot_general3A_46 = tpu.matmul %convert_element_type3A_41, %get3A_44, %dot_general3A_45 {dimension_numbers = #tpu.dot_dimension_numbers<[1], [0], [0], [1], [0, 0, 1, 1], [], []>, transpose_lhs_hint = false} : vector<4000x512xbf16>, vector<512x16xbf16>, vector<4000x16xf32> -> vector<4000x16xf32>
    %get3A_47 = arith.constant 0 : index
    %get3A_48 = arith.constant 0 : index
    %get3A_49 = vector.load %arg8[%get3A_47, %get3A_48] : memref<1x16xf32, #tpu.memory_space<vmem>>, vector<1x16xf32>
    %add3A_50 = vector.broadcast %get3A_49 : vector<1x16xf32> to vector<4000x16xf32>
    %add3A_51 = arith.addf %dot_general3A_46, %add3A_50 : vector<4000x16xf32>
    %swap3A = arith.constant 0 : index
    %swap3A_52 = arith.constant 0 : index
    %swap3A_53 = vector.load %arg9[%swap3A, %swap3A_52] : memref<4000x16xf32, #tpu.memory_space<vmem>>, vector<4000x16xf32>
    tpu.vector_store %arg9[%swap3A, %swap3A_52], %add3A_51 {strides = array<i32>} : memref<4000x16xf32, #tpu.memory_space<vmem>>, vector<4000x16xf32>,
    return
  }
  func.func @transform_0(%arg0: i32) -> (i32, i32) {
    %c0_i32 = arith.constant 0 : i32
    %c0_i32_0 = arith.constant 0 : i32
    return %arg0, %c0_i32 : i32, i32
  }
  func.func @transform_1(%arg0: i32) -> (i32, i32) {
    %c0_i32 = arith.constant 0 : i32
    %c0_i32_0 = arith.constant 0 : i32
    return %arg0, %c0_i32 : i32, i32
  }
  func.func @transform_2(%arg0: i32) -> (i32, i32) {
    %c0_i32 = arith.constant 0 : i32
    %c0_i32_0 = arith.constant 0 : i32
    %c0_i32_1 = arith.constant 0 : i32
    return %c0_i32, %c0_i32_0 : i32, i32
  }
  func.func @transform_3(%arg0: i32) -> (i32, i32) {
    %c0_i32 = arith.constant 0 : i32
    %c0_i32_0 = arith.constant 0 : i32
    %c0_i32_1 = arith.constant 0 : i32
    return %c0_i32, %c0_i32_0 : i32, i32
  }
  func.func @transform_4(%arg0: i32) -> (i32, i32) {
    %c0_i32 = arith.constant 0 : i32
    %c0_i32_0 = arith.constant 0 : i32
    %c0_i32_1 = arith.constant 0 : i32
    return %c0_i32, %c0_i32_0 : i32, i32
  }
  func.func @transform_5(%arg0: i32) -> (i32, i32) {
    %c0_i32 = arith.constant 0 : i32
    %c0_i32_0 = arith.constant 0 : i32
    %c0_i32_1 = arith.constant 0 : i32
    return %c0_i32, %c0_i32_0 : i32, i32
  }
  func.func @transform_6(%arg0: i32) -> (i32, i32) {
    %c0_i32 = arith.constant 0 : i32
    %c0_i32_0 = arith.constant 0 : i32
    %c0_i32_1 = arith.constant 0 : i32
    return %c0_i32, %c0_i32_0 : i32, i32
  }
  func.func @transform_7(%arg0: i32) -> (i32, i32) {
    %c0_i32 = arith.constant 0 : i32
    %c0_i32_0 = arith.constant 0 : i32
    %c0_i32_1 = arith.constant 0 : i32
    return %c0_i32, %c0_i32_0 : i32, i32
  }
  func.func @transform_8(%arg0: i32) -> (i32, i32) {
    %c0_i32 = arith.constant 0 : i32
    %c0_i32_0 = arith.constant 0 : i32
    return %arg0, %c0_i32 : i32, i32
  }
}

module attributes {stable_mosaic.version = 14 : i64} {
  func.func @_gamma_body(%arg0: memref<6250x128xf32, #tpu.memory_space<vmem>>, %arg1: memref<6250x16xf32, #tpu.memory_space<vmem>>, %arg2: memref<6250x16xf32, #tpu.memory_space<vmem>>, %arg3: memref<6250x16xf32, #tpu.memory_space<vmem>>, %arg4: memref<128x512xf32, #tpu.memory_space<vmem>>, %arg5: memref<16x512xf32, #tpu.memory_space<vmem>>, %arg6: memref<1x512xf32, #tpu.memory_space<vmem>>, %arg7: memref<512x512xf32, #tpu.memory_space<vmem>>, %arg8: memref<1x512xf32, #tpu.memory_space<vmem>>, %arg9: memref<512x16xf32, #tpu.memory_space<vmem>>, %arg10: memref<1x16xf32, #tpu.memory_space<vmem>>, %arg11: memref<6250x16xf32, #tpu.memory_space<vmem>>) attributes {dimension_semantics = [], scalar_prefetch = 0 : i64, scratch_operands = 0 : i64, tpu.core_type = #tpu.core_type<tc>} {
    %get3A = arith.constant 0 : index
    %get3A_0 = arith.constant 0 : index
    %get3A_1 = vector.load %arg1[%get3A, %get3A_0] : memref<6250x16xf32, #tpu.memory_space<vmem>>, vector<6250x16xf32>
    %get3A_2 = arith.constant 0 : index
    %get3A_3 = arith.constant 0 : index
    %get3A_4 = vector.load %arg2[%get3A_2, %get3A_3] : memref<6250x16xf32, #tpu.memory_space<vmem>>, vector<6250x16xf32>
    %add3A = arith.addf %get3A_1, %get3A_4 : vector<6250x16xf32>
    %get3A_5 = arith.constant 0 : index
    %get3A_6 = arith.constant 0 : index
    %get3A_7 = vector.load %arg0[%get3A_5, %get3A_6] : memref<6250x128xf32, #tpu.memory_space<vmem>>, vector<6250x128xf32>
    %get3A_8 = arith.constant 0 : index
    %get3A_9 = arith.constant 0 : index
    %get3A_10 = vector.load %arg4[%get3A_8, %get3A_9] : memref<128x512xf32, #tpu.memory_space<vmem>>, vector<128x512xf32>
    %dot_general3A = arith.constant dense<0.000000e+00> : vector<6250x512xf32>
    %dot_general3A_11 = tpu.matmul %get3A_7, %get3A_10, %dot_general3A {dimension_numbers = #tpu.dot_dimension_numbers<[1], [0], [0], [1], [0, 0, 1, 1], [], []>, transpose_lhs_hint = false} : vector<6250x128xf32>, vector<128x512xf32>, vector<6250x512xf32> -> vector<6250x512xf32>
    %get3A_12 = arith.constant 0 : index
    %get3A_13 = arith.constant 0 : index
    %get3A_14 = vector.load %arg5[%get3A_12, %get3A_13] : memref<16x512xf32, #tpu.memory_space<vmem>>, vector<16x512xf32>
    %dot_general3A_15 = arith.constant dense<0.000000e+00> : vector<6250x512xf32>
    %dot_general3A_16 = tpu.matmul %add3A, %get3A_14, %dot_general3A_15 {dimension_numbers = #tpu.dot_dimension_numbers<[1], [0], [0], [1], [0, 0, 1, 1], [], []>, transpose_lhs_hint = false} : vector<6250x16xf32>, vector<16x512xf32>, vector<6250x512xf32> -> vector<6250x512xf32>
    %add3A_17 = arith.addf %dot_general3A_11, %dot_general3A_16 : vector<6250x512xf32>
    %get3A_18 = arith.constant 0 : index
    %get3A_19 = arith.constant 0 : index
    %get3A_20 = vector.load %arg6[%get3A_18, %get3A_19] : memref<1x512xf32, #tpu.memory_space<vmem>>, vector<1x512xf32>
    %add3A_21 = vector.broadcast %get3A_20 : vector<1x512xf32> to vector<6250x512xf32>
    %add3A_22 = arith.addf %add3A_17, %add3A_21 : vector<6250x512xf32>
    %tanh3A = math.tanh %add3A_22 : vector<6250x512xf32>
    %get3A_23 = arith.constant 0 : index
    %get3A_24 = arith.constant 0 : index
    %get3A_25 = vector.load %arg7[%get3A_23, %get3A_24] : memref<512x512xf32, #tpu.memory_space<vmem>>, vector<512x512xf32>
    %dot_general3A_26 = arith.constant dense<0.000000e+00> : vector<6250x512xf32>
    %dot_general3A_27 = tpu.matmul %tanh3A, %get3A_25, %dot_general3A_26 {dimension_numbers = #tpu.dot_dimension_numbers<[1], [0], [0], [1], [0, 0, 1, 1], [], []>, transpose_lhs_hint = false} : vector<6250x512xf32>, vector<512x512xf32>, vector<6250x512xf32> -> vector<6250x512xf32>
    %get3A_28 = arith.constant 0 : index
    %get3A_29 = arith.constant 0 : index
    %get3A_30 = vector.load %arg8[%get3A_28, %get3A_29] : memref<1x512xf32, #tpu.memory_space<vmem>>, vector<1x512xf32>
    %add3A_31 = vector.broadcast %get3A_30 : vector<1x512xf32> to vector<6250x512xf32>
    %add3A_32 = arith.addf %dot_general3A_27, %add3A_31 : vector<6250x512xf32>
    %tanh3A_33 = math.tanh %add3A_32 : vector<6250x512xf32>
    %get3A_34 = arith.constant 0 : index
    %get3A_35 = arith.constant 0 : index
    %get3A_36 = vector.load %arg3[%get3A_34, %get3A_35] : memref<6250x16xf32, #tpu.memory_space<vmem>>, vector<6250x16xf32>
    %get3A_37 = arith.constant 0 : index
    %get3A_38 = arith.constant 0 : index
    %get3A_39 = vector.load %arg9[%get3A_37, %get3A_38] : memref<512x16xf32, #tpu.memory_space<vmem>>, vector<512x16xf32>
    %dot_general3A_40 = arith.constant dense<0.000000e+00> : vector<6250x16xf32>
    %dot_general3A_41 = tpu.matmul %tanh3A_33, %get3A_39, %dot_general3A_40 {dimension_numbers = #tpu.dot_dimension_numbers<[1], [0], [0], [1], [0, 0, 1, 1], [], []>, transpose_lhs_hint = false} : vector<6250x512xf32>, vector<512x16xf32>, vector<6250x16xf32> -> vector<6250x16xf32>
    %add3A_42 = arith.addf %get3A_36, %dot_general3A_41 : vector<6250x16xf32>
    %get3A_43 = arith.constant 0 : index
    %get3A_44 = arith.constant 0 : index
    %get3A_45 = vector.load %arg10[%get3A_43, %get3A_44] : memref<1x16xf32, #tpu.memory_space<vmem>>, vector<1x16xf32>
    %add3A_46 = vector.broadcast %get3A_45 : vector<1x16xf32> to vector<6250x16xf32>
    %add3A_47 = arith.addf %add3A_42, %add3A_46 : vector<6250x16xf32>
    %swap3A = arith.constant 0 : index
    %swap3A_48 = arith.constant 0 : index
    %swap3A_49 = vector.load %arg11[%swap3A, %swap3A_48] : memref<6250x16xf32, #tpu.memory_space<vmem>>, vector<6250x16xf32>
    tpu.vector_store %arg11[%swap3A, %swap3A_48], %add3A_47 {strides = array<i32>} : memref<6250x16xf32, #tpu.memory_space<vmem>>, vector<6250x16xf32>,
    return
  }
}

</mosaic_0001>

<sc_bundles>
// kernel: kernel.6.cloned.1.call-start
scs
__scs_entry_jumppad:
0x0: {  	(pc) =	sbr.rel $0x88, $3  }
0x1: {  	(tag) =	ssettag $0x0;
	lr =	simm.s32 $0x1  }
0x2: {  	[smem:$0x3F92] =	sst lr;
	_ =	strace $0xD0000000  }
0x3: {  	_ = 	snop  }
0x4: {  	_ = 	snop  }
0x5: {  	_ = 	snop  }
0x6: {  	_ = 	snop  }
0x7: {  	_ = 	snop  }
__scs_overlays_trampoline_lowered:
0x8: {  	[smem:$0x3FA1] =	sst s0  }
0x9: {  	[smem:$0x3FA2] =	sst s1  }
0xa: {  	[smem:$0x3FA3] =	sst s2  }
0xb: {  	[smem:$0x3FA4] =	sst s3  }
0xc: {  	[smem:$0x3FA5] =	sst s4  }
0xd: {  	[smem:$0x3FA6] =	sst s5  }
0xe: {  	[smem:$0x3FA7] =	sst s6  }
0xf: {  	[smem:$0x3FA8] =	sst s7  }
0x10: {  	[smem:$0x3FA9] =	sst s8  }
0x11: {  	[smem:$0x3FAA] =	sst s9;
	s0 =	simm.s32 @!p0 $0x0  }
0x12: {  	s1 =	sld [smem:$0x3F90];
	s0 =	simm.s32 @p0 $0x1  }
0x13: {  	[smem:$0x3FAB] =	sst s0;
	s0 =	simm.s32 @!p1 $0x0  }
0x14: {  	s2 =	sld [smem:$0x3F8F];
	s0 =	simm.s32 @p1 $0x1  }
0x15: {  	[smem:$0x3FAC] =	sst s0;
	s0 =	simm.s32 @!p2 $0x0  }
0x16: {  	s3 =	sld [smem:$0x3FDB];
	s0 =	simm.s32 @p2 $0x1  }
0x17: {  	s4 =	simm.s32 $0x1BF5;
	[smem:$0x3FAE] =	sst s0  }
0x18: {  	s0 =	sld [smem:$0x3F91];
	_ =	swait.ge [sflag:s4], $0x0  }
0x19: {  	s7 =	sld [smem:$0x3F92]  }
0x1a: {  	s8 =	sadd.s32 $0xFFFFE003, lr  }
0x1b: {  	s9 =	sadd.s32 $0xFFFFFEF7, lr;
	s5 =	simm.s32 $0xFFFFFFFF;
	p2 =	slt.u32 s8, $0xFFFFF086  }
0x1c: {  	p1 =	slt.u32 s9, $0xF7A;
	s5 =	simm.s32 @!p2 $0x0  }
0x1d: {  	s5 =	simm.s32 @p1 $0x1;
	p0 =	seq.s32 s7, s2  }
0x1e: {  	s7 =	smul.u32 @!p0 $0xF7A, s2;
	p2 =	seq.s32 @!p0 s5, $0x0  }
0x1f: {  	s9 =	smul.u32 $0xF7A, s1;
	s8 =	simm.s32 @!p0 $0x1BF5;
	p2 =	por !p2, p0  }
0x20: {  	[sflag:s8] =	ssyncset.s32 @!p0 $0xFFFFF086;
	s6 =	sadd.s32 @!p0 s3, s7;
	s7 =	simm.s32 @!p0 $0x108  }
0x21: {  	s3 =	sadd.s32 s3, s9;
	s6 =	sadd.s32 @!p0 $0x88, s6;
	s7 =	simm.s32 @p2 $0x1082  }
0x22: {  	[simem:s7], [sflag:s8] =	dma.local @!p0 [hbm:s6], $0xF7A  }
0x23: {  	s9 =	sor.u32 $0xD0000000, s2;
	s6 =	simm.s32 $0x108;
	_ =	swait.ge @!p0 [sflag:s8], $0x0  }
0x24: {  	s3 =	sadd.s32 $0x88, s3;
	s6 =	simm.s32 @!p1 $0x1082;
	[sflag:s4] =	ssyncset.s32 $0xFFFFF086  }
0x25: {  	[simem:s6], [sflag:s4] =	dma.local [hbm:s3], $0xF7A  }
0x26: {  	[smem:$0x3F92] =	sst s1;
	(tag) =	ssettag s2;
	_ =	strace s9  }
0x27: {  	s1 =	sld [smem:$0x3FA2]  }
0x28: {  	s2 =	sld [smem:$0x3FA3]  }
0x29: {  	s4 =	sld [smem:$0x3FA5]  }
0x2a: {  	p0 =	seq.s32 s5, $0x0;
	s5 =	sld [smem:$0x3FA6]  }
0x2b: {  	s6 =	sld [smem:$0x3FA7]  }
0x2c: {  	s7 =	sld [smem:$0x3FA8]  }
0x2d: {  	s3 =	simm.s32 $0x108;
	s8 =	sld [smem:$0x3FA9]  }
0x2e: {  	s3 =	simm.s32 @!p0 $0x1082;
	s9 =	sld [smem:$0x3FAA]  }
0x2f: {  	lr =	sadd.s32 s0, s3;
	s0 =	sld [smem:$0x3FA1]  }
0x30: {  	s3 =	sld [smem:$0x3FA4]  }
0x31: {  	[smem:$0x3FAD] =	sst s10  }
0x32: {  	s10 =	sld [smem:$0x3FAB];
	_ =	sdelay $0x3  }
0x33: {  	p0 =	seq.s32 s10, $0x1;
	s10 =	sld [smem:$0x3FAD];
	_ =	sdelay $0x3  }
0x34: {  	[smem:$0x3FAD] =	sst s10  }
0x35: {  	s10 =	sld [smem:$0x3FAC];
	_ =	sdelay $0x3  }
0x36: {  	p1 =	seq.s32 s10, $0x1;
	s10 =	sld [smem:$0x3FAD];
	_ =	sdelay $0x3  }
0x37: {  	[smem:$0x3FAD] =	sst s10  }
0x38: {  	s10 =	sld [smem:$0x3FAE]  }
0x39: {  	_ = 	snop;
	(pc) =	sbr.ind lr, $3  }
0x3a: {  	_ = 	snop  }
0x3b: {  	_ = 	snop  }
0x3c: {  	p2 =	seq.s32 s10, $0x1;
	s10 =	sld [smem:$0x3FAD]  }
0x3d: {  	_ =	shalt  }
0x3e: {  	_ =	shalt  }
0x3f: {  	_ =	shalt  }
0x40: {  	_ =	shalt  }
0x41: {  	_ =	shalt  }
0x42: {  	_ =	shalt  }
0x43: {  	_ =	shalt  }
0x44: {  	_ =	shalt  }
0x45: {  	_ =	shalt  }
0x46: {  	_ =	shalt  }
0x47: {  	_ =	shalt  }
0x48: {  	_ =	shalt  }
0x49: {  	_ =	shalt  }
0x4a: {  	_ =	shalt  }
0x4b: {  	_ =	shalt  }
0x4c: {  	_ =	shalt  }
0x4d: {  	_ =	shalt  }
0x4e: {  	_ =	shalt  }
0x4f: {  	_ =	shalt  }
0x50: {  	_ =	shalt  }
0x51: {  	_ =	shalt  }
0x52: {  	_ =	shalt  }
0x53: {  	_ =	shalt  }
0x54: {  	_ =	shalt  }
0x55: {  	_ =	shalt  }
0x56: {  	_ =	shalt  }
0x57: {  	_ =	shalt  }
0x58: {  	_ =	shalt  }
0x59: {  	_ =	shalt  }
0x5a: {  	_ =	shalt  }
0x5b: {  	_ =	shalt  }
0x5c: {  	_ =	shalt  }
0x5d: {  	_ =	shalt  }
0x5e: {  	_ =	shalt  }
0x5f: {  	_ =	shalt  }
0x60: {  	_ =	shalt  }
0x61: {  	_ =	shalt  }
0x62: {  	_ =	shalt  }
0x63: {  	_ =	shalt  }
0x64: {  	_ =	shalt  }
0x65: {  	_ =	shalt  }
0x66: {  	_ =	shalt  }
0x67: {  	_ =	shalt  }
0x68: {  	_ =	shalt  }
0x69: {  	_ =	shalt  }
0x6a: {  	_ =	shalt  }
0x6b: {  	_ =	shalt  }
0x6c: {  	_ =	shalt  }
0x6d: {  	_ =	shalt  }
0x6e: {  	_ =	shalt  }
0x6f: {  	_ =	shalt  }
0x70: {  	_ =	shalt  }
0x71: {  	_ =	shalt  }
0x72: {  	_ =	shalt  }
0x73: {  	_ =	shalt  }
0x74: {  	_ =	shalt  }
0x75: {  	_ =	shalt  }
0x76: {  	_ =	shalt  }
0x77: {  	_ =	shalt  }
0x78: {  	_ =	shalt  }
0x79: {  	_ =	shalt  }
0x7a: {  	_ =	shalt  }
0x7b: {  	_ =	shalt  }
0x7c: {  	_ =	shalt  }
0x7d: {  	_ =	shalt  }
0x7e: {  	_ =	shalt  }
0x7f: {  	_ =	shalt  }
0x80: {  	_ =	shalt  }
0x81: {  	_ =	shalt  }
0x82: {  	_ =	shalt  }
0x83: {  	_ =	shalt  }
0x84: {  	_ =	shalt  }
0x85: {  	_ =	shalt  }
0x86: {  	_ =	shalt  }
0x87: {  	_ =	shalt  }
.Lfunc_end0:
.L_simem_size_0:
called_computation_lowered:
.L_overlay_start_0:
0x88: {  	s2 =	sld [smem:$0x3FD9]  }
0x89: {  	s3 =	sld [smem:$0x3FFE];
	_ =	sdelay $0x1  }
0x8a: {  	s1 =	srdreg.scid  }
0x8b: {  	s0 =	sand.u32 $0x1, s1  }
0x8c: {  	s16 =	sshll.u32 s0, $0xA;
	s2 =	sadd.s32 s3, s2  }
0x8d: {  	s2 =	sadd.s32 s2, s16  }
0x8e: {  	[smem:$0x3FB9] =	sst s2  }
0x8f: {  	_ = 	snop  }
0x90: {  	(tm) =	ssettm $0x1  }
0x91: {  	s17 =	sld [smem:$0x3FFB];
	_ =	sdelay $0x3  }
0x92: {  	_ =	strace s17  }
0x93: {  	s2 =	sld [smem:$0x3FFC];
	_ =	sdelay $0x3  }
0x94: {  	_ =	strace s2  }
0x95: {  	s2 =	sld [smem:$0x3FFD];
	_ =	sdelay $0x3  }
0x96: {  	_ =	strace s2  }
0x97: {  	_ =	strace $0x8FFFFFFF  }
0x98: {  	s18 =	sld [smem:$0x3FDB];
	_ =	sdelay $0x1  }
0x99: {  	s19 =	simm.s32 $_scs_section_size  }
0x9a: {  	s4 =	simm.s32 $_size__tile_overlayer_lowered;
	s5 =	simm.s32 $_tile_overlayer_lowered  }
0x9b: {  	s22 =	simm.s32 $0x1BFF;
	s21 =	sshll.u32 s5, $0x1;
	s2 =	sadd.s32 s19, s18  }
0x9c: {  	s6 =	simm.s32 $0x0;
	s20 =	sshll.u32 s4, $0x1;
	s4 =	sadd.s32 s21, s2  }
0x9d: {  	[timem:s6], [sflag:s22] =	dma.local [hbm:s4], s20  }
0x9e: {  	_ =	swait.ge [sflag:s22], s20  }
0x9f: {  	s3 =	ssub.s32 $0x0, s20;
	[sflag:s22] =	ssyncset.done $0x0  }
0xa0: {  	[sflag:s22] =	ssyncadd.s32 s3;
	_ =	sdelay $0x1  }
0xa1: {  	s23 =	simm.s32 $0x1B8B  }
0xa2: {  	_ =	swait.ge [sflag:s23], $0x1  }
0xa3: {  	[sflag:s23] =	ssyncset.done $0x0  }
0xa4: {  	s25 =	simm.s32 $0x1B8E;
	s24 =	sld [smem:$0x3FFE];
	[sflag:s23] =	ssyncadd.s32 $0xFFFFFFFF  }
0xa5: {  	s26 =	simm.s32 $execute0_lowered;
	[smem:$0x3FD2] =	sst s25  }
0xa6: {  	s4 =	sshll.u32 s26, $0x1;
	_ =	strace $0x80000046;
	[dreg:$0x1] =	wrdreg $0xFFFFFFFF  }
0xa7: {  	s28 =	simm.s32 $_size_execute0_lowered;
	s2 =	sadd.s32 s2, s4;
	[dreg:$0x0] =	wrdreg $0x0  }
0xa8: {  	s4 =	sshll.u32 s28, $0x1;
	[dreg:$0x2] =	wrdreg s2  }
0xa9: {  	[dreg:$0x3] =	wrdreg s4  }
0xaa: {  	[dreg:$0x4] =	wrdreg $0xC0  }
0xab: {  	_ =	task [dreg:s6], $0x5FFFF  }
0xac: {  	[dreg:$0x1] =	wrdreg $0xFFFFFFFF  }
0xad: {  	[dreg:$0x0] =	wrdreg $0x60  }
0xae: {  	[dreg:$0x2] =	wrdreg s24  }
0xaf: {  	[dreg:$0x3] =	wrdreg $0x90000  }
0xb0: {  	[dreg:$0x4] =	wrdreg $0x9  }
0xb1: {  	_ =	task.clear_ibuf [dreg:s6], $0x5FFFF;
	_ =	strace $0x90000046  }
0xb2: {  	s29 =	simm.s32 $0x9;
	_ =	strace $0x80000048  }
0xb3: {  	_ =	swait.ge [sflag:s29], $0x1  }
0xb4: {  	[sflag:s29] =	ssyncadd.s32 $0xFFFFFFFF  }
0xb5: {  	_ =	strace $0x90000048  }
0xb6: {  	_ =	sfence  }
0xb7: {  	s30 =	sld [smem:$0x0];
	_ =	sdelay $0x2  }
0xb8: {  	s31 =	sshll.u32 s1, $0xD;
	s1 =	sshrl.u32 s1, $0x2  }
0xb9: {  	s3 =	sand.u32 $0x4000, s31;
	s1 =	sadd.s32 s1, s30  }
0xba: {  	s0 =	sor.u32 s3, s0;
	s1 =	sshll.u32 s1, $0x11  }
0xbb: {  	s0 =	sor.u32 s1, s0  }
0xbc: {  	s0 =	sadd.s32 $0x8F2B, s0  }
0xbd: {  	[sflag:s0] =	ssyncadd.remote.s32 $0x1  }
0xbe: {  	_ =	sfence.sel $0xFFFF  }
0xbf: {  	[dreg:$0x0] =	wrdreg $0xFFFFFFFF;
	(pc) =	sbr.abs _section_cstart, $3  }
0xc0: {  	[dreg:$0x1] =	wrdreg $0xFFFFFFFF  }
0xc1: {  	_ =	task.clear_ibuf [dreg:s6], $0x2FFFF;
	_ =	strace $0x9FFFFFFF  }
0xc2: {  	(tm) =	ssettm $0x7FFFFFFF  }
0xc3: {  	_ =	shalt  }
tec
execute0_lowered:
.L_overlay_start_1:
0x0: {  	(tag) =	ssettag $0x1  }
0x1: {  	s0 =	rddreg [dreg:$0x0]  }
0x2: {  	s2 =	rddreg [dreg:$0x1];
	s13 =	stileid.u32;
	s3 =	simm.s32 $0x0  }
0x3: {  	s22 =	srdreg.scid;
	s14 =	simm.s32 $0x4;
	s15 =	simm.s32 $0x800  }
0x4: {  	s16 =	simm.s32 $0x80;
	s17 =	simm.s32 $0x1000;
	s18 =	simm.s32 $0x5000  }
0x5: {  	s29 =	simm.s32 $0x1;
	s30 =	simm.s32 $0x400;
	s31 =	simm.s32 $0xC00  }
0x6: {  	s28 =	simm.s32 $0x4C00;
	s19 =	simm.s32 $0x0;
	s1 =	smul.u32 $0x30D40, s13  }
0x7: {  	[smem:$0x7FF] =	sst s3;
	s4 =	smul.u32 $0x6100, s13;
	s10 =	sadd.s32 $0x1A3600, s0  }
0x8: {  	s7 =	sand.u32 $0x1, s22;
	s8 =	sshll.u32 s13, $0x1;
	s9 =	smul.u32 $0xC2, s13  }
0x9: {  	s22 =	simm.s32 $0x700;
	_ =	strace $0x80000047;
	s12 =	smul.u32 $0x61, s7  }
0xa: {  	s8 =	sor.u32 s7, s8;
	s23 =	smul.u32 $0x3080, s7;
	s5 =	sshrl.u32 s1, $0x3  }
0xb: {  	s6 =	sadd.s32 s4, s0;
	s4 =	ssub.s32 $0x2, s7;
	p0 =	slt.u32 s8, $0x15  }
0xc: {  	s8 =	smin.u32 s8, $0x15;
	s1 =	sadd.s32 s1, s2;
	s5 =	sadd.s32 s5, s0  }
0xd: {  	s0 =	sadd.s32 $0x4B0A00, s0;
	s11 =	sshrl.u32 s4, $0x1;
	s9 =	sadd.s32 s12, s9  }
0xe: {  	s6 =	sadd.s32 s23, s6;
	s26 =	sshll.u32 s8, $0x7;
	s23 =	simm.s32 $0x4800  }
0xf: {  	s11 =	ssub.s32 s4, s11;
	s4 =	simm.s32 $0x62;
	s9 =	sadd.s32 s8, s9  }
0x10: {  	s5 =	sadd.s32 $0x18AE00, s5;
	s6 =	sadd.s32 s26, s6;
	s26 =	simm.s32 $0x780  }
0x11: {  	s4 =	simm.s32 @!p0 $0x61;
	[dreg:$0x3] =	wrdreg s5;
	s24 =	smax.u32 s11, $0x1  }
0x12: {  	s25 =	sshll.u32 s9, $0xA;
	p0 =	sgt.u32 s13, $0x3;
	s9 =	sadd.s32 $0x4400, s6  }
0x13: {  	[dreg:$0x4] =	wrdreg s24;
	s7 =	sadd.s32 s25, s10;
	s8 =	sadd.s32 s25, s0  }
.Ltmp0:
0x14: {  	s5 =	sadd.s32 $0x400, s25;
	s6 =	sshll.u32 @!p0 s13, $0x6;
	(pc) =	sbr.rel .LBB2_1-.Ltmp0, $4  }
0x15: {  	s24 =	simm.s32 $0xF00;
	s25 =	simm.s32 $0x8800;
	s10 =	sadd.s32 s5, s10  }
0x16: {  	s11 =	sadd.s32 s5, s0;
	s0 =	sor.u32 @!p0 $0x1C04, s6;
	s5 =	simm.s32 $0xF80  }
0x17: {  	s6 =	simm.s32 $0x8C00;
	[dreg:$0x5] =	wrdreg s0;
	s0 =	sshrl.u32 @!p0 s1, $0x3  }
0x18: {  	s1 =	simm.s32 $0x7000;
	[dreg:$0x6] =	wrdreg s0;
	s0 =	simm.s32 $0x3000  }
.LBB2_7:
0x19: {  	s12 =	simm.s32 $0x2  }
0x1a: {  	_ =	swait.ge [sflag:s12], $0x2000  }
0x1b: {  	[sflag:s12] =	ssyncset.done $0x0  }
0x1c: {  	[sflag:s12] =	ssyncadd.s32 $0xFFFFE000  }
0x1d: {  	_ =	swait.ge [sflag:s12], $0x2000  }
0x1e: {  	[sflag:s12] =	ssyncset.done $0x0  }
0x1f: {  	s13 =	simm.s32 $0x3;
	[sflag:s12] =	ssyncadd.s32 $0xFFFFE000  }
0x20: {  	_ =	swait.ge [sflag:s13], $0x2000  }
0x21: {  	[sflag:s13] =	ssyncset.done $0x0  }
0x22: {  	[sflag:s13] =	ssyncadd.s32 $0xFFFFE000  }
0x23: {  	_ =	swait.ge [sflag:s13], $0x2000  }
0x24: {  	s19 =	rddreg [dreg:$0x7]  }
0x25: {  	s21 =	rddreg [dreg:$0x4];
	s19 =	sadd.s32 $0x1, s19  }
0x26: {  	p1 =	sne.s32 s19, s21  }
.Ltmp1:
0x27: {  	_ = 	snop;
	(pc) =	sbr.rel @!p1 .LBB2_8-.Ltmp1, $3  }
0x28: {  	_ =	sdelay $0x1  }
0x29: {  	[sflag:s13] =	ssyncset.done $0x0  }
0x2a: {  	[sflag:s13] =	ssyncadd.s32 $0xFFFFE000  }
.LBB2_1:
0x2b: {  	[dreg:$0x7] =	wrdreg s19  }
0x2c: {  	s12 =	rddreg [dreg:$0x3]  }
0x2d: {  	s13 =	rddreg [dreg:$0x5]  }
0x2e: {  	s19 =	rddreg [dreg:$0x6]  }
0x2f: {  	[spmem:s19], [sflag:s13] =	dma.local @!p0 [hbm:s12], $0x61A8  }
0x30: {  	s12 =	simm.s32 @!p0 $0x4  }
.Ltmp2:
0x31: {  	_ =	swait.ge @!p0 [sflag:s12], $0x61A8;
	(pc) =	sbr.rel .LBB2_2-.Ltmp2, $4  }
0x32: {  	[sflag:s12] =	ssyncset.done @!p0 $0x0  }
0x33: {  	[sflag:s12] =	ssyncadd.s32 @!p0 $0xFFFF9E58  }
0x34: {  	[bflag:$0x0] =	sbarrier.arrive $0xFFFF  }
0x35: {  	s13 =	simm.s32 $0x0;
	s19 =	simm.s32 $0x0;
	s12 =	simm.s32 $0x1  }
.LBB2_6:
0x36: {  	s19 =	sadd.s32 $0x800, s19  }
0x37: {  	p1 =	sne.s32 s19, $0x18800  }
.Ltmp3:
0x38: {  	_ = 	snop;
	(pc) =	sbr.rel @!p1 .LBB2_7-.Ltmp3, $2  }
0x39: {  	_ =	sdelay $0x2  }
0x3a: {  	s13 =	sadd.s32 $0x100, s13;
	s12 =	sadd.s32 $0x2, s12  }
.LBB2_2:
0x3b: {  	s20 =	sadd.s32 $0xFFFFFFFF, s12  }
0x3c: {  	p2 =	sge.u32 s20, s4  }
.Ltmp4:
0x3d: {  	_ = 	snop;
	(pc) =	sbr.rel @p2 .LBB2_4-.Ltmp4, $2  }
0x3e: {  	_ =	sdelay $0x2  }
0x3f: {  	p1 =	seq.s32 s19, $0x0  }
0x40: {  	s20 =	simm.s32 @!p1 $0x2  }
0x41: {  	_ =	swait.ge @!p1 [sflag:s20], $0x2000  }
0x42: {  	[sflag:s20] =	ssyncset.done @!p1 $0x0  }
0x43: {  	[sflag:s20] =	ssyncadd.s32 @!p1 $0xFFFFE000  }
0x44: {  	_ =	swait.ge @!p1 [sflag:s20], $0x2000  }
0x45: {  	[sflag:s20] =	ssyncset.done @!p1 $0x0  }
0x46: {  	s21 =	sadd.s32 s13, s9;
	[sflag:s20] =	ssyncadd.s32 @!p1 $0xFFFFE000  }
0x47: {  	[tilespmem:s3], [sflag:$0x4] =	stream.linear.gather [hbm4b:s21+s3], $0x400, $0x38;
	[tilespmem:$0x15350] =	vst v63  }
0x48: {  	_ =	swait.ge [sflag:s14], $0x400  }
0x49: {  	[sflag:s14] =	ssyncset.done $0x0  }
0x4a: {  	s20 =	sadd.s32 $0x61A80, s21;
	[sflag:s14] =	ssyncadd.s32 $0xFFFFFC00  }
0x4b: {  	[tilespmem:s15], [sflag:$0x4] =	stream.linear.gather [hbm4b:s20+s3], $0x400, $0x38;
	[tilespmem:$0x15350] =	vst v63  }
0x4c: {  	_ =	swait.ge [sflag:s14], $0x400  }
0x4d: {  	[sflag:s14] =	ssyncset.done $0x0  }
0x4e: {  	[sflag:s14] =	ssyncadd.s32 $0xFFFFFC00  }
0x4f: {  	[tilespmem:s17], [sflag:$0x1] =	stream.indirect.gather [spmem:s2], $0x8, s3, s16, $0xb8;
	[tilespmem:$0x15350] =	vst v63  }
0x50: {  	_ = 	snop  }
0x51: {  	[tilespmem:s18], [sflag:$0x1] =	stream.indirect.gather [spmem:s2], $0x8, s15, s16, $0xb8;
	[tilespmem:$0x15350] =	vst v63  }
0x52: {  	s21 =	simm.s32 $0x1400  }
0x53: {  	[tilespmem:s21], [sflag:$0x1] =	stream.indirect.gather [spmem:s2], $0x8, s16, s16, $0xb8;
	[tilespmem:$0x15350] =	vst v63  }
0x54: {  	s20 =	simm.s32 $0x880;
	s21 =	simm.s32 $0x5400  }
0x55: {  	[tilespmem:s21], [sflag:$0x1] =	stream.indirect.gather [spmem:s2], $0x8, s20, s16, $0xb8;
	[tilespmem:$0x15350] =	vst v63  }
0x56: {  	s20 =	simm.s32 $0x100;
	s21 =	simm.s32 $0x1800  }
0x57: {  	[tilespmem:s21], [sflag:$0x1] =	stream.indirect.gather [spmem:s2], $0x8, s20, s16, $0xb8;
	[tilespmem:$0x15350] =	vst v63  }
0x58: {  	s20 =	simm.s32 $0x900;
	s21 =	simm.s32 $0x5800  }
0x59: {  	[tilespmem:s21], [sflag:$0x1] =	stream.indirect.gather [spmem:s2], $0x8, s20, s16, $0xb8;
	[tilespmem:$0x15350] =	vst v63  }
0x5a: {  	s20 =	simm.s32 $0x180;
	s21 =	simm.s32 $0x1C00  }
0x5b: {  	[tilespmem:s21], [sflag:$0x1] =	stream.indirect.gather [spmem:s2], $0x8, s20, s16, $0xb8;
	[tilespmem:$0x15350] =	vst v63  }
0x5c: {  	s20 =	simm.s32 $0x980;
	s21 =	simm.s32 $0x5C00  }
0x5d: {  	[tilespmem:s21], [sflag:$0x1] =	stream.indirect.gather [spmem:s2], $0x8, s20, s16, $0xb8;
	[tilespmem:$0x15350] =	vst v63  }
0x5e: {  	s20 =	simm.s32 $0x200;
	s21 =	simm.s32 $0x2000  }
0x5f: {  	[tilespmem:s21], [sflag:$0x1] =	stream.indirect.gather [spmem:s2], $0x8, s20, s16, $0xb8;
	[tilespmem:$0x15350] =	vst v63  }
0x60: {  	s20 =	simm.s32 $0xA00;
	s21 =	simm.s32 $0x6000  }
0x61: {  	[tilespmem:s21], [sflag:$0x1] =	stream.indirect.gather [spmem:s2], $0x8, s20, s16, $0xb8;
	[tilespmem:$0x15350] =	vst v63  }
0x62: {  	s20 =	simm.s32 $0x280;
	s21 =	simm.s32 $0x2400  }
0x63: {  	[tilespmem:s21], [sflag:$0x1] =	stream.indirect.gather [spmem:s2], $0x8, s20, s16, $0xb8;
	[tilespmem:$0x15350] =	vst v63  }
0x64: {  	s20 =	simm.s32 $0xA80;
	s21 =	simm.s32 $0x6400  }
0x65: {  	[tilespmem:s21], [sflag:$0x1] =	stream.indirect.gather [spmem:s2], $0x8, s20, s16, $0xb8;
	[tilespmem:$0x15350] =	vst v63  }
0x66: {  	s20 =	simm.s32 $0x300;
	s21 =	simm.s32 $0x2800  }
0x67: {  	[tilespmem:s21], [sflag:$0x1] =	stream.indirect.gather [spmem:s2], $0x8, s20, s16, $0xb8;
	[tilespmem:$0x15350] =	vst v63  }
0x68: {  	s20 =	simm.s32 $0xB00;
	s21 =	simm.s32 $0x6800  }
0x69: {  	[tilespmem:s21], [sflag:$0x1] =	stream.indirect.gather [spmem:s2], $0x8, s20, s16, $0xb8;
	[tilespmem:$0x15350] =	vst v63  }
0x6a: {  	s20 =	simm.s32 $0x380;
	s21 =	simm.s32 $0x2C00  }
0x6b: {  	[tilespmem:s21], [sflag:$0x1] =	stream.indirect.gather [spmem:s2], $0x8, s20, s16, $0xb8;
	[tilespmem:$0x15350] =	vst v63  }
0x6c: {  	s20 =	simm.s32 $0xB80;
	s21 =	simm.s32 $0x6C00  }
0x6d: {  	[tilespmem:s21], [sflag:$0x1] =	stream.indirect.gather [spmem:s2], $0x8, s20, s16, $0xb8;
	[tilespmem:$0x15350] =	vst v63  }
0x6e: {  	_ =	swait.ge [sflag:s29], $0x400  }
0x6f: {  	[sflag:s29] =	ssyncset.done $0x0  }
0x70: {  	[sflag:s29] =	ssyncadd.s32 $0xFFFFFC00  }
0x71: {  	_ =	swait.ge [sflag:s29], $0x400  }
0x72: {  	[sflag:s29] =	ssyncset.done $0x0  }
0x73: {  	[sflag:s29] =	ssyncadd.s32 $0xFFFFFC00  }
0x74: {  	_ =	swait.ge [sflag:s29], $0x400  }
0x75: {  	[sflag:s29] =	ssyncset.done $0x0  }
0x76: {  	[sflag:s29] =	ssyncadd.s32 $0xFFFFFC00  }
0x77: {  	_ =	swait.ge [sflag:s29], $0x400  }
0x78: {  	[sflag:s29] =	ssyncset.done $0x0  }
0x79: {  	[sflag:s29] =	ssyncadd.s32 $0xFFFFFC00  }
0x7a: {  	_ =	swait.ge [sflag:s29], $0x400  }
0x7b: {  	[sflag:s29] =	ssyncset.done $0x0  }
0x7c: {  	[sflag:s29] =	ssyncadd.s32 $0xFFFFFC00  }
0x7d: {  	_ =	swait.ge [sflag:s29], $0x400  }
0x7e: {  	[sflag:s29] =	ssyncset.done $0x0  }
0x7f: {  	[sflag:s29] =	ssyncadd.s32 $0xFFFFFC00  }
0x80: {  	_ =	swait.ge [sflag:s29], $0x400  }
0x81: {  	[sflag:s29] =	ssyncset.done $0x0  }
0x82: {  	[sflag:s29] =	ssyncadd.s32 $0xFFFFFC00  }
0x83: {  	_ =	swait.ge [sflag:s29], $0x400  }
0x84: {  	[sflag:s29] =	ssyncset.done $0x0  }
0x85: {  	[sflag:s29] =	ssyncadd.s32 $0xFFFFFC00  }
0x86: {  	_ =	swait.ge [sflag:s29], $0x400  }
0x87: {  	[sflag:s29] =	ssyncset.done $0x0  }
0x88: {  	[sflag:s29] =	ssyncadd.s32 $0xFFFFFC00  }
0x89: {  	_ =	swait.ge [sflag:s29], $0x400  }
0x8a: {  	[sflag:s29] =	ssyncset.done $0x0  }
0x8b: {  	[sflag:s29] =	ssyncadd.s32 $0xFFFFFC00  }
0x8c: {  	_ =	swait.ge [sflag:s29], $0x400  }
0x8d: {  	[sflag:s29] =	ssyncset.done $0x0  }
0x8e: {  	[sflag:s29] =	ssyncadd.s32 $0xFFFFFC00  }
0x8f: {  	_ =	swait.ge [sflag:s29], $0x400  }
0x90: {  	[sflag:s29] =	ssyncset.done $0x0  }
0x91: {  	[sflag:s29] =	ssyncadd.s32 $0xFFFFFC00  }
0x92: {  	_ =	swait.ge [sflag:s29], $0x400  }
0x93: {  	[sflag:s29] =	ssyncset.done $0x0  }
0x94: {  	[sflag:s29] =	ssyncadd.s32 $0xFFFFFC00  }
0x95: {  	_ =	swait.ge [sflag:s29], $0x400  }
0x96: {  	[sflag:s29] =	ssyncset.done $0x0  }
0x97: {  	[sflag:s29] =	ssyncadd.s32 $0xFFFFFC00  }
0x98: {  	_ =	swait.ge [sflag:s29], $0x400  }
0x99: {  	[sflag:s29] =	ssyncset.done $0x0  }
0x9a: {  	[sflag:s29] =	ssyncadd.s32 $0xFFFFFC00  }
0x9b: {  	_ =	swait.ge [sflag:s29], $0x400  }
0x9c: {  	[sflag:s29] =	ssyncset.done $0x0  }
0x9d: {  	s21 =	sadd.s32 s19, s7;
	[sflag:s29] =	ssyncadd.s32 $0xFFFFFC00  }
0x9e: {  	[hbm4b:s21+s3] =	stream.linear.scatter [tilespmem:s17], [sflag:$0x2], $0x2000, $0x38;
	[tilespmem:$0x15350] =	vst v63  }
0x9f: {  	s21 =	sadd.s32 s19, s8  }
0xa0: {  	[hbm4b:s21+s3] =	stream.linear.scatter [tilespmem:s18], [sflag:$0x2], $0x2000, $0x38;
	[tilespmem:$0x15350] =	vst v63  }
.LBB2_4:
0xa1: {  	p2 =	sge.u32 s12, s4  }
.Ltmp5:
0xa2: {  	_ = 	snop;
	(pc) =	sbr.rel @p2 .LBB2_6-.Ltmp5, $1  }
0xa3: {  	_ =	sdelay $0x3  }
0xa4: {  	s20 =	simm.s32 @!p1 $0x3  }
0xa5: {  	_ =	swait.ge @!p1 [sflag:s20], $0x2000  }
0xa6: {  	[sflag:s20] =	ssyncset.done @!p1 $0x0  }
0xa7: {  	[sflag:s20] =	ssyncadd.s32 @!p1 $0xFFFFE000  }
0xa8: {  	_ =	swait.ge @!p1 [sflag:s20], $0x2000  }
0xa9: {  	s21 =	sadd.s32 s13, s9;
	[sflag:s20] =	ssyncset.done @!p1 $0x0  }
0xaa: {  	[sflag:s20] =	ssyncadd.s32 @!p1 $0xFFFFE000;
	s20 =	sadd.s32 $0x80, s21  }
0xab: {  	[tilespmem:s30], [sflag:$0x4] =	stream.linear.gather [hbm4b:s20+s3], $0x400, $0x38;
	[tilespmem:$0x15350] =	vst v63  }
0xac: {  	_ =	swait.ge [sflag:s14], $0x400  }
0xad: {  	[sflag:s14] =	ssyncset.done $0x0  }
0xae: {  	s21 =	sadd.s32 $0x61B00, s21;
	[sflag:s14] =	ssyncadd.s32 $0xFFFFFC00  }
0xaf: {  	[tilespmem:s31], [sflag:$0x4] =	stream.linear.gather [hbm4b:s21+s3], $0x400, $0x38;
	[tilespmem:$0x15350] =	vst v63  }
0xb0: {  	_ =	swait.ge [sflag:s14], $0x400  }
0xb1: {  	[sflag:s14] =	ssyncset.done $0x0  }
0xb2: {  	[sflag:s14] =	ssyncadd.s32 $0xFFFFFC00  }
0xb3: {  	[tilespmem:s0], [sflag:$0x1] =	stream.indirect.gather [spmem:s2], $0x8, s30, s16, $0xb8;
	[tilespmem:$0x15350] =	vst v63  }
0xb4: {  	_ = 	snop  }
0xb5: {  	[tilespmem:s1], [sflag:$0x1] =	stream.indirect.gather [spmem:s2], $0x8, s31, s16, $0xb8;
	[tilespmem:$0x15350] =	vst v63  }
0xb6: {  	s20 =	simm.s32 $0x480;
	s21 =	simm.s32 $0x3400  }
0xb7: {  	[tilespmem:s21], [sflag:$0x1] =	stream.indirect.gather [spmem:s2], $0x8, s20, s16, $0xb8;
	[tilespmem:$0x15350] =	vst v63  }
0xb8: {  	s20 =	simm.s32 $0xC80;
	s21 =	simm.s32 $0x7400  }
0xb9: {  	[tilespmem:s21], [sflag:$0x1] =	stream.indirect.gather [spmem:s2], $0x8, s20, s16, $0xb8;
	[tilespmem:$0x15350] =	vst v63  }
0xba: {  	s20 =	simm.s32 $0x500;
	s21 =	simm.s32 $0x3800  }
0xbb: {  	[tilespmem:s21], [sflag:$0x1] =	stream.indirect.gather [spmem:s2], $0x8, s20, s16, $0xb8;
	[tilespmem:$0x15350] =	vst v63  }
0xbc: {  	s20 =	simm.s32 $0xD00;
	s21 =	simm.s32 $0x7800  }
0xbd: {  	[tilespmem:s21], [sflag:$0x1] =	stream.indirect.gather [spmem:s2], $0x8, s20, s16, $0xb8;
	[tilespmem:$0x15350] =	vst v63  }
0xbe: {  	s20 =	simm.s32 $0x580;
	s21 =	simm.s32 $0x3C00  }
0xbf: {  	[tilespmem:s21], [sflag:$0x1] =	stream.indirect.gather [spmem:s2], $0x8, s20, s16, $0xb8;
	[tilespmem:$0x15350] =	vst v63  }
0xc0: {  	s20 =	simm.s32 $0xD80;
	s21 =	simm.s32 $0x7C00  }
0xc1: {  	[tilespmem:s21], [sflag:$0x1] =	stream.indirect.gather [spmem:s2], $0x8, s20, s16, $0xb8;
	[tilespmem:$0x15350] =	vst v63  }
0xc2: {  	s20 =	simm.s32 $0x600;
	s21 =	simm.s32 $0x4000  }
0xc3: {  	[tilespmem:s21], [sflag:$0x1] =	stream.indirect.gather [spmem:s2], $0x8, s20, s16, $0xb8;
	[tilespmem:$0x15350] =	vst v63  }
0xc4: {  	s20 =	simm.s32 $0xE00;
	s21 =	simm.s32 $0x8000  }
0xc5: {  	[tilespmem:s21], [sflag:$0x1] =	stream.indirect.gather [spmem:s2], $0x8, s20, s16, $0xb8;
	[tilespmem:$0x15350] =	vst v63  }
0xc6: {  	s20 =	simm.s32 $0x680;
	s21 =	simm.s32 $0x4400  }
0xc7: {  	[tilespmem:s21], [sflag:$0x1] =	stream.indirect.gather [spmem:s2], $0x8, s20, s16, $0xb8;
	[tilespmem:$0x15350] =	vst v63  }
0xc8: {  	s20 =	simm.s32 $0xE80;
	s21 =	simm.s32 $0x8400  }
0xc9: {  	[tilespmem:s21], [sflag:$0x1] =	stream.indirect.gather [spmem:s2], $0x8, s20, s16, $0xb8;
	[tilespmem:$0x15350] =	vst v63  }
0xca: {  	_ = 	snop  }
0xcb: {  	[tilespmem:s23], [sflag:$0x1] =	stream.indirect.gather [spmem:s2], $0x8, s22, s16, $0xb8;
	[tilespmem:$0x15350] =	vst v63  }
0xcc: {  	_ = 	snop  }
0xcd: {  	[tilespmem:s25], [sflag:$0x1] =	stream.indirect.gather [spmem:s2], $0x8, s24, s16, $0xb8;
	[tilespmem:$0x15350] =	vst v63  }
0xce: {  	_ = 	snop  }
0xcf: {  	[tilespmem:s28], [sflag:$0x1] =	stream.indirect.gather [spmem:s2], $0x8, s26, s16, $0xb8;
	[tilespmem:$0x15350] =	vst v63  }
0xd0: {  	_ = 	snop  }
0xd1: {  	[tilespmem:s6], [sflag:$0x1] =	stream.indirect.gather [spmem:s2], $0x8, s5, s16, $0xb8;
	[tilespmem:$0x15350] =	vst v63  }
0xd2: {  	_ =	swait.ge [sflag:s29], $0x400  }
0xd3: {  	[sflag:s29] =	ssyncset.done $0x0  }
0xd4: {  	[sflag:s29] =	ssyncadd.s32 $0xFFFFFC00  }
0xd5: {  	_ =	swait.ge [sflag:s29], $0x400  }
0xd6: {  	[sflag:s29] =	ssyncset.done $0x0  }
0xd7: {  	[sflag:s29] =	ssyncadd.s32 $0xFFFFFC00  }
0xd8: {  	_ =	swait.ge [sflag:s29], $0x400  }
0xd9: {  	[sflag:s29] =	ssyncset.done $0x0  }
0xda: {  	[sflag:s29] =	ssyncadd.s32 $0xFFFFFC00  }
0xdb: {  	_ =	swait.ge [sflag:s29], $0x400  }
0xdc: {  	[sflag:s29] =	ssyncset.done $0x0  }
0xdd: {  	[sflag:s29] =	ssyncadd.s32 $0xFFFFFC00  }
0xde: {  	_ =	swait.ge [sflag:s29], $0x400  }
0xdf: {  	[sflag:s29] =	ssyncset.done $0x0  }
0xe0: {  	[sflag:s29] =	ssyncadd.s32 $0xFFFFFC00  }
0xe1: {  	_ =	swait.ge [sflag:s29], $0x400  }
0xe2: {  	[sflag:s29] =	ssyncset.done $0x0  }
0xe3: {  	[sflag:s29] =	ssyncadd.s32 $0xFFFFFC00  }
0xe4: {  	_ =	swait.ge [sflag:s29], $0x400  }
0xe5: {  	[sflag:s29] =	ssyncset.done $0x0  }
0xe6: {  	[sflag:s29] =	ssyncadd.s32 $0xFFFFFC00  }
0xe7: {  	_ =	swait.ge [sflag:s29], $0x400  }
0xe8: {  	[sflag:s29] =	ssyncset.done $0x0  }
0xe9: {  	[sflag:s29] =	ssyncadd.s32 $0xFFFFFC00  }
0xea: {  	_ =	swait.ge [sflag:s29], $0x400  }
0xeb: {  	[sflag:s29] =	ssyncset.done $0x0  }
0xec: {  	[sflag:s29] =	ssyncadd.s32 $0xFFFFFC00  }
0xed: {  	_ =	swait.ge [sflag:s29], $0x400  }
0xee: {  	[sflag:s29] =	ssyncset.done $0x0  }
0xef: {  	[sflag:s29] =	ssyncadd.s32 $0xFFFFFC00  }
0xf0: {  	_ =	swait.ge [sflag:s29], $0x400  }
0xf1: {  	[sflag:s29] =	ssyncset.done $0x0  }
0xf2: {  	[sflag:s29] =	ssyncadd.s32 $0xFFFFFC00  }
0xf3: {  	_ =	swait.ge [sflag:s29], $0x400  }
0xf4: {  	[sflag:s29] =	ssyncset.done $0x0  }
0xf5: {  	[sflag:s29] =	ssyncadd.s32 $0xFFFFFC00  }
0xf6: {  	_ =	swait.ge [sflag:s29], $0x400  }
0xf7: {  	[sflag:s29] =	ssyncset.done $0x0  }
0xf8: {  	[sflag:s29] =	ssyncadd.s32 $0xFFFFFC00  }
0xf9: {  	_ =	swait.ge [sflag:s29], $0x400  }
0xfa: {  	[sflag:s29] =	ssyncset.done $0x0  }
0xfb: {  	[sflag:s29] =	ssyncadd.s32 $0xFFFFFC00  }
0xfc: {  	_ =	swait.ge [sflag:s29], $0x400  }
0xfd: {  	[sflag:s29] =	ssyncset.done $0x0  }
0xfe: {  	[sflag:s29] =	ssyncadd.s32 $0xFFFFFC00  }
0xff: {  	_ =	swait.ge [sflag:s29], $0x400  }
.Ltmp6:
0x100: {  	[sflag:s29] =	ssyncset.done $0x0;
	(pc) =	sbr.rel .LBB2_6-.Ltmp6, $4  }
0x101: {  	s21 =	sadd.s32 s19, s10;
	[sflag:s29] =	ssyncadd.s32 $0xFFFFFC00  }
0x102: {  	[hbm4b:s21+s3] =	stream.linear.scatter [tilespmem:s0], [sflag:$0x3], $0x2000, $0x38;
	[tilespmem:$0x15350] =	vst v63  }
0x103: {  	s21 =	sadd.s32 s19, s11  }
0x104: {  	[hbm4b:s21+s3] =	stream.linear.scatter [tilespmem:s1], [sflag:$0x3], $0x2000, $0x38;
	[tilespmem:$0x15350] =	vst v63  }
.LBB2_8:
0x105: {  	_ =	sfence.sel $0x180000  }
0x106: {  	[bflag:$0x0] =	sbarrier.arrive $0xFFFF  }
0x107: {  	_ =	strace $0x90000047  }
0x108: {  	s0 =	stileid.u32;
	[bflag:$0x2] =	sbarrier.arrive $0xFFFF  }
0x109: {  	p0 =	sne.s32 s0, $0x0;
	s0 =	rddreg [dreg:$0x2]  }
0x10a: {  	s0 =	sadd.s32 @!p0 $0x100000, s0  }
0x10b: {  	[sflag:s0] =	ssyncadd.tile.s32 @!p0 $0x1;
	_ =	shalt  }
.Lfunc_end2:
_tile_overlayer_lowered:
.L_overlay_start_2:
0x10c: {  	(tag) =	ssettag $0x2  }
0x10d: {  	s0 =	rddreg [dreg:$0x0];
	s2 =	stileid.u32  }
0x10e: {  	s1 =	rddreg [dreg:$0x1];
	p0 =	sne.s32 s2, $0x0  }
0x10f: {  	s3 =	rddreg [dreg:$0x2];
	[bflag:$0x3] =	sbarrier.arrive $0xFFFF;
	s2 =	simm.s32 @!p0 $0x1C04  }
0x110: {  	[timem:s3], [sflag:s2] =	dma.local @!p0 [hbm:s0], s1  }
0x111: {  	s0 =	simm.s32 @!p0 $0x4  }
0x112: {  	_ =	swait.ge @!p0 [sflag:s0], s1  }
0x113: {  	s1 =	ssub.s32 @!p0 $0x0, s1;
	[sflag:s0] =	ssyncset.done @!p0 $0x0  }
0x114: {  	[sflag:s0] =	ssyncadd.s32 @!p0 s1  }
0x115: {  	[bflag:$0x3] =	sbarrier.arrive $0xFFFF  }
0x116: {  	_ =	shalt  }

// kernel: kernel.9.cloned.1.call-start
scs
__scs_entry_jumppad:
0x0: {  	(pc) =	sbr.rel $0x88, $3  }
0x1: {  	(tag) =	ssettag $0x0;
	lr =	simm.s32 $0x1  }
0x2: {  	[smem:$0x3F92] =	sst lr;
	_ =	strace $0xD0000000  }
0x3: {  	_ = 	snop  }
0x4: {  	_ = 	snop  }
0x5: {  	_ = 	snop  }
0x6: {  	_ = 	snop  }
0x7: {  	_ = 	snop  }
__scs_overlays_trampoline_lowered:
0x8: {  	[smem:$0x3FA1] =	sst s0  }
0x9: {  	[smem:$0x3FA2] =	sst s1  }
0xa: {  	[smem:$0x3FA3] =	sst s2  }
0xb: {  	[smem:$0x3FA4] =	sst s3  }
0xc: {  	[smem:$0x3FA5] =	sst s4  }
0xd: {  	[smem:$0x3FA6] =	sst s5  }
0xe: {  	[smem:$0x3FA7] =	sst s6  }
0xf: {  	[smem:$0x3FA8] =	sst s7  }
0x10: {  	[smem:$0x3FA9] =	sst s8  }
0x11: {  	[smem:$0x3FAA] =	sst s9;
	s0 =	simm.s32 @!p0 $0x0  }
0x12: {  	s1 =	sld [smem:$0x3F90];
	s0 =	simm.s32 @p0 $0x1  }
0x13: {  	[smem:$0x3FAB] =	sst s0;
	s0 =	simm.s32 @!p1 $0x0  }
0x14: {  	s2 =	sld [smem:$0x3F8F];
	s0 =	simm.s32 @p1 $0x1  }
0x15: {  	[smem:$0x3FAC] =	sst s0;
	s0 =	simm.s32 @!p2 $0x0  }
0x16: {  	s3 =	sld [smem:$0x3FDB];
	s0 =	simm.s32 @p2 $0x1  }
0x17: {  	s4 =	simm.s32 $0x1BF5;
	[smem:$0x3FAE] =	sst s0  }
0x18: {  	s0 =	sld [smem:$0x3F91];
	_ =	swait.ge [sflag:s4], $0x0  }
0x19: {  	s7 =	sld [smem:$0x3F92]  }
0x1a: {  	s8 =	sadd.s32 $0xFFFFE003, lr  }
0x1b: {  	s9 =	sadd.s32 $0xFFFFFEF7, lr;
	s5 =	simm.s32 $0xFFFFFFFF;
	p2 =	slt.u32 s8, $0xFFFFF086  }
0x1c: {  	p1 =	slt.u32 s9, $0xF7A;
	s5 =	simm.s32 @!p2 $0x0  }
0x1d: {  	s5 =	simm.s32 @p1 $0x1;
	p0 =	seq.s32 s7, s2  }
0x1e: {  	s7 =	smul.u32 @!p0 $0xF7A, s2;
	p2 =	seq.s32 @!p0 s5, $0x0  }
0x1f: {  	s9 =	smul.u32 $0xF7A, s1;
	s8 =	simm.s32 @!p0 $0x1BF5;
	p2 =	por !p2, p0  }
0x20: {  	[sflag:s8] =	ssyncset.s32 @!p0 $0xFFFFF086;
	s6 =	sadd.s32 @!p0 s3, s7;
	s7 =	simm.s32 @!p0 $0x108  }
0x21: {  	s3 =	sadd.s32 s3, s9;
	s6 =	sadd.s32 @!p0 $0x88, s6;
	s7 =	simm.s32 @p2 $0x1082  }
0x22: {  	[simem:s7], [sflag:s8] =	dma.local @!p0 [hbm:s6], $0xF7A  }
0x23: {  	s9 =	sor.u32 $0xD0000000, s2;
	s6 =	simm.s32 $0x108;
	_ =	swait.ge @!p0 [sflag:s8], $0x0  }
0x24: {  	s3 =	sadd.s32 $0x88, s3;
	s6 =	simm.s32 @!p1 $0x1082;
	[sflag:s4] =	ssyncset.s32 $0xFFFFF086  }
0x25: {  	[simem:s6], [sflag:s4] =	dma.local [hbm:s3], $0xF7A  }
0x26: {  	[smem:$0x3F92] =	sst s1;
	(tag) =	ssettag s2;
	_ =	strace s9  }
0x27: {  	s1 =	sld [smem:$0x3FA2]  }
0x28: {  	s2 =	sld [smem:$0x3FA3]  }
0x29: {  	s4 =	sld [smem:$0x3FA5]  }
0x2a: {  	p0 =	seq.s32 s5, $0x0;
	s5 =	sld [smem:$0x3FA6]  }
0x2b: {  	s6 =	sld [smem:$0x3FA7]  }
0x2c: {  	s7 =	sld [smem:$0x3FA8]  }
0x2d: {  	s3 =	simm.s32 $0x108;
	s8 =	sld [smem:$0x3FA9]  }
0x2e: {  	s3 =	simm.s32 @!p0 $0x1082;
	s9 =	sld [smem:$0x3FAA]  }
0x2f: {  	lr =	sadd.s32 s0, s3;
	s0 =	sld [smem:$0x3FA1]  }
0x30: {  	s3 =	sld [smem:$0x3FA4]  }
0x31: {  	[smem:$0x3FAD] =	sst s10  }
0x32: {  	s10 =	sld [smem:$0x3FAB];
	_ =	sdelay $0x3  }
0x33: {  	p0 =	seq.s32 s10, $0x1;
	s10 =	sld [smem:$0x3FAD];
	_ =	sdelay $0x3  }
0x34: {  	[smem:$0x3FAD] =	sst s10  }
0x35: {  	s10 =	sld [smem:$0x3FAC];
	_ =	sdelay $0x3  }
0x36: {  	p1 =	seq.s32 s10, $0x1;
	s10 =	sld [smem:$0x3FAD];
	_ =	sdelay $0x3  }
0x37: {  	[smem:$0x3FAD] =	sst s10  }
0x38: {  	s10 =	sld [smem:$0x3FAE]  }
0x39: {  	_ = 	snop;
	(pc) =	sbr.ind lr, $3  }
0x3a: {  	_ = 	snop  }
0x3b: {  	_ = 	snop  }
0x3c: {  	p2 =	seq.s32 s10, $0x1;
	s10 =	sld [smem:$0x3FAD]  }
0x3d: {  	_ =	shalt  }
0x3e: {  	_ =	shalt  }
0x3f: {  	_ =	shalt  }
0x40: {  	_ =	shalt  }
0x41: {  	_ =	shalt  }
0x42: {  	_ =	shalt  }
0x43: {  	_ =	shalt  }
0x44: {  	_ =	shalt  }
0x45: {  	_ =	shalt  }
0x46: {  	_ =	shalt  }
0x47: {  	_ =	shalt  }
0x48: {  	_ =	shalt  }
0x49: {  	_ =	shalt  }
0x4a: {  	_ =	shalt  }
0x4b: {  	_ =	shalt  }
0x4c: {  	_ =	shalt  }
0x4d: {  	_ =	shalt  }
0x4e: {  	_ =	shalt  }
0x4f: {  	_ =	shalt  }
0x50: {  	_ =	shalt  }
0x51: {  	_ =	shalt  }
0x52: {  	_ =	shalt  }
0x53: {  	_ =	shalt  }
0x54: {  	_ =	shalt  }
0x55: {  	_ =	shalt  }
0x56: {  	_ =	shalt  }
0x57: {  	_ =	shalt  }
0x58: {  	_ =	shalt  }
0x59: {  	_ =	shalt  }
0x5a: {  	_ =	shalt  }
0x5b: {  	_ =	shalt  }
0x5c: {  	_ =	shalt  }
0x5d: {  	_ =	shalt  }
0x5e: {  	_ =	shalt  }
0x5f: {  	_ =	shalt  }
0x60: {  	_ =	shalt  }
0x61: {  	_ =	shalt  }
0x62: {  	_ =	shalt  }
0x63: {  	_ =	shalt  }
0x64: {  	_ =	shalt  }
0x65: {  	_ =	shalt  }
0x66: {  	_ =	shalt  }
0x67: {  	_ =	shalt  }
0x68: {  	_ =	shalt  }
0x69: {  	_ =	shalt  }
0x6a: {  	_ =	shalt  }
0x6b: {  	_ =	shalt  }
0x6c: {  	_ =	shalt  }
0x6d: {  	_ =	shalt  }
0x6e: {  	_ =	shalt  }
0x6f: {  	_ =	shalt  }
0x70: {  	_ =	shalt  }
0x71: {  	_ =	shalt  }
0x72: {  	_ =	shalt  }
0x73: {  	_ =	shalt  }
0x74: {  	_ =	shalt  }
0x75: {  	_ =	shalt  }
0x76: {  	_ =	shalt  }
0x77: {  	_ =	shalt  }
0x78: {  	_ =	shalt  }
0x79: {  	_ =	shalt  }
0x7a: {  	_ =	shalt  }
0x7b: {  	_ =	shalt  }
0x7c: {  	_ =	shalt  }
0x7d: {  	_ =	shalt  }
0x7e: {  	_ =	shalt  }
0x7f: {  	_ =	shalt  }
0x80: {  	_ =	shalt  }
0x81: {  	_ =	shalt  }
0x82: {  	_ =	shalt  }
0x83: {  	_ =	shalt  }
0x84: {  	_ =	shalt  }
0x85: {  	_ =	shalt  }
0x86: {  	_ =	shalt  }
0x87: {  	_ =	shalt  }
.Lfunc_end0:
.L_simem_size_0:
called_computation.1_lowered:
.L_overlay_start_0:
0x88: {  	s2 =	sld [smem:$0x3FD9]  }
0x89: {  	s3 =	sld [smem:$0x3FFE];
	_ =	sdelay $0x1  }
0x8a: {  	s1 =	srdreg.scid  }
0x8b: {  	s0 =	sand.u32 $0x1, s1  }
0x8c: {  	s16 =	sshll.u32 s0, $0xA;
	s2 =	sadd.s32 s3, s2  }
0x8d: {  	s2 =	sadd.s32 s2, s16  }
0x8e: {  	[smem:$0x3FB9] =	sst s2  }
0x8f: {  	_ = 	snop  }
0x90: {  	(tm) =	ssettm $0x1  }
0x91: {  	s17 =	sld [smem:$0x3FFB];
	_ =	sdelay $0x3  }
0x92: {  	_ =	strace s17  }
0x93: {  	s2 =	sld [smem:$0x3FFC];
	_ =	sdelay $0x3  }
0x94: {  	_ =	strace s2  }
0x95: {  	s2 =	sld [smem:$0x3FFD];
	_ =	sdelay $0x3  }
0x96: {  	_ =	strace s2  }
0x97: {  	_ =	strace $0x8FFFFFFF  }
0x98: {  	s18 =	sld [smem:$0x3FDB];
	_ =	sdelay $0x1  }
0x99: {  	s19 =	simm.s32 $_scs_section_size  }
0x9a: {  	s4 =	simm.s32 $_size__tile_overlayer_lowered;
	s5 =	simm.s32 $_tile_overlayer_lowered  }
0x9b: {  	s22 =	simm.s32 $0x1BFF;
	s21 =	sshll.u32 s5, $0x1;
	s2 =	sadd.s32 s19, s18  }
0x9c: {  	s6 =	simm.s32 $0x0;
	s20 =	sshll.u32 s4, $0x1;
	s4 =	sadd.s32 s21, s2  }
0x9d: {  	[timem:s6], [sflag:s22] =	dma.local [hbm:s4], s20  }
0x9e: {  	_ =	swait.ge [sflag:s22], s20  }
0x9f: {  	s3 =	ssub.s32 $0x0, s20;
	[sflag:s22] =	ssyncset.done $0x0  }
0xa0: {  	[sflag:s22] =	ssyncadd.s32 s3;
	_ =	sdelay $0x1  }
0xa1: {  	s23 =	simm.s32 $0x1B8B  }
0xa2: {  	_ =	swait.ge [sflag:s23], $0x1  }
0xa3: {  	[sflag:s23] =	ssyncset.done $0x0  }
0xa4: {  	s25 =	simm.s32 $0x1B8E;
	s24 =	sld [smem:$0x3FFE];
	[sflag:s23] =	ssyncadd.s32 $0xFFFFFFFF  }
0xa5: {  	s26 =	simm.s32 $execute0_lowered;
	[smem:$0x3FD2] =	sst s25  }
0xa6: {  	s4 =	sshll.u32 s26, $0x1;
	_ =	strace $0x80000049;
	[dreg:$0x1] =	wrdreg $0xFFFFFFFF  }
0xa7: {  	s28 =	simm.s32 $_size_execute0_lowered;
	s2 =	sadd.s32 s2, s4;
	[dreg:$0x0] =	wrdreg $0x0  }
0xa8: {  	s4 =	sshll.u32 s28, $0x1;
	[dreg:$0x2] =	wrdreg s2  }
0xa9: {  	[dreg:$0x3] =	wrdreg s4  }
0xaa: {  	[dreg:$0x4] =	wrdreg $0xC0  }
0xab: {  	_ =	task [dreg:s6], $0x5FFFF  }
0xac: {  	[dreg:$0x1] =	wrdreg $0xFFFFFFFF  }
0xad: {  	[dreg:$0x0] =	wrdreg $0x60  }
0xae: {  	[dreg:$0x2] =	wrdreg s24  }
0xaf: {  	[dreg:$0x3] =	wrdreg $0x18000  }
0xb0: {  	[dreg:$0x4] =	wrdreg $0x9  }
0xb1: {  	_ =	task.clear_ibuf [dreg:s6], $0x5FFFF;
	_ =	strace $0x90000049  }
0xb2: {  	s29 =	simm.s32 $0x9;
	_ =	strace $0x8000004B  }
0xb3: {  	_ =	swait.ge [sflag:s29], $0x1  }
0xb4: {  	[sflag:s29] =	ssyncadd.s32 $0xFFFFFFFF  }
0xb5: {  	_ =	strace $0x9000004B  }
0xb6: {  	_ =	sfence  }
0xb7: {  	s30 =	sld [smem:$0x0];
	_ =	sdelay $0x2  }
0xb8: {  	s31 =	sshll.u32 s1, $0xD;
	s1 =	sshrl.u32 s1, $0x2  }
0xb9: {  	s3 =	sand.u32 $0x4000, s31;
	s1 =	sadd.s32 s1, s30  }
0xba: {  	s0 =	sor.u32 s3, s0;
	s1 =	sshll.u32 s1, $0x11  }
0xbb: {  	s0 =	sor.u32 s1, s0  }
0xbc: {  	s0 =	sadd.s32 $0x8F2B, s0  }
0xbd: {  	[sflag:s0] =	ssyncadd.remote.s32 $0x1  }
0xbe: {  	_ =	sfence.sel $0xFFFF  }
0xbf: {  	[dreg:$0x0] =	wrdreg $0xFFFFFFFF;
	(pc) =	sbr.abs _section_cstart, $3  }
0xc0: {  	[dreg:$0x1] =	wrdreg $0xFFFFFFFF  }
0xc1: {  	_ =	task.clear_ibuf [dreg:s6], $0x2FFFF;
	_ =	strace $0x9FFFFFFF  }
0xc2: {  	(tm) =	ssettm $0x7FFFFFFF  }
0xc3: {  	_ =	shalt  }
tec
execute0_lowered:
.L_overlay_start_1:
0x0: {  	(tag) =	ssettag $0x1  }
0x1: {  	s0 =	rddreg [dreg:$0x0]  }
0x2: {  	s1 =	rddreg [dreg:$0x1];
	s2 =	simm.s32 $0x0;
	s3 =	srdreg.scid  }
0x3: {  	s7 =	stileid.u32;
	s15 =	simm.s32 $0x1000;
	s16 =	simm.s32 $0x3  }
0x4: {  	s28 =	simm.s32 $0x280;
	s29 =	simm.s32 $0xA80;
	s30 =	simm.s32 $0x300  }
0x5: {  	s31 =	simm.s32 $0xB00;
	[smem:$0x7FF] =	sst s2;
	s3 =	sand.u32 $0x1, s3  }
0x6: {  	s4 =	sadd.s32 $0xC7A00, s0;
	s6 =	sadd.s32 $0x4400, s0;
	p0 =	slt.u32 s7, $0x2  }
0x7: {  	s2 =	simm.s32 $0x4;
	s18 =	sshll.u32 s7, $0xB;
	s12 =	smul.u32 $0x61, s7  }
0x8: {  	_ =	strace $0x8000004A;
	s5 =	smul.u32 $0x30D4, s3;
	s8 =	ssub.s32 $0x2, s3  }
0x9: {  	s9 =	sshll.u32 s3, $0x4;
	s2 =	simm.s32 @!p0 $0x3;
	s3 =	smul.u32 $0x610, s3  }
0xa: {  	s20 =	sadd.s32 s18, s1;
	s18 =	simm.s32 $0x1;
	[dreg:$0x3] =	wrdreg s2  }
0xb: {  	s17 =	sshrl.u32 s8, $0x1;
	s9 =	sor.u32 s7, s9;
	[dreg:$0x4] =	wrdreg s20  }
0xc: {  	s0 =	sadd.s32 s5, s0;
	s10 =	smul.u32 $0x61, s9;
	s11 =	ssub.s32 s8, s17  }
0xd: {  	s19 =	smin.u32 s9, $0x15;
	p0 =	slt.u32 s9, $0x15;
	s5 =	simm.s32 $0x62  }
0xe: {  	s3 =	sadd.s32 s12, s3;
	s17 =	simm.s32 $0x800;
	s5 =	simm.s32 @!p0 $0x61  }
0xf: {  	s3 =	sadd.s32 s19, s3;
	s0 =	sadd.s32 $0x66000, s0;
	s24 =	smax.u32 s11, $0x1  }
0x10: {  	p0 =	sne.s32 s7, $0x0;
	s7 =	simm.s32 $0x2;
	s10 =	sadd.s32 s19, s10  }
0x11: {  	s8 =	sadd.s32 $0xFFFFFFFF, s5;
	s3 =	sshll.u32 s3, $0x7;
	[dreg:$0x7] =	wrdreg s0  }
0x12: {  	[dreg:$0x8] =	wrdreg s24;
	s19 =	simm.s32 $0x80;
	s24 =	simm.s32 $0x980  }
0x13: {  	s0 =	simm.s32 $0x380;
	s21 =	sshll.u32 s10, $0x7;
	s25 =	sadd.s32 s3, s4  }
0x14: {  	s26 =	sadd.s32 s3, s6;
	s3 =	sadd.s32 $0x80, s3;
	s22 =	sadd.s32 s4, s21  }
.Ltmp0:
0x15: {  	s23 =	sadd.s32 s6, s21;
	s11 =	sadd.s32 $0x100, s25;
	(pc) =	sbr.rel .LBB2_1-.Ltmp0, $4  }
0x16: {  	s12 =	sadd.s32 $0x100, s26;
	s13 =	sadd.s32 s3, s4;
	s14 =	sadd.s32 s3, s6  }
0x17: {  	s21 =	simm.s32 $0x100;
	s25 =	simm.s32 $0x200;
	s26 =	simm.s32 $0xA00  }
0x18: {  	s6 =	simm.s32 $0xB80;
	s4 =	simm.s32 $0x0;
	[dreg:$0x5] =	wrdreg s22  }
0x19: {  	v0 =	vimm.f32 $0.0e+00;
	[dreg:$0x6] =	wrdreg s23;
	s22 =	simm.s32 $0x900;
	s23 =	simm.s32 $0x180  }
.LBB2_9:
0x1a: {  	[bflag:$0x0] =	sbarrier.arrive $0xFFFF  }
0x1b: {  	s2 =	sshrl.u32 @!p0 s1, $0x3;
	s3 =	simm.s32 @!p0 $0x1C03;
	s4 =	rddreg [dreg:$0x7]  }
0x1c: {  	[hbm:s4], [sflag:s3] =	dma.local @!p0 [spmem:s2], $0x30D4  }
0x1d: {  	s2 =	simm.s32 @!p0 $0x3  }
0x1e: {  	_ =	swait.ge @!p0 [sflag:s2], $0x30D4  }
0x1f: {  	s10 =	rddreg [dreg:$0x9]  }
0x20: {  	s20 =	rddreg [dreg:$0x8];
	s4 =	sadd.s32 $0x1, s10  }
0x21: {  	p1 =	sne.s32 s4, s20  }
.Ltmp1:
0x22: {  	_ = 	snop;
	(pc) =	sbr.rel @!p1 .LBB2_10-.Ltmp1, $3  }
0x23: {  	_ =	sdelay $0x1  }
0x24: {  	[sflag:s2] =	ssyncset.done @!p0 $0x0  }
0x25: {  	[sflag:s2] =	ssyncadd.s32 @!p0 $0xFFFFCF2C  }
.LBB2_1:
0x26: {  	[dreg:$0x9] =	wrdreg s4;
	s3 =	simm.s32 $0x40;
	s4 =	simm.s32 $0x0  }
.LBB2_2:
0x27: {  	p1 =	sne.s32 s3, $0x1FC0;
	[tilespmem:s4+$0x1000] =	vst v0;
	s4 =	smov.u32 s3;
	s3 =	sadd.s32 $0x40, s3  }
.Ltmp2:
0x28: {  	(pc) =	sbr.rel @p1 .LBB2_2-.Ltmp2, $2  }
0x29: {  	_ =	sdelay $0x2  }
0x2a: {  	s4 =	sshra.s32 s4, $0x2  }
0x2b: {  	s2 =	rddreg [dreg:$0x3]  }
0x2c: {  	p1 =	sne.s32 s2, $0x1  }
.Ltmp3:
0x2d: {  	_ = 	snop;
	(pc) =	sbr.rel @!p1 .LBB2_5-.Ltmp3, $4  }
0x2e: {  	[tilespmem:s4+$0x1000] =	vst v0;
	s4 =	rddreg [dreg:$0x4]  }
0x2f: {  	[spmem:s4] =	stream.linear.scatter [tilespmem:s15], [sflag:$0x3], $0x800, $0x38;
	[tilespmem:$0x3100] =	vst v63  }
0x30: {  	_ =	swait.ge [sflag:s16], $0x800  }
0x31: {  	s3 =	sadd.s32 $0xFFFFFFFF, s2;
	[sflag:s16] =	ssyncset.done $0x0  }
.LBB2_4:
0x32: {  	p1 =	sne.s32 s3, $0x1;
	[sflag:s16] =	ssyncadd.s32 $0xFFFFF800;
	s4 =	sadd.s32 $0x8000, s4  }
.Ltmp4:
0x33: {  	s3 =	sadd.s32 $0xFFFFFFFF, s3;
	(pc) =	sbr.rel @p1 .LBB2_4-.Ltmp4, $4  }
0x34: {  	_ = 	snop  }
0x35: {  	[spmem:s4] =	stream.linear.scatter [tilespmem:s15], [sflag:$0x3], $0x800, $0x38;
	[tilespmem:$0x3100] =	vst v63  }
0x36: {  	_ =	swait.ge [sflag:s16], $0x800  }
0x37: {  	[sflag:s16] =	ssyncset.done $0x0  }
.LBB2_5:
0x38: {  	[sflag:s16] =	ssyncadd.s32 $0xFFFFF800  }
.Ltmp5:
0x39: {  	[bflag:$0x0] =	sbarrier.arrive $0xFFFF;
	(pc) =	sbr.rel .LBB2_6-.Ltmp5, $4  }
0x3a: {  	s10 =	simm.s32 $0x0;
	s2 =	rddreg [dreg:$0x5]  }
0x3b: {  	[tilespmem:s10], [sflag:$0x1] =	stream.linear.gather [hbm4b:s2+s10], $0x400, $0x38;
	[tilespmem:$0x3100] =	vst v63  }
0x3c: {  	s3 =	simm.s32 $0x2;
	s20 =	rddreg [dreg:$0x6]  }
0x3d: {  	[tilespmem:s17], [sflag:$0x1] =	stream.linear.gather [hbm4b:s20+s10], $0x400, $0x38;
	[tilespmem:$0x3100] =	vst v63  }
.LBB2_8:
0x3e: {  	p1 =	sge.u32 s4, s8  }
0x3f: {  	p2 =	sge.u32 @!p1 s3, s5  }
0x40: {  	p2 =	por p2, p1  }
0x41: {  	s2 =	sadd.s32 @!p2 s10, s11;
	s4 =	simm.s32 @!p2 $0x0  }
0x42: {  	[tilespmem:s4], [sflag:$0x1] =	stream.linear.gather @!p2 [hbm4b:s2+s4], $0x400, $0x38;
	[tilespmem:$0x3100] =	vst v63  }
0x43: {  	s9 =	simm.s32 @!p2 $0x800;
	s2 =	sadd.s32 @!p2 s10, s12  }
0x44: {  	[tilespmem:s9], [sflag:$0x1] =	stream.linear.gather @!p2 [hbm4b:s2+s4], $0x400, $0x38;
	[tilespmem:$0x3100] =	vst v63  }
0x45: {  	s2 =	simm.s32 @!p1 $0x1  }
0x46: {  	_ =	swait.ge @!p1 [sflag:s2], $0x400  }
0x47: {  	[sflag:s2] =	ssyncset.done @!p1 $0x0  }
0x48: {  	[sflag:s2] =	ssyncadd.s32 @!p1 $0xFFFFFC00  }
0x49: {  	_ =	swait.ge @!p1 [sflag:s2], $0x400  }
0x4a: {  	s4 =	simm.s32 @!p1 $0x400;
	[sflag:s2] =	ssyncset.done @!p1 $0x0  }
0x4b: {  	s9 =	simm.s32 @!p1 $0xC00;
	[sflag:s2] =	ssyncadd.s32 @!p1 $0xFFFFFC00;
	s2 =	simm.s32 @!p1 $0x80  }
0x4c: {  	[spmem:s1] =	stream.indirect.scatter.add.f32 @!p1 [tilespmem:s9], [sflag:$0x2], $0x1, s4, s2, $0xb8;
	[tilespmem:$0x3100] =	vst v63  }
0x4d: {  	s4 =	simm.s32 @!p1 $0x480;
	s9 =	simm.s32 @!p1 $0xC80  }
0x4e: {  	[spmem:s1] =	stream.indirect.scatter.add.f32 @!p1 [tilespmem:s9], [sflag:$0x2], $0x1, s4, s2, $0xb8;
	[tilespmem:$0x3100] =	vst v63  }
0x4f: {  	s4 =	simm.s32 @!p1 $0x500;
	s9 =	simm.s32 @!p1 $0xD00  }
0x50: {  	[spmem:s1] =	stream.indirect.scatter.add.f32 @!p1 [tilespmem:s9], [sflag:$0x2], $0x1, s4, s2, $0xb8;
	[tilespmem:$0x3100] =	vst v63  }
0x51: {  	s4 =	simm.s32 @!p1 $0x580;
	s9 =	simm.s32 @!p1 $0xD80  }
0x52: {  	[spmem:s1] =	stream.indirect.scatter.add.f32 @!p1 [tilespmem:s9], [sflag:$0x2], $0x1, s4, s2, $0xb8;
	[tilespmem:$0x3100] =	vst v63  }
0x53: {  	s4 =	simm.s32 @!p1 $0x600;
	s9 =	simm.s32 @!p1 $0xE00  }
0x54: {  	[spmem:s1] =	stream.indirect.scatter.add.f32 @!p1 [tilespmem:s9], [sflag:$0x2], $0x1, s4, s2, $0xb8;
	[tilespmem:$0x3100] =	vst v63  }
0x55: {  	s4 =	simm.s32 @!p1 $0x680;
	s9 =	simm.s32 @!p1 $0xE80  }
0x56: {  	[spmem:s1] =	stream.indirect.scatter.add.f32 @!p1 [tilespmem:s9], [sflag:$0x2], $0x1, s4, s2, $0xb8;
	[tilespmem:$0x3100] =	vst v63  }
0x57: {  	s4 =	simm.s32 @!p1 $0x700;
	s9 =	simm.s32 @!p1 $0xF00  }
0x58: {  	[spmem:s1] =	stream.indirect.scatter.add.f32 @!p1 [tilespmem:s9], [sflag:$0x2], $0x1, s4, s2, $0xb8;
	[tilespmem:$0x3100] =	vst v63  }
0x59: {  	s4 =	simm.s32 @!p1 $0x780;
	s9 =	simm.s32 @!p1 $0xF80  }
0x5a: {  	[spmem:s1] =	stream.indirect.scatter.add.f32 @!p1 [tilespmem:s9], [sflag:$0x2], $0x1, s4, s2, $0xb8;
	[tilespmem:$0x3100] =	vst v63  }
0x5b: {  	s2 =	simm.s32 @!p1 $0x2  }
0x5c: {  	_ =	swait.ge @!p1 [sflag:s2], $0x80  }
0x5d: {  	[sflag:s2] =	ssyncset.done @!p1 $0x0  }
0x5e: {  	[sflag:s2] =	ssyncadd.s32 @!p1 $0xFFFFFF80  }
0x5f: {  	_ =	swait.ge @!p1 [sflag:s2], $0x80  }
0x60: {  	[sflag:s2] =	ssyncset.done @!p1 $0x0  }
0x61: {  	[sflag:s2] =	ssyncadd.s32 @!p1 $0xFFFFFF80  }
0x62: {  	_ =	swait.ge @!p1 [sflag:s2], $0x80  }
0x63: {  	[sflag:s2] =	ssyncset.done @!p1 $0x0  }
0x64: {  	[sflag:s2] =	ssyncadd.s32 @!p1 $0xFFFFFF80  }
0x65: {  	_ =	swait.ge @!p1 [sflag:s2], $0x80  }
0x66: {  	[sflag:s2] =	ssyncset.done @!p1 $0x0  }
0x67: {  	[sflag:s2] =	ssyncadd.s32 @!p1 $0xFFFFFF80  }
0x68: {  	_ =	swait.ge @!p1 [sflag:s2], $0x80  }
0x69: {  	[sflag:s2] =	ssyncset.done @!p1 $0x0  }
0x6a: {  	[sflag:s2] =	ssyncadd.s32 @!p1 $0xFFFFFF80  }
0x6b: {  	_ =	swait.ge @!p1 [sflag:s2], $0x80  }
0x6c: {  	[sflag:s2] =	ssyncset.done @!p1 $0x0  }
0x6d: {  	s10 =	sadd.s32 $0x100, s10;
	[sflag:s2] =	ssyncadd.s32 @!p1 $0xFFFFFF80  }
0x6e: {  	p2 =	sne.s32 s10, $0x3100;
	_ =	swait.ge @!p1 [sflag:s2], $0x80  }
.Ltmp6:
0x6f: {  	[sflag:s2] =	ssyncset.done @!p1 $0x0;
	(pc) =	sbr.rel @!p2 .LBB2_9-.Ltmp6, $4  }
0x70: {  	[sflag:s2] =	ssyncadd.s32 @!p1 $0xFFFFFF80  }
0x71: {  	_ =	swait.ge @!p1 [sflag:s2], $0x80  }
0x72: {  	[sflag:s2] =	ssyncset.done @!p1 $0x0  }
0x73: {  	s3 =	sadd.s32 $0x2, s3;
	[sflag:s2] =	ssyncadd.s32 @!p1 $0xFFFFFF80  }
.LBB2_6:
0x74: {  	s4 =	sadd.s32 $0xFFFFFFFE, s3  }
0x75: {  	p1 =	sge.u32 s4, s5  }
.Ltmp7:
0x76: {  	_ = 	snop;
	(pc) =	sbr.rel @p1 .LBB2_8-.Ltmp7, $1  }
0x77: {  	_ =	sdelay $0x3  }
0x78: {  	s2 =	sadd.s32 $0xFFFFFFFF, s3  }
0x79: {  	p1 =	sge.u32 s2, s5  }
0x7a: {  	s2 =	sadd.s32 @!p1 s10, s13;
	s9 =	simm.s32 @!p1 $0x0;
	s20 =	simm.s32 @!p1 $0x400  }
0x7b: {  	[tilespmem:s20], [sflag:$0x1] =	stream.linear.gather @!p1 [hbm4b:s2+s9], $0x400, $0x38;
	[tilespmem:$0x3100] =	vst v63  }
0x7c: {  	s2 =	sadd.s32 @!p1 s10, s14;
	s20 =	simm.s32 @!p1 $0xC00  }
0x7d: {  	[tilespmem:s20], [sflag:$0x1] =	stream.linear.gather @!p1 [hbm4b:s2+s9], $0x400, $0x38;
	[tilespmem:$0x3100] =	vst v63  }
0x7e: {  	_ =	swait.ge [sflag:s18], $0x400  }
0x7f: {  	[sflag:s18] =	ssyncset.done $0x0  }
0x80: {  	[sflag:s18] =	ssyncadd.s32 $0xFFFFFC00  }
0x81: {  	_ =	swait.ge [sflag:s18], $0x400  }
0x82: {  	[sflag:s18] =	ssyncset.done $0x0  }
0x83: {  	s9 =	simm.s32 $0x0;
	[sflag:s18] =	ssyncadd.s32 $0xFFFFFC00  }
0x84: {  	[spmem:s1] =	stream.indirect.scatter.add.f32 [tilespmem:s17], [sflag:$0x2], $0x1, s9, s19, $0xb8;
	[tilespmem:$0x3100] =	vst v63  }
0x85: {  	s20 =	simm.s32 $0x880  }
0x86: {  	[spmem:s1] =	stream.indirect.scatter.add.f32 [tilespmem:s20], [sflag:$0x2], $0x1, s19, s19, $0xb8;
	[tilespmem:$0x3100] =	vst v63  }
0x87: {  	_ = 	snop  }
0x88: {  	[spmem:s1] =	stream.indirect.scatter.add.f32 [tilespmem:s22], [sflag:$0x2], $0x1, s21, s19, $0xb8;
	[tilespmem:$0x3100] =	vst v63  }
0x89: {  	_ = 	snop  }
0x8a: {  	[spmem:s1] =	stream.indirect.scatter.add.f32 [tilespmem:s24], [sflag:$0x2], $0x1, s23, s19, $0xb8;
	[tilespmem:$0x3100] =	vst v63  }
0x8b: {  	_ = 	snop  }
0x8c: {  	[spmem:s1] =	stream.indirect.scatter.add.f32 [tilespmem:s26], [sflag:$0x2], $0x1, s25, s19, $0xb8;
	[tilespmem:$0x3100] =	vst v63  }
0x8d: {  	_ = 	snop  }
0x8e: {  	[spmem:s1] =	stream.indirect.scatter.add.f32 [tilespmem:s29], [sflag:$0x2], $0x1, s28, s19, $0xb8;
	[tilespmem:$0x3100] =	vst v63  }
0x8f: {  	_ = 	snop  }
0x90: {  	[spmem:s1] =	stream.indirect.scatter.add.f32 [tilespmem:s31], [sflag:$0x2], $0x1, s30, s19, $0xb8;
	[tilespmem:$0x3100] =	vst v63  }
0x91: {  	_ = 	snop  }
0x92: {  	[spmem:s1] =	stream.indirect.scatter.add.f32 [tilespmem:s6], [sflag:$0x2], $0x1, s0, s19, $0xb8;
	[tilespmem:$0x3100] =	vst v63  }
0x93: {  	_ =	swait.ge [sflag:s7], $0x80  }
0x94: {  	[sflag:s7] =	ssyncset.done $0x0  }
0x95: {  	[sflag:s7] =	ssyncadd.s32 $0xFFFFFF80  }
0x96: {  	_ =	swait.ge [sflag:s7], $0x80  }
0x97: {  	[sflag:s7] =	ssyncset.done $0x0  }
0x98: {  	[sflag:s7] =	ssyncadd.s32 $0xFFFFFF80  }
0x99: {  	_ =	swait.ge [sflag:s7], $0x80  }
0x9a: {  	[sflag:s7] =	ssyncset.done $0x0  }
0x9b: {  	[sflag:s7] =	ssyncadd.s32 $0xFFFFFF80  }
0x9c: {  	_ =	swait.ge [sflag:s7], $0x80  }
0x9d: {  	[sflag:s7] =	ssyncset.done $0x0  }
0x9e: {  	[sflag:s7] =	ssyncadd.s32 $0xFFFFFF80  }
0x9f: {  	_ =	swait.ge [sflag:s7], $0x80  }
0xa0: {  	[sflag:s7] =	ssyncset.done $0x0  }
0xa1: {  	[sflag:s7] =	ssyncadd.s32 $0xFFFFFF80  }
0xa2: {  	_ =	swait.ge [sflag:s7], $0x80  }
0xa3: {  	[sflag:s7] =	ssyncset.done $0x0  }
0xa4: {  	[sflag:s7] =	ssyncadd.s32 $0xFFFFFF80  }
0xa5: {  	_ =	swait.ge [sflag:s7], $0x80  }
.Ltmp8:
0xa6: {  	[sflag:s7] =	ssyncset.done $0x0;
	(pc) =	sbr.rel .LBB2_8-.Ltmp8, $4  }
0xa7: {  	[sflag:s7] =	ssyncadd.s32 $0xFFFFFF80  }
0xa8: {  	_ =	swait.ge [sflag:s7], $0x80  }
0xa9: {  	[sflag:s7] =	ssyncset.done $0x0  }
0xaa: {  	[sflag:s7] =	ssyncadd.s32 $0xFFFFFF80  }
.LBB2_10:
0xab: {  	_ =	sfence.sel $0x180000  }
0xac: {  	[bflag:$0x0] =	sbarrier.arrive $0xFFFF  }
0xad: {  	_ =	strace $0x9000004A  }
0xae: {  	[bflag:$0x2] =	sbarrier.arrive $0xFFFF  }
0xaf: {  	s0 =	rddreg [dreg:$0x2]  }
0xb0: {  	s0 =	sadd.s32 @!p0 $0x100000, s0  }
0xb1: {  	[sflag:s0] =	ssyncadd.tile.s32 @!p0 $0x1;
	_ =	shalt  }
.Lfunc_end2:
_tile_overlayer_lowered:
.L_overlay_start_2:
0xb2: {  	(tag) =	ssettag $0x2  }
0xb3: {  	s0 =	rddreg [dreg:$0x0];
	s2 =	stileid.u32  }
0xb4: {  	s1 =	rddreg [dreg:$0x1];
	p0 =	sne.s32 s2, $0x0  }
0xb5: {  	s3 =	rddreg [dreg:$0x2];
	[bflag:$0x3] =	sbarrier.arrive $0xFFFF;
	s2 =	simm.s32 @!p0 $0x1C03  }
0xb6: {  	[timem:s3], [sflag:s2] =	dma.local @!p0 [hbm:s0], s1  }
0xb7: {  	s0 =	simm.s32 @!p0 $0x3  }
0xb8: {  	_ =	swait.ge @!p0 [sflag:s0], s1  }
0xb9: {  	s1 =	ssub.s32 @!p0 $0x0, s1;
	[sflag:s0] =	ssyncset.done @!p0 $0x0  }
0xba: {  	[sflag:s0] =	ssyncadd.s32 @!p0 s1  }
0xbb: {  	[bflag:$0x3] =	sbarrier.arrive $0xFFFF  }
0xbc: {  	_ =	shalt  }

</sc_bundles>
